<compile_context>
chip_gen: v7x
topology: tpu7x:2x2x1
jax: 0.10.2.dev20260603
libtpu: 0.0.44.dev20260713+nightly
codegen_flags: <defaults>
</compile_context>

<pallas_src>
import functools

import jax
import jax.numpy as jnp
from jax import lax
from jax.experimental import pallas as pl
from jax.experimental.pallas import tpu as pltpu
from jax.experimental.pallas import tpu_sc as plsc

RES_LAMBDA = 0.5
N_HOPS = 2

N = 10000
E = 160000
C = 256
H = C // 2
R = 64
NC = 2
NS = 16
NW = NC * NS
EW2 = E // NW
CH = 128
NCH2 = (EW2 + CH - 1) // CH
EW2_PAD = NCH2 * CH
EW4 = E // NS
CH4 = 96
NCH4 = 106
EW4_PAD = NCH4 * CH4
N2 = 10240
STRIPE = N2 // NS
NP16 = N + 16
GB = 2000

_mesh = plsc.VectorSubcoreMesh(core_axis_name="c", subcore_axis_name="s")
_sc_params = pltpu.CompilerParams(needs_layout_passes=False)


def _pq_body(cur_ref, rel_ref, w_ref, pq_ref):
    V = lax.dot_general(w_ref[...], rel_ref[...], (((1,), (1,)), ((), ())),
                        preferred_element_type=jnp.float32)
    Vcat = jnp.concatenate([V[:C], V[C:]], axis=1)
    pq_ref[...] = jnp.dot(cur_ref[...], Vcat, preferred_element_type=jnp.float32)


_pq_call = pl.pallas_call(
    _pq_body,
    out_shape=jax.ShapeDtypeStruct((N, 2 * R), jnp.float32),
)


def _mhat_body(s1p_ref, mhat_ref):
    s = jnp.sum(s1p_ref[...], axis=0, keepdims=True)
    mhat_ref[...] = 4.0 * jnp.log(s + 1e-37)


_mhat_call = pl.pallas_call(
    _mhat_body,
    out_shape=jax.ShapeDtypeStruct((1, N), jnp.float32),
)


@functools.partial(
    pl.kernel,
    out_type=(
        jax.ShapeDtypeStruct((E,), jnp.float32),
        jax.ShapeDtypeStruct((NW * N,), jnp.float32),
    ),
    mesh=_mesh,
    compiler_params=_sc_params,
    scratch_types=[
        pltpu.VMEM((NCH2, CH), jnp.int32),
        pltpu.VMEM((NCH2, CH), jnp.int32),
        pltpu.VMEM((NCH2, CH), jnp.int32),
        pltpu.VMEM((EW2_PAD,), jnp.float32),
        pltpu.VMEM((NP16,), jnp.float32),
        pltpu.VMEM((2, CH), jnp.float32),
        pltpu.VMEM((2, CH), jnp.float32),
        pltpu.SemaphoreType.DMA,
        pltpu.SemaphoreType.DMA,
        pltpu.SemaphoreType.DMA,
        pltpu.SemaphoreType.DMA,
    ],
)
def _edge_pass1(pq_hbm, idxp_hbm, idxq_hbm, hpad_hbm, e_out, s1_out,
                idxp_v, idxq_v, h_v, e_v, s1_v, gp_v, gq_v,
                sp0, sq0, sp1, sq1):
    cid = lax.axis_index("c")
    sid = lax.axis_index("s")
    w = sid * NC + cid

    pltpu.sync_copy(idxp_hbm.at[w], idxp_v)
    pltpu.sync_copy(idxq_hbm.at[w], idxq_v)
    pltpu.sync_copy(hpad_hbm.at[w], h_v)

    SP = [sp0, sp1]
    SQ = [sq0, sq1]

    @pl.loop(0, NP16 // 16)
    def _zero(i):
        s1_v[pl.ds(i * 16, 16)] = jnp.zeros((16,), jnp.float32)

    def _issue(ci, b):
        pltpu.async_copy(pq_hbm.at[idxp_v.at[ci]], gp_v.at[b], SP[b])
        pltpu.async_copy(pq_hbm.at[idxq_v.at[ci]], gq_v.at[b], SQ[b])

    def _wait(ci, b):
        pltpu.make_async_copy(pq_hbm.at[idxp_v.at[ci]], gp_v.at[b], SP[b]).wait()
        pltpu.make_async_copy(pq_hbm.at[idxq_v.at[ci]], gq_v.at[b], SQ[b]).wait()

    _issue(0, 0)
    _issue(1, 1)

    @pl.loop(0, NCH2 // 2)
    def _chunk(k):
        for i in range(2):
            ci = 2 * k + i
            _wait(ci, i)
            cbase = ci * CH
            for j in range(CH // 16):
                sl = pl.ds(j * 16, 16)
                x = gp_v[i, sl] + gq_v[i, sl]
                e16 = jnp.where(x > 0, x, 0.2 * x)
                e_v[pl.ds(cbase + j * 16, 16)] = e16
                z = jnp.exp(e16 * 0.25)
                plsc.addupdate_scatter(s1_v, [h_v[ci, sl]], z)

            @pl.when(ci + 2 < NCH2)
            def _pref():
                _issue(ci + 2, i)

    pltpu.sync_copy(e_v.at[pl.ds(0, EW2)], e_out.at[pl.ds(w * EW2, EW2)])
    pltpu.sync_copy(s1_v.at[pl.ds(0, N)], s1_out.at[pl.ds(w * N, N)])


@functools.partial(
    pl.kernel,
    out_type=(
        jax.ShapeDtypeStruct((NC * N2, H), jnp.float32),
        jax.ShapeDtypeStruct((NW * N,), jnp.float32),
    ),
    mesh=_mesh,
    compiler_params=_sc_params,
    scratch_types=[
        pltpu.VMEM((3, CH4), jnp.int32),
        pltpu.VMEM((3, CH4), jnp.int32),
        pltpu.VMEM((CH4,), jnp.int32),
        pltpu.VMEM((CH4,), jnp.int32),
        pltpu.VMEM((NP16,), jnp.float32),
        pltpu.VMEM((NP16,), jnp.float32),
        pltpu.VMEM((CH4,), jnp.float32),
        pltpu.VMEM((CH4, H), jnp.float32),
        pltpu.VMEM((CH4, H), jnp.float32),
        pltpu.VMEM_SHARED((N2, H), jnp.float32),
        pltpu.SemaphoreType.DMA,
        pltpu.SemaphoreType.DMA,
    ],
)
def _edge_pass2(emb2_hbm, het_hbm, mhat_hbm,
                u_out, s2_out,
                hetA, hetB, tidxA, tidxB, mhat_v, s2_v,
                u_v, rowsA, rowsB, U_sh, semA, semB):
    cid = lax.axis_index("c")
    sid = lax.axis_index("s")
    w = sid * NC + cid

    pltpu.sync_copy(mhat_hbm, mhat_v)

    @pl.loop(0, NP16 // 16)
    def _zero_s2(i):
        s2_v[pl.ds(i * 16, 16)] = jnp.zeros((16,), jnp.float32)

    @pl.loop(0, CH4)
    def _zero_rows(i):
        for cb in range(H // 16):
            z16 = jnp.zeros((16,), jnp.float32)
            rowsA[i, pl.ds(cb * 16, 16)] = z16
            rowsB[i, pl.ds(cb * 16, 16)] = z16

    o = 0
    for n in [CH4] * (STRIPE // CH4) + [STRIPE - (STRIPE // CH4) * CH4]:
        if n:
            pltpu.sync_copy(rowsA.at[pl.ds(0, n)],
                            U_sh.at[pl.ds(sid * STRIPE + o, n)])
            o += n
    plsc.subcore_barrier()

    def _load_het(ci, het_v, tidx_v):
        pltpu.sync_copy(het_hbm.at[sid, ci], het_v)
        for j in range(CH4 // 16):
            sl = pl.ds(j * 16, 16)
            tidx_v[sl] = het_v[1, sl] + cid

    def _issue_gather(tidx_v, rows_v, sem):
        return pltpu.async_copy(emb2_hbm.at[tidx_v], rows_v, sem)

    def _process(het_v, rows_v):
        for j in range(CH4 // 16):
            sl = pl.ds(j * 16, 16)
            h16 = het_v[0, sl]
            m16 = plsc.load_gather(mhat_v, [h16])
            e16 = plsc.bitcast(het_v[2, sl], jnp.float32)
            u16 = jnp.exp(e16 - m16)
            u_v[sl] = u16
            plsc.addupdate_scatter(s2_v, [h16], u16)

        @pl.loop(0, CH4)
        def _scale(r):
            ub = plsc.load_gather(u_v, [jnp.zeros((16,), jnp.int32) + r])
            for cb in range(H // 16):
                sl = pl.ds(cb * 16, 16)
                rows_v[r, sl] = rows_v[r, sl] * ub

        pltpu.sync_copy(rows_v, U_sh.at[het_v.at[0]], add=True)

    _load_het(0, hetA, tidxA)
    cpA0 = _issue_gather(tidxA, rowsA, semA)
    _load_het(1, hetB, tidxB)
    cpB0 = _issue_gather(tidxB, rowsB, semB)

    @pl.loop(0, NCH4 // 2)
    def _pair(k):
        cpA = pltpu.make_async_copy(emb2_hbm.at[tidxA], rowsA, semA)
        cpA.wait()
        _process(hetA, rowsA)

        @pl.when(k < NCH4 // 2 - 1)
        def _prefA():
            _load_het(2 * k + 2, hetA, tidxA)
            _issue_gather(tidxA, rowsA, semA)

        cpB = pltpu.make_async_copy(emb2_hbm.at[tidxB], rowsB, semB)
        cpB.wait()
        _process(hetB, rowsB)

        @pl.when(k < NCH4 // 2 - 1)
        def _prefB():
            _load_het(2 * k + 3, hetB, tidxB)
            _issue_gather(tidxB, rowsB, semB)

    plsc.subcore_barrier()
    pltpu.sync_copy(U_sh.at[pl.ds(sid * STRIPE, STRIPE)],
                    u_out.at[pl.ds(cid * N2 + sid * STRIPE, STRIPE)])
    pltpu.sync_copy(s2_v.at[pl.ds(0, N)], s2_out.at[pl.ds(w * N, N)])


def _finish_body(u0_ref, u1_ref, s2t_ref, cur_ref, res_ref, cur_out, res_out):
    U = jnp.concatenate([u0_ref[...], u1_ref[...]], axis=1)
    s2 = jnp.sum(s2t_ref[...], axis=1, keepdims=True) * 0.5
    agg = U / (s2 + 1e-16)
    cur2 = agg + cur_ref[...]
    n2 = jnp.sum(cur2 * cur2, axis=1, keepdims=True)
    curn = cur2 / jnp.maximum(jnp.sqrt(n2), 1e-12)
    cur_out[...] = curn
    res_out[...] = RES_LAMBDA * res_ref[...] + curn


_finish_call = pl.pallas_call(
    _finish_body,
    grid=(N // GB,),
    in_specs=[
        pl.BlockSpec((GB, H), lambda i: (i, 0)),
        pl.BlockSpec((GB, H), lambda i: (i, 0)),
        pl.BlockSpec((GB, NW), lambda i: (i, 0)),
        pl.BlockSpec((GB, C), lambda i: (i, 0)),
        pl.BlockSpec((GB, C), lambda i: (i, 0)),
    ],
    out_specs=(
        pl.BlockSpec((GB, C), lambda i: (i, 0)),
        pl.BlockSpec((GB, C), lambda i: (i, 0)),
    ),
    out_shape=(
        jax.ShapeDtypeStruct((N, C), jnp.float32),
        jax.ShapeDtypeStruct((N, C), jnp.float32),
    ),
)


def kernel(entity_emb, relation_emb, edge_index, edge_type, W):
    head = edge_index[0].astype(jnp.int32)
    tail = edge_index[1].astype(jnp.int32)
    et = edge_type.astype(jnp.int32)

    pad2 = ((0, 0), (0, EW2_PAD - EW2))
    h2 = head.reshape(NW, EW2)
    y2 = et.reshape(NW, EW2)
    t2 = tail.reshape(NW, EW2)
    idxp2 = jnp.pad(h2 * (2 * R) + y2, pad2, constant_values=N * 2 * R)
    idxq2 = jnp.pad(t2 * (2 * R) + R + y2, pad2, constant_values=N * 2 * R)
    hpad2 = jnp.pad(h2, pad2, constant_values=N).reshape(NW, NCH2, CH)
    idxp2 = idxp2.reshape(NW, NCH2, CH)
    idxq2 = idxq2.reshape(NW, NCH2, CH)

    pad4 = ((0, 0), (0, EW4_PAD - EW4))
    hpad4 = jnp.pad(head.reshape(NS, EW4), pad4, constant_values=N)
    t2pad4 = jnp.pad(tail.reshape(NS, EW4) * NC, pad4, constant_values=NC * N)

    res = entity_emb
    cur = entity_emb
    for _ in range(N_HOPS):
        pq = _pq_call(cur, relation_emb, W)
        pqpad = jnp.pad(pq.reshape(-1), (0, 2 * R))
        e, s1p = _edge_pass1(pqpad, idxp2, idxq2, hpad2)
        s1p = s1p.reshape(NW, N)
        mhat = jnp.pad(_mhat_call(s1p).reshape(-1), (0, 16))
        ebits = lax.bitcast_convert_type(
            jnp.pad(e.reshape(NS, EW4), pad4, constant_values=-1e30), jnp.int32)
        het = jnp.stack([hpad4, t2pad4, ebits], axis=2)
        het = het.reshape(NS, NCH4, CH4, 3).transpose(0, 1, 3, 2)
        emb2 = jnp.pad(cur.reshape(NC * N, H), ((0, NC), (0, 0)))
        u_halves, s2p = _edge_pass2(emb2, het, mhat)
        s2p = s2p.reshape(NW, N)
        cur, res = _finish_call(
            u_halves[:N2], u_halves[N2:], jnp.transpose(s2p), cur, res)
    return res

# --- scband reference (transcript-rebuilt; emitter-appended) ---
"""Pipeline reference for scband-rgat-27547920236878 (READ-ONLY COPY).

The authoritative reference and input builder live on the scoring server;
editing this copy changes nothing except your own understanding.
"""

import jax, jax.numpy as jnp
import numpy as np

N_NODES = 10000
N_EDGES = 160000
CHANNEL = 256
N_REL = 64
N_HOPS = 2
RES_LAMBDA = 0.5


def setup_inputs(seed: int = 0) -> dict:
    key = jax.random.key(seed)
    k1, k2, k3, k4, k5 = jax.random.split(key, 5)
    entity_emb = jax.random.normal(k1, (N_NODES, CHANNEL), dtype=jnp.float32)
    relation_emb = jax.random.normal(k2, (N_REL, CHANNEL), dtype=jnp.float32)
    edge_index = jax.random.randint(k3, (2, N_EDGES), 0, N_NODES, dtype=jnp.int64 if jax.config.jax_enable_x64 else jnp.int32)
    edge_type = jax.random.randint(k4, (N_EDGES,), 0, N_REL, dtype=jnp.int64 if jax.config.jax_enable_x64 else jnp.int32)
    # xavier_uniform with relu gain for W: shape (2*channel, channel)
    gain = float(np.sqrt(2.0))
    fan_in, fan_out = 2 * CHANNEL, CHANNEL
    a = gain * float(np.sqrt(6.0 / (fan_in + fan_out)))
    W = jax.random.uniform(k5, (2 * CHANNEL, CHANNEL), dtype=jnp.float32, minval=-a, maxval=a)
    return {"entity_emb": entity_emb, "relation_emb": relation_emb, "edge_index": edge_index, "edge_type": edge_type, "W": W}


def _agg(entity_emb, relation_emb, edge_index, edge_type, W):
    head = edge_index[0]
    tail = edge_index[1]
    n = entity_emb.shape[0]
    a_input = jnp.concatenate([entity_emb[head], entity_emb[tail]], axis=-1)
    e_input = jnp.sum(jnp.matmul(a_input, W) * relation_emb[edge_type], axis=-1)
    e = jax.nn.leaky_relu(e_input, negative_slope=0.2)
    # scatter_softmax over segments defined by head
    seg_max = jax.ops.segment_max(e, head, num_segments=n)
    ex = jnp.exp(e - seg_max[head])
    seg_sum = jax.ops.segment_sum(ex, head, num_segments=n)
    att = ex / (seg_sum[head] + 1e-16)
    agg_emb = jax.ops.segment_sum(entity_emb[tail] * att[:, None], head, num_segments=n)
    return agg_emb + entity_emb


def reference(entity_emb, relation_emb, edge_index, edge_type, W):
    # mess_dropout treated as eval-mode (identity), deterministic reference
    entity_res_emb = entity_emb
    cur = entity_emb
    for _ in range(N_HOPS):
        cur = _agg(cur, relation_emb, edge_index, edge_type, W)
        # F.normalize(x, p=2, dim=1)
        norm = jnp.linalg.norm(cur, axis=1, keepdims=True)
        cur = cur / jnp.maximum(norm, 1e-12)
        entity_res_emb = RES_LAMBDA * entity_res_emb + cur
    return entity_res_emb

if __name__ == "__main__":
    import jax
    _d = setup_inputs()
    print(jax.jit(kernel)(*tuple(_d.values())))

</pallas_src>

<mosaic_0001>
#map = affine_map<(d0, d1) -> (0)>
#map1 = affine_map<(d0, d1) -> (0, 0, 0)>
module attributes {stable_mosaic.version = 14 : i64} {
  func.func @_edge_pass1(%arg0: i32, %arg1: i32, %arg2: memref<1280128xf32, #tpu.memory_space<hbm>>, %arg3: memref<32x40x128xi32, #tpu.memory_space<hbm>>, %arg4: memref<32x40x128xi32, #tpu.memory_space<hbm>>, %arg5: memref<32x40x128xi32, #tpu.memory_space<hbm>>, %arg6: memref<160000xf32, #tpu.memory_space<hbm>>, %arg7: memref<320000xf32, #tpu.memory_space<hbm>>, %arg8: memref<40x128xi32, #tpu.memory_space<vmem>>, %arg9: memref<40x128xi32, #tpu.memory_space<vmem>>, %arg10: memref<40x128xi32, #tpu.memory_space<vmem>>, %arg11: memref<5120xf32, #tpu.memory_space<vmem>>, %arg12: memref<10016xf32, #tpu.memory_space<vmem>>, %arg13: memref<2x128xf32, #tpu.memory_space<vmem>>, %arg14: memref<2x128xf32, #tpu.memory_space<vmem>>, %arg15: memref<!tpu.dma_semaphore, #tpu.memory_space<semaphore_mem>>, %arg16: memref<!tpu.dma_semaphore, #tpu.memory_space<semaphore_mem>>, %arg17: memref<!tpu.dma_semaphore, #tpu.memory_space<semaphore_mem>>, %arg18: memref<!tpu.dma_semaphore, #tpu.memory_space<semaphore_mem>>) attributes {dimension_semantics = [#tpu.dimension_semantics<core_parallel>, #tpu.dimension_semantics<subcore_parallel>], iteration_bounds = array<i64: 2, 16>, scalar_prefetch = 0 : i64, scratch_operands = 11 : i64, tpu.core_type = #tpu.core_type<sc_vector_subcore>, window_params = [{transform_indices = #map}, {transform_indices = #map1}, {transform_indices = #map1}, {transform_indices = #map1}, {transform_indices = #map}, {transform_indices = #map}]} {
    %mul3A = arith.constant 2 : i32
    %mul3A_0 = arith.muli %arg1, %mul3A : i32
    %add3A = arith.addi %mul3A_0, %arg0 : i32
    "tpu.region"() ({
      %run_scoped3A = tpu.sem_alloc : memref<!tpu.dma_semaphore, #tpu.memory_space<semaphore_mem>>
      %dma_start3A_53 = arith.constant 0 : i32
      %dma_start3A_54 = arith.constant 0 : i32
      %dma_start3A_55 = tpu.memref_slice %arg3[%add3A, %dma_start3A_53, %dma_start3A_54] : memref<32x40x128xi32, #tpu.memory_space<hbm>> -> memref<1x40x128xi32, #tpu.memory_space<hbm>>
      %dma_start3A_56 = tpu.memref_squeeze %dma_start3A_55 : memref<1x40x128xi32, #tpu.memory_space<hbm>> -> memref<40x128xi32, #tpu.memory_space<hbm>>
      %dma_start3A_57 = arith.constant 0 : i32
      %dma_start3A_58 = arith.constant 0 : i32
      %dma_start3A_59 = tpu.memref_slice %arg3[%add3A, %dma_start3A_57, %dma_start3A_58] : memref<32x40x128xi32, #tpu.memory_space<hbm>> -> memref<1x40x128xi32, #tpu.memory_space<hbm>>
      %dma_start3A_60 = tpu.memref_squeeze %dma_start3A_59 : memref<1x40x128xi32, #tpu.memory_space<hbm>> -> memref<40x128xi32, #tpu.memory_space<hbm>>
      tpu.enqueue_dma source(%dma_start3A_60 : memref<40x128xi32, #tpu.memory_space<hbm>>) target(%arg8 : memref<40x128xi32, #tpu.memory_space<vmem>>) target_semaphore(%run_scoped3A : memref<!tpu.dma_semaphore, #tpu.memory_space<semaphore_mem>>)
      %dma_wait3A = arith.constant 0 : i32
      %dma_wait3A_61 = arith.constant 0 : i32
      %dma_wait3A_62 = tpu.memref_slice %arg3[%add3A, %dma_wait3A, %dma_wait3A_61] : memref<32x40x128xi32, #tpu.memory_space<hbm>> -> memref<1x40x128xi32, #tpu.memory_space<hbm>>
      %dma_wait3A_63 = tpu.memref_squeeze %dma_wait3A_62 : memref<1x40x128xi32, #tpu.memory_space<hbm>> -> memref<40x128xi32, #tpu.memory_space<hbm>>
      %dma_wait3A_64 = arith.constant 0 : i32
      %dma_wait3A_65 = arith.constant 0 : i32
      %dma_wait3A_66 = tpu.memref_slice %arg3[%add3A, %dma_wait3A_64, %dma_wait3A_65] : memref<32x40x128xi32, #tpu.memory_space<hbm>> -> memref<1x40x128xi32, #tpu.memory_space<hbm>>
      %dma_wait3A_67 = tpu.memref_squeeze %dma_wait3A_66 : memref<1x40x128xi32, #tpu.memory_space<hbm>> -> memref<40x128xi32, #tpu.memory_space<hbm>>
      tpu.wait_dma2 semaphore(%run_scoped3A : memref<!tpu.dma_semaphore, #tpu.memory_space<semaphore_mem>>) src(%dma_wait3A_67 : memref<40x128xi32, #tpu.memory_space<hbm>>) dst(%arg8 : memref<40x128xi32, #tpu.memory_space<vmem>>)
      tpu.yield
    }) : () -> ()
    "tpu.region"() ({
      %run_scoped3A = tpu.sem_alloc : memref<!tpu.dma_semaphore, #tpu.memory_space<semaphore_mem>>
      %dma_start3A_53 = arith.constant 0 : i32
      %dma_start3A_54 = arith.constant 0 : i32
      %dma_start3A_55 = tpu.memref_slice %arg4[%add3A, %dma_start3A_53, %dma_start3A_54] : memref<32x40x128xi32, #tpu.memory_space<hbm>> -> memref<1x40x128xi32, #tpu.memory_space<hbm>>
      %dma_start3A_56 = tpu.memref_squeeze %dma_start3A_55 : memref<1x40x128xi32, #tpu.memory_space<hbm>> -> memref<40x128xi32, #tpu.memory_space<hbm>>
      %dma_start3A_57 = arith.constant 0 : i32
      %dma_start3A_58 = arith.constant 0 : i32
      %dma_start3A_59 = tpu.memref_slice %arg4[%add3A, %dma_start3A_57, %dma_start3A_58] : memref<32x40x128xi32, #tpu.memory_space<hbm>> -> memref<1x40x128xi32, #tpu.memory_space<hbm>>
      %dma_start3A_60 = tpu.memref_squeeze %dma_start3A_59 : memref<1x40x128xi32, #tpu.memory_space<hbm>> -> memref<40x128xi32, #tpu.memory_space<hbm>>
      tpu.enqueue_dma source(%dma_start3A_60 : memref<40x128xi32, #tpu.memory_space<hbm>>) target(%arg9 : memref<40x128xi32, #tpu.memory_space<vmem>>) target_semaphore(%run_scoped3A : memref<!tpu.dma_semaphore, #tpu.memory_space<semaphore_mem>>)
      %dma_wait3A = arith.constant 0 : i32
      %dma_wait3A_61 = arith.constant 0 : i32
      %dma_wait3A_62 = tpu.memref_slice %arg4[%add3A, %dma_wait3A, %dma_wait3A_61] : memref<32x40x128xi32, #tpu.memory_space<hbm>> -> memref<1x40x128xi32, #tpu.memory_space<hbm>>
      %dma_wait3A_63 = tpu.memref_squeeze %dma_wait3A_62 : memref<1x40x128xi32, #tpu.memory_space<hbm>> -> memref<40x128xi32, #tpu.memory_space<hbm>>
      %dma_wait3A_64 = arith.constant 0 : i32
      %dma_wait3A_65 = arith.constant 0 : i32
      %dma_wait3A_66 = tpu.memref_slice %arg4[%add3A, %dma_wait3A_64, %dma_wait3A_65] : memref<32x40x128xi32, #tpu.memory_space<hbm>> -> memref<1x40x128xi32, #tpu.memory_space<hbm>>
      %dma_wait3A_67 = tpu.memref_squeeze %dma_wait3A_66 : memref<1x40x128xi32, #tpu.memory_space<hbm>> -> memref<40x128xi32, #tpu.memory_space<hbm>>
      tpu.wait_dma2 semaphore(%run_scoped3A : memref<!tpu.dma_semaphore, #tpu.memory_space<semaphore_mem>>) src(%dma_wait3A_67 : memref<40x128xi32, #tpu.memory_space<hbm>>) dst(%arg9 : memref<40x128xi32, #tpu.memory_space<vmem>>)
      tpu.yield
    }) : () -> ()
    "tpu.region"() ({
      %run_scoped3A = tpu.sem_alloc : memref<!tpu.dma_semaphore, #tpu.memory_space<semaphore_mem>>
      %dma_start3A_53 = arith.constant 0 : i32
      %dma_start3A_54 = arith.constant 0 : i32
      %dma_start3A_55 = tpu.memref_slice %arg5[%add3A, %dma_start3A_53, %dma_start3A_54] : memref<32x40x128xi32, #tpu.memory_space<hbm>> -> memref<1x40x128xi32, #tpu.memory_space<hbm>>
      %dma_start3A_56 = tpu.memref_squeeze %dma_start3A_55 : memref<1x40x128xi32, #tpu.memory_space<hbm>> -> memref<40x128xi32, #tpu.memory_space<hbm>>
      %dma_start3A_57 = arith.constant 0 : i32
      %dma_start3A_58 = arith.constant 0 : i32
      %dma_start3A_59 = tpu.memref_slice %arg5[%add3A, %dma_start3A_57, %dma_start3A_58] : memref<32x40x128xi32, #tpu.memory_space<hbm>> -> memref<1x40x128xi32, #tpu.memory_space<hbm>>
      %dma_start3A_60 = tpu.memref_squeeze %dma_start3A_59 : memref<1x40x128xi32, #tpu.memory_space<hbm>> -> memref<40x128xi32, #tpu.memory_space<hbm>>
      tpu.enqueue_dma source(%dma_start3A_60 : memref<40x128xi32, #tpu.memory_space<hbm>>) target(%arg10 : memref<40x128xi32, #tpu.memory_space<vmem>>) target_semaphore(%run_scoped3A : memref<!tpu.dma_semaphore, #tpu.memory_space<semaphore_mem>>)
      %dma_wait3A = arith.constant 0 : i32
      %dma_wait3A_61 = arith.constant 0 : i32
      %dma_wait3A_62 = tpu.memref_slice %arg5[%add3A, %dma_wait3A, %dma_wait3A_61] : memref<32x40x128xi32, #tpu.memory_space<hbm>> -> memref<1x40x128xi32, #tpu.memory_space<hbm>>
      %dma_wait3A_63 = tpu.memref_squeeze %dma_wait3A_62 : memref<1x40x128xi32, #tpu.memory_space<hbm>> -> memref<40x128xi32, #tpu.memory_space<hbm>>
      %dma_wait3A_64 = arith.constant 0 : i32
      %dma_wait3A_65 = arith.constant 0 : i32
      %dma_wait3A_66 = tpu.memref_slice %arg5[%add3A, %dma_wait3A_64, %dma_wait3A_65] : memref<32x40x128xi32, #tpu.memory_space<hbm>> -> memref<1x40x128xi32, #tpu.memory_space<hbm>>
      %dma_wait3A_67 = tpu.memref_squeeze %dma_wait3A_66 : memref<1x40x128xi32, #tpu.memory_space<hbm>> -> memref<40x128xi32, #tpu.memory_space<hbm>>
      tpu.wait_dma2 semaphore(%run_scoped3A : memref<!tpu.dma_semaphore, #tpu.memory_space<semaphore_mem>>) src(%dma_wait3A_67 : memref<40x128xi32, #tpu.memory_space<hbm>>) dst(%arg10 : memref<40x128xi32, #tpu.memory_space<vmem>>)
      tpu.yield
    }) : () -> ()
    %scan3A = arith.constant 0 : i32
    %scan3A_1 = arith.constant 626 : i32
    %scan3A_2 = arith.addi %scan3A, %scan3A_1 : i32
    %scan3A_3 = arith.constant 1 : i32
    scf.for %scan3A_53 = %scan3A to %scan3A_2 step %scan3A_3  : i32 {
      %mul3A_54 = arith.constant 1 : i32
      %mul3A_55 = arith.muli %scan3A_53, %mul3A_54 : i32
      %add3A_56 = arith.constant 0 : i32
      %add3A_57 = arith.addi %add3A_56, %mul3A_55 : i32
      %broadcast_in_dim3A = arith.constant 0.000000e+00 : f32
      %broadcast_in_dim3A_58 = vector.broadcast %broadcast_in_dim3A : f32 to vector<16xf32>
      %mul3A_59 = arith.constant 16 : i32
      %mul3A_60 = arith.muli %add3A_57, %mul3A_59 : i32
      %swap3A = arith.index_cast %mul3A_60 : i32 to index
      %swap3A_61 = tpu.vector_load %arg12[%swap3A] {strides = array<i32>} : memref<10016xf32, #tpu.memory_space<vmem>>, vector<16xf32>,
      tpu.vector_store %arg12[%swap3A], %broadcast_in_dim3A_58 {strides = array<i32>} : memref<10016xf32, #tpu.memory_space<vmem>>, vector<16xf32>,
    }
    %scan3A_4 = arith.constant 626 : i32
    %dma_start3A = arith.constant 0 : i32
    %dma_start3A_5 = arith.constant 0 : i32
    %dma_start3A_6 = arith.constant 0 : i32
    %dma_start3A_7 = tpu.memref_slice %arg13[%dma_start3A_5, %dma_start3A_6] : memref<2x128xf32, #tpu.memory_space<vmem>> -> memref<1x128xf32, #tpu.memory_space<vmem>>
    %dma_start3A_8 = tpu.memref_squeeze %dma_start3A_7 : memref<1x128xf32, #tpu.memory_space<vmem>> -> memref<128xf32, #tpu.memory_space<vmem>>
    %dma_start3A_9 = arith.constant 0 : i32
    %dma_start3A_10 = tpu.memref_slice %arg8[%dma_start3A, %dma_start3A_9] : memref<40x128xi32, #tpu.memory_space<vmem>> -> memref<1x128xi32, #tpu.memory_space<vmem>>
    %dma_start3A_11 = tpu.memref_squeeze %dma_start3A_10 : memref<1x128xi32, #tpu.memory_space<vmem>> -> memref<128xi32, #tpu.memory_space<vmem>>
    %dma_start3A_12 = arith.constant 0 : i32
    %dma_start3A_13 = tpu.memref_slice %arg2[%dma_start3A_12] : memref<1280128xf32, #tpu.memory_space<hbm>> -> memref<1280128xf32, #tpu.memory_space<hbm>>
    tpu.enqueue_indirect_dma source(%dma_start3A_13 : memref<1280128xf32, #tpu.memory_space<hbm>>) target(%dma_start3A_8 : memref<128xf32, #tpu.memory_space<vmem>>) offsets(%dma_start3A_11 : memref<128xi32, #tpu.memory_space<vmem>>) semaphore(%arg15 : memref<!tpu.dma_semaphore, #tpu.memory_space<semaphore_mem>>)
    %dma_start3A_14 = arith.constant 0 : i32
    %dma_start3A_15 = arith.constant 0 : i32
    %dma_start3A_16 = arith.constant 0 : i32
    %dma_start3A_17 = tpu.memref_slice %arg14[%dma_start3A_15, %dma_start3A_16] : memref<2x128xf32, #tpu.memory_space<vmem>> -> memref<1x128xf32, #tpu.memory_space<vmem>>
    %dma_start3A_18 = tpu.memref_squeeze %dma_start3A_17 : memref<1x128xf32, #tpu.memory_space<vmem>> -> memref<128xf32, #tpu.memory_space<vmem>>
    %dma_start3A_19 = arith.constant 0 : i32
    %dma_start3A_20 = tpu.memref_slice %arg9[%dma_start3A_14, %dma_start3A_19] : memref<40x128xi32, #tpu.memory_space<vmem>> -> memref<1x128xi32, #tpu.memory_space<vmem>>
    %dma_start3A_21 = tpu.memref_squeeze %dma_start3A_20 : memref<1x128xi32, #tpu.memory_space<vmem>> -> memref<128xi32, #tpu.memory_space<vmem>>
    %dma_start3A_22 = arith.constant 0 : i32
    %dma_start3A_23 = tpu.memref_slice %arg2[%dma_start3A_22] : memref<1280128xf32, #tpu.memory_space<hbm>> -> memref<1280128xf32, #tpu.memory_space<hbm>>
    tpu.enqueue_indirect_dma source(%dma_start3A_23 : memref<1280128xf32, #tpu.memory_space<hbm>>) target(%dma_start3A_18 : memref<128xf32, #tpu.memory_space<vmem>>) offsets(%dma_start3A_21 : memref<128xi32, #tpu.memory_space<vmem>>) semaphore(%arg16 : memref<!tpu.dma_semaphore, #tpu.memory_space<semaphore_mem>>)
    %dma_start3A_24 = arith.constant 1 : i32
    %dma_start3A_25 = arith.constant 1 : i32
    %dma_start3A_26 = arith.constant 0 : i32
    %dma_start3A_27 = tpu.memref_slice %arg13[%dma_start3A_25, %dma_start3A_26] : memref<2x128xf32, #tpu.memory_space<vmem>> -> memref<1x128xf32, #tpu.memory_space<vmem>>
    %dma_start3A_28 = tpu.memref_squeeze %dma_start3A_27 : memref<1x128xf32, #tpu.memory_space<vmem>> -> memref<128xf32, #tpu.memory_space<vmem>>
    %dma_start3A_29 = arith.constant 0 : i32
    %dma_start3A_30 = tpu.memref_slice %arg8[%dma_start3A_24, %dma_start3A_29] : memref<40x128xi32, #tpu.memory_space<vmem>> -> memref<1x128xi32, #tpu.memory_space<vmem>>
    %dma_start3A_31 = tpu.memref_squeeze %dma_start3A_30 : memref<1x128xi32, #tpu.memory_space<vmem>> -> memref<128xi32, #tpu.memory_space<vmem>>
    %dma_start3A_32 = arith.constant 0 : i32
    %dma_start3A_33 = tpu.memref_slice %arg2[%dma_start3A_32] : memref<1280128xf32, #tpu.memory_space<hbm>> -> memref<1280128xf32, #tpu.memory_space<hbm>>
    tpu.enqueue_indirect_dma source(%dma_start3A_33 : memref<1280128xf32, #tpu.memory_space<hbm>>) target(%dma_start3A_28 : memref<128xf32, #tpu.memory_space<vmem>>) offsets(%dma_start3A_31 : memref<128xi32, #tpu.memory_space<vmem>>) semaphore(%arg17 : memref<!tpu.dma_semaphore, #tpu.memory_space<semaphore_mem>>)
    %dma_start3A_34 = arith.constant 1 : i32
    %dma_start3A_35 = arith.constant 1 : i32
    %dma_start3A_36 = arith.constant 0 : i32
    %dma_start3A_37 = tpu.memref_slice %arg14[%dma_start3A_35, %dma_start3A_36] : memref<2x128xf32, #tpu.memory_space<vmem>> -> memref<1x128xf32, #tpu.memory_space<vmem>>
    %dma_start3A_38 = tpu.memref_squeeze %dma_start3A_37 : memref<1x128xf32, #tpu.memory_space<vmem>> -> memref<128xf32, #tpu.memory_space<vmem>>
    %dma_start3A_39 = arith.constant 0 : i32
    %dma_start3A_40 = tpu.memref_slice %arg9[%dma_start3A_34, %dma_start3A_39] : memref<40x128xi32, #tpu.memory_space<vmem>> -> memref<1x128xi32, #tpu.memory_space<vmem>>
    %dma_start3A_41 = tpu.memref_squeeze %dma_start3A_40 : memref<1x128xi32, #tpu.memory_space<vmem>> -> memref<128xi32, #tpu.memory_space<vmem>>
    %dma_start3A_42 = arith.constant 0 : i32
    %dma_start3A_43 = tpu.memref_slice %arg2[%dma_start3A_42] : memref<1280128xf32, #tpu.memory_space<hbm>> -> memref<1280128xf32, #tpu.memory_space<hbm>>
    tpu.enqueue_indirect_dma source(%dma_start3A_43 : memref<1280128xf32, #tpu.memory_space<hbm>>) target(%dma_start3A_38 : memref<128xf32, #tpu.memory_space<vmem>>) offsets(%dma_start3A_41 : memref<128xi32, #tpu.memory_space<vmem>>) semaphore(%arg18 : memref<!tpu.dma_semaphore, #tpu.memory_space<semaphore_mem>>)
    %scan3A_44 = arith.constant 0 : i32
    %scan3A_45 = arith.constant 20 : i32
    %scan3A_46 = arith.addi %scan3A_44, %scan3A_45 : i32
    %scan3A_47 = arith.constant 1 : i32
    scf.for %scan3A_53 = %scan3A_44 to %scan3A_46 step %scan3A_47  : i32 {
      %mul3A_54 = arith.constant 1 : i32
      %mul3A_55 = arith.muli %scan3A_53, %mul3A_54 : i32
      %add3A_56 = arith.constant 0 : i32
      %add3A_57 = arith.addi %add3A_56, %mul3A_55 : i32
      %mul3A_58 = arith.constant 2 : i32
      %mul3A_59 = arith.muli %mul3A_58, %add3A_57 : i32
      %add3A_60 = arith.constant 0 : i32
      %add3A_61 = arith.addi %mul3A_59, %add3A_60 : i32
      %dma_wait3A = arith.constant 0 : i32
      %dma_wait3A_62 = arith.constant 0 : i32
      %dma_wait3A_63 = tpu.memref_slice %arg13[%dma_wait3A, %dma_wait3A_62] : memref<2x128xf32, #tpu.memory_space<vmem>> -> memref<1x128xf32, #tpu.memory_space<vmem>>
      %dma_wait3A_64 = tpu.memref_squeeze %dma_wait3A_63 : memref<1x128xf32, #tpu.memory_space<vmem>> -> memref<128xf32, #tpu.memory_space<vmem>>
      %dma_wait3A_65 = arith.constant 0 : i32
      %dma_wait3A_66 = tpu.memref_slice %arg8[%add3A_61, %dma_wait3A_65] : memref<40x128xi32, #tpu.memory_space<vmem>> -> memref<1x128xi32, #tpu.memory_space<vmem>>
      %dma_wait3A_67 = tpu.memref_squeeze %dma_wait3A_66 : memref<1x128xi32, #tpu.memory_space<vmem>> -> memref<128xi32, #tpu.memory_space<vmem>>
      %dma_wait3A_68 = arith.constant 0 : i32
      %dma_wait3A_69 = tpu.memref_slice %arg2[%dma_wait3A_68] : memref<1280128xf32, #tpu.memory_space<hbm>> -> memref<1280128xf32, #tpu.memory_space<hbm>>
      tpu.wait_indirect_dma semaphore(%arg15 : memref<!tpu.dma_semaphore, #tpu.memory_space<semaphore_mem>>) src(%dma_wait3A_69 : memref<1280128xf32, #tpu.memory_space<hbm>>) dst(%dma_wait3A_64 : memref<128xf32, #tpu.memory_space<vmem>>)
      %dma_wait3A_70 = arith.constant 0 : i32
      %dma_wait3A_71 = arith.constant 0 : i32
      %dma_wait3A_72 = tpu.memref_slice %arg14[%dma_wait3A_70, %dma_wait3A_71] : memref<2x128xf32, #tpu.memory_space<vmem>> -> memref<1x128xf32, #tpu.memory_space<vmem>>
      %dma_wait3A_73 = tpu.memref_squeeze %dma_wait3A_72 : memref<1x128xf32, #tpu.memory_space<vmem>> -> memref<128xf32, #tpu.memory_space<vmem>>
      %dma_wait3A_74 = arith.constant 0 : i32
      %dma_wait3A_75 = tpu.memref_slice %arg9[%add3A_61, %dma_wait3A_74] : memref<40x128xi32, #tpu.memory_space<vmem>> -> memref<1x128xi32, #tpu.memory_space<vmem>>
      %dma_wait3A_76 = tpu.memref_squeeze %dma_wait3A_75 : memref<1x128xi32, #tpu.memory_space<vmem>> -> memref<128xi32, #tpu.memory_space<vmem>>
      %dma_wait3A_77 = arith.constant 0 : i32
      %dma_wait3A_78 = tpu.memref_slice %arg2[%dma_wait3A_77] : memref<1280128xf32, #tpu.memory_space<hbm>> -> memref<1280128xf32, #tpu.memory_space<hbm>>
      tpu.wait_indirect_dma semaphore(%arg16 : memref<!tpu.dma_semaphore, #tpu.memory_space<semaphore_mem>>) src(%dma_wait3A_78 : memref<1280128xf32, #tpu.memory_space<hbm>>) dst(%dma_wait3A_73 : memref<128xf32, #tpu.memory_space<vmem>>)
      %mul3A_79 = arith.constant 128 : i32
      %mul3A_80 = arith.muli %add3A_61, %mul3A_79 : i32
      %get3A = arith.constant 0 : i32
      %get3A_81 = arith.index_cast %get3A : i32 to index
      %get3A_82 = arith.constant 0 : index
      %get3A_83 = tpu.vector_load %arg13[%get3A_81, %get3A_82] {strides = array<i32>} : memref<2x128xf32, #tpu.memory_space<vmem>>, vector<16xf32>,
      %get3A_84 = arith.constant 0 : i32
      %get3A_85 = arith.index_cast %get3A_84 : i32 to index
      %get3A_86 = arith.constant 0 : index
      %get3A_87 = tpu.vector_load %arg14[%get3A_85, %get3A_86] {strides = array<i32>} : memref<2x128xf32, #tpu.memory_space<vmem>>, vector<16xf32>,
      %add3A_88 = arith.addf %get3A_83, %get3A_87 : vector<16xf32>
      %gt3A = arith.constant 0.000000e+00 : f32
      %gt3A_89 = vector.broadcast %gt3A : f32 to vector<16xf32>
      %gt3A_90 = arith.cmpf ogt, %add3A_88, %gt3A_89 : vector<16xf32>
      %mul3A_91 = arith.constant 2.000000e-01 : f32
      %mul3A_92 = vector.broadcast %mul3A_91 : f32 to vector<16xf32>
      %mul3A_93 = arith.mulf %mul3A_92, %add3A_88 : vector<16xf32>
      %select_n3A = arith.select %gt3A_90, %add3A_88, %mul3A_93 : vector<16xi1>, vector<16xf32>
      %add3A_94 = arith.constant 0 : i32
      %add3A_95 = arith.addi %mul3A_80, %add3A_94 : i32
      %swap3A = arith.index_cast %add3A_95 : i32 to index
      %swap3A_96 = tpu.vector_load %arg11[%swap3A] {strides = array<i32>} : memref<5120xf32, #tpu.memory_space<vmem>>, vector<16xf32>,
      tpu.vector_store %arg11[%swap3A], %select_n3A {strides = array<i32>} : memref<5120xf32, #tpu.memory_space<vmem>>, vector<16xf32>,
      %mul3A_97 = arith.constant 2.500000e-01 : f32
      %mul3A_98 = vector.broadcast %mul3A_97 : f32 to vector<16xf32>
      %mul3A_99 = arith.mulf %select_n3A, %mul3A_98 : vector<16xf32>
      %exp3A = math.exp %mul3A_99 : vector<16xf32>
      %get3A_100 = arith.index_cast %add3A_61 : i32 to index
      %get3A_101 = arith.constant 0 : index
      %get3A_102 = tpu.vector_load %arg10[%get3A_100, %get3A_101] {strides = array<i32>} : memref<40x128xi32, #tpu.memory_space<vmem>>, vector<16xi32>,
      tpu.vector_store_idx %arg12[%get3A_102], %exp3A {add = true} : memref<10016xf32, #tpu.memory_space<vmem>>[vector<16xi32>], vector<16xf32>,
      %get3A_103 = arith.constant 0 : i32
      %get3A_104 = arith.index_cast %get3A_103 : i32 to index
      %get3A_105 = arith.constant 16 : index
      %get3A_106 = tpu.vector_load %arg13[%get3A_104, %get3A_105] {strides = array<i32>} : memref<2x128xf32, #tpu.memory_space<vmem>>, vector<16xf32>,
      %get3A_107 = arith.constant 0 : i32
      %get3A_108 = arith.index_cast %get3A_107 : i32 to index
      %get3A_109 = arith.constant 16 : index
      %get3A_110 = tpu.vector_load %arg14[%get3A_108, %get3A_109] {strides = array<i32>} : memref<2x128xf32, #tpu.memory_space<vmem>>, vector<16xf32>,
      %add3A_111 = arith.addf %get3A_106, %get3A_110 : vector<16xf32>
      %gt3A_112 = arith.constant 0.000000e+00 : f32
      %gt3A_113 = vector.broadcast %gt3A_112 : f32 to vector<16xf32>
      %gt3A_114 = arith.cmpf ogt, %add3A_111, %gt3A_113 : vector<16xf32>
      %mul3A_115 = arith.constant 2.000000e-01 : f32
      %mul3A_116 = vector.broadcast %mul3A_115 : f32 to vector<16xf32>
      %mul3A_117 = arith.mulf %mul3A_116, %add3A_111 : vector<16xf32>
      %select_n3A_118 = arith.select %gt3A_114, %add3A_111, %mul3A_117 : vector<16xi1>, vector<16xf32>
      %add3A_119 = arith.constant 16 : i32
      %add3A_120 = arith.addi %mul3A_80, %add3A_119 : i32
      %swap3A_121 = arith.index_cast %add3A_120 : i32 to index
      %swap3A_122 = tpu.vector_load %arg11[%swap3A_121] {strides = array<i32>} : memref<5120xf32, #tpu.memory_space<vmem>>, vector<16xf32>,
      tpu.vector_store %arg11[%swap3A_121], %select_n3A_118 {strides = array<i32>} : memref<5120xf32, #tpu.memory_space<vmem>>, vector<16xf32>,
      %mul3A_123 = arith.constant 2.500000e-01 : f32
      %mul3A_124 = vector.broadcast %mul3A_123 : f32 to vector<16xf32>
      %mul3A_125 = arith.mulf %select_n3A_118, %mul3A_124 : vector<16xf32>
      %exp3A_126 = math.exp %mul3A_125 : vector<16xf32>
      %get3A_127 = arith.index_cast %add3A_61 : i32 to index
      %get3A_128 = arith.constant 16 : index
      %get3A_129 = tpu.vector_load %arg10[%get3A_127, %get3A_128] {strides = array<i32>} : memref<40x128xi32, #tpu.memory_space<vmem>>, vector<16xi32>,
      tpu.vector_store_idx %arg12[%get3A_129], %exp3A_126 {add = true} : memref<10016xf32, #tpu.memory_space<vmem>>[vector<16xi32>], vector<16xf32>,
      %get3A_130 = arith.constant 0 : i32
      %get3A_131 = arith.index_cast %get3A_130 : i32 to index
      %get3A_132 = arith.constant 32 : index
      %get3A_133 = tpu.vector_load %arg13[%get3A_131, %get3A_132] {strides = array<i32>} : memref<2x128xf32, #tpu.memory_space<vmem>>, vector<16xf32>,
      %get3A_134 = arith.constant 0 : i32
      %get3A_135 = arith.index_cast %get3A_134 : i32 to index
      %get3A_136 = arith.constant 32 : index
      %get3A_137 = tpu.vector_load %arg14[%get3A_135, %get3A_136] {strides = array<i32>} : memref<2x128xf32, #tpu.memory_space<vmem>>, vector<16xf32>,
      %add3A_138 = arith.addf %get3A_133, %get3A_137 : vector<16xf32>
      %gt3A_139 = arith.constant 0.000000e+00 : f32
      %gt3A_140 = vector.broadcast %gt3A_139 : f32 to vector<16xf32>
      %gt3A_141 = arith.cmpf ogt, %add3A_138, %gt3A_140 : vector<16xf32>
      %mul3A_142 = arith.constant 2.000000e-01 : f32
      %mul3A_143 = vector.broadcast %mul3A_142 : f32 to vector<16xf32>
      %mul3A_144 = arith.mulf %mul3A_143, %add3A_138 : vector<16xf32>
      %select_n3A_145 = arith.select %gt3A_141, %add3A_138, %mul3A_144 : vector<16xi1>, vector<16xf32>
      %add3A_146 = arith.constant 32 : i32
      %add3A_147 = arith.addi %mul3A_80, %add3A_146 : i32
      %swap3A_148 = arith.index_cast %add3A_147 : i32 to index
      %swap3A_149 = tpu.vector_load %arg11[%swap3A_148] {strides = array<i32>} : memref<5120xf32, #tpu.memory_space<vmem>>, vector<16xf32>,
      tpu.vector_store %arg11[%swap3A_148], %select_n3A_145 {strides = array<i32>} : memref<5120xf32, #tpu.memory_space<vmem>>, vector<16xf32>,
      %mul3A_150 = arith.constant 2.500000e-01 : f32
      %mul3A_151 = vector.broadcast %mul3A_150 : f32 to vector<16xf32>
      %mul3A_152 = arith.mulf %select_n3A_145, %mul3A_151 : vector<16xf32>
      %exp3A_153 = math.exp %mul3A_152 : vector<16xf32>
      %get3A_154 = arith.index_cast %add3A_61 : i32 to index
      %get3A_155 = arith.constant 32 : index
      %get3A_156 = tpu.vector_load %arg10[%get3A_154, %get3A_155] {strides = array<i32>} : memref<40x128xi32, #tpu.memory_space<vmem>>, vector<16xi32>,
      tpu.vector_store_idx %arg12[%get3A_156], %exp3A_153 {add = true} : memref<10016xf32, #tpu.memory_space<vmem>>[vector<16xi32>], vector<16xf32>,
      %get3A_157 = arith.constant 0 : i32
      %get3A_158 = arith.index_cast %get3A_157 : i32 to index
      %get3A_159 = arith.constant 48 : index
      %get3A_160 = tpu.vector_load %arg13[%get3A_158, %get3A_159] {strides = array<i32>} : memref<2x128xf32, #tpu.memory_space<vmem>>, vector<16xf32>,
      %get3A_161 = arith.constant 0 : i32
      %get3A_162 = arith.index_cast %get3A_161 : i32 to index
      %get3A_163 = arith.constant 48 : index
      %get3A_164 = tpu.vector_load %arg14[%get3A_162, %get3A_163] {strides = array<i32>} : memref<2x128xf32, #tpu.memory_space<vmem>>, vector<16xf32>,
      %add3A_165 = arith.addf %get3A_160, %get3A_164 : vector<16xf32>
      %gt3A_166 = arith.constant 0.000000e+00 : f32
      %gt3A_167 = vector.broadcast %gt3A_166 : f32 to vector<16xf32>
      %gt3A_168 = arith.cmpf ogt, %add3A_165, %gt3A_167 : vector<16xf32>
      %mul3A_169 = arith.constant 2.000000e-01 : f32
      %mul3A_170 = vector.broadcast %mul3A_169 : f32 to vector<16xf32>
      %mul3A_171 = arith.mulf %mul3A_170, %add3A_165 : vector<16xf32>
      %select_n3A_172 = arith.select %gt3A_168, %add3A_165, %mul3A_171 : vector<16xi1>, vector<16xf32>
      %add3A_173 = arith.constant 48 : i32
      %add3A_174 = arith.addi %mul3A_80, %add3A_173 : i32
      %swap3A_175 = arith.index_cast %add3A_174 : i32 to index
      %swap3A_176 = tpu.vector_load %arg11[%swap3A_175] {strides = array<i32>} : memref<5120xf32, #tpu.memory_space<vmem>>, vector<16xf32>,
      tpu.vector_store %arg11[%swap3A_175], %select_n3A_172 {strides = array<i32>} : memref<5120xf32, #tpu.memory_space<vmem>>, vector<16xf32>,
      %mul3A_177 = arith.constant 2.500000e-01 : f32
      %mul3A_178 = vector.broadcast %mul3A_177 : f32 to vector<16xf32>
      %mul3A_179 = arith.mulf %select_n3A_172, %mul3A_178 : vector<16xf32>
      %exp3A_180 = math.exp %mul3A_179 : vector<16xf32>
      %get3A_181 = arith.index_cast %add3A_61 : i32 to index
      %get3A_182 = arith.constant 48 : index
      %get3A_183 = tpu.vector_load %arg10[%get3A_181, %get3A_182] {strides = array<i32>} : memref<40x128xi32, #tpu.memory_space<vmem>>, vector<16xi32>,
      tpu.vector_store_idx %arg12[%get3A_183], %exp3A_180 {add = true} : memref<10016xf32, #tpu.memory_space<vmem>>[vector<16xi32>], vector<16xf32>,
      %get3A_184 = arith.constant 0 : i32
      %get3A_185 = arith.index_cast %get3A_184 : i32 to index
      %get3A_186 = arith.constant 64 : index
      %get3A_187 = tpu.vector_load %arg13[%get3A_185, %get3A_186] {strides = array<i32>} : memref<2x128xf32, #tpu.memory_space<vmem>>, vector<16xf32>,
      %get3A_188 = arith.constant 0 : i32
      %get3A_189 = arith.index_cast %get3A_188 : i32 to index
      %get3A_190 = arith.constant 64 : index
      %get3A_191 = tpu.vector_load %arg14[%get3A_189, %get3A_190] {strides = array<i32>} : memref<2x128xf32, #tpu.memory_space<vmem>>, vector<16xf32>,
      %add3A_192 = arith.addf %get3A_187, %get3A_191 : vector<16xf32>
      %gt3A_193 = arith.constant 0.000000e+00 : f32
      %gt3A_194 = vector.broadcast %gt3A_193 : f32 to vector<16xf32>
      %gt3A_195 = arith.cmpf ogt, %add3A_192, %gt3A_194 : vector<16xf32>
      %mul3A_196 = arith.constant 2.000000e-01 : f32
      %mul3A_197 = vector.broadcast %mul3A_196 : f32 to vector<16xf32>
      %mul3A_198 = arith.mulf %mul3A_197, %add3A_192 : vector<16xf32>
      %select_n3A_199 = arith.select %gt3A_195, %add3A_192, %mul3A_198 : vector<16xi1>, vector<16xf32>
      %add3A_200 = arith.constant 64 : i32
      %add3A_201 = arith.addi %mul3A_80, %add3A_200 : i32
      %swap3A_202 = arith.index_cast %add3A_201 : i32 to index
      %swap3A_203 = tpu.vector_load %arg11[%swap3A_202] {strides = array<i32>} : memref<5120xf32, #tpu.memory_space<vmem>>, vector<16xf32>,
      tpu.vector_store %arg11[%swap3A_202], %select_n3A_199 {strides = array<i32>} : memref<5120xf32, #tpu.memory_space<vmem>>, vector<16xf32>,
      %mul3A_204 = arith.constant 2.500000e-01 : f32
      %mul3A_205 = vector.broadcast %mul3A_204 : f32 to vector<16xf32>
      %mul3A_206 = arith.mulf %select_n3A_199, %mul3A_205 : vector<16xf32>
      %exp3A_207 = math.exp %mul3A_206 : vector<16xf32>
      %get3A_208 = arith.index_cast %add3A_61 : i32 to index
      %get3A_209 = arith.constant 64 : index
      %get3A_210 = tpu.vector_load %arg10[%get3A_208, %get3A_209] {strides = array<i32>} : memref<40x128xi32, #tpu.memory_space<vmem>>, vector<16xi32>,
      tpu.vector_store_idx %arg12[%get3A_210], %exp3A_207 {add = true} : memref<10016xf32, #tpu.memory_space<vmem>>[vector<16xi32>], vector<16xf32>,
      %get3A_211 = arith.constant 0 : i32
      %get3A_212 = arith.index_cast %get3A_211 : i32 to index
      %get3A_213 = arith.constant 80 : index
      %get3A_214 = tpu.vector_load %arg13[%get3A_212, %get3A_213] {strides = array<i32>} : memref<2x128xf32, #tpu.memory_space<vmem>>, vector<16xf32>,
      %get3A_215 = arith.constant 0 : i32
      %get3A_216 = arith.index_cast %get3A_215 : i32 to index
      %get3A_217 = arith.constant 80 : index
      %get3A_218 = tpu.vector_load %arg14[%get3A_216, %get3A_217] {strides = array<i32>} : memref<2x128xf32, #tpu.memory_space<vmem>>, vector<16xf32>,
      %add3A_219 = arith.addf %get3A_214, %get3A_218 : vector<16xf32>
      %gt3A_220 = arith.constant 0.000000e+00 : f32
      %gt3A_221 = vector.broadcast %gt3A_220 : f32 to vector<16xf32>
      %gt3A_222 = arith.cmpf ogt, %add3A_219, %gt3A_221 : vector<16xf32>
      %mul3A_223 = arith.constant 2.000000e-01 : f32
      %mul3A_224 = vector.broadcast %mul3A_223 : f32 to vector<16xf32>
      %mul3A_225 = arith.mulf %mul3A_224, %add3A_219 : vector<16xf32>
      %select_n3A_226 = arith.select %gt3A_222, %add3A_219, %mul3A_225 : vector<16xi1>, vector<16xf32>
      %add3A_227 = arith.constant 80 : i32
      %add3A_228 = arith.addi %mul3A_80, %add3A_227 : i32
      %swap3A_229 = arith.index_cast %add3A_228 : i32 to index
      %swap3A_230 = tpu.vector_load %arg11[%swap3A_229] {strides = array<i32>} : memref<5120xf32, #tpu.memory_space<vmem>>, vector<16xf32>,
      tpu.vector_store %arg11[%swap3A_229], %select_n3A_226 {strides = array<i32>} : memref<5120xf32, #tpu.memory_space<vmem>>, vector<16xf32>,
      %mul3A_231 = arith.constant 2.500000e-01 : f32
      %mul3A_232 = vector.broadcast %mul3A_231 : f32 to vector<16xf32>
      %mul3A_233 = arith.mulf %select_n3A_226, %mul3A_232 : vector<16xf32>
      %exp3A_234 = math.exp %mul3A_233 : vector<16xf32>
      %get3A_235 = arith.index_cast %add3A_61 : i32 to index
      %get3A_236 = arith.constant 80 : index
      %get3A_237 = tpu.vector_load %arg10[%get3A_235, %get3A_236] {strides = array<i32>} : memref<40x128xi32, #tpu.memory_space<vmem>>, vector<16xi32>,
      tpu.vector_store_idx %arg12[%get3A_237], %exp3A_234 {add = true} : memref<10016xf32, #tpu.memory_space<vmem>>[vector<16xi32>], vector<16xf32>,
      %get3A_238 = arith.constant 0 : i32
      %get3A_239 = arith.index_cast %get3A_238 : i32 to index
      %get3A_240 = arith.constant 96 : index
      %get3A_241 = tpu.vector_load %arg13[%get3A_239, %get3A_240] {strides = array<i32>} : memref<2x128xf32, #tpu.memory_space<vmem>>, vector<16xf32>,
      %get3A_242 = arith.constant 0 : i32
      %get3A_243 = arith.index_cast %get3A_242 : i32 to index
      %get3A_244 = arith.constant 96 : index
      %get3A_245 = tpu.vector_load %arg14[%get3A_243, %get3A_244] {strides = array<i32>} : memref<2x128xf32, #tpu.memory_space<vmem>>, vector<16xf32>,
      %add3A_246 = arith.addf %get3A_241, %get3A_245 : vector<16xf32>
      %gt3A_247 = arith.constant 0.000000e+00 : f32
      %gt3A_248 = vector.broadcast %gt3A_247 : f32 to vector<16xf32>
      %gt3A_249 = arith.cmpf ogt, %add3A_246, %gt3A_248 : vector<16xf32>
      %mul3A_250 = arith.constant 2.000000e-01 : f32
      %mul3A_251 = vector.broadcast %mul3A_250 : f32 to vector<16xf32>
      %mul3A_252 = arith.mulf %mul3A_251, %add3A_246 : vector<16xf32>
      %select_n3A_253 = arith.select %gt3A_249, %add3A_246, %mul3A_252 : vector<16xi1>, vector<16xf32>
      %add3A_254 = arith.constant 96 : i32
      %add3A_255 = arith.addi %mul3A_80, %add3A_254 : i32
      %swap3A_256 = arith.index_cast %add3A_255 : i32 to index
      %swap3A_257 = tpu.vector_load %arg11[%swap3A_256] {strides = array<i32>} : memref<5120xf32, #tpu.memory_space<vmem>>, vector<16xf32>,
      tpu.vector_store %arg11[%swap3A_256], %select_n3A_253 {strides = array<i32>} : memref<5120xf32, #tpu.memory_space<vmem>>, vector<16xf32>,
      %mul3A_258 = arith.constant 2.500000e-01 : f32
      %mul3A_259 = vector.broadcast %mul3A_258 : f32 to vector<16xf32>
      %mul3A_260 = arith.mulf %select_n3A_253, %mul3A_259 : vector<16xf32>
      %exp3A_261 = math.exp %mul3A_260 : vector<16xf32>
      %get3A_262 = arith.index_cast %add3A_61 : i32 to index
      %get3A_263 = arith.constant 96 : index
      %get3A_264 = tpu.vector_load %arg10[%get3A_262, %get3A_263] {strides = array<i32>} : memref<40x128xi32, #tpu.memory_space<vmem>>, vector<16xi32>,
      tpu.vector_store_idx %arg12[%get3A_264], %exp3A_261 {add = true} : memref<10016xf32, #tpu.memory_space<vmem>>[vector<16xi32>], vector<16xf32>,
      %get3A_265 = arith.constant 0 : i32
      %get3A_266 = arith.index_cast %get3A_265 : i32 to index
      %get3A_267 = arith.constant 112 : index
      %get3A_268 = tpu.vector_load %arg13[%get3A_266, %get3A_267] {strides = array<i32>} : memref<2x128xf32, #tpu.memory_space<vmem>>, vector<16xf32>,
      %get3A_269 = arith.constant 0 : i32
      %get3A_270 = arith.index_cast %get3A_269 : i32 to index
      %get3A_271 = arith.constant 112 : index
      %get3A_272 = tpu.vector_load %arg14[%get3A_270, %get3A_271] {strides = array<i32>} : memref<2x128xf32, #tpu.memory_space<vmem>>, vector<16xf32>,
      %add3A_273 = arith.addf %get3A_268, %get3A_272 : vector<16xf32>
      %gt3A_274 = arith.constant 0.000000e+00 : f32
      %gt3A_275 = vector.broadcast %gt3A_274 : f32 to vector<16xf32>
      %gt3A_276 = arith.cmpf ogt, %add3A_273, %gt3A_275 : vector<16xf32>
      %mul3A_277 = arith.constant 2.000000e-01 : f32
      %mul3A_278 = vector.broadcast %mul3A_277 : f32 to vector<16xf32>
      %mul3A_279 = arith.mulf %mul3A_278, %add3A_273 : vector<16xf32>
      %select_n3A_280 = arith.select %gt3A_276, %add3A_273, %mul3A_279 : vector<16xi1>, vector<16xf32>
      %add3A_281 = arith.constant 112 : i32
      %add3A_282 = arith.addi %mul3A_80, %add3A_281 : i32
      %swap3A_283 = arith.index_cast %add3A_282 : i32 to index
      %swap3A_284 = tpu.vector_load %arg11[%swap3A_283] {strides = array<i32>} : memref<5120xf32, #tpu.memory_space<vmem>>, vector<16xf32>,
      tpu.vector_store %arg11[%swap3A_283], %select_n3A_280 {strides = array<i32>} : memref<5120xf32, #tpu.memory_space<vmem>>, vector<16xf32>,
      %mul3A_285 = arith.constant 2.500000e-01 : f32
      %mul3A_286 = vector.broadcast %mul3A_285 : f32 to vector<16xf32>
      %mul3A_287 = arith.mulf %select_n3A_280, %mul3A_286 : vector<16xf32>
      %exp3A_288 = math.exp %mul3A_287 : vector<16xf32>
      %get3A_289 = arith.index_cast %add3A_61 : i32 to index
      %get3A_290 = arith.constant 112 : index
      %get3A_291 = tpu.vector_load %arg10[%get3A_289, %get3A_290] {strides = array<i32>} : memref<40x128xi32, #tpu.memory_space<vmem>>, vector<16xi32>,
      tpu.vector_store_idx %arg12[%get3A_291], %exp3A_288 {add = true} : memref<10016xf32, #tpu.memory_space<vmem>>[vector<16xi32>], vector<16xf32>,
      %add3A_292 = arith.constant 2 : i32
      %add3A_293 = arith.addi %add3A_61, %add3A_292 : i32
      %lt3A = arith.constant 40 : i32
      %lt3A_294 = arith.cmpi slt, %add3A_293, %lt3A : i32
      %convert_element_type3A = arith.extui %lt3A_294 : i1 to i32
      %cond3A = arith.constant 0 : i32
      %cond3A_295 = arith.cmpi ne, %convert_element_type3A, %cond3A : i32
      scf.if %cond3A_295 {
        %add3A_543 = arith.constant 2 : i32
        %add3A_544 = arith.addi %add3A_61, %add3A_543 : i32
        %dma_start3A_545 = arith.constant 0 : i32
        %dma_start3A_546 = arith.constant 0 : i32
        %dma_start3A_547 = tpu.memref_slice %arg13[%dma_start3A_545, %dma_start3A_546] : memref<2x128xf32, #tpu.memory_space<vmem>> -> memref<1x128xf32, #tpu.memory_space<vmem>>
        %dma_start3A_548 = tpu.memref_squeeze %dma_start3A_547 : memref<1x128xf32, #tpu.memory_space<vmem>> -> memref<128xf32, #tpu.memory_space<vmem>>
        %dma_start3A_549 = arith.constant 0 : i32
        %dma_start3A_550 = tpu.memref_slice %arg8[%add3A_544, %dma_start3A_549] : memref<40x128xi32, #tpu.memory_space<vmem>> -> memref<1x128xi32, #tpu.memory_space<vmem>>
        %dma_start3A_551 = tpu.memref_squeeze %dma_start3A_550 : memref<1x128xi32, #tpu.memory_space<vmem>> -> memref<128xi32, #tpu.memory_space<vmem>>
        %dma_start3A_552 = arith.constant 0 : i32
        %dma_start3A_553 = tpu.memref_slice %arg2[%dma_start3A_552] : memref<1280128xf32, #tpu.memory_space<hbm>> -> memref<1280128xf32, #tpu.memory_space<hbm>>
        tpu.enqueue_indirect_dma source(%dma_start3A_553 : memref<1280128xf32, #tpu.memory_space<hbm>>) target(%dma_start3A_548 : memref<128xf32, #tpu.memory_space<vmem>>) offsets(%dma_start3A_551 : memref<128xi32, #tpu.memory_space<vmem>>) semaphore(%arg15 : memref<!tpu.dma_semaphore, #tpu.memory_space<semaphore_mem>>)
        %dma_start3A_554 = arith.constant 0 : i32
        %dma_start3A_555 = arith.constant 0 : i32
        %dma_start3A_556 = tpu.memref_slice %arg14[%dma_start3A_554, %dma_start3A_555] : memref<2x128xf32, #tpu.memory_space<vmem>> -> memref<1x128xf32, #tpu.memory_space<vmem>>
        %dma_start3A_557 = tpu.memref_squeeze %dma_start3A_556 : memref<1x128xf32, #tpu.memory_space<vmem>> -> memref<128xf32, #tpu.memory_space<vmem>>
        %dma_start3A_558 = arith.constant 0 : i32
        %dma_start3A_559 = tpu.memref_slice %arg9[%add3A_544, %dma_start3A_558] : memref<40x128xi32, #tpu.memory_space<vmem>> -> memref<1x128xi32, #tpu.memory_space<vmem>>
        %dma_start3A_560 = tpu.memref_squeeze %dma_start3A_559 : memref<1x128xi32, #tpu.memory_space<vmem>> -> memref<128xi32, #tpu.memory_space<vmem>>
        %dma_start3A_561 = arith.constant 0 : i32
        %dma_start3A_562 = tpu.memref_slice %arg2[%dma_start3A_561] : memref<1280128xf32, #tpu.memory_space<hbm>> -> memref<1280128xf32, #tpu.memory_space<hbm>>
        tpu.enqueue_indirect_dma source(%dma_start3A_562 : memref<1280128xf32, #tpu.memory_space<hbm>>) target(%dma_start3A_557 : memref<128xf32, #tpu.memory_space<vmem>>) offsets(%dma_start3A_560 : memref<128xi32, #tpu.memory_space<vmem>>) semaphore(%arg16 : memref<!tpu.dma_semaphore, #tpu.memory_space<semaphore_mem>>)
      } else {
      }
      %mul3A_296 = arith.constant 2 : i32
      %mul3A_297 = arith.muli %mul3A_296, %add3A_57 : i32
      %add3A_298 = arith.constant 1 : i32
      %add3A_299 = arith.addi %mul3A_297, %add3A_298 : i32
      %dma_wait3A_300 = arith.constant 1 : i32
      %dma_wait3A_301 = arith.constant 0 : i32
      %dma_wait3A_302 = tpu.memref_slice %arg13[%dma_wait3A_300, %dma_wait3A_301] : memref<2x128xf32, #tpu.memory_space<vmem>> -> memref<1x128xf32, #tpu.memory_space<vmem>>
      %dma_wait3A_303 = tpu.memref_squeeze %dma_wait3A_302 : memref<1x128xf32, #tpu.memory_space<vmem>> -> memref<128xf32, #tpu.memory_space<vmem>>
      %dma_wait3A_304 = arith.constant 0 : i32
      %dma_wait3A_305 = tpu.memref_slice %arg8[%add3A_299, %dma_wait3A_304] : memref<40x128xi32, #tpu.memory_space<vmem>> -> memref<1x128xi32, #tpu.memory_space<vmem>>
      %dma_wait3A_306 = tpu.memref_squeeze %dma_wait3A_305 : memref<1x128xi32, #tpu.memory_space<vmem>> -> memref<128xi32, #tpu.memory_space<vmem>>
      %dma_wait3A_307 = arith.constant 0 : i32
      %dma_wait3A_308 = tpu.memref_slice %arg2[%dma_wait3A_307] : memref<1280128xf32, #tpu.memory_space<hbm>> -> memref<1280128xf32, #tpu.memory_space<hbm>>
      tpu.wait_indirect_dma semaphore(%arg17 : memref<!tpu.dma_semaphore, #tpu.memory_space<semaphore_mem>>) src(%dma_wait3A_308 : memref<1280128xf32, #tpu.memory_space<hbm>>) dst(%dma_wait3A_303 : memref<128xf32, #tpu.memory_space<vmem>>)
      %dma_wait3A_309 = arith.constant 1 : i32
      %dma_wait3A_310 = arith.constant 0 : i32
      %dma_wait3A_311 = tpu.memref_slice %arg14[%dma_wait3A_309, %dma_wait3A_310] : memref<2x128xf32, #tpu.memory_space<vmem>> -> memref<1x128xf32, #tpu.memory_space<vmem>>
      %dma_wait3A_312 = tpu.memref_squeeze %dma_wait3A_311 : memref<1x128xf32, #tpu.memory_space<vmem>> -> memref<128xf32, #tpu.memory_space<vmem>>
      %dma_wait3A_313 = arith.constant 0 : i32
      %dma_wait3A_314 = tpu.memref_slice %arg9[%add3A_299, %dma_wait3A_313] : memref<40x128xi32, #tpu.memory_space<vmem>> -> memref<1x128xi32, #tpu.memory_space<vmem>>
      %dma_wait3A_315 = tpu.memref_squeeze %dma_wait3A_314 : memref<1x128xi32, #tpu.memory_space<vmem>> -> memref<128xi32, #tpu.memory_space<vmem>>
      %dma_wait3A_316 = arith.constant 0 : i32
      %dma_wait3A_317 = tpu.memref_slice %arg2[%dma_wait3A_316] : memref<1280128xf32, #tpu.memory_space<hbm>> -> memref<1280128xf32, #tpu.memory_space<hbm>>
      tpu.wait_indirect_dma semaphore(%arg18 : memref<!tpu.dma_semaphore, #tpu.memory_space<semaphore_mem>>) src(%dma_wait3A_317 : memref<1280128xf32, #tpu.memory_space<hbm>>) dst(%dma_wait3A_312 : memref<128xf32, #tpu.memory_space<vmem>>)
      %mul3A_318 = arith.constant 128 : i32
      %mul3A_319 = arith.muli %add3A_299, %mul3A_318 : i32
      %get3A_320 = arith.constant 1 : i32
      %get3A_321 = arith.index_cast %get3A_320 : i32 to index
      %get3A_322 = arith.constant 0 : index
      %get3A_323 = tpu.vector_load %arg13[%get3A_321, %get3A_322] {strides = array<i32>} : memref<2x128xf32, #tpu.memory_space<vmem>>, vector<16xf32>,
      %get3A_324 = arith.constant 1 : i32
      %get3A_325 = arith.index_cast %get3A_324 : i32 to index
      %get3A_326 = arith.constant 0 : index
      %get3A_327 = tpu.vector_load %arg14[%get3A_325, %get3A_326] {strides = array<i32>} : memref<2x128xf32, #tpu.memory_space<vmem>>, vector<16xf32>,
      %add3A_328 = arith.addf %get3A_323, %get3A_327 : vector<16xf32>
      %gt3A_329 = arith.constant 0.000000e+00 : f32
      %gt3A_330 = vector.broadcast %gt3A_329 : f32 to vector<16xf32>
      %gt3A_331 = arith.cmpf ogt, %add3A_328, %gt3A_330 : vector<16xf32>
      %mul3A_332 = arith.constant 2.000000e-01 : f32
      %mul3A_333 = vector.broadcast %mul3A_332 : f32 to vector<16xf32>
      %mul3A_334 = arith.mulf %mul3A_333, %add3A_328 : vector<16xf32>
      %select_n3A_335 = arith.select %gt3A_331, %add3A_328, %mul3A_334 : vector<16xi1>, vector<16xf32>
      %add3A_336 = arith.constant 0 : i32
      %add3A_337 = arith.addi %mul3A_319, %add3A_336 : i32
      %swap3A_338 = arith.index_cast %add3A_337 : i32 to index
      %swap3A_339 = tpu.vector_load %arg11[%swap3A_338] {strides = array<i32>} : memref<5120xf32, #tpu.memory_space<vmem>>, vector<16xf32>,
      tpu.vector_store %arg11[%swap3A_338], %select_n3A_335 {strides = array<i32>} : memref<5120xf32, #tpu.memory_space<vmem>>, vector<16xf32>,
      %mul3A_340 = arith.constant 2.500000e-01 : f32
      %mul3A_341 = vector.broadcast %mul3A_340 : f32 to vector<16xf32>
      %mul3A_342 = arith.mulf %select_n3A_335, %mul3A_341 : vector<16xf32>
      %exp3A_343 = math.exp %mul3A_342 : vector<16xf32>
      %get3A_344 = arith.index_cast %add3A_299 : i32 to index
      %get3A_345 = arith.constant 0 : index
      %get3A_346 = tpu.vector_load %arg10[%get3A_344, %get3A_345] {strides = array<i32>} : memref<40x128xi32, #tpu.memory_space<vmem>>, vector<16xi32>,
      tpu.vector_store_idx %arg12[%get3A_346], %exp3A_343 {add = true} : memref<10016xf32, #tpu.memory_space<vmem>>[vector<16xi32>], vector<16xf32>,
      %get3A_347 = arith.constant 1 : i32
      %get3A_348 = arith.index_cast %get3A_347 : i32 to index
      %get3A_349 = arith.constant 16 : index
      %get3A_350 = tpu.vector_load %arg13[%get3A_348, %get3A_349] {strides = array<i32>} : memref<2x128xf32, #tpu.memory_space<vmem>>, vector<16xf32>,
      %get3A_351 = arith.constant 1 : i32
      %get3A_352 = arith.index_cast %get3A_351 : i32 to index
      %get3A_353 = arith.constant 16 : index
      %get3A_354 = tpu.vector_load %arg14[%get3A_352, %get3A_353] {strides = array<i32>} : memref<2x128xf32, #tpu.memory_space<vmem>>, vector<16xf32>,
      %add3A_355 = arith.addf %get3A_350, %get3A_354 : vector<16xf32>
      %gt3A_356 = arith.constant 0.000000e+00 : f32
      %gt3A_357 = vector.broadcast %gt3A_356 : f32 to vector<16xf32>
      %gt3A_358 = arith.cmpf ogt, %add3A_355, %gt3A_357 : vector<16xf32>
      %mul3A_359 = arith.constant 2.000000e-01 : f32
      %mul3A_360 = vector.broadcast %mul3A_359 : f32 to vector<16xf32>
      %mul3A_361 = arith.mulf %mul3A_360, %add3A_355 : vector<16xf32>
      %select_n3A_362 = arith.select %gt3A_358, %add3A_355, %mul3A_361 : vector<16xi1>, vector<16xf32>
      %add3A_363 = arith.constant 16 : i32
      %add3A_364 = arith.addi %mul3A_319, %add3A_363 : i32
      %swap3A_365 = arith.index_cast %add3A_364 : i32 to index
      %swap3A_366 = tpu.vector_load %arg11[%swap3A_365] {strides = array<i32>} : memref<5120xf32, #tpu.memory_space<vmem>>, vector<16xf32>,
      tpu.vector_store %arg11[%swap3A_365], %select_n3A_362 {strides = array<i32>} : memref<5120xf32, #tpu.memory_space<vmem>>, vector<16xf32>,
      %mul3A_367 = arith.constant 2.500000e-01 : f32
      %mul3A_368 = vector.broadcast %mul3A_367 : f32 to vector<16xf32>
      %mul3A_369 = arith.mulf %select_n3A_362, %mul3A_368 : vector<16xf32>
      %exp3A_370 = math.exp %mul3A_369 : vector<16xf32>
      %get3A_371 = arith.index_cast %add3A_299 : i32 to index
      %get3A_372 = arith.constant 16 : index
      %get3A_373 = tpu.vector_load %arg10[%get3A_371, %get3A_372] {strides = array<i32>} : memref<40x128xi32, #tpu.memory_space<vmem>>, vector<16xi32>,
      tpu.vector_store_idx %arg12[%get3A_373], %exp3A_370 {add = true} : memref<10016xf32, #tpu.memory_space<vmem>>[vector<16xi32>], vector<16xf32>,
      %get3A_374 = arith.constant 1 : i32
      %get3A_375 = arith.index_cast %get3A_374 : i32 to index
      %get3A_376 = arith.constant 32 : index
      %get3A_377 = tpu.vector_load %arg13[%get3A_375, %get3A_376] {strides = array<i32>} : memref<2x128xf32, #tpu.memory_space<vmem>>, vector<16xf32>,
      %get3A_378 = arith.constant 1 : i32
      %get3A_379 = arith.index_cast %get3A_378 : i32 to index
      %get3A_380 = arith.constant 32 : index
      %get3A_381 = tpu.vector_load %arg14[%get3A_379, %get3A_380] {strides = array<i32>} : memref<2x128xf32, #tpu.memory_space<vmem>>, vector<16xf32>,
      %add3A_382 = arith.addf %get3A_377, %get3A_381 : vector<16xf32>
      %gt3A_383 = arith.constant 0.000000e+00 : f32
      %gt3A_384 = vector.broadcast %gt3A_383 : f32 to vector<16xf32>
      %gt3A_385 = arith.cmpf ogt, %add3A_382, %gt3A_384 : vector<16xf32>
      %mul3A_386 = arith.constant 2.000000e-01 : f32
      %mul3A_387 = vector.broadcast %mul3A_386 : f32 to vector<16xf32>
      %mul3A_388 = arith.mulf %mul3A_387, %add3A_382 : vector<16xf32>
      %select_n3A_389 = arith.select %gt3A_385, %add3A_382, %mul3A_388 : vector<16xi1>, vector<16xf32>
      %add3A_390 = arith.constant 32 : i32
      %add3A_391 = arith.addi %mul3A_319, %add3A_390 : i32
      %swap3A_392 = arith.index_cast %add3A_391 : i32 to index
      %swap3A_393 = tpu.vector_load %arg11[%swap3A_392] {strides = array<i32>} : memref<5120xf32, #tpu.memory_space<vmem>>, vector<16xf32>,
      tpu.vector_store %arg11[%swap3A_392], %select_n3A_389 {strides = array<i32>} : memref<5120xf32, #tpu.memory_space<vmem>>, vector<16xf32>,
      %mul3A_394 = arith.constant 2.500000e-01 : f32
      %mul3A_395 = vector.broadcast %mul3A_394 : f32 to vector<16xf32>
      %mul3A_396 = arith.mulf %select_n3A_389, %mul3A_395 : vector<16xf32>
      %exp3A_397 = math.exp %mul3A_396 : vector<16xf32>
      %get3A_398 = arith.index_cast %add3A_299 : i32 to index
      %get3A_399 = arith.constant 32 : index
      %get3A_400 = tpu.vector_load %arg10[%get3A_398, %get3A_399] {strides = array<i32>} : memref<40x128xi32, #tpu.memory_space<vmem>>, vector<16xi32>,
      tpu.vector_store_idx %arg12[%get3A_400], %exp3A_397 {add = true} : memref<10016xf32, #tpu.memory_space<vmem>>[vector<16xi32>], vector<16xf32>,
      %get3A_401 = arith.constant 1 : i32
      %get3A_402 = arith.index_cast %get3A_401 : i32 to index
      %get3A_403 = arith.constant 48 : index
      %get3A_404 = tpu.vector_load %arg13[%get3A_402, %get3A_403] {strides = array<i32>} : memref<2x128xf32, #tpu.memory_space<vmem>>, vector<16xf32>,
      %get3A_405 = arith.constant 1 : i32
      %get3A_406 = arith.index_cast %get3A_405 : i32 to index
      %get3A_407 = arith.constant 48 : index
      %get3A_408 = tpu.vector_load %arg14[%get3A_406, %get3A_407] {strides = array<i32>} : memref<2x128xf32, #tpu.memory_space<vmem>>, vector<16xf32>,
      %add3A_409 = arith.addf %get3A_404, %get3A_408 : vector<16xf32>
      %gt3A_410 = arith.constant 0.000000e+00 : f32
      %gt3A_411 = vector.broadcast %gt3A_410 : f32 to vector<16xf32>
      %gt3A_412 = arith.cmpf ogt, %add3A_409, %gt3A_411 : vector<16xf32>
      %mul3A_413 = arith.constant 2.000000e-01 : f32
      %mul3A_414 = vector.broadcast %mul3A_413 : f32 to vector<16xf32>
      %mul3A_415 = arith.mulf %mul3A_414, %add3A_409 : vector<16xf32>
      %select_n3A_416 = arith.select %gt3A_412, %add3A_409, %mul3A_415 : vector<16xi1>, vector<16xf32>
      %add3A_417 = arith.constant 48 : i32
      %add3A_418 = arith.addi %mul3A_319, %add3A_417 : i32
      %swap3A_419 = arith.index_cast %add3A_418 : i32 to index
      %swap3A_420 = tpu.vector_load %arg11[%swap3A_419] {strides = array<i32>} : memref<5120xf32, #tpu.memory_space<vmem>>, vector<16xf32>,
      tpu.vector_store %arg11[%swap3A_419], %select_n3A_416 {strides = array<i32>} : memref<5120xf32, #tpu.memory_space<vmem>>, vector<16xf32>,
      %mul3A_421 = arith.constant 2.500000e-01 : f32
      %mul3A_422 = vector.broadcast %mul3A_421 : f32 to vector<16xf32>
      %mul3A_423 = arith.mulf %select_n3A_416, %mul3A_422 : vector<16xf32>
      %exp3A_424 = math.exp %mul3A_423 : vector<16xf32>
      %get3A_425 = arith.index_cast %add3A_299 : i32 to index
      %get3A_426 = arith.constant 48 : index
      %get3A_427 = tpu.vector_load %arg10[%get3A_425, %get3A_426] {strides = array<i32>} : memref<40x128xi32, #tpu.memory_space<vmem>>, vector<16xi32>,
      tpu.vector_store_idx %arg12[%get3A_427], %exp3A_424 {add = true} : memref<10016xf32, #tpu.memory_space<vmem>>[vector<16xi32>], vector<16xf32>,
      %get3A_428 = arith.constant 1 : i32
      %get3A_429 = arith.index_cast %get3A_428 : i32 to index
      %get3A_430 = arith.constant 64 : index
      %get3A_431 = tpu.vector_load %arg13[%get3A_429, %get3A_430] {strides = array<i32>} : memref<2x128xf32, #tpu.memory_space<vmem>>, vector<16xf32>,
      %get3A_432 = arith.constant 1 : i32
      %get3A_433 = arith.index_cast %get3A_432 : i32 to index
      %get3A_434 = arith.constant 64 : index
      %get3A_435 = tpu.vector_load %arg14[%get3A_433, %get3A_434] {strides = array<i32>} : memref<2x128xf32, #tpu.memory_space<vmem>>, vector<16xf32>,
      %add3A_436 = arith.addf %get3A_431, %get3A_435 : vector<16xf32>
      %gt3A_437 = arith.constant 0.000000e+00 : f32
      %gt3A_438 = vector.broadcast %gt3A_437 : f32 to vector<16xf32>
      %gt3A_439 = arith.cmpf ogt, %add3A_436, %gt3A_438 : vector<16xf32>
      %mul3A_440 = arith.constant 2.000000e-01 : f32
      %mul3A_441 = vector.broadcast %mul3A_440 : f32 to vector<16xf32>
      %mul3A_442 = arith.mulf %mul3A_441, %add3A_436 : vector<16xf32>
      %select_n3A_443 = arith.select %gt3A_439, %add3A_436, %mul3A_442 : vector<16xi1>, vector<16xf32>
      %add3A_444 = arith.constant 64 : i32
      %add3A_445 = arith.addi %mul3A_319, %add3A_444 : i32
      %swap3A_446 = arith.index_cast %add3A_445 : i32 to index
      %swap3A_447 = tpu.vector_load %arg11[%swap3A_446] {strides = array<i32>} : memref<5120xf32, #tpu.memory_space<vmem>>, vector<16xf32>,
      tpu.vector_store %arg11[%swap3A_446], %select_n3A_443 {strides = array<i32>} : memref<5120xf32, #tpu.memory_space<vmem>>, vector<16xf32>,
      %mul3A_448 = arith.constant 2.500000e-01 : f32
      %mul3A_449 = vector.broadcast %mul3A_448 : f32 to vector<16xf32>
      %mul3A_450 = arith.mulf %select_n3A_443, %mul3A_449 : vector<16xf32>
      %exp3A_451 = math.exp %mul3A_450 : vector<16xf32>
      %get3A_452 = arith.index_cast %add3A_299 : i32 to index
      %get3A_453 = arith.constant 64 : index
      %get3A_454 = tpu.vector_load %arg10[%get3A_452, %get3A_453] {strides = array<i32>} : memref<40x128xi32, #tpu.memory_space<vmem>>, vector<16xi32>,
      tpu.vector_store_idx %arg12[%get3A_454], %exp3A_451 {add = true} : memref<10016xf32, #tpu.memory_space<vmem>>[vector<16xi32>], vector<16xf32>,
      %get3A_455 = arith.constant 1 : i32
      %get3A_456 = arith.index_cast %get3A_455 : i32 to index
      %get3A_457 = arith.constant 80 : index
      %get3A_458 = tpu.vector_load %arg13[%get3A_456, %get3A_457] {strides = array<i32>} : memref<2x128xf32, #tpu.memory_space<vmem>>, vector<16xf32>,
      %get3A_459 = arith.constant 1 : i32
      %get3A_460 = arith.index_cast %get3A_459 : i32 to index
      %get3A_461 = arith.constant 80 : index
      %get3A_462 = tpu.vector_load %arg14[%get3A_460, %get3A_461] {strides = array<i32>} : memref<2x128xf32, #tpu.memory_space<vmem>>, vector<16xf32>,
      %add3A_463 = arith.addf %get3A_458, %get3A_462 : vector<16xf32>
      %gt3A_464 = arith.constant 0.000000e+00 : f32
      %gt3A_465 = vector.broadcast %gt3A_464 : f32 to vector<16xf32>
      %gt3A_466 = arith.cmpf ogt, %add3A_463, %gt3A_465 : vector<16xf32>
      %mul3A_467 = arith.constant 2.000000e-01 : f32
      %mul3A_468 = vector.broadcast %mul3A_467 : f32 to vector<16xf32>
      %mul3A_469 = arith.mulf %mul3A_468, %add3A_463 : vector<16xf32>
      %select_n3A_470 = arith.select %gt3A_466, %add3A_463, %mul3A_469 : vector<16xi1>, vector<16xf32>
      %add3A_471 = arith.constant 80 : i32
      %add3A_472 = arith.addi %mul3A_319, %add3A_471 : i32
      %swap3A_473 = arith.index_cast %add3A_472 : i32 to index
      %swap3A_474 = tpu.vector_load %arg11[%swap3A_473] {strides = array<i32>} : memref<5120xf32, #tpu.memory_space<vmem>>, vector<16xf32>,
      tpu.vector_store %arg11[%swap3A_473], %select_n3A_470 {strides = array<i32>} : memref<5120xf32, #tpu.memory_space<vmem>>, vector<16xf32>,
      %mul3A_475 = arith.constant 2.500000e-01 : f32
      %mul3A_476 = vector.broadcast %mul3A_475 : f32 to vector<16xf32>
      %mul3A_477 = arith.mulf %select_n3A_470, %mul3A_476 : vector<16xf32>
      %exp3A_478 = math.exp %mul3A_477 : vector<16xf32>
      %get3A_479 = arith.index_cast %add3A_299 : i32 to index
      %get3A_480 = arith.constant 80 : index
      %get3A_481 = tpu.vector_load %arg10[%get3A_479, %get3A_480] {strides = array<i32>} : memref<40x128xi32, #tpu.memory_space<vmem>>, vector<16xi32>,
      tpu.vector_store_idx %arg12[%get3A_481], %exp3A_478 {add = true} : memref<10016xf32, #tpu.memory_space<vmem>>[vector<16xi32>], vector<16xf32>,
      %get3A_482 = arith.constant 1 : i32
      %get3A_483 = arith.index_cast %get3A_482 : i32 to index
      %get3A_484 = arith.constant 96 : index
      %get3A_485 = tpu.vector_load %arg13[%get3A_483, %get3A_484] {strides = array<i32>} : memref<2x128xf32, #tpu.memory_space<vmem>>, vector<16xf32>,
      %get3A_486 = arith.constant 1 : i32
      %get3A_487 = arith.index_cast %get3A_486 : i32 to index
      %get3A_488 = arith.constant 96 : index
      %get3A_489 = tpu.vector_load %arg14[%get3A_487, %get3A_488] {strides = array<i32>} : memref<2x128xf32, #tpu.memory_space<vmem>>, vector<16xf32>,
      %add3A_490 = arith.addf %get3A_485, %get3A_489 : vector<16xf32>
      %gt3A_491 = arith.constant 0.000000e+00 : f32
      %gt3A_492 = vector.broadcast %gt3A_491 : f32 to vector<16xf32>
      %gt3A_493 = arith.cmpf ogt, %add3A_490, %gt3A_492 : vector<16xf32>
      %mul3A_494 = arith.constant 2.000000e-01 : f32
      %mul3A_495 = vector.broadcast %mul3A_494 : f32 to vector<16xf32>
      %mul3A_496 = arith.mulf %mul3A_495, %add3A_490 : vector<16xf32>
      %select_n3A_497 = arith.select %gt3A_493, %add3A_490, %mul3A_496 : vector<16xi1>, vector<16xf32>
      %add3A_498 = arith.constant 96 : i32
      %add3A_499 = arith.addi %mul3A_319, %add3A_498 : i32
      %swap3A_500 = arith.index_cast %add3A_499 : i32 to index
      %swap3A_501 = tpu.vector_load %arg11[%swap3A_500] {strides = array<i32>} : memref<5120xf32, #tpu.memory_space<vmem>>, vector<16xf32>,
      tpu.vector_store %arg11[%swap3A_500], %select_n3A_497 {strides = array<i32>} : memref<5120xf32, #tpu.memory_space<vmem>>, vector<16xf32>,
      %mul3A_502 = arith.constant 2.500000e-01 : f32
      %mul3A_503 = vector.broadcast %mul3A_502 : f32 to vector<16xf32>
      %mul3A_504 = arith.mulf %select_n3A_497, %mul3A_503 : vector<16xf32>
      %exp3A_505 = math.exp %mul3A_504 : vector<16xf32>
      %get3A_506 = arith.index_cast %add3A_299 : i32 to index
      %get3A_507 = arith.constant 96 : index
      %get3A_508 = tpu.vector_load %arg10[%get3A_506, %get3A_507] {strides = array<i32>} : memref<40x128xi32, #tpu.memory_space<vmem>>, vector<16xi32>,
      tpu.vector_store_idx %arg12[%get3A_508], %exp3A_505 {add = true} : memref<10016xf32, #tpu.memory_space<vmem>>[vector<16xi32>], vector<16xf32>,
      %get3A_509 = arith.constant 1 : i32
      %get3A_510 = arith.index_cast %get3A_509 : i32 to index
      %get3A_511 = arith.constant 112 : index
      %get3A_512 = tpu.vector_load %arg13[%get3A_510, %get3A_511] {strides = array<i32>} : memref<2x128xf32, #tpu.memory_space<vmem>>, vector<16xf32>,
      %get3A_513 = arith.constant 1 : i32
      %get3A_514 = arith.index_cast %get3A_513 : i32 to index
      %get3A_515 = arith.constant 112 : index
      %get3A_516 = tpu.vector_load %arg14[%get3A_514, %get3A_515] {strides = array<i32>} : memref<2x128xf32, #tpu.memory_space<vmem>>, vector<16xf32>,
      %add3A_517 = arith.addf %get3A_512, %get3A_516 : vector<16xf32>
      %gt3A_518 = arith.constant 0.000000e+00 : f32
      %gt3A_519 = vector.broadcast %gt3A_518 : f32 to vector<16xf32>
      %gt3A_520 = arith.cmpf ogt, %add3A_517, %gt3A_519 : vector<16xf32>
      %mul3A_521 = arith.constant 2.000000e-01 : f32
      %mul3A_522 = vector.broadcast %mul3A_521 : f32 to vector<16xf32>
      %mul3A_523 = arith.mulf %mul3A_522, %add3A_517 : vector<16xf32>
      %select_n3A_524 = arith.select %gt3A_520, %add3A_517, %mul3A_523 : vector<16xi1>, vector<16xf32>
      %add3A_525 = arith.constant 112 : i32
      %add3A_526 = arith.addi %mul3A_319, %add3A_525 : i32
      %swap3A_527 = arith.index_cast %add3A_526 : i32 to index
      %swap3A_528 = tpu.vector_load %arg11[%swap3A_527] {strides = array<i32>} : memref<5120xf32, #tpu.memory_space<vmem>>, vector<16xf32>,
      tpu.vector_store %arg11[%swap3A_527], %select_n3A_524 {strides = array<i32>} : memref<5120xf32, #tpu.memory_space<vmem>>, vector<16xf32>,
      %mul3A_529 = arith.constant 2.500000e-01 : f32
      %mul3A_530 = vector.broadcast %mul3A_529 : f32 to vector<16xf32>
      %mul3A_531 = arith.mulf %select_n3A_524, %mul3A_530 : vector<16xf32>
      %exp3A_532 = math.exp %mul3A_531 : vector<16xf32>
      %get3A_533 = arith.index_cast %add3A_299 : i32 to index
      %get3A_534 = arith.constant 112 : index
      %get3A_535 = tpu.vector_load %arg10[%get3A_533, %get3A_534] {strides = array<i32>} : memref<40x128xi32, #tpu.memory_space<vmem>>, vector<16xi32>,
      tpu.vector_store_idx %arg12[%get3A_535], %exp3A_532 {add = true} : memref<10016xf32, #tpu.memory_space<vmem>>[vector<16xi32>], vector<16xf32>,
      %add3A_536 = arith.constant 2 : i32
      %add3A_537 = arith.addi %add3A_299, %add3A_536 : i32
      %lt3A_538 = arith.constant 40 : i32
      %lt3A_539 = arith.cmpi slt, %add3A_537, %lt3A_538 : i32
      %convert_element_type3A_540 = arith.extui %lt3A_539 : i1 to i32
      %cond3A_541 = arith.constant 0 : i32
      %cond3A_542 = arith.cmpi ne, %convert_element_type3A_540, %cond3A_541 : i32
      scf.if %cond3A_542 {
        %add3A_543 = arith.constant 2 : i32
        %add3A_544 = arith.addi %add3A_299, %add3A_543 : i32
        %dma_start3A_545 = arith.constant 1 : i32
        %dma_start3A_546 = arith.constant 0 : i32
        %dma_start3A_547 = tpu.memref_slice %arg13[%dma_start3A_545, %dma_start3A_546] : memref<2x128xf32, #tpu.memory_space<vmem>> -> memref<1x128xf32, #tpu.memory_space<vmem>>
        %dma_start3A_548 = tpu.memref_squeeze %dma_start3A_547 : memref<1x128xf32, #tpu.memory_space<vmem>> -> memref<128xf32, #tpu.memory_space<vmem>>
        %dma_start3A_549 = arith.constant 0 : i32
        %dma_start3A_550 = tpu.memref_slice %arg8[%add3A_544, %dma_start3A_549] : memref<40x128xi32, #tpu.memory_space<vmem>> -> memref<1x128xi32, #tpu.memory_space<vmem>>
        %dma_start3A_551 = tpu.memref_squeeze %dma_start3A_550 : memref<1x128xi32, #tpu.memory_space<vmem>> -> memref<128xi32, #tpu.memory_space<vmem>>
        %dma_start3A_552 = arith.constant 0 : i32
        %dma_start3A_553 = tpu.memref_slice %arg2[%dma_start3A_552] : memref<1280128xf32, #tpu.memory_space<hbm>> -> memref<1280128xf32, #tpu.memory_space<hbm>>
        tpu.enqueue_indirect_dma source(%dma_start3A_553 : memref<1280128xf32, #tpu.memory_space<hbm>>) target(%dma_start3A_548 : memref<128xf32, #tpu.memory_space<vmem>>) offsets(%dma_start3A_551 : memref<128xi32, #tpu.memory_space<vmem>>) semaphore(%arg17 : memref<!tpu.dma_semaphore, #tpu.memory_space<semaphore_mem>>)
        %dma_start3A_554 = arith.constant 1 : i32
        %dma_start3A_555 = arith.constant 0 : i32
        %dma_start3A_556 = tpu.memref_slice %arg14[%dma_start3A_554, %dma_start3A_555] : memref<2x128xf32, #tpu.memory_space<vmem>> -> memref<1x128xf32, #tpu.memory_space<vmem>>
        %dma_start3A_557 = tpu.memref_squeeze %dma_start3A_556 : memref<1x128xf32, #tpu.memory_space<vmem>> -> memref<128xf32, #tpu.memory_space<vmem>>
        %dma_start3A_558 = arith.constant 0 : i32
        %dma_start3A_559 = tpu.memref_slice %arg9[%add3A_544, %dma_start3A_558] : memref<40x128xi32, #tpu.memory_space<vmem>> -> memref<1x128xi32, #tpu.memory_space<vmem>>
        %dma_start3A_560 = tpu.memref_squeeze %dma_start3A_559 : memref<1x128xi32, #tpu.memory_space<vmem>> -> memref<128xi32, #tpu.memory_space<vmem>>
        %dma_start3A_561 = arith.constant 0 : i32
        %dma_start3A_562 = tpu.memref_slice %arg2[%dma_start3A_561] : memref<1280128xf32, #tpu.memory_space<hbm>> -> memref<1280128xf32, #tpu.memory_space<hbm>>
        tpu.enqueue_indirect_dma source(%dma_start3A_562 : memref<1280128xf32, #tpu.memory_space<hbm>>) target(%dma_start3A_557 : memref<128xf32, #tpu.memory_space<vmem>>) offsets(%dma_start3A_560 : memref<128xi32, #tpu.memory_space<vmem>>) semaphore(%arg18 : memref<!tpu.dma_semaphore, #tpu.memory_space<semaphore_mem>>)
      } else {
      }
    }
    %scan3A_48 = arith.constant 20 : i32
    %mul3A_49 = arith.constant 5000 : i32
    %mul3A_50 = arith.muli %add3A, %mul3A_49 : i32
    "tpu.region"() ({
      %run_scoped3A = tpu.sem_alloc : memref<!tpu.dma_semaphore, #tpu.memory_space<semaphore_mem>>
      %dma_start3A_53 = arith.constant 0 : i32
      %dma_start3A_54 = tpu.memref_slice %arg11[%dma_start3A_53] : memref<5120xf32, #tpu.memory_space<vmem>> -> memref<5000xf32, #tpu.memory_space<vmem>>
      %dma_start3A_55 = tpu.memref_slice %arg6[%mul3A_50] : memref<160000xf32, #tpu.memory_space<hbm>> -> memref<5000xf32, #tpu.memory_space<hbm>>
      %dma_start3A_56 = tpu.memref_slice %arg6[%mul3A_50] : memref<160000xf32, #tpu.memory_space<hbm>> -> memref<5000xf32, #tpu.memory_space<hbm>>
      %dma_start3A_57 = arith.constant 0 : i32
      %dma_start3A_58 = tpu.memref_slice %arg11[%dma_start3A_57] : memref<5120xf32, #tpu.memory_space<vmem>> -> memref<5000xf32, #tpu.memory_space<vmem>>
      tpu.enqueue_dma source(%dma_start3A_58 : memref<5000xf32, #tpu.memory_space<vmem>>) target(%dma_start3A_56 : memref<5000xf32, #tpu.memory_space<hbm>>) target_semaphore(%run_scoped3A : memref<!tpu.dma_semaphore, #tpu.memory_space<semaphore_mem>>)
      %dma_wait3A = arith.constant 0 : i32
      %dma_wait3A_59 = tpu.memref_slice %arg11[%dma_wait3A] : memref<5120xf32, #tpu.memory_space<vmem>> -> memref<5000xf32, #tpu.memory_space<vmem>>
      %dma_wait3A_60 = tpu.memref_slice %arg6[%mul3A_50] : memref<160000xf32, #tpu.memory_space<hbm>> -> memref<5000xf32, #tpu.memory_space<hbm>>
      %dma_wait3A_61 = tpu.memref_slice %arg6[%mul3A_50] : memref<160000xf32, #tpu.memory_space<hbm>> -> memref<5000xf32, #tpu.memory_space<hbm>>
      %dma_wait3A_62 = arith.constant 0 : i32
      %dma_wait3A_63 = tpu.memref_slice %arg11[%dma_wait3A_62] : memref<5120xf32, #tpu.memory_space<vmem>> -> memref<5000xf32, #tpu.memory_space<vmem>>
      tpu.wait_dma2 semaphore(%run_scoped3A : memref<!tpu.dma_semaphore, #tpu.memory_space<semaphore_mem>>) src(%dma_wait3A_63 : memref<5000xf32, #tpu.memory_space<vmem>>) dst(%dma_wait3A_61 : memref<5000xf32, #tpu.memory_space<hbm>>)
      tpu.yield
    }) : () -> ()
    %mul3A_51 = arith.constant 10000 : i32
    %mul3A_52 = arith.muli %add3A, %mul3A_51 : i32
    "tpu.region"() ({
      %run_scoped3A = tpu.sem_alloc : memref<!tpu.dma_semaphore, #tpu.memory_space<semaphore_mem>>
      %dma_start3A_53 = arith.constant 0 : i32
      %dma_start3A_54 = tpu.memref_slice %arg12[%dma_start3A_53] : memref<10016xf32, #tpu.memory_space<vmem>> -> memref<10000xf32, #tpu.memory_space<vmem>>
      %dma_start3A_55 = tpu.memref_slice %arg7[%mul3A_52] : memref<320000xf32, #tpu.memory_space<hbm>> -> memref<10000xf32, #tpu.memory_space<hbm>>
      %dma_start3A_56 = tpu.memref_slice %arg7[%mul3A_52] : memref<320000xf32, #tpu.memory_space<hbm>> -> memref<10000xf32, #tpu.memory_space<hbm>>
      %dma_start3A_57 = arith.constant 0 : i32
      %dma_start3A_58 = tpu.memref_slice %arg12[%dma_start3A_57] : memref<10016xf32, #tpu.memory_space<vmem>> -> memref<10000xf32, #tpu.memory_space<vmem>>
      tpu.enqueue_dma source(%dma_start3A_58 : memref<10000xf32, #tpu.memory_space<vmem>>) target(%dma_start3A_56 : memref<10000xf32, #tpu.memory_space<hbm>>) target_semaphore(%run_scoped3A : memref<!tpu.dma_semaphore, #tpu.memory_space<semaphore_mem>>)
      %dma_wait3A = arith.constant 0 : i32
      %dma_wait3A_59 = tpu.memref_slice %arg12[%dma_wait3A] : memref<10016xf32, #tpu.memory_space<vmem>> -> memref<10000xf32, #tpu.memory_space<vmem>>
      %dma_wait3A_60 = tpu.memref_slice %arg7[%mul3A_52] : memref<320000xf32, #tpu.memory_space<hbm>> -> memref<10000xf32, #tpu.memory_space<hbm>>
      %dma_wait3A_61 = tpu.memref_slice %arg7[%mul3A_52] : memref<320000xf32, #tpu.memory_space<hbm>> -> memref<10000xf32, #tpu.memory_space<hbm>>
      %dma_wait3A_62 = arith.constant 0 : i32
      %dma_wait3A_63 = tpu.memref_slice %arg12[%dma_wait3A_62] : memref<10016xf32, #tpu.memory_space<vmem>> -> memref<10000xf32, #tpu.memory_space<vmem>>
      tpu.wait_dma2 semaphore(%run_scoped3A : memref<!tpu.dma_semaphore, #tpu.memory_space<semaphore_mem>>) src(%dma_wait3A_63 : memref<10000xf32, #tpu.memory_space<vmem>>) dst(%dma_wait3A_61 : memref<10000xf32, #tpu.memory_space<hbm>>)
      tpu.yield
    }) : () -> ()
    return
  }
}

#map = affine_map<(d0, d1) -> (0, 0)>
#map1 = affine_map<(d0, d1) -> (0, 0, 0, 0)>
#map2 = affine_map<(d0, d1) -> (0)>
module attributes {stable_mosaic.version = 14 : i64} {
  func.func @_edge_pass2(%arg0: i32, %arg1: i32, %arg2: memref<20002x128xf32, #tpu.memory_space<hbm>>, %arg3: memref<16x106x3x96xi32, #tpu.memory_space<hbm>>, %arg4: memref<10016xf32, #tpu.memory_space<hbm>>, %arg5: memref<20480x128xf32, #tpu.memory_space<hbm>>, %arg6: memref<320000xf32, #tpu.memory_space<hbm>>, %arg7: memref<3x96xi32, #tpu.memory_space<vmem>>, %arg8: memref<3x96xi32, #tpu.memory_space<vmem>>, %arg9: memref<96xi32, #tpu.memory_space<vmem>>, %arg10: memref<96xi32, #tpu.memory_space<vmem>>, %arg11: memref<10016xf32, #tpu.memory_space<vmem>>, %arg12: memref<10016xf32, #tpu.memory_space<vmem>>, %arg13: memref<96xf32, #tpu.memory_space<vmem>>, %arg14: memref<96x128xf32, #tpu.memory_space<vmem>>, %arg15: memref<96x128xf32, #tpu.memory_space<vmem>>, %arg16: memref<10240x128xf32, #tpu.memory_space<vmem_shared>>, %arg17: memref<!tpu.dma_semaphore, #tpu.memory_space<semaphore_mem>>, %arg18: memref<!tpu.dma_semaphore, #tpu.memory_space<semaphore_mem>>) attributes {dimension_semantics = [#tpu.dimension_semantics<core_parallel>, #tpu.dimension_semantics<subcore_parallel>], iteration_bounds = array<i64: 2, 16>, scalar_prefetch = 0 : i64, scratch_operands = 12 : i64, tpu.core_type = #tpu.core_type<sc_vector_subcore>, window_params = [{transform_indices = #map}, {transform_indices = #map1}, {transform_indices = #map2}, {transform_indices = #map}, {transform_indices = #map2}]} {
    %mul3A = arith.constant 2 : i32
    %mul3A_0 = arith.muli %arg1, %mul3A : i32
    %add3A = arith.addi %mul3A_0, %arg0 : i32
    "tpu.region"() ({
      %run_scoped3A_153 = tpu.sem_alloc : memref<!tpu.dma_semaphore, #tpu.memory_space<semaphore_mem>>
      tpu.enqueue_dma source(%arg4 : memref<10016xf32, #tpu.memory_space<hbm>>) target(%arg11 : memref<10016xf32, #tpu.memory_space<vmem>>) target_semaphore(%run_scoped3A_153 : memref<!tpu.dma_semaphore, #tpu.memory_space<semaphore_mem>>)
      tpu.wait_dma2 semaphore(%run_scoped3A_153 : memref<!tpu.dma_semaphore, #tpu.memory_space<semaphore_mem>>) src(%arg4 : memref<10016xf32, #tpu.memory_space<hbm>>) dst(%arg11 : memref<10016xf32, #tpu.memory_space<vmem>>)
      tpu.yield
    }) : () -> ()
    %scan3A = arith.constant 0 : i32
    %scan3A_1 = arith.constant 626 : i32
    %scan3A_2 = arith.addi %scan3A, %scan3A_1 : i32
    %scan3A_3 = arith.constant 1 : i32
    scf.for %scan3A_153 = %scan3A to %scan3A_2 step %scan3A_3  : i32 {
      %mul3A_154 = arith.constant 1 : i32
      %mul3A_155 = arith.muli %scan3A_153, %mul3A_154 : i32
      %add3A_156 = arith.constant 0 : i32
      %add3A_157 = arith.addi %add3A_156, %mul3A_155 : i32
      %broadcast_in_dim3A = arith.constant 0.000000e+00 : f32
      %broadcast_in_dim3A_158 = vector.broadcast %broadcast_in_dim3A : f32 to vector<16xf32>
      %mul3A_159 = arith.constant 16 : i32
      %mul3A_160 = arith.muli %add3A_157, %mul3A_159 : i32
      %swap3A_161 = arith.index_cast %mul3A_160 : i32 to index
      %swap3A_162 = tpu.vector_load %arg12[%swap3A_161] {strides = array<i32>} : memref<10016xf32, #tpu.memory_space<vmem>>, vector<16xf32>,
      tpu.vector_store %arg12[%swap3A_161], %broadcast_in_dim3A_158 {strides = array<i32>} : memref<10016xf32, #tpu.memory_space<vmem>>, vector<16xf32>,
    }
    %scan3A_4 = arith.constant 626 : i32
    %scan3A_5 = arith.constant 0 : i32
    %scan3A_6 = arith.constant 96 : i32
    %scan3A_7 = arith.addi %scan3A_5, %scan3A_6 : i32
    %scan3A_8 = arith.constant 1 : i32
    scf.for %scan3A_153 = %scan3A_5 to %scan3A_7 step %scan3A_8  : i32 {
      %mul3A_154 = arith.constant 1 : i32
      %mul3A_155 = arith.muli %scan3A_153, %mul3A_154 : i32
      %add3A_156 = arith.constant 0 : i32
      %add3A_157 = arith.addi %add3A_156, %mul3A_155 : i32
      %broadcast_in_dim3A = arith.constant 0.000000e+00 : f32
      %broadcast_in_dim3A_158 = vector.broadcast %broadcast_in_dim3A : f32 to vector<16xf32>
      %swap3A_159 = arith.index_cast %add3A_157 : i32 to index
      %swap3A_160 = arith.constant 0 : index
      %swap3A_161 = tpu.vector_load %arg14[%swap3A_159, %swap3A_160] {strides = array<i32>} : memref<96x128xf32, #tpu.memory_space<vmem>>, vector<16xf32>,
      tpu.vector_store %arg14[%swap3A_159, %swap3A_160], %broadcast_in_dim3A_158 {strides = array<i32>} : memref<96x128xf32, #tpu.memory_space<vmem>>, vector<16xf32>,
      %swap3A_162 = arith.index_cast %add3A_157 : i32 to index
      %swap3A_163 = arith.constant 0 : index
      %swap3A_164 = tpu.vector_load %arg15[%swap3A_162, %swap3A_163] {strides = array<i32>} : memref<96x128xf32, #tpu.memory_space<vmem>>, vector<16xf32>,
      tpu.vector_store %arg15[%swap3A_162, %swap3A_163], %broadcast_in_dim3A_158 {strides = array<i32>} : memref<96x128xf32, #tpu.memory_space<vmem>>, vector<16xf32>,
      %broadcast_in_dim3A_165 = arith.constant 0.000000e+00 : f32
      %broadcast_in_dim3A_166 = vector.broadcast %broadcast_in_dim3A_165 : f32 to vector<16xf32>
      %swap3A_167 = arith.index_cast %add3A_157 : i32 to index
      %swap3A_168 = arith.constant 16 : index
      %swap3A_169 = tpu.vector_load %arg14[%swap3A_167, %swap3A_168] {strides = array<i32>} : memref<96x128xf32, #tpu.memory_space<vmem>>, vector<16xf32>,
      tpu.vector_store %arg14[%swap3A_167, %swap3A_168], %broadcast_in_dim3A_166 {strides = array<i32>} : memref<96x128xf32, #tpu.memory_space<vmem>>, vector<16xf32>,
      %swap3A_170 = arith.index_cast %add3A_157 : i32 to index
      %swap3A_171 = arith.constant 16 : index
      %swap3A_172 = tpu.vector_load %arg15[%swap3A_170, %swap3A_171] {strides = array<i32>} : memref<96x128xf32, #tpu.memory_space<vmem>>, vector<16xf32>,
      tpu.vector_store %arg15[%swap3A_170, %swap3A_171], %broadcast_in_dim3A_166 {strides = array<i32>} : memref<96x128xf32, #tpu.memory_space<vmem>>, vector<16xf32>,
      %broadcast_in_dim3A_173 = arith.constant 0.000000e+00 : f32
      %broadcast_in_dim3A_174 = vector.broadcast %broadcast_in_dim3A_173 : f32 to vector<16xf32>
      %swap3A_175 = arith.index_cast %add3A_157 : i32 to index
      %swap3A_176 = arith.constant 32 : index
      %swap3A_177 = tpu.vector_load %arg14[%swap3A_175, %swap3A_176] {strides = array<i32>} : memref<96x128xf32, #tpu.memory_space<vmem>>, vector<16xf32>,
      tpu.vector_store %arg14[%swap3A_175, %swap3A_176], %broadcast_in_dim3A_174 {strides = array<i32>} : memref<96x128xf32, #tpu.memory_space<vmem>>, vector<16xf32>,
      %swap3A_178 = arith.index_cast %add3A_157 : i32 to index
      %swap3A_179 = arith.constant 32 : index
      %swap3A_180 = tpu.vector_load %arg15[%swap3A_178, %swap3A_179] {strides = array<i32>} : memref<96x128xf32, #tpu.memory_space<vmem>>, vector<16xf32>,
      tpu.vector_store %arg15[%swap3A_178, %swap3A_179], %broadcast_in_dim3A_174 {strides = array<i32>} : memref<96x128xf32, #tpu.memory_space<vmem>>, vector<16xf32>,
      %broadcast_in_dim3A_181 = arith.constant 0.000000e+00 : f32
      %broadcast_in_dim3A_182 = vector.broadcast %broadcast_in_dim3A_181 : f32 to vector<16xf32>
      %swap3A_183 = arith.index_cast %add3A_157 : i32 to index
      %swap3A_184 = arith.constant 48 : index
      %swap3A_185 = tpu.vector_load %arg14[%swap3A_183, %swap3A_184] {strides = array<i32>} : memref<96x128xf32, #tpu.memory_space<vmem>>, vector<16xf32>,
      tpu.vector_store %arg14[%swap3A_183, %swap3A_184], %broadcast_in_dim3A_182 {strides = array<i32>} : memref<96x128xf32, #tpu.memory_space<vmem>>, vector<16xf32>,
      %swap3A_186 = arith.index_cast %add3A_157 : i32 to index
      %swap3A_187 = arith.constant 48 : index
      %swap3A_188 = tpu.vector_load %arg15[%swap3A_186, %swap3A_187] {strides = array<i32>} : memref<96x128xf32, #tpu.memory_space<vmem>>, vector<16xf32>,
      tpu.vector_store %arg15[%swap3A_186, %swap3A_187], %broadcast_in_dim3A_182 {strides = array<i32>} : memref<96x128xf32, #tpu.memory_space<vmem>>, vector<16xf32>,
      %broadcast_in_dim3A_189 = arith.constant 0.000000e+00 : f32
      %broadcast_in_dim3A_190 = vector.broadcast %broadcast_in_dim3A_189 : f32 to vector<16xf32>
      %swap3A_191 = arith.index_cast %add3A_157 : i32 to index
      %swap3A_192 = arith.constant 64 : index
      %swap3A_193 = tpu.vector_load %arg14[%swap3A_191, %swap3A_192] {strides = array<i32>} : memref<96x128xf32, #tpu.memory_space<vmem>>, vector<16xf32>,
      tpu.vector_store %arg14[%swap3A_191, %swap3A_192], %broadcast_in_dim3A_190 {strides = array<i32>} : memref<96x128xf32, #tpu.memory_space<vmem>>, vector<16xf32>,
      %swap3A_194 = arith.index_cast %add3A_157 : i32 to index
      %swap3A_195 = arith.constant 64 : index
      %swap3A_196 = tpu.vector_load %arg15[%swap3A_194, %swap3A_195] {strides = array<i32>} : memref<96x128xf32, #tpu.memory_space<vmem>>, vector<16xf32>,
      tpu.vector_store %arg15[%swap3A_194, %swap3A_195], %broadcast_in_dim3A_190 {strides = array<i32>} : memref<96x128xf32, #tpu.memory_space<vmem>>, vector<16xf32>,
      %broadcast_in_dim3A_197 = arith.constant 0.000000e+00 : f32
      %broadcast_in_dim3A_198 = vector.broadcast %broadcast_in_dim3A_197 : f32 to vector<16xf32>
      %swap3A_199 = arith.index_cast %add3A_157 : i32 to index
      %swap3A_200 = arith.constant 80 : index
      %swap3A_201 = tpu.vector_load %arg14[%swap3A_199, %swap3A_200] {strides = array<i32>} : memref<96x128xf32, #tpu.memory_space<vmem>>, vector<16xf32>,
      tpu.vector_store %arg14[%swap3A_199, %swap3A_200], %broadcast_in_dim3A_198 {strides = array<i32>} : memref<96x128xf32, #tpu.memory_space<vmem>>, vector<16xf32>,
      %swap3A_202 = arith.index_cast %add3A_157 : i32 to index
      %swap3A_203 = arith.constant 80 : index
      %swap3A_204 = tpu.vector_load %arg15[%swap3A_202, %swap3A_203] {strides = array<i32>} : memref<96x128xf32, #tpu.memory_space<vmem>>, vector<16xf32>,
      tpu.vector_store %arg15[%swap3A_202, %swap3A_203], %broadcast_in_dim3A_198 {strides = array<i32>} : memref<96x128xf32, #tpu.memory_space<vmem>>, vector<16xf32>,
      %broadcast_in_dim3A_205 = arith.constant 0.000000e+00 : f32
      %broadcast_in_dim3A_206 = vector.broadcast %broadcast_in_dim3A_205 : f32 to vector<16xf32>
      %swap3A_207 = arith.index_cast %add3A_157 : i32 to index
      %swap3A_208 = arith.constant 96 : index
      %swap3A_209 = tpu.vector_load %arg14[%swap3A_207, %swap3A_208] {strides = array<i32>} : memref<96x128xf32, #tpu.memory_space<vmem>>, vector<16xf32>,
      tpu.vector_store %arg14[%swap3A_207, %swap3A_208], %broadcast_in_dim3A_206 {strides = array<i32>} : memref<96x128xf32, #tpu.memory_space<vmem>>, vector<16xf32>,
      %swap3A_210 = arith.index_cast %add3A_157 : i32 to index
      %swap3A_211 = arith.constant 96 : index
      %swap3A_212 = tpu.vector_load %arg15[%swap3A_210, %swap3A_211] {strides = array<i32>} : memref<96x128xf32, #tpu.memory_space<vmem>>, vector<16xf32>,
      tpu.vector_store %arg15[%swap3A_210, %swap3A_211], %broadcast_in_dim3A_206 {strides = array<i32>} : memref<96x128xf32, #tpu.memory_space<vmem>>, vector<16xf32>,
      %broadcast_in_dim3A_213 = arith.constant 0.000000e+00 : f32
      %broadcast_in_dim3A_214 = vector.broadcast %broadcast_in_dim3A_213 : f32 to vector<16xf32>
      %swap3A_215 = arith.index_cast %add3A_157 : i32 to index
      %swap3A_216 = arith.constant 112 : index
      %swap3A_217 = tpu.vector_load %arg14[%swap3A_215, %swap3A_216] {strides = array<i32>} : memref<96x128xf32, #tpu.memory_space<vmem>>, vector<16xf32>,
      tpu.vector_store %arg14[%swap3A_215, %swap3A_216], %broadcast_in_dim3A_214 {strides = array<i32>} : memref<96x128xf32, #tpu.memory_space<vmem>>, vector<16xf32>,
      %swap3A_218 = arith.index_cast %add3A_157 : i32 to index
      %swap3A_219 = arith.constant 112 : index
      %swap3A_220 = tpu.vector_load %arg15[%swap3A_218, %swap3A_219] {strides = array<i32>} : memref<96x128xf32, #tpu.memory_space<vmem>>, vector<16xf32>,
      tpu.vector_store %arg15[%swap3A_218, %swap3A_219], %broadcast_in_dim3A_214 {strides = array<i32>} : memref<96x128xf32, #tpu.memory_space<vmem>>, vector<16xf32>,
    }
    %scan3A_9 = arith.constant 96 : i32
    %mul3A_10 = arith.constant 640 : i32
    %mul3A_11 = arith.muli %arg1, %mul3A_10 : i32
    %add3A_12 = arith.constant 0 : i32
    %add3A_13 = arith.addi %mul3A_11, %add3A_12 : i32
    "tpu.region"() ({
      %run_scoped3A_153 = tpu.sem_alloc : memref<!tpu.dma_semaphore, #tpu.memory_space<semaphore_mem>>
      %dma_start3A_154 = arith.constant 0 : i32
      %dma_start3A_155 = arith.constant 0 : i32
      %dma_start3A_156 = tpu.memref_slice %arg14[%dma_start3A_154, %dma_start3A_155] : memref<96x128xf32, #tpu.memory_space<vmem>> -> memref<96x128xf32, #tpu.memory_space<vmem>>
      %dma_start3A_157 = arith.constant 0 : i32
      %dma_start3A_158 = tpu.memref_slice %arg16[%add3A_13, %dma_start3A_157] : memref<10240x128xf32, #tpu.memory_space<vmem_shared>> -> memref<96x128xf32, #tpu.memory_space<vmem_shared>>
      %dma_start3A_159 = arith.constant 0 : i32
      %dma_start3A_160 = tpu.memref_slice %arg16[%add3A_13, %dma_start3A_159] : memref<10240x128xf32, #tpu.memory_space<vmem_shared>> -> memref<96x128xf32, #tpu.memory_space<vmem_shared>>
      %dma_start3A_161 = arith.constant 0 : i32
      %dma_start3A_162 = arith.constant 0 : i32
      %dma_start3A_163 = tpu.memref_slice %arg14[%dma_start3A_161, %dma_start3A_162] : memref<96x128xf32, #tpu.memory_space<vmem>> -> memref<96x128xf32, #tpu.memory_space<vmem>>
      tpu.enqueue_dma source(%dma_start3A_163 : memref<96x128xf32, #tpu.memory_space<vmem>>) target(%dma_start3A_160 : memref<96x128xf32, #tpu.memory_space<vmem_shared>>) target_semaphore(%run_scoped3A_153 : memref<!tpu.dma_semaphore, #tpu.memory_space<semaphore_mem>>)
      %dma_wait3A = arith.constant 0 : i32
      %dma_wait3A_164 = arith.constant 0 : i32
      %dma_wait3A_165 = tpu.memref_slice %arg14[%dma_wait3A, %dma_wait3A_164] : memref<96x128xf32, #tpu.memory_space<vmem>> -> memref<96x128xf32, #tpu.memory_space<vmem>>
      %dma_wait3A_166 = arith.constant 0 : i32
      %dma_wait3A_167 = tpu.memref_slice %arg16[%add3A_13, %dma_wait3A_166] : memref<10240x128xf32, #tpu.memory_space<vmem_shared>> -> memref<96x128xf32, #tpu.memory_space<vmem_shared>>
      %dma_wait3A_168 = arith.constant 0 : i32
      %dma_wait3A_169 = tpu.memref_slice %arg16[%add3A_13, %dma_wait3A_168] : memref<10240x128xf32, #tpu.memory_space<vmem_shared>> -> memref<96x128xf32, #tpu.memory_space<vmem_shared>>
      %dma_wait3A_170 = arith.constant 0 : i32
      %dma_wait3A_171 = arith.constant 0 : i32
      %dma_wait3A_172 = tpu.memref_slice %arg14[%dma_wait3A_170, %dma_wait3A_171] : memref<96x128xf32, #tpu.memory_space<vmem>> -> memref<96x128xf32, #tpu.memory_space<vmem>>
      tpu.wait_dma2 semaphore(%run_scoped3A_153 : memref<!tpu.dma_semaphore, #tpu.memory_space<semaphore_mem>>) src(%dma_wait3A_172 : memref<96x128xf32, #tpu.memory_space<vmem>>) dst(%dma_wait3A_169 : memref<96x128xf32, #tpu.memory_space<vmem_shared>>)
      tpu.yield
    }) : () -> ()
    %mul3A_14 = arith.constant 640 : i32
    %mul3A_15 = arith.muli %arg1, %mul3A_14 : i32
    %add3A_16 = arith.constant 96 : i32
    %add3A_17 = arith.addi %mul3A_15, %add3A_16 : i32
    "tpu.region"() ({
      %run_scoped3A_153 = tpu.sem_alloc : memref<!tpu.dma_semaphore, #tpu.memory_space<semaphore_mem>>
      %dma_start3A_154 = arith.constant 0 : i32
      %dma_start3A_155 = arith.constant 0 : i32
      %dma_start3A_156 = tpu.memref_slice %arg14[%dma_start3A_154, %dma_start3A_155] : memref<96x128xf32, #tpu.memory_space<vmem>> -> memref<96x128xf32, #tpu.memory_space<vmem>>
      %dma_start3A_157 = arith.constant 0 : i32
      %dma_start3A_158 = tpu.memref_slice %arg16[%add3A_17, %dma_start3A_157] : memref<10240x128xf32, #tpu.memory_space<vmem_shared>> -> memref<96x128xf32, #tpu.memory_space<vmem_shared>>
      %dma_start3A_159 = arith.constant 0 : i32
      %dma_start3A_160 = tpu.memref_slice %arg16[%add3A_17, %dma_start3A_159] : memref<10240x128xf32, #tpu.memory_space<vmem_shared>> -> memref<96x128xf32, #tpu.memory_space<vmem_shared>>
      %dma_start3A_161 = arith.constant 0 : i32
      %dma_start3A_162 = arith.constant 0 : i32
      %dma_start3A_163 = tpu.memref_slice %arg14[%dma_start3A_161, %dma_start3A_162] : memref<96x128xf32, #tpu.memory_space<vmem>> -> memref<96x128xf32, #tpu.memory_space<vmem>>
      tpu.enqueue_dma source(%dma_start3A_163 : memref<96x128xf32, #tpu.memory_space<vmem>>) target(%dma_start3A_160 : memref<96x128xf32, #tpu.memory_space<vmem_shared>>) target_semaphore(%run_scoped3A_153 : memref<!tpu.dma_semaphore, #tpu.memory_space<semaphore_mem>>)
      %dma_wait3A = arith.constant 0 : i32
      %dma_wait3A_164 = arith.constant 0 : i32
      %dma_wait3A_165 = tpu.memref_slice %arg14[%dma_wait3A, %dma_wait3A_164] : memref<96x128xf32, #tpu.memory_space<vmem>> -> memref<96x128xf32, #tpu.memory_space<vmem>>
      %dma_wait3A_166 = arith.constant 0 : i32
      %dma_wait3A_167 = tpu.memref_slice %arg16[%add3A_17, %dma_wait3A_166] : memref<10240x128xf32, #tpu.memory_space<vmem_shared>> -> memref<96x128xf32, #tpu.memory_space<vmem_shared>>
      %dma_wait3A_168 = arith.constant 0 : i32
      %dma_wait3A_169 = tpu.memref_slice %arg16[%add3A_17, %dma_wait3A_168] : memref<10240x128xf32, #tpu.memory_space<vmem_shared>> -> memref<96x128xf32, #tpu.memory_space<vmem_shared>>
      %dma_wait3A_170 = arith.constant 0 : i32
      %dma_wait3A_171 = arith.constant 0 : i32
      %dma_wait3A_172 = tpu.memref_slice %arg14[%dma_wait3A_170, %dma_wait3A_171] : memref<96x128xf32, #tpu.memory_space<vmem>> -> memref<96x128xf32, #tpu.memory_space<vmem>>
      tpu.wait_dma2 semaphore(%run_scoped3A_153 : memref<!tpu.dma_semaphore, #tpu.memory_space<semaphore_mem>>) src(%dma_wait3A_172 : memref<96x128xf32, #tpu.memory_space<vmem>>) dst(%dma_wait3A_169 : memref<96x128xf32, #tpu.memory_space<vmem_shared>>)
      tpu.yield
    }) : () -> ()
    %mul3A_18 = arith.constant 640 : i32
    %mul3A_19 = arith.muli %arg1, %mul3A_18 : i32
    %add3A_20 = arith.constant 192 : i32
    %add3A_21 = arith.addi %mul3A_19, %add3A_20 : i32
    "tpu.region"() ({
      %run_scoped3A_153 = tpu.sem_alloc : memref<!tpu.dma_semaphore, #tpu.memory_space<semaphore_mem>>
      %dma_start3A_154 = arith.constant 0 : i32
      %dma_start3A_155 = arith.constant 0 : i32
      %dma_start3A_156 = tpu.memref_slice %arg14[%dma_start3A_154, %dma_start3A_155] : memref<96x128xf32, #tpu.memory_space<vmem>> -> memref<96x128xf32, #tpu.memory_space<vmem>>
      %dma_start3A_157 = arith.constant 0 : i32
      %dma_start3A_158 = tpu.memref_slice %arg16[%add3A_21, %dma_start3A_157] : memref<10240x128xf32, #tpu.memory_space<vmem_shared>> -> memref<96x128xf32, #tpu.memory_space<vmem_shared>>
      %dma_start3A_159 = arith.constant 0 : i32
      %dma_start3A_160 = tpu.memref_slice %arg16[%add3A_21, %dma_start3A_159] : memref<10240x128xf32, #tpu.memory_space<vmem_shared>> -> memref<96x128xf32, #tpu.memory_space<vmem_shared>>
      %dma_start3A_161 = arith.constant 0 : i32
      %dma_start3A_162 = arith.constant 0 : i32
      %dma_start3A_163 = tpu.memref_slice %arg14[%dma_start3A_161, %dma_start3A_162] : memref<96x128xf32, #tpu.memory_space<vmem>> -> memref<96x128xf32, #tpu.memory_space<vmem>>
      tpu.enqueue_dma source(%dma_start3A_163 : memref<96x128xf32, #tpu.memory_space<vmem>>) target(%dma_start3A_160 : memref<96x128xf32, #tpu.memory_space<vmem_shared>>) target_semaphore(%run_scoped3A_153 : memref<!tpu.dma_semaphore, #tpu.memory_space<semaphore_mem>>)
      %dma_wait3A = arith.constant 0 : i32
      %dma_wait3A_164 = arith.constant 0 : i32
      %dma_wait3A_165 = tpu.memref_slice %arg14[%dma_wait3A, %dma_wait3A_164] : memref<96x128xf32, #tpu.memory_space<vmem>> -> memref<96x128xf32, #tpu.memory_space<vmem>>
      %dma_wait3A_166 = arith.constant 0 : i32
      %dma_wait3A_167 = tpu.memref_slice %arg16[%add3A_21, %dma_wait3A_166] : memref<10240x128xf32, #tpu.memory_space<vmem_shared>> -> memref<96x128xf32, #tpu.memory_space<vmem_shared>>
      %dma_wait3A_168 = arith.constant 0 : i32
      %dma_wait3A_169 = tpu.memref_slice %arg16[%add3A_21, %dma_wait3A_168] : memref<10240x128xf32, #tpu.memory_space<vmem_shared>> -> memref<96x128xf32, #tpu.memory_space<vmem_shared>>
      %dma_wait3A_170 = arith.constant 0 : i32
      %dma_wait3A_171 = arith.constant 0 : i32
      %dma_wait3A_172 = tpu.memref_slice %arg14[%dma_wait3A_170, %dma_wait3A_171] : memref<96x128xf32, #tpu.memory_space<vmem>> -> memref<96x128xf32, #tpu.memory_space<vmem>>
      tpu.wait_dma2 semaphore(%run_scoped3A_153 : memref<!tpu.dma_semaphore, #tpu.memory_space<semaphore_mem>>) src(%dma_wait3A_172 : memref<96x128xf32, #tpu.memory_space<vmem>>) dst(%dma_wait3A_169 : memref<96x128xf32, #tpu.memory_space<vmem_shared>>)
      tpu.yield
    }) : () -> ()
    %mul3A_22 = arith.constant 640 : i32
    %mul3A_23 = arith.muli %arg1, %mul3A_22 : i32
    %add3A_24 = arith.constant 288 : i32
    %add3A_25 = arith.addi %mul3A_23, %add3A_24 : i32
    "tpu.region"() ({
      %run_scoped3A_153 = tpu.sem_alloc : memref<!tpu.dma_semaphore, #tpu.memory_space<semaphore_mem>>
      %dma_start3A_154 = arith.constant 0 : i32
      %dma_start3A_155 = arith.constant 0 : i32
      %dma_start3A_156 = tpu.memref_slice %arg14[%dma_start3A_154, %dma_start3A_155] : memref<96x128xf32, #tpu.memory_space<vmem>> -> memref<96x128xf32, #tpu.memory_space<vmem>>
      %dma_start3A_157 = arith.constant 0 : i32
      %dma_start3A_158 = tpu.memref_slice %arg16[%add3A_25, %dma_start3A_157] : memref<10240x128xf32, #tpu.memory_space<vmem_shared>> -> memref<96x128xf32, #tpu.memory_space<vmem_shared>>
      %dma_start3A_159 = arith.constant 0 : i32
      %dma_start3A_160 = tpu.memref_slice %arg16[%add3A_25, %dma_start3A_159] : memref<10240x128xf32, #tpu.memory_space<vmem_shared>> -> memref<96x128xf32, #tpu.memory_space<vmem_shared>>
      %dma_start3A_161 = arith.constant 0 : i32
      %dma_start3A_162 = arith.constant 0 : i32
      %dma_start3A_163 = tpu.memref_slice %arg14[%dma_start3A_161, %dma_start3A_162] : memref<96x128xf32, #tpu.memory_space<vmem>> -> memref<96x128xf32, #tpu.memory_space<vmem>>
      tpu.enqueue_dma source(%dma_start3A_163 : memref<96x128xf32, #tpu.memory_space<vmem>>) target(%dma_start3A_160 : memref<96x128xf32, #tpu.memory_space<vmem_shared>>) target_semaphore(%run_scoped3A_153 : memref<!tpu.dma_semaphore, #tpu.memory_space<semaphore_mem>>)
      %dma_wait3A = arith.constant 0 : i32
      %dma_wait3A_164 = arith.constant 0 : i32
      %dma_wait3A_165 = tpu.memref_slice %arg14[%dma_wait3A, %dma_wait3A_164] : memref<96x128xf32, #tpu.memory_space<vmem>> -> memref<96x128xf32, #tpu.memory_space<vmem>>
      %dma_wait3A_166 = arith.constant 0 : i32
      %dma_wait3A_167 = tpu.memref_slice %arg16[%add3A_25, %dma_wait3A_166] : memref<10240x128xf32, #tpu.memory_space<vmem_shared>> -> memref<96x128xf32, #tpu.memory_space<vmem_shared>>
      %dma_wait3A_168 = arith.constant 0 : i32
      %dma_wait3A_169 = tpu.memref_slice %arg16[%add3A_25, %dma_wait3A_168] : memref<10240x128xf32, #tpu.memory_space<vmem_shared>> -> memref<96x128xf32, #tpu.memory_space<vmem_shared>>
      %dma_wait3A_170 = arith.constant 0 : i32
      %dma_wait3A_171 = arith.constant 0 : i32
      %dma_wait3A_172 = tpu.memref_slice %arg14[%dma_wait3A_170, %dma_wait3A_171] : memref<96x128xf32, #tpu.memory_space<vmem>> -> memref<96x128xf32, #tpu.memory_space<vmem>>
      tpu.wait_dma2 semaphore(%run_scoped3A_153 : memref<!tpu.dma_semaphore, #tpu.memory_space<semaphore_mem>>) src(%dma_wait3A_172 : memref<96x128xf32, #tpu.memory_space<vmem>>) dst(%dma_wait3A_169 : memref<96x128xf32, #tpu.memory_space<vmem_shared>>)
      tpu.yield
    }) : () -> ()
    %mul3A_26 = arith.constant 640 : i32
    %mul3A_27 = arith.muli %arg1, %mul3A_26 : i32
    %add3A_28 = arith.constant 384 : i32
    %add3A_29 = arith.addi %mul3A_27, %add3A_28 : i32
    "tpu.region"() ({
      %run_scoped3A_153 = tpu.sem_alloc : memref<!tpu.dma_semaphore, #tpu.memory_space<semaphore_mem>>
      %dma_start3A_154 = arith.constant 0 : i32
      %dma_start3A_155 = arith.constant 0 : i32
      %dma_start3A_156 = tpu.memref_slice %arg14[%dma_start3A_154, %dma_start3A_155] : memref<96x128xf32, #tpu.memory_space<vmem>> -> memref<96x128xf32, #tpu.memory_space<vmem>>
      %dma_start3A_157 = arith.constant 0 : i32
      %dma_start3A_158 = tpu.memref_slice %arg16[%add3A_29, %dma_start3A_157] : memref<10240x128xf32, #tpu.memory_space<vmem_shared>> -> memref<96x128xf32, #tpu.memory_space<vmem_shared>>
      %dma_start3A_159 = arith.constant 0 : i32
      %dma_start3A_160 = tpu.memref_slice %arg16[%add3A_29, %dma_start3A_159] : memref<10240x128xf32, #tpu.memory_space<vmem_shared>> -> memref<96x128xf32, #tpu.memory_space<vmem_shared>>
      %dma_start3A_161 = arith.constant 0 : i32
      %dma_start3A_162 = arith.constant 0 : i32
      %dma_start3A_163 = tpu.memref_slice %arg14[%dma_start3A_161, %dma_start3A_162] : memref<96x128xf32, #tpu.memory_space<vmem>> -> memref<96x128xf32, #tpu.memory_space<vmem>>
      tpu.enqueue_dma source(%dma_start3A_163 : memref<96x128xf32, #tpu.memory_space<vmem>>) target(%dma_start3A_160 : memref<96x128xf32, #tpu.memory_space<vmem_shared>>) target_semaphore(%run_scoped3A_153 : memref<!tpu.dma_semaphore, #tpu.memory_space<semaphore_mem>>)
      %dma_wait3A = arith.constant 0 : i32
      %dma_wait3A_164 = arith.constant 0 : i32
      %dma_wait3A_165 = tpu.memref_slice %arg14[%dma_wait3A, %dma_wait3A_164] : memref<96x128xf32, #tpu.memory_space<vmem>> -> memref<96x128xf32, #tpu.memory_space<vmem>>
      %dma_wait3A_166 = arith.constant 0 : i32
      %dma_wait3A_167 = tpu.memref_slice %arg16[%add3A_29, %dma_wait3A_166] : memref<10240x128xf32, #tpu.memory_space<vmem_shared>> -> memref<96x128xf32, #tpu.memory_space<vmem_shared>>
      %dma_wait3A_168 = arith.constant 0 : i32
      %dma_wait3A_169 = tpu.memref_slice %arg16[%add3A_29, %dma_wait3A_168] : memref<10240x128xf32, #tpu.memory_space<vmem_shared>> -> memref<96x128xf32, #tpu.memory_space<vmem_shared>>
      %dma_wait3A_170 = arith.constant 0 : i32
      %dma_wait3A_171 = arith.constant 0 : i32
      %dma_wait3A_172 = tpu.memref_slice %arg14[%dma_wait3A_170, %dma_wait3A_171] : memref<96x128xf32, #tpu.memory_space<vmem>> -> memref<96x128xf32, #tpu.memory_space<vmem>>
      tpu.wait_dma2 semaphore(%run_scoped3A_153 : memref<!tpu.dma_semaphore, #tpu.memory_space<semaphore_mem>>) src(%dma_wait3A_172 : memref<96x128xf32, #tpu.memory_space<vmem>>) dst(%dma_wait3A_169 : memref<96x128xf32, #tpu.memory_space<vmem_shared>>)
      tpu.yield
    }) : () -> ()
    %mul3A_30 = arith.constant 640 : i32
    %mul3A_31 = arith.muli %arg1, %mul3A_30 : i32
    %add3A_32 = arith.constant 480 : i32
    %add3A_33 = arith.addi %mul3A_31, %add3A_32 : i32
    "tpu.region"() ({
      %run_scoped3A_153 = tpu.sem_alloc : memref<!tpu.dma_semaphore, #tpu.memory_space<semaphore_mem>>
      %dma_start3A_154 = arith.constant 0 : i32
      %dma_start3A_155 = arith.constant 0 : i32
      %dma_start3A_156 = tpu.memref_slice %arg14[%dma_start3A_154, %dma_start3A_155] : memref<96x128xf32, #tpu.memory_space<vmem>> -> memref<96x128xf32, #tpu.memory_space<vmem>>
      %dma_start3A_157 = arith.constant 0 : i32
      %dma_start3A_158 = tpu.memref_slice %arg16[%add3A_33, %dma_start3A_157] : memref<10240x128xf32, #tpu.memory_space<vmem_shared>> -> memref<96x128xf32, #tpu.memory_space<vmem_shared>>
      %dma_start3A_159 = arith.constant 0 : i32
      %dma_start3A_160 = tpu.memref_slice %arg16[%add3A_33, %dma_start3A_159] : memref<10240x128xf32, #tpu.memory_space<vmem_shared>> -> memref<96x128xf32, #tpu.memory_space<vmem_shared>>
      %dma_start3A_161 = arith.constant 0 : i32
      %dma_start3A_162 = arith.constant 0 : i32
      %dma_start3A_163 = tpu.memref_slice %arg14[%dma_start3A_161, %dma_start3A_162] : memref<96x128xf32, #tpu.memory_space<vmem>> -> memref<96x128xf32, #tpu.memory_space<vmem>>
      tpu.enqueue_dma source(%dma_start3A_163 : memref<96x128xf32, #tpu.memory_space<vmem>>) target(%dma_start3A_160 : memref<96x128xf32, #tpu.memory_space<vmem_shared>>) target_semaphore(%run_scoped3A_153 : memref<!tpu.dma_semaphore, #tpu.memory_space<semaphore_mem>>)
      %dma_wait3A = arith.constant 0 : i32
      %dma_wait3A_164 = arith.constant 0 : i32
      %dma_wait3A_165 = tpu.memref_slice %arg14[%dma_wait3A, %dma_wait3A_164] : memref<96x128xf32, #tpu.memory_space<vmem>> -> memref<96x128xf32, #tpu.memory_space<vmem>>
      %dma_wait3A_166 = arith.constant 0 : i32
      %dma_wait3A_167 = tpu.memref_slice %arg16[%add3A_33, %dma_wait3A_166] : memref<10240x128xf32, #tpu.memory_space<vmem_shared>> -> memref<96x128xf32, #tpu.memory_space<vmem_shared>>
      %dma_wait3A_168 = arith.constant 0 : i32
      %dma_wait3A_169 = tpu.memref_slice %arg16[%add3A_33, %dma_wait3A_168] : memref<10240x128xf32, #tpu.memory_space<vmem_shared>> -> memref<96x128xf32, #tpu.memory_space<vmem_shared>>
      %dma_wait3A_170 = arith.constant 0 : i32
      %dma_wait3A_171 = arith.constant 0 : i32
      %dma_wait3A_172 = tpu.memref_slice %arg14[%dma_wait3A_170, %dma_wait3A_171] : memref<96x128xf32, #tpu.memory_space<vmem>> -> memref<96x128xf32, #tpu.memory_space<vmem>>
      tpu.wait_dma2 semaphore(%run_scoped3A_153 : memref<!tpu.dma_semaphore, #tpu.memory_space<semaphore_mem>>) src(%dma_wait3A_172 : memref<96x128xf32, #tpu.memory_space<vmem>>) dst(%dma_wait3A_169 : memref<96x128xf32, #tpu.memory_space<vmem_shared>>)
      tpu.yield
    }) : () -> ()
    %mul3A_34 = arith.constant 640 : i32
    %mul3A_35 = arith.muli %arg1, %mul3A_34 : i32
    %add3A_36 = arith.constant 576 : i32
    %add3A_37 = arith.addi %mul3A_35, %add3A_36 : i32
    "tpu.region"() ({
      %run_scoped3A_153 = tpu.sem_alloc : memref<!tpu.dma_semaphore, #tpu.memory_space<semaphore_mem>>
      %dma_start3A_154 = arith.constant 0 : i32
      %dma_start3A_155 = arith.constant 0 : i32
      %dma_start3A_156 = tpu.memref_slice %arg14[%dma_start3A_154, %dma_start3A_155] : memref<96x128xf32, #tpu.memory_space<vmem>> -> memref<64x128xf32, #tpu.memory_space<vmem>>
      %dma_start3A_157 = arith.constant 0 : i32
      %dma_start3A_158 = tpu.memref_slice %arg16[%add3A_37, %dma_start3A_157] : memref<10240x128xf32, #tpu.memory_space<vmem_shared>> -> memref<64x128xf32, #tpu.memory_space<vmem_shared>>
      %dma_start3A_159 = arith.constant 0 : i32
      %dma_start3A_160 = tpu.memref_slice %arg16[%add3A_37, %dma_start3A_159] : memref<10240x128xf32, #tpu.memory_space<vmem_shared>> -> memref<64x128xf32, #tpu.memory_space<vmem_shared>>
      %dma_start3A_161 = arith.constant 0 : i32
      %dma_start3A_162 = arith.constant 0 : i32
      %dma_start3A_163 = tpu.memref_slice %arg14[%dma_start3A_161, %dma_start3A_162] : memref<96x128xf32, #tpu.memory_space<vmem>> -> memref<64x128xf32, #tpu.memory_space<vmem>>
      tpu.enqueue_dma source(%dma_start3A_163 : memref<64x128xf32, #tpu.memory_space<vmem>>) target(%dma_start3A_160 : memref<64x128xf32, #tpu.memory_space<vmem_shared>>) target_semaphore(%run_scoped3A_153 : memref<!tpu.dma_semaphore, #tpu.memory_space<semaphore_mem>>)
      %dma_wait3A = arith.constant 0 : i32
      %dma_wait3A_164 = arith.constant 0 : i32
      %dma_wait3A_165 = tpu.memref_slice %arg14[%dma_wait3A, %dma_wait3A_164] : memref<96x128xf32, #tpu.memory_space<vmem>> -> memref<64x128xf32, #tpu.memory_space<vmem>>
      %dma_wait3A_166 = arith.constant 0 : i32
      %dma_wait3A_167 = tpu.memref_slice %arg16[%add3A_37, %dma_wait3A_166] : memref<10240x128xf32, #tpu.memory_space<vmem_shared>> -> memref<64x128xf32, #tpu.memory_space<vmem_shared>>
      %dma_wait3A_168 = arith.constant 0 : i32
      %dma_wait3A_169 = tpu.memref_slice %arg16[%add3A_37, %dma_wait3A_168] : memref<10240x128xf32, #tpu.memory_space<vmem_shared>> -> memref<64x128xf32, #tpu.memory_space<vmem_shared>>
      %dma_wait3A_170 = arith.constant 0 : i32
      %dma_wait3A_171 = arith.constant 0 : i32
      %dma_wait3A_172 = tpu.memref_slice %arg14[%dma_wait3A_170, %dma_wait3A_171] : memref<96x128xf32, #tpu.memory_space<vmem>> -> memref<64x128xf32, #tpu.memory_space<vmem>>
      tpu.wait_dma2 semaphore(%run_scoped3A_153 : memref<!tpu.dma_semaphore, #tpu.memory_space<semaphore_mem>>) src(%dma_wait3A_172 : memref<64x128xf32, #tpu.memory_space<vmem>>) dst(%dma_wait3A_169 : memref<64x128xf32, #tpu.memory_space<vmem_shared>>)
      tpu.yield
    }) : () -> ()
    %barrier3A = arith.constant 0 : index
    tpu.barrier barrier_id(%barrier3A)
    %run_scoped3A = arith.constant 0 : i32
    "tpu.region"() ({
      %run_scoped3A_153 = tpu.sem_alloc : memref<!tpu.dma_semaphore, #tpu.memory_space<semaphore_mem>>
      %dma_start3A_154 = arith.constant 0 : i32
      %dma_start3A_155 = arith.constant 0 : i32
      %dma_start3A_156 = tpu.memref_slice %arg3[%arg1, %run_scoped3A, %dma_start3A_154, %dma_start3A_155] : memref<16x106x3x96xi32, #tpu.memory_space<hbm>> -> memref<1x1x3x96xi32, #tpu.memory_space<hbm>>
      %dma_start3A_157 = tpu.memref_squeeze %dma_start3A_156 : memref<1x1x3x96xi32, #tpu.memory_space<hbm>> -> memref<3x96xi32, #tpu.memory_space<hbm>>
      %dma_start3A_158 = arith.constant 0 : i32
      %dma_start3A_159 = arith.constant 0 : i32
      %dma_start3A_160 = tpu.memref_slice %arg3[%arg1, %run_scoped3A, %dma_start3A_158, %dma_start3A_159] : memref<16x106x3x96xi32, #tpu.memory_space<hbm>> -> memref<1x1x3x96xi32, #tpu.memory_space<hbm>>
      %dma_start3A_161 = tpu.memref_squeeze %dma_start3A_160 : memref<1x1x3x96xi32, #tpu.memory_space<hbm>> -> memref<3x96xi32, #tpu.memory_space<hbm>>
      tpu.enqueue_dma source(%dma_start3A_161 : memref<3x96xi32, #tpu.memory_space<hbm>>) target(%arg7 : memref<3x96xi32, #tpu.memory_space<vmem>>) target_semaphore(%run_scoped3A_153 : memref<!tpu.dma_semaphore, #tpu.memory_space<semaphore_mem>>)
      %dma_wait3A = arith.constant 0 : i32
      %dma_wait3A_162 = arith.constant 0 : i32
      %dma_wait3A_163 = tpu.memref_slice %arg3[%arg1, %run_scoped3A, %dma_wait3A, %dma_wait3A_162] : memref<16x106x3x96xi32, #tpu.memory_space<hbm>> -> memref<1x1x3x96xi32, #tpu.memory_space<hbm>>
      %dma_wait3A_164 = tpu.memref_squeeze %dma_wait3A_163 : memref<1x1x3x96xi32, #tpu.memory_space<hbm>> -> memref<3x96xi32, #tpu.memory_space<hbm>>
      %dma_wait3A_165 = arith.constant 0 : i32
      %dma_wait3A_166 = arith.constant 0 : i32
      %dma_wait3A_167 = tpu.memref_slice %arg3[%arg1, %run_scoped3A, %dma_wait3A_165, %dma_wait3A_166] : memref<16x106x3x96xi32, #tpu.memory_space<hbm>> -> memref<1x1x3x96xi32, #tpu.memory_space<hbm>>
      %dma_wait3A_168 = tpu.memref_squeeze %dma_wait3A_167 : memref<1x1x3x96xi32, #tpu.memory_space<hbm>> -> memref<3x96xi32, #tpu.memory_space<hbm>>
      tpu.wait_dma2 semaphore(%run_scoped3A_153 : memref<!tpu.dma_semaphore, #tpu.memory_space<semaphore_mem>>) src(%dma_wait3A_168 : memref<3x96xi32, #tpu.memory_space<hbm>>) dst(%arg7 : memref<3x96xi32, #tpu.memory_space<vmem>>)
      tpu.yield
    }) : () -> ()
    %get3A = arith.constant 1 : i32
    %get3A_38 = arith.index_cast %get3A : i32 to index
    %get3A_39 = arith.constant 0 : index
    %get3A_40 = tpu.vector_load %arg7[%get3A_38, %get3A_39] {strides = array<i32>} : memref<3x96xi32, #tpu.memory_space<vmem>>, vector<16xi32>,
    %add3A_41 = vector.broadcast %arg0 : i32 to vector<16xi32>
    %add3A_42 = arith.addi %get3A_40, %add3A_41 : vector<16xi32>
    %swap3A = arith.constant 0 : index
    %swap3A_43 = tpu.vector_load %arg9[%swap3A] {strides = array<i32>} : memref<96xi32, #tpu.memory_space<vmem>>, vector<16xi32>,
    tpu.vector_store %arg9[%swap3A], %add3A_42 {strides = array<i32>} : memref<96xi32, #tpu.memory_space<vmem>>, vector<16xi32>,
    %get3A_44 = arith.constant 1 : i32
    %get3A_45 = arith.index_cast %get3A_44 : i32 to index
    %get3A_46 = arith.constant 16 : index
    %get3A_47 = tpu.vector_load %arg7[%get3A_45, %get3A_46] {strides = array<i32>} : memref<3x96xi32, #tpu.memory_space<vmem>>, vector<16xi32>,
    %add3A_48 = vector.broadcast %arg0 : i32 to vector<16xi32>
    %add3A_49 = arith.addi %get3A_47, %add3A_48 : vector<16xi32>
    %swap3A_50 = arith.constant 16 : index
    %swap3A_51 = tpu.vector_load %arg9[%swap3A_50] {strides = array<i32>} : memref<96xi32, #tpu.memory_space<vmem>>, vector<16xi32>,
    tpu.vector_store %arg9[%swap3A_50], %add3A_49 {strides = array<i32>} : memref<96xi32, #tpu.memory_space<vmem>>, vector<16xi32>,
    %get3A_52 = arith.constant 1 : i32
    %get3A_53 = arith.index_cast %get3A_52 : i32 to index
    %get3A_54 = arith.constant 32 : index
    %get3A_55 = tpu.vector_load %arg7[%get3A_53, %get3A_54] {strides = array<i32>} : memref<3x96xi32, #tpu.memory_space<vmem>>, vector<16xi32>,
    %add3A_56 = vector.broadcast %arg0 : i32 to vector<16xi32>
    %add3A_57 = arith.addi %get3A_55, %add3A_56 : vector<16xi32>
    %swap3A_58 = arith.constant 32 : index
    %swap3A_59 = tpu.vector_load %arg9[%swap3A_58] {strides = array<i32>} : memref<96xi32, #tpu.memory_space<vmem>>, vector<16xi32>,
    tpu.vector_store %arg9[%swap3A_58], %add3A_57 {strides = array<i32>} : memref<96xi32, #tpu.memory_space<vmem>>, vector<16xi32>,
    %get3A_60 = arith.constant 1 : i32
    %get3A_61 = arith.index_cast %get3A_60 : i32 to index
    %get3A_62 = arith.constant 48 : index
    %get3A_63 = tpu.vector_load %arg7[%get3A_61, %get3A_62] {strides = array<i32>} : memref<3x96xi32, #tpu.memory_space<vmem>>, vector<16xi32>,
    %add3A_64 = vector.broadcast %arg0 : i32 to vector<16xi32>
    %add3A_65 = arith.addi %get3A_63, %add3A_64 : vector<16xi32>
    %swap3A_66 = arith.constant 48 : index
    %swap3A_67 = tpu.vector_load %arg9[%swap3A_66] {strides = array<i32>} : memref<96xi32, #tpu.memory_space<vmem>>, vector<16xi32>,
    tpu.vector_store %arg9[%swap3A_66], %add3A_65 {strides = array<i32>} : memref<96xi32, #tpu.memory_space<vmem>>, vector<16xi32>,
    %get3A_68 = arith.constant 1 : i32
    %get3A_69 = arith.index_cast %get3A_68 : i32 to index
    %get3A_70 = arith.constant 64 : index
    %get3A_71 = tpu.vector_load %arg7[%get3A_69, %get3A_70] {strides = array<i32>} : memref<3x96xi32, #tpu.memory_space<vmem>>, vector<16xi32>,
    %add3A_72 = vector.broadcast %arg0 : i32 to vector<16xi32>
    %add3A_73 = arith.addi %get3A_71, %add3A_72 : vector<16xi32>
    %swap3A_74 = arith.constant 64 : index
    %swap3A_75 = tpu.vector_load %arg9[%swap3A_74] {strides = array<i32>} : memref<96xi32, #tpu.memory_space<vmem>>, vector<16xi32>,
    tpu.vector_store %arg9[%swap3A_74], %add3A_73 {strides = array<i32>} : memref<96xi32, #tpu.memory_space<vmem>>, vector<16xi32>,
    %get3A_76 = arith.constant 1 : i32
    %get3A_77 = arith.index_cast %get3A_76 : i32 to index
    %get3A_78 = arith.constant 80 : index
    %get3A_79 = tpu.vector_load %arg7[%get3A_77, %get3A_78] {strides = array<i32>} : memref<3x96xi32, #tpu.memory_space<vmem>>, vector<16xi32>,
    %add3A_80 = vector.broadcast %arg0 : i32 to vector<16xi32>
    %add3A_81 = arith.addi %get3A_79, %add3A_80 : vector<16xi32>
    %swap3A_82 = arith.constant 80 : index
    %swap3A_83 = tpu.vector_load %arg9[%swap3A_82] {strides = array<i32>} : memref<96xi32, #tpu.memory_space<vmem>>, vector<16xi32>,
    tpu.vector_store %arg9[%swap3A_82], %add3A_81 {strides = array<i32>} : memref<96xi32, #tpu.memory_space<vmem>>, vector<16xi32>,
    %dma_start3A = arith.constant 0 : i32
    %dma_start3A_84 = arith.constant 0 : i32
    %dma_start3A_85 = tpu.memref_slice %arg2[%dma_start3A, %dma_start3A_84] : memref<20002x128xf32, #tpu.memory_space<hbm>> -> memref<20002x128xf32, #tpu.memory_space<hbm>>
    tpu.enqueue_indirect_dma source(%dma_start3A_85 : memref<20002x128xf32, #tpu.memory_space<hbm>>) target(%arg14 : memref<96x128xf32, #tpu.memory_space<vmem>>) offsets(%arg9 : memref<96xi32, #tpu.memory_space<vmem>>) semaphore(%arg17 : memref<!tpu.dma_semaphore, #tpu.memory_space<semaphore_mem>>)
    %run_scoped3A_86 = arith.constant 1 : i32
    "tpu.region"() ({
      %run_scoped3A_153 = tpu.sem_alloc : memref<!tpu.dma_semaphore, #tpu.memory_space<semaphore_mem>>
      %dma_start3A_154 = arith.constant 0 : i32
      %dma_start3A_155 = arith.constant 0 : i32
      %dma_start3A_156 = tpu.memref_slice %arg3[%arg1, %run_scoped3A_86, %dma_start3A_154, %dma_start3A_155] : memref<16x106x3x96xi32, #tpu.memory_space<hbm>> -> memref<1x1x3x96xi32, #tpu.memory_space<hbm>>
      %dma_start3A_157 = tpu.memref_squeeze %dma_start3A_156 : memref<1x1x3x96xi32, #tpu.memory_space<hbm>> -> memref<3x96xi32, #tpu.memory_space<hbm>>
      %dma_start3A_158 = arith.constant 0 : i32
      %dma_start3A_159 = arith.constant 0 : i32
      %dma_start3A_160 = tpu.memref_slice %arg3[%arg1, %run_scoped3A_86, %dma_start3A_158, %dma_start3A_159] : memref<16x106x3x96xi32, #tpu.memory_space<hbm>> -> memref<1x1x3x96xi32, #tpu.memory_space<hbm>>
      %dma_start3A_161 = tpu.memref_squeeze %dma_start3A_160 : memref<1x1x3x96xi32, #tpu.memory_space<hbm>> -> memref<3x96xi32, #tpu.memory_space<hbm>>
      tpu.enqueue_dma source(%dma_start3A_161 : memref<3x96xi32, #tpu.memory_space<hbm>>) target(%arg8 : memref<3x96xi32, #tpu.memory_space<vmem>>) target_semaphore(%run_scoped3A_153 : memref<!tpu.dma_semaphore, #tpu.memory_space<semaphore_mem>>)
      %dma_wait3A = arith.constant 0 : i32
      %dma_wait3A_162 = arith.constant 0 : i32
      %dma_wait3A_163 = tpu.memref_slice %arg3[%arg1, %run_scoped3A_86, %dma_wait3A, %dma_wait3A_162] : memref<16x106x3x96xi32, #tpu.memory_space<hbm>> -> memref<1x1x3x96xi32, #tpu.memory_space<hbm>>
      %dma_wait3A_164 = tpu.memref_squeeze %dma_wait3A_163 : memref<1x1x3x96xi32, #tpu.memory_space<hbm>> -> memref<3x96xi32, #tpu.memory_space<hbm>>
      %dma_wait3A_165 = arith.constant 0 : i32
      %dma_wait3A_166 = arith.constant 0 : i32
      %dma_wait3A_167 = tpu.memref_slice %arg3[%arg1, %run_scoped3A_86, %dma_wait3A_165, %dma_wait3A_166] : memref<16x106x3x96xi32, #tpu.memory_space<hbm>> -> memref<1x1x3x96xi32, #tpu.memory_space<hbm>>
      %dma_wait3A_168 = tpu.memref_squeeze %dma_wait3A_167 : memref<1x1x3x96xi32, #tpu.memory_space<hbm>> -> memref<3x96xi32, #tpu.memory_space<hbm>>
      tpu.wait_dma2 semaphore(%run_scoped3A_153 : memref<!tpu.dma_semaphore, #tpu.memory_space<semaphore_mem>>) src(%dma_wait3A_168 : memref<3x96xi32, #tpu.memory_space<hbm>>) dst(%arg8 : memref<3x96xi32, #tpu.memory_space<vmem>>)
      tpu.yield
    }) : () -> ()
    %get3A_87 = arith.constant 1 : i32
    %get3A_88 = arith.index_cast %get3A_87 : i32 to index
    %get3A_89 = arith.constant 0 : index
    %get3A_90 = tpu.vector_load %arg8[%get3A_88, %get3A_89] {strides = array<i32>} : memref<3x96xi32, #tpu.memory_space<vmem>>, vector<16xi32>,
    %add3A_91 = vector.broadcast %arg0 : i32 to vector<16xi32>
    %add3A_92 = arith.addi %get3A_90, %add3A_91 : vector<16xi32>
    %swap3A_93 = arith.constant 0 : index
    %swap3A_94 = tpu.vector_load %arg10[%swap3A_93] {strides = array<i32>} : memref<96xi32, #tpu.memory_space<vmem>>, vector<16xi32>,
    tpu.vector_store %arg10[%swap3A_93], %add3A_92 {strides = array<i32>} : memref<96xi32, #tpu.memory_space<vmem>>, vector<16xi32>,
    %get3A_95 = arith.constant 1 : i32
    %get3A_96 = arith.index_cast %get3A_95 : i32 to index
    %get3A_97 = arith.constant 16 : index
    %get3A_98 = tpu.vector_load %arg8[%get3A_96, %get3A_97] {strides = array<i32>} : memref<3x96xi32, #tpu.memory_space<vmem>>, vector<16xi32>,
    %add3A_99 = vector.broadcast %arg0 : i32 to vector<16xi32>
    %add3A_100 = arith.addi %get3A_98, %add3A_99 : vector<16xi32>
    %swap3A_101 = arith.constant 16 : index
    %swap3A_102 = tpu.vector_load %arg10[%swap3A_101] {strides = array<i32>} : memref<96xi32, #tpu.memory_space<vmem>>, vector<16xi32>,
    tpu.vector_store %arg10[%swap3A_101], %add3A_100 {strides = array<i32>} : memref<96xi32, #tpu.memory_space<vmem>>, vector<16xi32>,
    %get3A_103 = arith.constant 1 : i32
    %get3A_104 = arith.index_cast %get3A_103 : i32 to index
    %get3A_105 = arith.constant 32 : index
    %get3A_106 = tpu.vector_load %arg8[%get3A_104, %get3A_105] {strides = array<i32>} : memref<3x96xi32, #tpu.memory_space<vmem>>, vector<16xi32>,
    %add3A_107 = vector.broadcast %arg0 : i32 to vector<16xi32>
    %add3A_108 = arith.addi %get3A_106, %add3A_107 : vector<16xi32>
    %swap3A_109 = arith.constant 32 : index
    %swap3A_110 = tpu.vector_load %arg10[%swap3A_109] {strides = array<i32>} : memref<96xi32, #tpu.memory_space<vmem>>, vector<16xi32>,
    tpu.vector_store %arg10[%swap3A_109], %add3A_108 {strides = array<i32>} : memref<96xi32, #tpu.memory_space<vmem>>, vector<16xi32>,
    %get3A_111 = arith.constant 1 : i32
    %get3A_112 = arith.index_cast %get3A_111 : i32 to index
    %get3A_113 = arith.constant 48 : index
    %get3A_114 = tpu.vector_load %arg8[%get3A_112, %get3A_113] {strides = array<i32>} : memref<3x96xi32, #tpu.memory_space<vmem>>, vector<16xi32>,
    %add3A_115 = vector.broadcast %arg0 : i32 to vector<16xi32>
    %add3A_116 = arith.addi %get3A_114, %add3A_115 : vector<16xi32>
    %swap3A_117 = arith.constant 48 : index
    %swap3A_118 = tpu.vector_load %arg10[%swap3A_117] {strides = array<i32>} : memref<96xi32, #tpu.memory_space<vmem>>, vector<16xi32>,
    tpu.vector_store %arg10[%swap3A_117], %add3A_116 {strides = array<i32>} : memref<96xi32, #tpu.memory_space<vmem>>, vector<16xi32>,
    %get3A_119 = arith.constant 1 : i32
    %get3A_120 = arith.index_cast %get3A_119 : i32 to index
    %get3A_121 = arith.constant 64 : index
    %get3A_122 = tpu.vector_load %arg8[%get3A_120, %get3A_121] {strides = array<i32>} : memref<3x96xi32, #tpu.memory_space<vmem>>, vector<16xi32>,
    %add3A_123 = vector.broadcast %arg0 : i32 to vector<16xi32>
    %add3A_124 = arith.addi %get3A_122, %add3A_123 : vector<16xi32>
    %swap3A_125 = arith.constant 64 : index
    %swap3A_126 = tpu.vector_load %arg10[%swap3A_125] {strides = array<i32>} : memref<96xi32, #tpu.memory_space<vmem>>, vector<16xi32>,
    tpu.vector_store %arg10[%swap3A_125], %add3A_124 {strides = array<i32>} : memref<96xi32, #tpu.memory_space<vmem>>, vector<16xi32>,
    %get3A_127 = arith.constant 1 : i32
    %get3A_128 = arith.index_cast %get3A_127 : i32 to index
    %get3A_129 = arith.constant 80 : index
    %get3A_130 = tpu.vector_load %arg8[%get3A_128, %get3A_129] {strides = array<i32>} : memref<3x96xi32, #tpu.memory_space<vmem>>, vector<16xi32>,
    %add3A_131 = vector.broadcast %arg0 : i32 to vector<16xi32>
    %add3A_132 = arith.addi %get3A_130, %add3A_131 : vector<16xi32>
    %swap3A_133 = arith.constant 80 : index
    %swap3A_134 = tpu.vector_load %arg10[%swap3A_133] {strides = array<i32>} : memref<96xi32, #tpu.memory_space<vmem>>, vector<16xi32>,
    tpu.vector_store %arg10[%swap3A_133], %add3A_132 {strides = array<i32>} : memref<96xi32, #tpu.memory_space<vmem>>, vector<16xi32>,
    %dma_start3A_135 = arith.constant 0 : i32
    %dma_start3A_136 = arith.constant 0 : i32
    %dma_start3A_137 = tpu.memref_slice %arg2[%dma_start3A_135, %dma_start3A_136] : memref<20002x128xf32, #tpu.memory_space<hbm>> -> memref<20002x128xf32, #tpu.memory_space<hbm>>
    tpu.enqueue_indirect_dma source(%dma_start3A_137 : memref<20002x128xf32, #tpu.memory_space<hbm>>) target(%arg15 : memref<96x128xf32, #tpu.memory_space<vmem>>) offsets(%arg10 : memref<96xi32, #tpu.memory_space<vmem>>) semaphore(%arg18 : memref<!tpu.dma_semaphore, #tpu.memory_space<semaphore_mem>>)
    %scan3A_138 = arith.constant 0 : i32
    %scan3A_139 = arith.constant 53 : i32
    %scan3A_140 = arith.addi %scan3A_138, %scan3A_139 : i32
    %scan3A_141 = arith.constant 1 : i32
    scf.for %scan3A_153 = %scan3A_138 to %scan3A_140 step %scan3A_141  : i32 {
      %mul3A_154 = arith.constant 1 : i32
      %mul3A_155 = arith.muli %scan3A_153, %mul3A_154 : i32
      %add3A_156 = arith.constant 0 : i32
      %add3A_157 = arith.addi %add3A_156, %mul3A_155 : i32
      %dma_wait3A = arith.constant 0 : i32
      %dma_wait3A_158 = arith.constant 0 : i32
      %dma_wait3A_159 = tpu.memref_slice %arg2[%dma_wait3A, %dma_wait3A_158] : memref<20002x128xf32, #tpu.memory_space<hbm>> -> memref<20002x128xf32, #tpu.memory_space<hbm>>
      tpu.wait_indirect_dma semaphore(%arg17 : memref<!tpu.dma_semaphore, #tpu.memory_space<semaphore_mem>>) src(%dma_wait3A_159 : memref<20002x128xf32, #tpu.memory_space<hbm>>) dst(%arg14 : memref<96x128xf32, #tpu.memory_space<vmem>>)
      %get3A_160 = arith.constant 0 : i32
      %get3A_161 = arith.index_cast %get3A_160 : i32 to index
      %get3A_162 = arith.constant 0 : index
      %get3A_163 = tpu.vector_load %arg7[%get3A_161, %get3A_162] {strides = array<i32>} : memref<3x96xi32, #tpu.memory_space<vmem>>, vector<16xi32>,
      %gather3A = tpu.vector_load_idx %arg11[%get3A_163] : memref<10016xf32, #tpu.memory_space<vmem>>[vector<16xi32>], vector<16xf32>,
      %get3A_164 = arith.constant 2 : i32
      %get3A_165 = arith.index_cast %get3A_164 : i32 to index
      %get3A_166 = arith.constant 0 : index
      %get3A_167 = tpu.vector_load %arg7[%get3A_165, %get3A_166] {strides = array<i32>} : memref<3x96xi32, #tpu.memory_space<vmem>>, vector<16xi32>,
      %bitcast3A = vector.bitcast %get3A_167 : vector<16xi32> to vector<16xf32>
      %sub3A = arith.subf %bitcast3A, %gather3A : vector<16xf32>
      %exp3A = math.exp %sub3A : vector<16xf32>
      %swap3A_168 = arith.constant 0 : index
      %swap3A_169 = tpu.vector_load %arg13[%swap3A_168] {strides = array<i32>} : memref<96xf32, #tpu.memory_space<vmem>>, vector<16xf32>,
      tpu.vector_store %arg13[%swap3A_168], %exp3A {strides = array<i32>} : memref<96xf32, #tpu.memory_space<vmem>>, vector<16xf32>,
      tpu.vector_store_idx %arg12[%get3A_163], %exp3A {add = true} : memref<10016xf32, #tpu.memory_space<vmem>>[vector<16xi32>], vector<16xf32>,
      %get3A_170 = arith.constant 0 : i32
      %get3A_171 = arith.index_cast %get3A_170 : i32 to index
      %get3A_172 = arith.constant 16 : index
      %get3A_173 = tpu.vector_load %arg7[%get3A_171, %get3A_172] {strides = array<i32>} : memref<3x96xi32, #tpu.memory_space<vmem>>, vector<16xi32>,
      %gather3A_174 = tpu.vector_load_idx %arg11[%get3A_173] : memref<10016xf32, #tpu.memory_space<vmem>>[vector<16xi32>], vector<16xf32>,
      %get3A_175 = arith.constant 2 : i32
      %get3A_176 = arith.index_cast %get3A_175 : i32 to index
      %get3A_177 = arith.constant 16 : index
      %get3A_178 = tpu.vector_load %arg7[%get3A_176, %get3A_177] {strides = array<i32>} : memref<3x96xi32, #tpu.memory_space<vmem>>, vector<16xi32>,
      %bitcast3A_179 = vector.bitcast %get3A_178 : vector<16xi32> to vector<16xf32>
      %sub3A_180 = arith.subf %bitcast3A_179, %gather3A_174 : vector<16xf32>
      %exp3A_181 = math.exp %sub3A_180 : vector<16xf32>
      %swap3A_182 = arith.constant 16 : index
      %swap3A_183 = tpu.vector_load %arg13[%swap3A_182] {strides = array<i32>} : memref<96xf32, #tpu.memory_space<vmem>>, vector<16xf32>,
      tpu.vector_store %arg13[%swap3A_182], %exp3A_181 {strides = array<i32>} : memref<96xf32, #tpu.memory_space<vmem>>, vector<16xf32>,
      tpu.vector_store_idx %arg12[%get3A_173], %exp3A_181 {add = true} : memref<10016xf32, #tpu.memory_space<vmem>>[vector<16xi32>], vector<16xf32>,
      %get3A_184 = arith.constant 0 : i32
      %get3A_185 = arith.index_cast %get3A_184 : i32 to index
      %get3A_186 = arith.constant 32 : index
      %get3A_187 = tpu.vector_load %arg7[%get3A_185, %get3A_186] {strides = array<i32>} : memref<3x96xi32, #tpu.memory_space<vmem>>, vector<16xi32>,
      %gather3A_188 = tpu.vector_load_idx %arg11[%get3A_187] : memref<10016xf32, #tpu.memory_space<vmem>>[vector<16xi32>], vector<16xf32>,
      %get3A_189 = arith.constant 2 : i32
      %get3A_190 = arith.index_cast %get3A_189 : i32 to index
      %get3A_191 = arith.constant 32 : index
      %get3A_192 = tpu.vector_load %arg7[%get3A_190, %get3A_191] {strides = array<i32>} : memref<3x96xi32, #tpu.memory_space<vmem>>, vector<16xi32>,
      %bitcast3A_193 = vector.bitcast %get3A_192 : vector<16xi32> to vector<16xf32>
      %sub3A_194 = arith.subf %bitcast3A_193, %gather3A_188 : vector<16xf32>
      %exp3A_195 = math.exp %sub3A_194 : vector<16xf32>
      %swap3A_196 = arith.constant 32 : index
      %swap3A_197 = tpu.vector_load %arg13[%swap3A_196] {strides = array<i32>} : memref<96xf32, #tpu.memory_space<vmem>>, vector<16xf32>,
      tpu.vector_store %arg13[%swap3A_196], %exp3A_195 {strides = array<i32>} : memref<96xf32, #tpu.memory_space<vmem>>, vector<16xf32>,
      tpu.vector_store_idx %arg12[%get3A_187], %exp3A_195 {add = true} : memref<10016xf32, #tpu.memory_space<vmem>>[vector<16xi32>], vector<16xf32>,
      %get3A_198 = arith.constant 0 : i32
      %get3A_199 = arith.index_cast %get3A_198 : i32 to index
      %get3A_200 = arith.constant 48 : index
      %get3A_201 = tpu.vector_load %arg7[%get3A_199, %get3A_200] {strides = array<i32>} : memref<3x96xi32, #tpu.memory_space<vmem>>, vector<16xi32>,
      %gather3A_202 = tpu.vector_load_idx %arg11[%get3A_201] : memref<10016xf32, #tpu.memory_space<vmem>>[vector<16xi32>], vector<16xf32>,
      %get3A_203 = arith.constant 2 : i32
      %get3A_204 = arith.index_cast %get3A_203 : i32 to index
      %get3A_205 = arith.constant 48 : index
      %get3A_206 = tpu.vector_load %arg7[%get3A_204, %get3A_205] {strides = array<i32>} : memref<3x96xi32, #tpu.memory_space<vmem>>, vector<16xi32>,
      %bitcast3A_207 = vector.bitcast %get3A_206 : vector<16xi32> to vector<16xf32>
      %sub3A_208 = arith.subf %bitcast3A_207, %gather3A_202 : vector<16xf32>
      %exp3A_209 = math.exp %sub3A_208 : vector<16xf32>
      %swap3A_210 = arith.constant 48 : index
      %swap3A_211 = tpu.vector_load %arg13[%swap3A_210] {strides = array<i32>} : memref<96xf32, #tpu.memory_space<vmem>>, vector<16xf32>,
      tpu.vector_store %arg13[%swap3A_210], %exp3A_209 {strides = array<i32>} : memref<96xf32, #tpu.memory_space<vmem>>, vector<16xf32>,
      tpu.vector_store_idx %arg12[%get3A_201], %exp3A_209 {add = true} : memref<10016xf32, #tpu.memory_space<vmem>>[vector<16xi32>], vector<16xf32>,
      %get3A_212 = arith.constant 0 : i32
      %get3A_213 = arith.index_cast %get3A_212 : i32 to index
      %get3A_214 = arith.constant 64 : index
      %get3A_215 = tpu.vector_load %arg7[%get3A_213, %get3A_214] {strides = array<i32>} : memref<3x96xi32, #tpu.memory_space<vmem>>, vector<16xi32>,
      %gather3A_216 = tpu.vector_load_idx %arg11[%get3A_215] : memref<10016xf32, #tpu.memory_space<vmem>>[vector<16xi32>], vector<16xf32>,
      %get3A_217 = arith.constant 2 : i32
      %get3A_218 = arith.index_cast %get3A_217 : i32 to index
      %get3A_219 = arith.constant 64 : index
      %get3A_220 = tpu.vector_load %arg7[%get3A_218, %get3A_219] {strides = array<i32>} : memref<3x96xi32, #tpu.memory_space<vmem>>, vector<16xi32>,
      %bitcast3A_221 = vector.bitcast %get3A_220 : vector<16xi32> to vector<16xf32>
      %sub3A_222 = arith.subf %bitcast3A_221, %gather3A_216 : vector<16xf32>
      %exp3A_223 = math.exp %sub3A_222 : vector<16xf32>
      %swap3A_224 = arith.constant 64 : index
      %swap3A_225 = tpu.vector_load %arg13[%swap3A_224] {strides = array<i32>} : memref<96xf32, #tpu.memory_space<vmem>>, vector<16xf32>,
      tpu.vector_store %arg13[%swap3A_224], %exp3A_223 {strides = array<i32>} : memref<96xf32, #tpu.memory_space<vmem>>, vector<16xf32>,
      tpu.vector_store_idx %arg12[%get3A_215], %exp3A_223 {add = true} : memref<10016xf32, #tpu.memory_space<vmem>>[vector<16xi32>], vector<16xf32>,
      %get3A_226 = arith.constant 0 : i32
      %get3A_227 = arith.index_cast %get3A_226 : i32 to index
      %get3A_228 = arith.constant 80 : index
      %get3A_229 = tpu.vector_load %arg7[%get3A_227, %get3A_228] {strides = array<i32>} : memref<3x96xi32, #tpu.memory_space<vmem>>, vector<16xi32>,
      %gather3A_230 = tpu.vector_load_idx %arg11[%get3A_229] : memref<10016xf32, #tpu.memory_space<vmem>>[vector<16xi32>], vector<16xf32>,
      %get3A_231 = arith.constant 2 : i32
      %get3A_232 = arith.index_cast %get3A_231 : i32 to index
      %get3A_233 = arith.constant 80 : index
      %get3A_234 = tpu.vector_load %arg7[%get3A_232, %get3A_233] {strides = array<i32>} : memref<3x96xi32, #tpu.memory_space<vmem>>, vector<16xi32>,
      %bitcast3A_235 = vector.bitcast %get3A_234 : vector<16xi32> to vector<16xf32>
      %sub3A_236 = arith.subf %bitcast3A_235, %gather3A_230 : vector<16xf32>
      %exp3A_237 = math.exp %sub3A_236 : vector<16xf32>
      %swap3A_238 = arith.constant 80 : index
      %swap3A_239 = tpu.vector_load %arg13[%swap3A_238] {strides = array<i32>} : memref<96xf32, #tpu.memory_space<vmem>>, vector<16xf32>,
      tpu.vector_store %arg13[%swap3A_238], %exp3A_237 {strides = array<i32>} : memref<96xf32, #tpu.memory_space<vmem>>, vector<16xf32>,
      tpu.vector_store_idx %arg12[%get3A_229], %exp3A_237 {add = true} : memref<10016xf32, #tpu.memory_space<vmem>>[vector<16xi32>], vector<16xf32>,
      %scan3A_240 = arith.constant 0 : i32
      %scan3A_241 = arith.constant 96 : i32
      %scan3A_242 = arith.addi %scan3A_240, %scan3A_241 : i32
      %scan3A_243 = arith.constant 1 : i32
      scf.for %scan3A_346 = %scan3A_240 to %scan3A_242 step %scan3A_243  : i32 {
        %mul3A_347 = arith.constant 1 : i32
        %mul3A_348 = arith.muli %scan3A_346, %mul3A_347 : i32
        %add3A_349 = arith.constant 0 : i32
        %add3A_350 = arith.addi %add3A_349, %mul3A_348 : i32
        %broadcast_in_dim3A = arith.constant 0 : i32
        %broadcast_in_dim3A_351 = vector.broadcast %broadcast_in_dim3A : i32 to vector<16xi32>
        %add3A_352 = vector.broadcast %add3A_350 : i32 to vector<16xi32>
        %add3A_353 = arith.addi %broadcast_in_dim3A_351, %add3A_352 : vector<16xi32>
        %gather3A_354 = tpu.vector_load_idx %arg13[%add3A_353] : memref<96xf32, #tpu.memory_space<vmem>>[vector<16xi32>], vector<16xf32>,
        %get3A_355 = arith.index_cast %add3A_350 : i32 to index
        %get3A_356 = arith.constant 0 : index
        %get3A_357 = tpu.vector_load %arg14[%get3A_355, %get3A_356] {strides = array<i32>} : memref<96x128xf32, #tpu.memory_space<vmem>>, vector<16xf32>,
        %mul3A_358 = arith.mulf %get3A_357, %gather3A_354 : vector<16xf32>
        %swap3A_359 = arith.index_cast %add3A_350 : i32 to index
        %swap3A_360 = arith.constant 0 : index
        %swap3A_361 = tpu.vector_load %arg14[%swap3A_359, %swap3A_360] {strides = array<i32>} : memref<96x128xf32, #tpu.memory_space<vmem>>, vector<16xf32>,
        tpu.vector_store %arg14[%swap3A_359, %swap3A_360], %mul3A_358 {strides = array<i32>} : memref<96x128xf32, #tpu.memory_space<vmem>>, vector<16xf32>,
        %get3A_362 = arith.index_cast %add3A_350 : i32 to index
        %get3A_363 = arith.constant 16 : index
        %get3A_364 = tpu.vector_load %arg14[%get3A_362, %get3A_363] {strides = array<i32>} : memref<96x128xf32, #tpu.memory_space<vmem>>, vector<16xf32>,
        %mul3A_365 = arith.mulf %get3A_364, %gather3A_354 : vector<16xf32>
        %swap3A_366 = arith.index_cast %add3A_350 : i32 to index
        %swap3A_367 = arith.constant 16 : index
        %swap3A_368 = tpu.vector_load %arg14[%swap3A_366, %swap3A_367] {strides = array<i32>} : memref<96x128xf32, #tpu.memory_space<vmem>>, vector<16xf32>,
        tpu.vector_store %arg14[%swap3A_366, %swap3A_367], %mul3A_365 {strides = array<i32>} : memref<96x128xf32, #tpu.memory_space<vmem>>, vector<16xf32>,
        %get3A_369 = arith.index_cast %add3A_350 : i32 to index
        %get3A_370 = arith.constant 32 : index
        %get3A_371 = tpu.vector_load %arg14[%get3A_369, %get3A_370] {strides = array<i32>} : memref<96x128xf32, #tpu.memory_space<vmem>>, vector<16xf32>,
        %mul3A_372 = arith.mulf %get3A_371, %gather3A_354 : vector<16xf32>
        %swap3A_373 = arith.index_cast %add3A_350 : i32 to index
        %swap3A_374 = arith.constant 32 : index
        %swap3A_375 = tpu.vector_load %arg14[%swap3A_373, %swap3A_374] {strides = array<i32>} : memref<96x128xf32, #tpu.memory_space<vmem>>, vector<16xf32>,
        tpu.vector_store %arg14[%swap3A_373, %swap3A_374], %mul3A_372 {strides = array<i32>} : memref<96x128xf32, #tpu.memory_space<vmem>>, vector<16xf32>,
        %get3A_376 = arith.index_cast %add3A_350 : i32 to index
        %get3A_377 = arith.constant 48 : index
        %get3A_378 = tpu.vector_load %arg14[%get3A_376, %get3A_377] {strides = array<i32>} : memref<96x128xf32, #tpu.memory_space<vmem>>, vector<16xf32>,
        %mul3A_379 = arith.mulf %get3A_378, %gather3A_354 : vector<16xf32>
        %swap3A_380 = arith.index_cast %add3A_350 : i32 to index
        %swap3A_381 = arith.constant 48 : index
        %swap3A_382 = tpu.vector_load %arg14[%swap3A_380, %swap3A_381] {strides = array<i32>} : memref<96x128xf32, #tpu.memory_space<vmem>>, vector<16xf32>,
        tpu.vector_store %arg14[%swap3A_380, %swap3A_381], %mul3A_379 {strides = array<i32>} : memref<96x128xf32, #tpu.memory_space<vmem>>, vector<16xf32>,
        %get3A_383 = arith.index_cast %add3A_350 : i32 to index
        %get3A_384 = arith.constant 64 : index
        %get3A_385 = tpu.vector_load %arg14[%get3A_383, %get3A_384] {strides = array<i32>} : memref<96x128xf32, #tpu.memory_space<vmem>>, vector<16xf32>,
        %mul3A_386 = arith.mulf %get3A_385, %gather3A_354 : vector<16xf32>
        %swap3A_387 = arith.index_cast %add3A_350 : i32 to index
        %swap3A_388 = arith.constant 64 : index
        %swap3A_389 = tpu.vector_load %arg14[%swap3A_387, %swap3A_388] {strides = array<i32>} : memref<96x128xf32, #tpu.memory_space<vmem>>, vector<16xf32>,
        tpu.vector_store %arg14[%swap3A_387, %swap3A_388], %mul3A_386 {strides = array<i32>} : memref<96x128xf32, #tpu.memory_space<vmem>>, vector<16xf32>,
        %get3A_390 = arith.index_cast %add3A_350 : i32 to index
        %get3A_391 = arith.constant 80 : index
        %get3A_392 = tpu.vector_load %arg14[%get3A_390, %get3A_391] {strides = array<i32>} : memref<96x128xf32, #tpu.memory_space<vmem>>, vector<16xf32>,
        %mul3A_393 = arith.mulf %get3A_392, %gather3A_354 : vector<16xf32>
        %swap3A_394 = arith.index_cast %add3A_350 : i32 to index
        %swap3A_395 = arith.constant 80 : index
        %swap3A_396 = tpu.vector_load %arg14[%swap3A_394, %swap3A_395] {strides = array<i32>} : memref<96x128xf32, #tpu.memory_space<vmem>>, vector<16xf32>,
        tpu.vector_store %arg14[%swap3A_394, %swap3A_395], %mul3A_393 {strides = array<i32>} : memref<96x128xf32, #tpu.memory_space<vmem>>, vector<16xf32>,
        %get3A_397 = arith.index_cast %add3A_350 : i32 to index
        %get3A_398 = arith.constant 96 : index
        %get3A_399 = tpu.vector_load %arg14[%get3A_397, %get3A_398] {strides = array<i32>} : memref<96x128xf32, #tpu.memory_space<vmem>>, vector<16xf32>,
        %mul3A_400 = arith.mulf %get3A_399, %gather3A_354 : vector<16xf32>
        %swap3A_401 = arith.index_cast %add3A_350 : i32 to index
        %swap3A_402 = arith.constant 96 : index
        %swap3A_403 = tpu.vector_load %arg14[%swap3A_401, %swap3A_402] {strides = array<i32>} : memref<96x128xf32, #tpu.memory_space<vmem>>, vector<16xf32>,
        tpu.vector_store %arg14[%swap3A_401, %swap3A_402], %mul3A_400 {strides = array<i32>} : memref<96x128xf32, #tpu.memory_space<vmem>>, vector<16xf32>,
        %get3A_404 = arith.index_cast %add3A_350 : i32 to index
        %get3A_405 = arith.constant 112 : index
        %get3A_406 = tpu.vector_load %arg14[%get3A_404, %get3A_405] {strides = array<i32>} : memref<96x128xf32, #tpu.memory_space<vmem>>, vector<16xf32>,
        %mul3A_407 = arith.mulf %get3A_406, %gather3A_354 : vector<16xf32>
        %swap3A_408 = arith.index_cast %add3A_350 : i32 to index
        %swap3A_409 = arith.constant 112 : index
        %swap3A_410 = tpu.vector_load %arg14[%swap3A_408, %swap3A_409] {strides = array<i32>} : memref<96x128xf32, #tpu.memory_space<vmem>>, vector<16xf32>,
        tpu.vector_store %arg14[%swap3A_408, %swap3A_409], %mul3A_407 {strides = array<i32>} : memref<96x128xf32, #tpu.memory_space<vmem>>, vector<16xf32>,
      }
      %scan3A_244 = arith.constant 96 : i32
      %run_scoped3A_245 = arith.constant 0 : i32
      "tpu.region"() ({
        %run_scoped3A_346 = tpu.sem_alloc : memref<!tpu.dma_semaphore, #tpu.memory_space<semaphore_mem>>
        %dma_start3A_347 = arith.constant 0 : i32
        %dma_start3A_348 = tpu.memref_slice %arg7[%run_scoped3A_245, %dma_start3A_347] : memref<3x96xi32, #tpu.memory_space<vmem>> -> memref<1x96xi32, #tpu.memory_space<vmem>>
        %dma_start3A_349 = tpu.memref_squeeze %dma_start3A_348 : memref<1x96xi32, #tpu.memory_space<vmem>> -> memref<96xi32, #tpu.memory_space<vmem>>
        %dma_start3A_350 = arith.constant 0 : i32
        %dma_start3A_351 = arith.constant 0 : i32
        %dma_start3A_352 = tpu.memref_slice %arg16[%dma_start3A_350, %dma_start3A_351] : memref<10240x128xf32, #tpu.memory_space<vmem_shared>> -> memref<10240x128xf32, #tpu.memory_space<vmem_shared>>
        tpu.enqueue_indirect_dma source(%arg14 : memref<96x128xf32, #tpu.memory_space<vmem>>) target(%dma_start3A_352 : memref<10240x128xf32, #tpu.memory_space<vmem_shared>>) offsets(%dma_start3A_349 : memref<96xi32, #tpu.memory_space<vmem>>) semaphore(%run_scoped3A_346 : memref<!tpu.dma_semaphore, #tpu.memory_space<semaphore_mem>>) {add = true}
        %dma_wait3A_353 = arith.constant 0 : i32
        %dma_wait3A_354 = tpu.memref_slice %arg7[%run_scoped3A_245, %dma_wait3A_353] : memref<3x96xi32, #tpu.memory_space<vmem>> -> memref<1x96xi32, #tpu.memory_space<vmem>>
        %dma_wait3A_355 = tpu.memref_squeeze %dma_wait3A_354 : memref<1x96xi32, #tpu.memory_space<vmem>> -> memref<96xi32, #tpu.memory_space<vmem>>
        %dma_wait3A_356 = arith.constant 0 : i32
        %dma_wait3A_357 = arith.constant 0 : i32
        %dma_wait3A_358 = tpu.memref_slice %arg16[%dma_wait3A_356, %dma_wait3A_357] : memref<10240x128xf32, #tpu.memory_space<vmem_shared>> -> memref<10240x128xf32, #tpu.memory_space<vmem_shared>>
        tpu.wait_indirect_dma semaphore(%run_scoped3A_346 : memref<!tpu.dma_semaphore, #tpu.memory_space<semaphore_mem>>) src(%arg14 : memref<96x128xf32, #tpu.memory_space<vmem>>) dst(%dma_wait3A_358 : memref<10240x128xf32, #tpu.memory_space<vmem_shared>>)
        tpu.yield
      }) : () -> ()
      %lt3A = arith.constant 52 : i32
      %lt3A_246 = arith.cmpi slt, %add3A_157, %lt3A : i32
      %convert_element_type3A = arith.extui %lt3A_246 : i1 to i32
      %cond3A = arith.constant 0 : i32
      %cond3A_247 = arith.cmpi ne, %convert_element_type3A, %cond3A : i32
      scf.if %cond3A_247 {
        %mul3A_346 = arith.constant 2 : i32
        %mul3A_347 = arith.muli %mul3A_346, %add3A_157 : i32
        %add3A_348 = arith.constant 2 : i32
        %add3A_349 = arith.addi %mul3A_347, %add3A_348 : i32
        "tpu.region"() ({
          %run_scoped3A_401 = tpu.sem_alloc : memref<!tpu.dma_semaphore, #tpu.memory_space<semaphore_mem>>
          %dma_start3A_402 = arith.constant 0 : i32
          %dma_start3A_403 = arith.constant 0 : i32
          %dma_start3A_404 = tpu.memref_slice %arg3[%arg1, %add3A_349, %dma_start3A_402, %dma_start3A_403] : memref<16x106x3x96xi32, #tpu.memory_space<hbm>> -> memref<1x1x3x96xi32, #tpu.memory_space<hbm>>
          %dma_start3A_405 = tpu.memref_squeeze %dma_start3A_404 : memref<1x1x3x96xi32, #tpu.memory_space<hbm>> -> memref<3x96xi32, #tpu.memory_space<hbm>>
          %dma_start3A_406 = arith.constant 0 : i32
          %dma_start3A_407 = arith.constant 0 : i32
          %dma_start3A_408 = tpu.memref_slice %arg3[%arg1, %add3A_349, %dma_start3A_406, %dma_start3A_407] : memref<16x106x3x96xi32, #tpu.memory_space<hbm>> -> memref<1x1x3x96xi32, #tpu.memory_space<hbm>>
          %dma_start3A_409 = tpu.memref_squeeze %dma_start3A_408 : memref<1x1x3x96xi32, #tpu.memory_space<hbm>> -> memref<3x96xi32, #tpu.memory_space<hbm>>
          tpu.enqueue_dma source(%dma_start3A_409 : memref<3x96xi32, #tpu.memory_space<hbm>>) target(%arg7 : memref<3x96xi32, #tpu.memory_space<vmem>>) target_semaphore(%run_scoped3A_401 : memref<!tpu.dma_semaphore, #tpu.memory_space<semaphore_mem>>)
          %dma_wait3A_410 = arith.constant 0 : i32
          %dma_wait3A_411 = arith.constant 0 : i32
          %dma_wait3A_412 = tpu.memref_slice %arg3[%arg1, %add3A_349, %dma_wait3A_410, %dma_wait3A_411] : memref<16x106x3x96xi32, #tpu.memory_space<hbm>> -> memref<1x1x3x96xi32, #tpu.memory_space<hbm>>
          %dma_wait3A_413 = tpu.memref_squeeze %dma_wait3A_412 : memref<1x1x3x96xi32, #tpu.memory_space<hbm>> -> memref<3x96xi32, #tpu.memory_space<hbm>>
          %dma_wait3A_414 = arith.constant 0 : i32
          %dma_wait3A_415 = arith.constant 0 : i32
          %dma_wait3A_416 = tpu.memref_slice %arg3[%arg1, %add3A_349, %dma_wait3A_414, %dma_wait3A_415] : memref<16x106x3x96xi32, #tpu.memory_space<hbm>> -> memref<1x1x3x96xi32, #tpu.memory_space<hbm>>
          %dma_wait3A_417 = tpu.memref_squeeze %dma_wait3A_416 : memref<1x1x3x96xi32, #tpu.memory_space<hbm>> -> memref<3x96xi32, #tpu.memory_space<hbm>>
          tpu.wait_dma2 semaphore(%run_scoped3A_401 : memref<!tpu.dma_semaphore, #tpu.memory_space<semaphore_mem>>) src(%dma_wait3A_417 : memref<3x96xi32, #tpu.memory_space<hbm>>) dst(%arg7 : memref<3x96xi32, #tpu.memory_space<vmem>>)
          tpu.yield
        }) : () -> ()
        %get3A_350 = arith.constant 1 : i32
        %get3A_351 = arith.index_cast %get3A_350 : i32 to index
        %get3A_352 = arith.constant 0 : index
        %get3A_353 = tpu.vector_load %arg7[%get3A_351, %get3A_352] {strides = array<i32>} : memref<3x96xi32, #tpu.memory_space<vmem>>, vector<16xi32>,
        %add3A_354 = vector.broadcast %arg0 : i32 to vector<16xi32>
        %add3A_355 = arith.addi %get3A_353, %add3A_354 : vector<16xi32>
        %swap3A_356 = arith.constant 0 : index
        %swap3A_357 = tpu.vector_load %arg9[%swap3A_356] {strides = array<i32>} : memref<96xi32, #tpu.memory_space<vmem>>, vector<16xi32>,
        tpu.vector_store %arg9[%swap3A_356], %add3A_355 {strides = array<i32>} : memref<96xi32, #tpu.memory_space<vmem>>, vector<16xi32>,
        %get3A_358 = arith.constant 1 : i32
        %get3A_359 = arith.index_cast %get3A_358 : i32 to index
        %get3A_360 = arith.constant 16 : index
        %get3A_361 = tpu.vector_load %arg7[%get3A_359, %get3A_360] {strides = array<i32>} : memref<3x96xi32, #tpu.memory_space<vmem>>, vector<16xi32>,
        %add3A_362 = vector.broadcast %arg0 : i32 to vector<16xi32>
        %add3A_363 = arith.addi %get3A_361, %add3A_362 : vector<16xi32>
        %swap3A_364 = arith.constant 16 : index
        %swap3A_365 = tpu.vector_load %arg9[%swap3A_364] {strides = array<i32>} : memref<96xi32, #tpu.memory_space<vmem>>, vector<16xi32>,
        tpu.vector_store %arg9[%swap3A_364], %add3A_363 {strides = array<i32>} : memref<96xi32, #tpu.memory_space<vmem>>, vector<16xi32>,
        %get3A_366 = arith.constant 1 : i32
        %get3A_367 = arith.index_cast %get3A_366 : i32 to index
        %get3A_368 = arith.constant 32 : index
        %get3A_369 = tpu.vector_load %arg7[%get3A_367, %get3A_368] {strides = array<i32>} : memref<3x96xi32, #tpu.memory_space<vmem>>, vector<16xi32>,
        %add3A_370 = vector.broadcast %arg0 : i32 to vector<16xi32>
        %add3A_371 = arith.addi %get3A_369, %add3A_370 : vector<16xi32>
        %swap3A_372 = arith.constant 32 : index
        %swap3A_373 = tpu.vector_load %arg9[%swap3A_372] {strides = array<i32>} : memref<96xi32, #tpu.memory_space<vmem>>, vector<16xi32>,
        tpu.vector_store %arg9[%swap3A_372], %add3A_371 {strides = array<i32>} : memref<96xi32, #tpu.memory_space<vmem>>, vector<16xi32>,
        %get3A_374 = arith.constant 1 : i32
        %get3A_375 = arith.index_cast %get3A_374 : i32 to index
        %get3A_376 = arith.constant 48 : index
        %get3A_377 = tpu.vector_load %arg7[%get3A_375, %get3A_376] {strides = array<i32>} : memref<3x96xi32, #tpu.memory_space<vmem>>, vector<16xi32>,
        %add3A_378 = vector.broadcast %arg0 : i32 to vector<16xi32>
        %add3A_379 = arith.addi %get3A_377, %add3A_378 : vector<16xi32>
        %swap3A_380 = arith.constant 48 : index
        %swap3A_381 = tpu.vector_load %arg9[%swap3A_380] {strides = array<i32>} : memref<96xi32, #tpu.memory_space<vmem>>, vector<16xi32>,
        tpu.vector_store %arg9[%swap3A_380], %add3A_379 {strides = array<i32>} : memref<96xi32, #tpu.memory_space<vmem>>, vector<16xi32>,
        %get3A_382 = arith.constant 1 : i32
        %get3A_383 = arith.index_cast %get3A_382 : i32 to index
        %get3A_384 = arith.constant 64 : index
        %get3A_385 = tpu.vector_load %arg7[%get3A_383, %get3A_384] {strides = array<i32>} : memref<3x96xi32, #tpu.memory_space<vmem>>, vector<16xi32>,
        %add3A_386 = vector.broadcast %arg0 : i32 to vector<16xi32>
        %add3A_387 = arith.addi %get3A_385, %add3A_386 : vector<16xi32>
        %swap3A_388 = arith.constant 64 : index
        %swap3A_389 = tpu.vector_load %arg9[%swap3A_388] {strides = array<i32>} : memref<96xi32, #tpu.memory_space<vmem>>, vector<16xi32>,
        tpu.vector_store %arg9[%swap3A_388], %add3A_387 {strides = array<i32>} : memref<96xi32, #tpu.memory_space<vmem>>, vector<16xi32>,
        %get3A_390 = arith.constant 1 : i32
        %get3A_391 = arith.index_cast %get3A_390 : i32 to index
        %get3A_392 = arith.constant 80 : index
        %get3A_393 = tpu.vector_load %arg7[%get3A_391, %get3A_392] {strides = array<i32>} : memref<3x96xi32, #tpu.memory_space<vmem>>, vector<16xi32>,
        %add3A_394 = vector.broadcast %arg0 : i32 to vector<16xi32>
        %add3A_395 = arith.addi %get3A_393, %add3A_394 : vector<16xi32>
        %swap3A_396 = arith.constant 80 : index
        %swap3A_397 = tpu.vector_load %arg9[%swap3A_396] {strides = array<i32>} : memref<96xi32, #tpu.memory_space<vmem>>, vector<16xi32>,
        tpu.vector_store %arg9[%swap3A_396], %add3A_395 {strides = array<i32>} : memref<96xi32, #tpu.memory_space<vmem>>, vector<16xi32>,
        %dma_start3A_398 = arith.constant 0 : i32
        %dma_start3A_399 = arith.constant 0 : i32
        %dma_start3A_400 = tpu.memref_slice %arg2[%dma_start3A_398, %dma_start3A_399] : memref<20002x128xf32, #tpu.memory_space<hbm>> -> memref<20002x128xf32, #tpu.memory_space<hbm>>
        tpu.enqueue_indirect_dma source(%dma_start3A_400 : memref<20002x128xf32, #tpu.memory_space<hbm>>) target(%arg14 : memref<96x128xf32, #tpu.memory_space<vmem>>) offsets(%arg9 : memref<96xi32, #tpu.memory_space<vmem>>) semaphore(%arg17 : memref<!tpu.dma_semaphore, #tpu.memory_space<semaphore_mem>>)
      } else {
      }
      %dma_wait3A_248 = arith.constant 0 : i32
      %dma_wait3A_249 = arith.constant 0 : i32
      %dma_wait3A_250 = tpu.memref_slice %arg2[%dma_wait3A_248, %dma_wait3A_249] : memref<20002x128xf32, #tpu.memory_space<hbm>> -> memref<20002x128xf32, #tpu.memory_space<hbm>>
      tpu.wait_indirect_dma semaphore(%arg18 : memref<!tpu.dma_semaphore, #tpu.memory_space<semaphore_mem>>) src(%dma_wait3A_250 : memref<20002x128xf32, #tpu.memory_space<hbm>>) dst(%arg15 : memref<96x128xf32, #tpu.memory_space<vmem>>)
      %get3A_251 = arith.constant 0 : i32
      %get3A_252 = arith.index_cast %get3A_251 : i32 to index
      %get3A_253 = arith.constant 0 : index
      %get3A_254 = tpu.vector_load %arg8[%get3A_252, %get3A_253] {strides = array<i32>} : memref<3x96xi32, #tpu.memory_space<vmem>>, vector<16xi32>,
      %gather3A_255 = tpu.vector_load_idx %arg11[%get3A_254] : memref<10016xf32, #tpu.memory_space<vmem>>[vector<16xi32>], vector<16xf32>,
      %get3A_256 = arith.constant 2 : i32
      %get3A_257 = arith.index_cast %get3A_256 : i32 to index
      %get3A_258 = arith.constant 0 : index
      %get3A_259 = tpu.vector_load %arg8[%get3A_257, %get3A_258] {strides = array<i32>} : memref<3x96xi32, #tpu.memory_space<vmem>>, vector<16xi32>,
      %bitcast3A_260 = vector.bitcast %get3A_259 : vector<16xi32> to vector<16xf32>
      %sub3A_261 = arith.subf %bitcast3A_260, %gather3A_255 : vector<16xf32>
      %exp3A_262 = math.exp %sub3A_261 : vector<16xf32>
      %swap3A_263 = arith.constant 0 : index
      %swap3A_264 = tpu.vector_load %arg13[%swap3A_263] {strides = array<i32>} : memref<96xf32, #tpu.memory_space<vmem>>, vector<16xf32>,
      tpu.vector_store %arg13[%swap3A_263], %exp3A_262 {strides = array<i32>} : memref<96xf32, #tpu.memory_space<vmem>>, vector<16xf32>,
      tpu.vector_store_idx %arg12[%get3A_254], %exp3A_262 {add = true} : memref<10016xf32, #tpu.memory_space<vmem>>[vector<16xi32>], vector<16xf32>,
      %get3A_265 = arith.constant 0 : i32
      %get3A_266 = arith.index_cast %get3A_265 : i32 to index
      %get3A_267 = arith.constant 16 : index
      %get3A_268 = tpu.vector_load %arg8[%get3A_266, %get3A_267] {strides = array<i32>} : memref<3x96xi32, #tpu.memory_space<vmem>>, vector<16xi32>,
      %gather3A_269 = tpu.vector_load_idx %arg11[%get3A_268] : memref<10016xf32, #tpu.memory_space<vmem>>[vector<16xi32>], vector<16xf32>,
      %get3A_270 = arith.constant 2 : i32
      %get3A_271 = arith.index_cast %get3A_270 : i32 to index
      %get3A_272 = arith.constant 16 : index
      %get3A_273 = tpu.vector_load %arg8[%get3A_271, %get3A_272] {strides = array<i32>} : memref<3x96xi32, #tpu.memory_space<vmem>>, vector<16xi32>,
      %bitcast3A_274 = vector.bitcast %get3A_273 : vector<16xi32> to vector<16xf32>
      %sub3A_275 = arith.subf %bitcast3A_274, %gather3A_269 : vector<16xf32>
      %exp3A_276 = math.exp %sub3A_275 : vector<16xf32>
      %swap3A_277 = arith.constant 16 : index
      %swap3A_278 = tpu.vector_load %arg13[%swap3A_277] {strides = array<i32>} : memref<96xf32, #tpu.memory_space<vmem>>, vector<16xf32>,
      tpu.vector_store %arg13[%swap3A_277], %exp3A_276 {strides = array<i32>} : memref<96xf32, #tpu.memory_space<vmem>>, vector<16xf32>,
      tpu.vector_store_idx %arg12[%get3A_268], %exp3A_276 {add = true} : memref<10016xf32, #tpu.memory_space<vmem>>[vector<16xi32>], vector<16xf32>,
      %get3A_279 = arith.constant 0 : i32
      %get3A_280 = arith.index_cast %get3A_279 : i32 to index
      %get3A_281 = arith.constant 32 : index
      %get3A_282 = tpu.vector_load %arg8[%get3A_280, %get3A_281] {strides = array<i32>} : memref<3x96xi32, #tpu.memory_space<vmem>>, vector<16xi32>,
      %gather3A_283 = tpu.vector_load_idx %arg11[%get3A_282] : memref<10016xf32, #tpu.memory_space<vmem>>[vector<16xi32>], vector<16xf32>,
      %get3A_284 = arith.constant 2 : i32
      %get3A_285 = arith.index_cast %get3A_284 : i32 to index
      %get3A_286 = arith.constant 32 : index
      %get3A_287 = tpu.vector_load %arg8[%get3A_285, %get3A_286] {strides = array<i32>} : memref<3x96xi32, #tpu.memory_space<vmem>>, vector<16xi32>,
      %bitcast3A_288 = vector.bitcast %get3A_287 : vector<16xi32> to vector<16xf32>
      %sub3A_289 = arith.subf %bitcast3A_288, %gather3A_283 : vector<16xf32>
      %exp3A_290 = math.exp %sub3A_289 : vector<16xf32>
      %swap3A_291 = arith.constant 32 : index
      %swap3A_292 = tpu.vector_load %arg13[%swap3A_291] {strides = array<i32>} : memref<96xf32, #tpu.memory_space<vmem>>, vector<16xf32>,
      tpu.vector_store %arg13[%swap3A_291], %exp3A_290 {strides = array<i32>} : memref<96xf32, #tpu.memory_space<vmem>>, vector<16xf32>,
      tpu.vector_store_idx %arg12[%get3A_282], %exp3A_290 {add = true} : memref<10016xf32, #tpu.memory_space<vmem>>[vector<16xi32>], vector<16xf32>,
      %get3A_293 = arith.constant 0 : i32
      %get3A_294 = arith.index_cast %get3A_293 : i32 to index
      %get3A_295 = arith.constant 48 : index
      %get3A_296 = tpu.vector_load %arg8[%get3A_294, %get3A_295] {strides = array<i32>} : memref<3x96xi32, #tpu.memory_space<vmem>>, vector<16xi32>,
      %gather3A_297 = tpu.vector_load_idx %arg11[%get3A_296] : memref<10016xf32, #tpu.memory_space<vmem>>[vector<16xi32>], vector<16xf32>,
      %get3A_298 = arith.constant 2 : i32
      %get3A_299 = arith.index_cast %get3A_298 : i32 to index
      %get3A_300 = arith.constant 48 : index
      %get3A_301 = tpu.vector_load %arg8[%get3A_299, %get3A_300] {strides = array<i32>} : memref<3x96xi32, #tpu.memory_space<vmem>>, vector<16xi32>,
      %bitcast3A_302 = vector.bitcast %get3A_301 : vector<16xi32> to vector<16xf32>
      %sub3A_303 = arith.subf %bitcast3A_302, %gather3A_297 : vector<16xf32>
      %exp3A_304 = math.exp %sub3A_303 : vector<16xf32>
      %swap3A_305 = arith.constant 48 : index
      %swap3A_306 = tpu.vector_load %arg13[%swap3A_305] {strides = array<i32>} : memref<96xf32, #tpu.memory_space<vmem>>, vector<16xf32>,
      tpu.vector_store %arg13[%swap3A_305], %exp3A_304 {strides = array<i32>} : memref<96xf32, #tpu.memory_space<vmem>>, vector<16xf32>,
      tpu.vector_store_idx %arg12[%get3A_296], %exp3A_304 {add = true} : memref<10016xf32, #tpu.memory_space<vmem>>[vector<16xi32>], vector<16xf32>,
      %get3A_307 = arith.constant 0 : i32
      %get3A_308 = arith.index_cast %get3A_307 : i32 to index
      %get3A_309 = arith.constant 64 : index
      %get3A_310 = tpu.vector_load %arg8[%get3A_308, %get3A_309] {strides = array<i32>} : memref<3x96xi32, #tpu.memory_space<vmem>>, vector<16xi32>,
      %gather3A_311 = tpu.vector_load_idx %arg11[%get3A_310] : memref<10016xf32, #tpu.memory_space<vmem>>[vector<16xi32>], vector<16xf32>,
      %get3A_312 = arith.constant 2 : i32
      %get3A_313 = arith.index_cast %get3A_312 : i32 to index
      %get3A_314 = arith.constant 64 : index
      %get3A_315 = tpu.vector_load %arg8[%get3A_313, %get3A_314] {strides = array<i32>} : memref<3x96xi32, #tpu.memory_space<vmem>>, vector<16xi32>,
      %bitcast3A_316 = vector.bitcast %get3A_315 : vector<16xi32> to vector<16xf32>
      %sub3A_317 = arith.subf %bitcast3A_316, %gather3A_311 : vector<16xf32>
      %exp3A_318 = math.exp %sub3A_317 : vector<16xf32>
      %swap3A_319 = arith.constant 64 : index
      %swap3A_320 = tpu.vector_load %arg13[%swap3A_319] {strides = array<i32>} : memref<96xf32, #tpu.memory_space<vmem>>, vector<16xf32>,
      tpu.vector_store %arg13[%swap3A_319], %exp3A_318 {strides = array<i32>} : memref<96xf32, #tpu.memory_space<vmem>>, vector<16xf32>,
      tpu.vector_store_idx %arg12[%get3A_310], %exp3A_318 {add = true} : memref<10016xf32, #tpu.memory_space<vmem>>[vector<16xi32>], vector<16xf32>,
      %get3A_321 = arith.constant 0 : i32
      %get3A_322 = arith.index_cast %get3A_321 : i32 to index
      %get3A_323 = arith.constant 80 : index
      %get3A_324 = tpu.vector_load %arg8[%get3A_322, %get3A_323] {strides = array<i32>} : memref<3x96xi32, #tpu.memory_space<vmem>>, vector<16xi32>,
      %gather3A_325 = tpu.vector_load_idx %arg11[%get3A_324] : memref<10016xf32, #tpu.memory_space<vmem>>[vector<16xi32>], vector<16xf32>,
      %get3A_326 = arith.constant 2 : i32
      %get3A_327 = arith.index_cast %get3A_326 : i32 to index
      %get3A_328 = arith.constant 80 : index
      %get3A_329 = tpu.vector_load %arg8[%get3A_327, %get3A_328] {strides = array<i32>} : memref<3x96xi32, #tpu.memory_space<vmem>>, vector<16xi32>,
      %bitcast3A_330 = vector.bitcast %get3A_329 : vector<16xi32> to vector<16xf32>
      %sub3A_331 = arith.subf %bitcast3A_330, %gather3A_325 : vector<16xf32>
      %exp3A_332 = math.exp %sub3A_331 : vector<16xf32>
      %swap3A_333 = arith.constant 80 : index
      %swap3A_334 = tpu.vector_load %arg13[%swap3A_333] {strides = array<i32>} : memref<96xf32, #tpu.memory_space<vmem>>, vector<16xf32>,
      tpu.vector_store %arg13[%swap3A_333], %exp3A_332 {strides = array<i32>} : memref<96xf32, #tpu.memory_space<vmem>>, vector<16xf32>,
      tpu.vector_store_idx %arg12[%get3A_324], %exp3A_332 {add = true} : memref<10016xf32, #tpu.memory_space<vmem>>[vector<16xi32>], vector<16xf32>,
      %scan3A_335 = arith.constant 0 : i32
      %scan3A_336 = arith.constant 96 : i32
      %scan3A_337 = arith.addi %scan3A_335, %scan3A_336 : i32
      %scan3A_338 = arith.constant 1 : i32
      scf.for %scan3A_346 = %scan3A_335 to %scan3A_337 step %scan3A_338  : i32 {
        %mul3A_347 = arith.constant 1 : i32
        %mul3A_348 = arith.muli %scan3A_346, %mul3A_347 : i32
        %add3A_349 = arith.constant 0 : i32
        %add3A_350 = arith.addi %add3A_349, %mul3A_348 : i32
        %broadcast_in_dim3A = arith.constant 0 : i32
        %broadcast_in_dim3A_351 = vector.broadcast %broadcast_in_dim3A : i32 to vector<16xi32>
        %add3A_352 = vector.broadcast %add3A_350 : i32 to vector<16xi32>
        %add3A_353 = arith.addi %broadcast_in_dim3A_351, %add3A_352 : vector<16xi32>
        %gather3A_354 = tpu.vector_load_idx %arg13[%add3A_353] : memref<96xf32, #tpu.memory_space<vmem>>[vector<16xi32>], vector<16xf32>,
        %get3A_355 = arith.index_cast %add3A_350 : i32 to index
        %get3A_356 = arith.constant 0 : index
        %get3A_357 = tpu.vector_load %arg15[%get3A_355, %get3A_356] {strides = array<i32>} : memref<96x128xf32, #tpu.memory_space<vmem>>, vector<16xf32>,
        %mul3A_358 = arith.mulf %get3A_357, %gather3A_354 : vector<16xf32>
        %swap3A_359 = arith.index_cast %add3A_350 : i32 to index
        %swap3A_360 = arith.constant 0 : index
        %swap3A_361 = tpu.vector_load %arg15[%swap3A_359, %swap3A_360] {strides = array<i32>} : memref<96x128xf32, #tpu.memory_space<vmem>>, vector<16xf32>,
        tpu.vector_store %arg15[%swap3A_359, %swap3A_360], %mul3A_358 {strides = array<i32>} : memref<96x128xf32, #tpu.memory_space<vmem>>, vector<16xf32>,
        %get3A_362 = arith.index_cast %add3A_350 : i32 to index
        %get3A_363 = arith.constant 16 : index
        %get3A_364 = tpu.vector_load %arg15[%get3A_362, %get3A_363] {strides = array<i32>} : memref<96x128xf32, #tpu.memory_space<vmem>>, vector<16xf32>,
        %mul3A_365 = arith.mulf %get3A_364, %gather3A_354 : vector<16xf32>
        %swap3A_366 = arith.index_cast %add3A_350 : i32 to index
        %swap3A_367 = arith.constant 16 : index
        %swap3A_368 = tpu.vector_load %arg15[%swap3A_366, %swap3A_367] {strides = array<i32>} : memref<96x128xf32, #tpu.memory_space<vmem>>, vector<16xf32>,
        tpu.vector_store %arg15[%swap3A_366, %swap3A_367], %mul3A_365 {strides = array<i32>} : memref<96x128xf32, #tpu.memory_space<vmem>>, vector<16xf32>,
        %get3A_369 = arith.index_cast %add3A_350 : i32 to index
        %get3A_370 = arith.constant 32 : index
        %get3A_371 = tpu.vector_load %arg15[%get3A_369, %get3A_370] {strides = array<i32>} : memref<96x128xf32, #tpu.memory_space<vmem>>, vector<16xf32>,
        %mul3A_372 = arith.mulf %get3A_371, %gather3A_354 : vector<16xf32>
        %swap3A_373 = arith.index_cast %add3A_350 : i32 to index
        %swap3A_374 = arith.constant 32 : index
        %swap3A_375 = tpu.vector_load %arg15[%swap3A_373, %swap3A_374] {strides = array<i32>} : memref<96x128xf32, #tpu.memory_space<vmem>>, vector<16xf32>,
        tpu.vector_store %arg15[%swap3A_373, %swap3A_374], %mul3A_372 {strides = array<i32>} : memref<96x128xf32, #tpu.memory_space<vmem>>, vector<16xf32>,
        %get3A_376 = arith.index_cast %add3A_350 : i32 to index
        %get3A_377 = arith.constant 48 : index
        %get3A_378 = tpu.vector_load %arg15[%get3A_376, %get3A_377] {strides = array<i32>} : memref<96x128xf32, #tpu.memory_space<vmem>>, vector<16xf32>,
        %mul3A_379 = arith.mulf %get3A_378, %gather3A_354 : vector<16xf32>
        %swap3A_380 = arith.index_cast %add3A_350 : i32 to index
        %swap3A_381 = arith.constant 48 : index
        %swap3A_382 = tpu.vector_load %arg15[%swap3A_380, %swap3A_381] {strides = array<i32>} : memref<96x128xf32, #tpu.memory_space<vmem>>, vector<16xf32>,
        tpu.vector_store %arg15[%swap3A_380, %swap3A_381], %mul3A_379 {strides = array<i32>} : memref<96x128xf32, #tpu.memory_space<vmem>>, vector<16xf32>,
        %get3A_383 = arith.index_cast %add3A_350 : i32 to index
        %get3A_384 = arith.constant 64 : index
        %get3A_385 = tpu.vector_load %arg15[%get3A_383, %get3A_384] {strides = array<i32>} : memref<96x128xf32, #tpu.memory_space<vmem>>, vector<16xf32>,
        %mul3A_386 = arith.mulf %get3A_385, %gather3A_354 : vector<16xf32>
        %swap3A_387 = arith.index_cast %add3A_350 : i32 to index
        %swap3A_388 = arith.constant 64 : index
        %swap3A_389 = tpu.vector_load %arg15[%swap3A_387, %swap3A_388] {strides = array<i32>} : memref<96x128xf32, #tpu.memory_space<vmem>>, vector<16xf32>,
        tpu.vector_store %arg15[%swap3A_387, %swap3A_388], %mul3A_386 {strides = array<i32>} : memref<96x128xf32, #tpu.memory_space<vmem>>, vector<16xf32>,
        %get3A_390 = arith.index_cast %add3A_350 : i32 to index
        %get3A_391 = arith.constant 80 : index
        %get3A_392 = tpu.vector_load %arg15[%get3A_390, %get3A_391] {strides = array<i32>} : memref<96x128xf32, #tpu.memory_space<vmem>>, vector<16xf32>,
        %mul3A_393 = arith.mulf %get3A_392, %gather3A_354 : vector<16xf32>
        %swap3A_394 = arith.index_cast %add3A_350 : i32 to index
        %swap3A_395 = arith.constant 80 : index
        %swap3A_396 = tpu.vector_load %arg15[%swap3A_394, %swap3A_395] {strides = array<i32>} : memref<96x128xf32, #tpu.memory_space<vmem>>, vector<16xf32>,
        tpu.vector_store %arg15[%swap3A_394, %swap3A_395], %mul3A_393 {strides = array<i32>} : memref<96x128xf32, #tpu.memory_space<vmem>>, vector<16xf32>,
        %get3A_397 = arith.index_cast %add3A_350 : i32 to index
        %get3A_398 = arith.constant 96 : index
        %get3A_399 = tpu.vector_load %arg15[%get3A_397, %get3A_398] {strides = array<i32>} : memref<96x128xf32, #tpu.memory_space<vmem>>, vector<16xf32>,
        %mul3A_400 = arith.mulf %get3A_399, %gather3A_354 : vector<16xf32>
        %swap3A_401 = arith.index_cast %add3A_350 : i32 to index
        %swap3A_402 = arith.constant 96 : index
        %swap3A_403 = tpu.vector_load %arg15[%swap3A_401, %swap3A_402] {strides = array<i32>} : memref<96x128xf32, #tpu.memory_space<vmem>>, vector<16xf32>,
        tpu.vector_store %arg15[%swap3A_401, %swap3A_402], %mul3A_400 {strides = array<i32>} : memref<96x128xf32, #tpu.memory_space<vmem>>, vector<16xf32>,
        %get3A_404 = arith.index_cast %add3A_350 : i32 to index
        %get3A_405 = arith.constant 112 : index
        %get3A_406 = tpu.vector_load %arg15[%get3A_404, %get3A_405] {strides = array<i32>} : memref<96x128xf32, #tpu.memory_space<vmem>>, vector<16xf32>,
        %mul3A_407 = arith.mulf %get3A_406, %gather3A_354 : vector<16xf32>
        %swap3A_408 = arith.index_cast %add3A_350 : i32 to index
        %swap3A_409 = arith.constant 112 : index
        %swap3A_410 = tpu.vector_load %arg15[%swap3A_408, %swap3A_409] {strides = array<i32>} : memref<96x128xf32, #tpu.memory_space<vmem>>, vector<16xf32>,
        tpu.vector_store %arg15[%swap3A_408, %swap3A_409], %mul3A_407 {strides = array<i32>} : memref<96x128xf32, #tpu.memory_space<vmem>>, vector<16xf32>,
      }
      %scan3A_339 = arith.constant 96 : i32
      %run_scoped3A_340 = arith.constant 0 : i32
      "tpu.region"() ({
        %run_scoped3A_346 = tpu.sem_alloc : memref<!tpu.dma_semaphore, #tpu.memory_space<semaphore_mem>>
        %dma_start3A_347 = arith.constant 0 : i32
        %dma_start3A_348 = tpu.memref_slice %arg8[%run_scoped3A_340, %dma_start3A_347] : memref<3x96xi32, #tpu.memory_space<vmem>> -> memref<1x96xi32, #tpu.memory_space<vmem>>
        %dma_start3A_349 = tpu.memref_squeeze %dma_start3A_348 : memref<1x96xi32, #tpu.memory_space<vmem>> -> memref<96xi32, #tpu.memory_space<vmem>>
        %dma_start3A_350 = arith.constant 0 : i32
        %dma_start3A_351 = arith.constant 0 : i32
        %dma_start3A_352 = tpu.memref_slice %arg16[%dma_start3A_350, %dma_start3A_351] : memref<10240x128xf32, #tpu.memory_space<vmem_shared>> -> memref<10240x128xf32, #tpu.memory_space<vmem_shared>>
        tpu.enqueue_indirect_dma source(%arg15 : memref<96x128xf32, #tpu.memory_space<vmem>>) target(%dma_start3A_352 : memref<10240x128xf32, #tpu.memory_space<vmem_shared>>) offsets(%dma_start3A_349 : memref<96xi32, #tpu.memory_space<vmem>>) semaphore(%run_scoped3A_346 : memref<!tpu.dma_semaphore, #tpu.memory_space<semaphore_mem>>) {add = true}
        %dma_wait3A_353 = arith.constant 0 : i32
        %dma_wait3A_354 = tpu.memref_slice %arg8[%run_scoped3A_340, %dma_wait3A_353] : memref<3x96xi32, #tpu.memory_space<vmem>> -> memref<1x96xi32, #tpu.memory_space<vmem>>
        %dma_wait3A_355 = tpu.memref_squeeze %dma_wait3A_354 : memref<1x96xi32, #tpu.memory_space<vmem>> -> memref<96xi32, #tpu.memory_space<vmem>>
        %dma_wait3A_356 = arith.constant 0 : i32
        %dma_wait3A_357 = arith.constant 0 : i32
        %dma_wait3A_358 = tpu.memref_slice %arg16[%dma_wait3A_356, %dma_wait3A_357] : memref<10240x128xf32, #tpu.memory_space<vmem_shared>> -> memref<10240x128xf32, #tpu.memory_space<vmem_shared>>
        tpu.wait_indirect_dma semaphore(%run_scoped3A_346 : memref<!tpu.dma_semaphore, #tpu.memory_space<semaphore_mem>>) src(%arg15 : memref<96x128xf32, #tpu.memory_space<vmem>>) dst(%dma_wait3A_358 : memref<10240x128xf32, #tpu.memory_space<vmem_shared>>)
        tpu.yield
      }) : () -> ()
      %lt3A_341 = arith.constant 52 : i32
      %lt3A_342 = arith.cmpi slt, %add3A_157, %lt3A_341 : i32
      %convert_element_type3A_343 = arith.extui %lt3A_342 : i1 to i32
      %cond3A_344 = arith.constant 0 : i32
      %cond3A_345 = arith.cmpi ne, %convert_element_type3A_343, %cond3A_344 : i32
      scf.if %cond3A_345 {
        %mul3A_346 = arith.constant 2 : i32
        %mul3A_347 = arith.muli %mul3A_346, %add3A_157 : i32
        %add3A_348 = arith.constant 3 : i32
        %add3A_349 = arith.addi %mul3A_347, %add3A_348 : i32
        "tpu.region"() ({
          %run_scoped3A_401 = tpu.sem_alloc : memref<!tpu.dma_semaphore, #tpu.memory_space<semaphore_mem>>
          %dma_start3A_402 = arith.constant 0 : i32
          %dma_start3A_403 = arith.constant 0 : i32
          %dma_start3A_404 = tpu.memref_slice %arg3[%arg1, %add3A_349, %dma_start3A_402, %dma_start3A_403] : memref<16x106x3x96xi32, #tpu.memory_space<hbm>> -> memref<1x1x3x96xi32, #tpu.memory_space<hbm>>
          %dma_start3A_405 = tpu.memref_squeeze %dma_start3A_404 : memref<1x1x3x96xi32, #tpu.memory_space<hbm>> -> memref<3x96xi32, #tpu.memory_space<hbm>>
          %dma_start3A_406 = arith.constant 0 : i32
          %dma_start3A_407 = arith.constant 0 : i32
          %dma_start3A_408 = tpu.memref_slice %arg3[%arg1, %add3A_349, %dma_start3A_406, %dma_start3A_407] : memref<16x106x3x96xi32, #tpu.memory_space<hbm>> -> memref<1x1x3x96xi32, #tpu.memory_space<hbm>>
          %dma_start3A_409 = tpu.memref_squeeze %dma_start3A_408 : memref<1x1x3x96xi32, #tpu.memory_space<hbm>> -> memref<3x96xi32, #tpu.memory_space<hbm>>
          tpu.enqueue_dma source(%dma_start3A_409 : memref<3x96xi32, #tpu.memory_space<hbm>>) target(%arg8 : memref<3x96xi32, #tpu.memory_space<vmem>>) target_semaphore(%run_scoped3A_401 : memref<!tpu.dma_semaphore, #tpu.memory_space<semaphore_mem>>)
          %dma_wait3A_410 = arith.constant 0 : i32
          %dma_wait3A_411 = arith.constant 0 : i32
          %dma_wait3A_412 = tpu.memref_slice %arg3[%arg1, %add3A_349, %dma_wait3A_410, %dma_wait3A_411] : memref<16x106x3x96xi32, #tpu.memory_space<hbm>> -> memref<1x1x3x96xi32, #tpu.memory_space<hbm>>
          %dma_wait3A_413 = tpu.memref_squeeze %dma_wait3A_412 : memref<1x1x3x96xi32, #tpu.memory_space<hbm>> -> memref<3x96xi32, #tpu.memory_space<hbm>>
          %dma_wait3A_414 = arith.constant 0 : i32
          %dma_wait3A_415 = arith.constant 0 : i32
          %dma_wait3A_416 = tpu.memref_slice %arg3[%arg1, %add3A_349, %dma_wait3A_414, %dma_wait3A_415] : memref<16x106x3x96xi32, #tpu.memory_space<hbm>> -> memref<1x1x3x96xi32, #tpu.memory_space<hbm>>
          %dma_wait3A_417 = tpu.memref_squeeze %dma_wait3A_416 : memref<1x1x3x96xi32, #tpu.memory_space<hbm>> -> memref<3x96xi32, #tpu.memory_space<hbm>>
          tpu.wait_dma2 semaphore(%run_scoped3A_401 : memref<!tpu.dma_semaphore, #tpu.memory_space<semaphore_mem>>) src(%dma_wait3A_417 : memref<3x96xi32, #tpu.memory_space<hbm>>) dst(%arg8 : memref<3x96xi32, #tpu.memory_space<vmem>>)
          tpu.yield
        }) : () -> ()
        %get3A_350 = arith.constant 1 : i32
        %get3A_351 = arith.index_cast %get3A_350 : i32 to index
        %get3A_352 = arith.constant 0 : index
        %get3A_353 = tpu.vector_load %arg8[%get3A_351, %get3A_352] {strides = array<i32>} : memref<3x96xi32, #tpu.memory_space<vmem>>, vector<16xi32>,
        %add3A_354 = vector.broadcast %arg0 : i32 to vector<16xi32>
        %add3A_355 = arith.addi %get3A_353, %add3A_354 : vector<16xi32>
        %swap3A_356 = arith.constant 0 : index
        %swap3A_357 = tpu.vector_load %arg10[%swap3A_356] {strides = array<i32>} : memref<96xi32, #tpu.memory_space<vmem>>, vector<16xi32>,
        tpu.vector_store %arg10[%swap3A_356], %add3A_355 {strides = array<i32>} : memref<96xi32, #tpu.memory_space<vmem>>, vector<16xi32>,
        %get3A_358 = arith.constant 1 : i32
        %get3A_359 = arith.index_cast %get3A_358 : i32 to index
        %get3A_360 = arith.constant 16 : index
        %get3A_361 = tpu.vector_load %arg8[%get3A_359, %get3A_360] {strides = array<i32>} : memref<3x96xi32, #tpu.memory_space<vmem>>, vector<16xi32>,
        %add3A_362 = vector.broadcast %arg0 : i32 to vector<16xi32>
        %add3A_363 = arith.addi %get3A_361, %add3A_362 : vector<16xi32>
        %swap3A_364 = arith.constant 16 : index
        %swap3A_365 = tpu.vector_load %arg10[%swap3A_364] {strides = array<i32>} : memref<96xi32, #tpu.memory_space<vmem>>, vector<16xi32>,
        tpu.vector_store %arg10[%swap3A_364], %add3A_363 {strides = array<i32>} : memref<96xi32, #tpu.memory_space<vmem>>, vector<16xi32>,
        %get3A_366 = arith.constant 1 : i32
        %get3A_367 = arith.index_cast %get3A_366 : i32 to index
        %get3A_368 = arith.constant 32 : index
        %get3A_369 = tpu.vector_load %arg8[%get3A_367, %get3A_368] {strides = array<i32>} : memref<3x96xi32, #tpu.memory_space<vmem>>, vector<16xi32>,
        %add3A_370 = vector.broadcast %arg0 : i32 to vector<16xi32>
        %add3A_371 = arith.addi %get3A_369, %add3A_370 : vector<16xi32>
        %swap3A_372 = arith.constant 32 : index
        %swap3A_373 = tpu.vector_load %arg10[%swap3A_372] {strides = array<i32>} : memref<96xi32, #tpu.memory_space<vmem>>, vector<16xi32>,
        tpu.vector_store %arg10[%swap3A_372], %add3A_371 {strides = array<i32>} : memref<96xi32, #tpu.memory_space<vmem>>, vector<16xi32>,
        %get3A_374 = arith.constant 1 : i32
        %get3A_375 = arith.index_cast %get3A_374 : i32 to index
        %get3A_376 = arith.constant 48 : index
        %get3A_377 = tpu.vector_load %arg8[%get3A_375, %get3A_376] {strides = array<i32>} : memref<3x96xi32, #tpu.memory_space<vmem>>, vector<16xi32>,
        %add3A_378 = vector.broadcast %arg0 : i32 to vector<16xi32>
        %add3A_379 = arith.addi %get3A_377, %add3A_378 : vector<16xi32>
        %swap3A_380 = arith.constant 48 : index
        %swap3A_381 = tpu.vector_load %arg10[%swap3A_380] {strides = array<i32>} : memref<96xi32, #tpu.memory_space<vmem>>, vector<16xi32>,
        tpu.vector_store %arg10[%swap3A_380], %add3A_379 {strides = array<i32>} : memref<96xi32, #tpu.memory_space<vmem>>, vector<16xi32>,
        %get3A_382 = arith.constant 1 : i32
        %get3A_383 = arith.index_cast %get3A_382 : i32 to index
        %get3A_384 = arith.constant 64 : index
        %get3A_385 = tpu.vector_load %arg8[%get3A_383, %get3A_384] {strides = array<i32>} : memref<3x96xi32, #tpu.memory_space<vmem>>, vector<16xi32>,
        %add3A_386 = vector.broadcast %arg0 : i32 to vector<16xi32>
        %add3A_387 = arith.addi %get3A_385, %add3A_386 : vector<16xi32>
        %swap3A_388 = arith.constant 64 : index
        %swap3A_389 = tpu.vector_load %arg10[%swap3A_388] {strides = array<i32>} : memref<96xi32, #tpu.memory_space<vmem>>, vector<16xi32>,
        tpu.vector_store %arg10[%swap3A_388], %add3A_387 {strides = array<i32>} : memref<96xi32, #tpu.memory_space<vmem>>, vector<16xi32>,
        %get3A_390 = arith.constant 1 : i32
        %get3A_391 = arith.index_cast %get3A_390 : i32 to index
        %get3A_392 = arith.constant 80 : index
        %get3A_393 = tpu.vector_load %arg8[%get3A_391, %get3A_392] {strides = array<i32>} : memref<3x96xi32, #tpu.memory_space<vmem>>, vector<16xi32>,
        %add3A_394 = vector.broadcast %arg0 : i32 to vector<16xi32>
        %add3A_395 = arith.addi %get3A_393, %add3A_394 : vector<16xi32>
        %swap3A_396 = arith.constant 80 : index
        %swap3A_397 = tpu.vector_load %arg10[%swap3A_396] {strides = array<i32>} : memref<96xi32, #tpu.memory_space<vmem>>, vector<16xi32>,
        tpu.vector_store %arg10[%swap3A_396], %add3A_395 {strides = array<i32>} : memref<96xi32, #tpu.memory_space<vmem>>, vector<16xi32>,
        %dma_start3A_398 = arith.constant 0 : i32
        %dma_start3A_399 = arith.constant 0 : i32
        %dma_start3A_400 = tpu.memref_slice %arg2[%dma_start3A_398, %dma_start3A_399] : memref<20002x128xf32, #tpu.memory_space<hbm>> -> memref<20002x128xf32, #tpu.memory_space<hbm>>
        tpu.enqueue_indirect_dma source(%dma_start3A_400 : memref<20002x128xf32, #tpu.memory_space<hbm>>) target(%arg15 : memref<96x128xf32, #tpu.memory_space<vmem>>) offsets(%arg10 : memref<96xi32, #tpu.memory_space<vmem>>) semaphore(%arg18 : memref<!tpu.dma_semaphore, #tpu.memory_space<semaphore_mem>>)
      } else {
      }
    }
    %scan3A_142 = arith.constant 53 : i32
    %barrier3A_143 = arith.constant 0 : index
    tpu.barrier barrier_id(%barrier3A_143)
    %mul3A_144 = arith.constant 640 : i32
    %mul3A_145 = arith.muli %arg1, %mul3A_144 : i32
    %mul3A_146 = arith.constant 10240 : i32
    %mul3A_147 = arith.muli %arg0, %mul3A_146 : i32
    %mul3A_148 = arith.constant 640 : i32
    %mul3A_149 = arith.muli %arg1, %mul3A_148 : i32
    %add3A_150 = arith.addi %mul3A_147, %mul3A_149 : i32
    "tpu.region"() ({
      %run_scoped3A_153 = tpu.sem_alloc : memref<!tpu.dma_semaphore, #tpu.memory_space<semaphore_mem>>
      %dma_start3A_154 = arith.constant 0 : i32
      %dma_start3A_155 = tpu.memref_slice %arg5[%add3A_150, %dma_start3A_154] : memref<20480x128xf32, #tpu.memory_space<hbm>> -> memref<640x128xf32, #tpu.memory_space<hbm>>
      %dma_start3A_156 = arith.constant 0 : i32
      %dma_start3A_157 = tpu.memref_slice %arg16[%mul3A_145, %dma_start3A_156] : memref<10240x128xf32, #tpu.memory_space<vmem_shared>> -> memref<640x128xf32, #tpu.memory_space<vmem_shared>>
      tpu.enqueue_dma source(%dma_start3A_157 : memref<640x128xf32, #tpu.memory_space<vmem_shared>>) target(%dma_start3A_155 : memref<640x128xf32, #tpu.memory_space<hbm>>) target_semaphore(%run_scoped3A_153 : memref<!tpu.dma_semaphore, #tpu.memory_space<semaphore_mem>>)
      %dma_wait3A = arith.constant 0 : i32
      %dma_wait3A_158 = tpu.memref_slice %arg5[%add3A_150, %dma_wait3A] : memref<20480x128xf32, #tpu.memory_space<hbm>> -> memref<640x128xf32, #tpu.memory_space<hbm>>
      %dma_wait3A_159 = arith.constant 0 : i32
      %dma_wait3A_160 = tpu.memref_slice %arg16[%mul3A_145, %dma_wait3A_159] : memref<10240x128xf32, #tpu.memory_space<vmem_shared>> -> memref<640x128xf32, #tpu.memory_space<vmem_shared>>
      tpu.wait_dma2 semaphore(%run_scoped3A_153 : memref<!tpu.dma_semaphore, #tpu.memory_space<semaphore_mem>>) src(%dma_wait3A_160 : memref<640x128xf32, #tpu.memory_space<vmem_shared>>) dst(%dma_wait3A_158 : memref<640x128xf32, #tpu.memory_space<hbm>>)
      tpu.yield
    }) : () -> ()
    %mul3A_151 = arith.constant 10000 : i32
    %mul3A_152 = arith.muli %add3A, %mul3A_151 : i32
    "tpu.region"() ({
      %run_scoped3A_153 = tpu.sem_alloc : memref<!tpu.dma_semaphore, #tpu.memory_space<semaphore_mem>>
      %dma_start3A_154 = arith.constant 0 : i32
      %dma_start3A_155 = tpu.memref_slice %arg12[%dma_start3A_154] : memref<10016xf32, #tpu.memory_space<vmem>> -> memref<10000xf32, #tpu.memory_space<vmem>>
      %dma_start3A_156 = tpu.memref_slice %arg6[%mul3A_152] : memref<320000xf32, #tpu.memory_space<hbm>> -> memref<10000xf32, #tpu.memory_space<hbm>>
      %dma_start3A_157 = tpu.memref_slice %arg6[%mul3A_152] : memref<320000xf32, #tpu.memory_space<hbm>> -> memref<10000xf32, #tpu.memory_space<hbm>>
      %dma_start3A_158 = arith.constant 0 : i32
      %dma_start3A_159 = tpu.memref_slice %arg12[%dma_start3A_158] : memref<10016xf32, #tpu.memory_space<vmem>> -> memref<10000xf32, #tpu.memory_space<vmem>>
      tpu.enqueue_dma source(%dma_start3A_159 : memref<10000xf32, #tpu.memory_space<vmem>>) target(%dma_start3A_157 : memref<10000xf32, #tpu.memory_space<hbm>>) target_semaphore(%run_scoped3A_153 : memref<!tpu.dma_semaphore, #tpu.memory_space<semaphore_mem>>)
      %dma_wait3A = arith.constant 0 : i32
      %dma_wait3A_160 = tpu.memref_slice %arg12[%dma_wait3A] : memref<10016xf32, #tpu.memory_space<vmem>> -> memref<10000xf32, #tpu.memory_space<vmem>>
      %dma_wait3A_161 = tpu.memref_slice %arg6[%mul3A_152] : memref<320000xf32, #tpu.memory_space<hbm>> -> memref<10000xf32, #tpu.memory_space<hbm>>
      %dma_wait3A_162 = tpu.memref_slice %arg6[%mul3A_152] : memref<320000xf32, #tpu.memory_space<hbm>> -> memref<10000xf32, #tpu.memory_space<hbm>>
      %dma_wait3A_163 = arith.constant 0 : i32
      %dma_wait3A_164 = tpu.memref_slice %arg12[%dma_wait3A_163] : memref<10016xf32, #tpu.memory_space<vmem>> -> memref<10000xf32, #tpu.memory_space<vmem>>
      tpu.wait_dma2 semaphore(%run_scoped3A_153 : memref<!tpu.dma_semaphore, #tpu.memory_space<semaphore_mem>>) src(%dma_wait3A_164 : memref<10000xf32, #tpu.memory_space<vmem>>) dst(%dma_wait3A_162 : memref<10000xf32, #tpu.memory_space<hbm>>)
      tpu.yield
    }) : () -> ()
    return
  }
}

#map = affine_map<(d0, d1) -> (0)>
#map1 = affine_map<(d0, d1) -> (0, 0, 0)>
module attributes {stable_mosaic.version = 14 : i64} {
  func.func @_edge_pass1(%arg0: i32, %arg1: i32, %arg2: memref<1280128xf32, #tpu.memory_space<hbm>>, %arg3: memref<32x40x128xi32, #tpu.memory_space<hbm>>, %arg4: memref<32x40x128xi32, #tpu.memory_space<hbm>>, %arg5: memref<32x40x128xi32, #tpu.memory_space<hbm>>, %arg6: memref<160000xf32, #tpu.memory_space<hbm>>, %arg7: memref<320000xf32, #tpu.memory_space<hbm>>, %arg8: memref<40x128xi32, #tpu.memory_space<vmem>>, %arg9: memref<40x128xi32, #tpu.memory_space<vmem>>, %arg10: memref<40x128xi32, #tpu.memory_space<vmem>>, %arg11: memref<5120xf32, #tpu.memory_space<vmem>>, %arg12: memref<10016xf32, #tpu.memory_space<vmem>>, %arg13: memref<2x128xf32, #tpu.memory_space<vmem>>, %arg14: memref<2x128xf32, #tpu.memory_space<vmem>>, %arg15: memref<!tpu.dma_semaphore, #tpu.memory_space<semaphore_mem>>, %arg16: memref<!tpu.dma_semaphore, #tpu.memory_space<semaphore_mem>>, %arg17: memref<!tpu.dma_semaphore, #tpu.memory_space<semaphore_mem>>, %arg18: memref<!tpu.dma_semaphore, #tpu.memory_space<semaphore_mem>>) attributes {dimension_semantics = [#tpu.dimension_semantics<core_parallel>, #tpu.dimension_semantics<subcore_parallel>], iteration_bounds = array<i64: 2, 16>, scalar_prefetch = 0 : i64, scratch_operands = 11 : i64, tpu.core_type = #tpu.core_type<sc_vector_subcore>, window_params = [{transform_indices = #map}, {transform_indices = #map1}, {transform_indices = #map1}, {transform_indices = #map1}, {transform_indices = #map}, {transform_indices = #map}]} {
    %mul3A = arith.constant 2 : i32
    %mul3A_0 = arith.muli %arg1, %mul3A : i32
    %add3A = arith.addi %mul3A_0, %arg0 : i32
    "tpu.region"() ({
      %run_scoped3A = tpu.sem_alloc : memref<!tpu.dma_semaphore, #tpu.memory_space<semaphore_mem>>
      %dma_start3A_53 = arith.constant 0 : i32
      %dma_start3A_54 = arith.constant 0 : i32
      %dma_start3A_55 = tpu.memref_slice %arg3[%add3A, %dma_start3A_53, %dma_start3A_54] : memref<32x40x128xi32, #tpu.memory_space<hbm>> -> memref<1x40x128xi32, #tpu.memory_space<hbm>>
      %dma_start3A_56 = tpu.memref_squeeze %dma_start3A_55 : memref<1x40x128xi32, #tpu.memory_space<hbm>> -> memref<40x128xi32, #tpu.memory_space<hbm>>
      %dma_start3A_57 = arith.constant 0 : i32
      %dma_start3A_58 = arith.constant 0 : i32
      %dma_start3A_59 = tpu.memref_slice %arg3[%add3A, %dma_start3A_57, %dma_start3A_58] : memref<32x40x128xi32, #tpu.memory_space<hbm>> -> memref<1x40x128xi32, #tpu.memory_space<hbm>>
      %dma_start3A_60 = tpu.memref_squeeze %dma_start3A_59 : memref<1x40x128xi32, #tpu.memory_space<hbm>> -> memref<40x128xi32, #tpu.memory_space<hbm>>
      tpu.enqueue_dma source(%dma_start3A_60 : memref<40x128xi32, #tpu.memory_space<hbm>>) target(%arg8 : memref<40x128xi32, #tpu.memory_space<vmem>>) target_semaphore(%run_scoped3A : memref<!tpu.dma_semaphore, #tpu.memory_space<semaphore_mem>>)
      %dma_wait3A = arith.constant 0 : i32
      %dma_wait3A_61 = arith.constant 0 : i32
      %dma_wait3A_62 = tpu.memref_slice %arg3[%add3A, %dma_wait3A, %dma_wait3A_61] : memref<32x40x128xi32, #tpu.memory_space<hbm>> -> memref<1x40x128xi32, #tpu.memory_space<hbm>>
      %dma_wait3A_63 = tpu.memref_squeeze %dma_wait3A_62 : memref<1x40x128xi32, #tpu.memory_space<hbm>> -> memref<40x128xi32, #tpu.memory_space<hbm>>
      %dma_wait3A_64 = arith.constant 0 : i32
      %dma_wait3A_65 = arith.constant 0 : i32
      %dma_wait3A_66 = tpu.memref_slice %arg3[%add3A, %dma_wait3A_64, %dma_wait3A_65] : memref<32x40x128xi32, #tpu.memory_space<hbm>> -> memref<1x40x128xi32, #tpu.memory_space<hbm>>
      %dma_wait3A_67 = tpu.memref_squeeze %dma_wait3A_66 : memref<1x40x128xi32, #tpu.memory_space<hbm>> -> memref<40x128xi32, #tpu.memory_space<hbm>>
      tpu.wait_dma2 semaphore(%run_scoped3A : memref<!tpu.dma_semaphore, #tpu.memory_space<semaphore_mem>>) src(%dma_wait3A_67 : memref<40x128xi32, #tpu.memory_space<hbm>>) dst(%arg8 : memref<40x128xi32, #tpu.memory_space<vmem>>)
      tpu.yield
    }) : () -> ()
    "tpu.region"() ({
      %run_scoped3A = tpu.sem_alloc : memref<!tpu.dma_semaphore, #tpu.memory_space<semaphore_mem>>
      %dma_start3A_53 = arith.constant 0 : i32
      %dma_start3A_54 = arith.constant 0 : i32
      %dma_start3A_55 = tpu.memref_slice %arg4[%add3A, %dma_start3A_53, %dma_start3A_54] : memref<32x40x128xi32, #tpu.memory_space<hbm>> -> memref<1x40x128xi32, #tpu.memory_space<hbm>>
      %dma_start3A_56 = tpu.memref_squeeze %dma_start3A_55 : memref<1x40x128xi32, #tpu.memory_space<hbm>> -> memref<40x128xi32, #tpu.memory_space<hbm>>
      %dma_start3A_57 = arith.constant 0 : i32
      %dma_start3A_58 = arith.constant 0 : i32
      %dma_start3A_59 = tpu.memref_slice %arg4[%add3A, %dma_start3A_57, %dma_start3A_58] : memref<32x40x128xi32, #tpu.memory_space<hbm>> -> memref<1x40x128xi32, #tpu.memory_space<hbm>>
      %dma_start3A_60 = tpu.memref_squeeze %dma_start3A_59 : memref<1x40x128xi32, #tpu.memory_space<hbm>> -> memref<40x128xi32, #tpu.memory_space<hbm>>
      tpu.enqueue_dma source(%dma_start3A_60 : memref<40x128xi32, #tpu.memory_space<hbm>>) target(%arg9 : memref<40x128xi32, #tpu.memory_space<vmem>>) target_semaphore(%run_scoped3A : memref<!tpu.dma_semaphore, #tpu.memory_space<semaphore_mem>>)
      %dma_wait3A = arith.constant 0 : i32
      %dma_wait3A_61 = arith.constant 0 : i32
      %dma_wait3A_62 = tpu.memref_slice %arg4[%add3A, %dma_wait3A, %dma_wait3A_61] : memref<32x40x128xi32, #tpu.memory_space<hbm>> -> memref<1x40x128xi32, #tpu.memory_space<hbm>>
      %dma_wait3A_63 = tpu.memref_squeeze %dma_wait3A_62 : memref<1x40x128xi32, #tpu.memory_space<hbm>> -> memref<40x128xi32, #tpu.memory_space<hbm>>
      %dma_wait3A_64 = arith.constant 0 : i32
      %dma_wait3A_65 = arith.constant 0 : i32
      %dma_wait3A_66 = tpu.memref_slice %arg4[%add3A, %dma_wait3A_64, %dma_wait3A_65] : memref<32x40x128xi32, #tpu.memory_space<hbm>> -> memref<1x40x128xi32, #tpu.memory_space<hbm>>
      %dma_wait3A_67 = tpu.memref_squeeze %dma_wait3A_66 : memref<1x40x128xi32, #tpu.memory_space<hbm>> -> memref<40x128xi32, #tpu.memory_space<hbm>>
      tpu.wait_dma2 semaphore(%run_scoped3A : memref<!tpu.dma_semaphore, #tpu.memory_space<semaphore_mem>>) src(%dma_wait3A_67 : memref<40x128xi32, #tpu.memory_space<hbm>>) dst(%arg9 : memref<40x128xi32, #tpu.memory_space<vmem>>)
      tpu.yield
    }) : () -> ()
    "tpu.region"() ({
      %run_scoped3A = tpu.sem_alloc : memref<!tpu.dma_semaphore, #tpu.memory_space<semaphore_mem>>
      %dma_start3A_53 = arith.constant 0 : i32
      %dma_start3A_54 = arith.constant 0 : i32
      %dma_start3A_55 = tpu.memref_slice %arg5[%add3A, %dma_start3A_53, %dma_start3A_54] : memref<32x40x128xi32, #tpu.memory_space<hbm>> -> memref<1x40x128xi32, #tpu.memory_space<hbm>>
      %dma_start3A_56 = tpu.memref_squeeze %dma_start3A_55 : memref<1x40x128xi32, #tpu.memory_space<hbm>> -> memref<40x128xi32, #tpu.memory_space<hbm>>
      %dma_start3A_57 = arith.constant 0 : i32
      %dma_start3A_58 = arith.constant 0 : i32
      %dma_start3A_59 = tpu.memref_slice %arg5[%add3A, %dma_start3A_57, %dma_start3A_58] : memref<32x40x128xi32, #tpu.memory_space<hbm>> -> memref<1x40x128xi32, #tpu.memory_space<hbm>>
      %dma_start3A_60 = tpu.memref_squeeze %dma_start3A_59 : memref<1x40x128xi32, #tpu.memory_space<hbm>> -> memref<40x128xi32, #tpu.memory_space<hbm>>
      tpu.enqueue_dma source(%dma_start3A_60 : memref<40x128xi32, #tpu.memory_space<hbm>>) target(%arg10 : memref<40x128xi32, #tpu.memory_space<vmem>>) target_semaphore(%run_scoped3A : memref<!tpu.dma_semaphore, #tpu.memory_space<semaphore_mem>>)
      %dma_wait3A = arith.constant 0 : i32
      %dma_wait3A_61 = arith.constant 0 : i32
      %dma_wait3A_62 = tpu.memref_slice %arg5[%add3A, %dma_wait3A, %dma_wait3A_61] : memref<32x40x128xi32, #tpu.memory_space<hbm>> -> memref<1x40x128xi32, #tpu.memory_space<hbm>>
      %dma_wait3A_63 = tpu.memref_squeeze %dma_wait3A_62 : memref<1x40x128xi32, #tpu.memory_space<hbm>> -> memref<40x128xi32, #tpu.memory_space<hbm>>
      %dma_wait3A_64 = arith.constant 0 : i32
      %dma_wait3A_65 = arith.constant 0 : i32
      %dma_wait3A_66 = tpu.memref_slice %arg5[%add3A, %dma_wait3A_64, %dma_wait3A_65] : memref<32x40x128xi32, #tpu.memory_space<hbm>> -> memref<1x40x128xi32, #tpu.memory_space<hbm>>
      %dma_wait3A_67 = tpu.memref_squeeze %dma_wait3A_66 : memref<1x40x128xi32, #tpu.memory_space<hbm>> -> memref<40x128xi32, #tpu.memory_space<hbm>>
      tpu.wait_dma2 semaphore(%run_scoped3A : memref<!tpu.dma_semaphore, #tpu.memory_space<semaphore_mem>>) src(%dma_wait3A_67 : memref<40x128xi32, #tpu.memory_space<hbm>>) dst(%arg10 : memref<40x128xi32, #tpu.memory_space<vmem>>)
      tpu.yield
    }) : () -> ()
    %scan3A = arith.constant 0 : i32
    %scan3A_1 = arith.constant 626 : i32
    %scan3A_2 = arith.addi %scan3A, %scan3A_1 : i32
    %scan3A_3 = arith.constant 1 : i32
    scf.for %scan3A_53 = %scan3A to %scan3A_2 step %scan3A_3  : i32 {
      %mul3A_54 = arith.constant 1 : i32
      %mul3A_55 = arith.muli %scan3A_53, %mul3A_54 : i32
      %add3A_56 = arith.constant 0 : i32
      %add3A_57 = arith.addi %add3A_56, %mul3A_55 : i32
      %broadcast_in_dim3A = arith.constant 0.000000e+00 : f32
      %broadcast_in_dim3A_58 = vector.broadcast %broadcast_in_dim3A : f32 to vector<16xf32>
      %mul3A_59 = arith.constant 16 : i32
      %mul3A_60 = arith.muli %add3A_57, %mul3A_59 : i32
      %swap3A = arith.index_cast %mul3A_60 : i32 to index
      %swap3A_61 = tpu.vector_load %arg12[%swap3A] {strides = array<i32>} : memref<10016xf32, #tpu.memory_space<vmem>>, vector<16xf32>,
      tpu.vector_store %arg12[%swap3A], %broadcast_in_dim3A_58 {strides = array<i32>} : memref<10016xf32, #tpu.memory_space<vmem>>, vector<16xf32>,
    }
    %scan3A_4 = arith.constant 626 : i32
    %dma_start3A = arith.constant 0 : i32
    %dma_start3A_5 = arith.constant 0 : i32
    %dma_start3A_6 = arith.constant 0 : i32
    %dma_start3A_7 = tpu.memref_slice %arg13[%dma_start3A_5, %dma_start3A_6] : memref<2x128xf32, #tpu.memory_space<vmem>> -> memref<1x128xf32, #tpu.memory_space<vmem>>
    %dma_start3A_8 = tpu.memref_squeeze %dma_start3A_7 : memref<1x128xf32, #tpu.memory_space<vmem>> -> memref<128xf32, #tpu.memory_space<vmem>>
    %dma_start3A_9 = arith.constant 0 : i32
    %dma_start3A_10 = tpu.memref_slice %arg8[%dma_start3A, %dma_start3A_9] : memref<40x128xi32, #tpu.memory_space<vmem>> -> memref<1x128xi32, #tpu.memory_space<vmem>>
    %dma_start3A_11 = tpu.memref_squeeze %dma_start3A_10 : memref<1x128xi32, #tpu.memory_space<vmem>> -> memref<128xi32, #tpu.memory_space<vmem>>
    %dma_start3A_12 = arith.constant 0 : i32
    %dma_start3A_13 = tpu.memref_slice %arg2[%dma_start3A_12] : memref<1280128xf32, #tpu.memory_space<hbm>> -> memref<1280128xf32, #tpu.memory_space<hbm>>
    tpu.enqueue_indirect_dma source(%dma_start3A_13 : memref<1280128xf32, #tpu.memory_space<hbm>>) target(%dma_start3A_8 : memref<128xf32, #tpu.memory_space<vmem>>) offsets(%dma_start3A_11 : memref<128xi32, #tpu.memory_space<vmem>>) semaphore(%arg15 : memref<!tpu.dma_semaphore, #tpu.memory_space<semaphore_mem>>)
    %dma_start3A_14 = arith.constant 0 : i32
    %dma_start3A_15 = arith.constant 0 : i32
    %dma_start3A_16 = arith.constant 0 : i32
    %dma_start3A_17 = tpu.memref_slice %arg14[%dma_start3A_15, %dma_start3A_16] : memref<2x128xf32, #tpu.memory_space<vmem>> -> memref<1x128xf32, #tpu.memory_space<vmem>>
    %dma_start3A_18 = tpu.memref_squeeze %dma_start3A_17 : memref<1x128xf32, #tpu.memory_space<vmem>> -> memref<128xf32, #tpu.memory_space<vmem>>
    %dma_start3A_19 = arith.constant 0 : i32
    %dma_start3A_20 = tpu.memref_slice %arg9[%dma_start3A_14, %dma_start3A_19] : memref<40x128xi32, #tpu.memory_space<vmem>> -> memref<1x128xi32, #tpu.memory_space<vmem>>
    %dma_start3A_21 = tpu.memref_squeeze %dma_start3A_20 : memref<1x128xi32, #tpu.memory_space<vmem>> -> memref<128xi32, #tpu.memory_space<vmem>>
    %dma_start3A_22 = arith.constant 0 : i32
    %dma_start3A_23 = tpu.memref_slice %arg2[%dma_start3A_22] : memref<1280128xf32, #tpu.memory_space<hbm>> -> memref<1280128xf32, #tpu.memory_space<hbm>>
    tpu.enqueue_indirect_dma source(%dma_start3A_23 : memref<1280128xf32, #tpu.memory_space<hbm>>) target(%dma_start3A_18 : memref<128xf32, #tpu.memory_space<vmem>>) offsets(%dma_start3A_21 : memref<128xi32, #tpu.memory_space<vmem>>) semaphore(%arg16 : memref<!tpu.dma_semaphore, #tpu.memory_space<semaphore_mem>>)
    %dma_start3A_24 = arith.constant 1 : i32
    %dma_start3A_25 = arith.constant 1 : i32
    %dma_start3A_26 = arith.constant 0 : i32
    %dma_start3A_27 = tpu.memref_slice %arg13[%dma_start3A_25, %dma_start3A_26] : memref<2x128xf32, #tpu.memory_space<vmem>> -> memref<1x128xf32, #tpu.memory_space<vmem>>
    %dma_start3A_28 = tpu.memref_squeeze %dma_start3A_27 : memref<1x128xf32, #tpu.memory_space<vmem>> -> memref<128xf32, #tpu.memory_space<vmem>>
    %dma_start3A_29 = arith.constant 0 : i32
    %dma_start3A_30 = tpu.memref_slice %arg8[%dma_start3A_24, %dma_start3A_29] : memref<40x128xi32, #tpu.memory_space<vmem>> -> memref<1x128xi32, #tpu.memory_space<vmem>>
    %dma_start3A_31 = tpu.memref_squeeze %dma_start3A_30 : memref<1x128xi32, #tpu.memory_space<vmem>> -> memref<128xi32, #tpu.memory_space<vmem>>
    %dma_start3A_32 = arith.constant 0 : i32
    %dma_start3A_33 = tpu.memref_slice %arg2[%dma_start3A_32] : memref<1280128xf32, #tpu.memory_space<hbm>> -> memref<1280128xf32, #tpu.memory_space<hbm>>
    tpu.enqueue_indirect_dma source(%dma_start3A_33 : memref<1280128xf32, #tpu.memory_space<hbm>>) target(%dma_start3A_28 : memref<128xf32, #tpu.memory_space<vmem>>) offsets(%dma_start3A_31 : memref<128xi32, #tpu.memory_space<vmem>>) semaphore(%arg17 : memref<!tpu.dma_semaphore, #tpu.memory_space<semaphore_mem>>)
    %dma_start3A_34 = arith.constant 1 : i32
    %dma_start3A_35 = arith.constant 1 : i32
    %dma_start3A_36 = arith.constant 0 : i32
    %dma_start3A_37 = tpu.memref_slice %arg14[%dma_start3A_35, %dma_start3A_36] : memref<2x128xf32, #tpu.memory_space<vmem>> -> memref<1x128xf32, #tpu.memory_space<vmem>>
    %dma_start3A_38 = tpu.memref_squeeze %dma_start3A_37 : memref<1x128xf32, #tpu.memory_space<vmem>> -> memref<128xf32, #tpu.memory_space<vmem>>
    %dma_start3A_39 = arith.constant 0 : i32
    %dma_start3A_40 = tpu.memref_slice %arg9[%dma_start3A_34, %dma_start3A_39] : memref<40x128xi32, #tpu.memory_space<vmem>> -> memref<1x128xi32, #tpu.memory_space<vmem>>
    %dma_start3A_41 = tpu.memref_squeeze %dma_start3A_40 : memref<1x128xi32, #tpu.memory_space<vmem>> -> memref<128xi32, #tpu.memory_space<vmem>>
    %dma_start3A_42 = arith.constant 0 : i32
    %dma_start3A_43 = tpu.memref_slice %arg2[%dma_start3A_42] : memref<1280128xf32, #tpu.memory_space<hbm>> -> memref<1280128xf32, #tpu.memory_space<hbm>>
    tpu.enqueue_indirect_dma source(%dma_start3A_43 : memref<1280128xf32, #tpu.memory_space<hbm>>) target(%dma_start3A_38 : memref<128xf32, #tpu.memory_space<vmem>>) offsets(%dma_start3A_41 : memref<128xi32, #tpu.memory_space<vmem>>) semaphore(%arg18 : memref<!tpu.dma_semaphore, #tpu.memory_space<semaphore_mem>>)
    %scan3A_44 = arith.constant 0 : i32
    %scan3A_45 = arith.constant 20 : i32
    %scan3A_46 = arith.addi %scan3A_44, %scan3A_45 : i32
    %scan3A_47 = arith.constant 1 : i32
    scf.for %scan3A_53 = %scan3A_44 to %scan3A_46 step %scan3A_47  : i32 {
      %mul3A_54 = arith.constant 1 : i32
      %mul3A_55 = arith.muli %scan3A_53, %mul3A_54 : i32
      %add3A_56 = arith.constant 0 : i32
      %add3A_57 = arith.addi %add3A_56, %mul3A_55 : i32
      %mul3A_58 = arith.constant 2 : i32
      %mul3A_59 = arith.muli %mul3A_58, %add3A_57 : i32
      %add3A_60 = arith.constant 0 : i32
      %add3A_61 = arith.addi %mul3A_59, %add3A_60 : i32
      %dma_wait3A = arith.constant 0 : i32
      %dma_wait3A_62 = arith.constant 0 : i32
      %dma_wait3A_63 = tpu.memref_slice %arg13[%dma_wait3A, %dma_wait3A_62] : memref<2x128xf32, #tpu.memory_space<vmem>> -> memref<1x128xf32, #tpu.memory_space<vmem>>
      %dma_wait3A_64 = tpu.memref_squeeze %dma_wait3A_63 : memref<1x128xf32, #tpu.memory_space<vmem>> -> memref<128xf32, #tpu.memory_space<vmem>>
      %dma_wait3A_65 = arith.constant 0 : i32
      %dma_wait3A_66 = tpu.memref_slice %arg8[%add3A_61, %dma_wait3A_65] : memref<40x128xi32, #tpu.memory_space<vmem>> -> memref<1x128xi32, #tpu.memory_space<vmem>>
      %dma_wait3A_67 = tpu.memref_squeeze %dma_wait3A_66 : memref<1x128xi32, #tpu.memory_space<vmem>> -> memref<128xi32, #tpu.memory_space<vmem>>
      %dma_wait3A_68 = arith.constant 0 : i32
      %dma_wait3A_69 = tpu.memref_slice %arg2[%dma_wait3A_68] : memref<1280128xf32, #tpu.memory_space<hbm>> -> memref<1280128xf32, #tpu.memory_space<hbm>>
      tpu.wait_indirect_dma semaphore(%arg15 : memref<!tpu.dma_semaphore, #tpu.memory_space<semaphore_mem>>) src(%dma_wait3A_69 : memref<1280128xf32, #tpu.memory_space<hbm>>) dst(%dma_wait3A_64 : memref<128xf32, #tpu.memory_space<vmem>>)
      %dma_wait3A_70 = arith.constant 0 : i32
      %dma_wait3A_71 = arith.constant 0 : i32
      %dma_wait3A_72 = tpu.memref_slice %arg14[%dma_wait3A_70, %dma_wait3A_71] : memref<2x128xf32, #tpu.memory_space<vmem>> -> memref<1x128xf32, #tpu.memory_space<vmem>>
      %dma_wait3A_73 = tpu.memref_squeeze %dma_wait3A_72 : memref<1x128xf32, #tpu.memory_space<vmem>> -> memref<128xf32, #tpu.memory_space<vmem>>
      %dma_wait3A_74 = arith.constant 0 : i32
      %dma_wait3A_75 = tpu.memref_slice %arg9[%add3A_61, %dma_wait3A_74] : memref<40x128xi32, #tpu.memory_space<vmem>> -> memref<1x128xi32, #tpu.memory_space<vmem>>
      %dma_wait3A_76 = tpu.memref_squeeze %dma_wait3A_75 : memref<1x128xi32, #tpu.memory_space<vmem>> -> memref<128xi32, #tpu.memory_space<vmem>>
      %dma_wait3A_77 = arith.constant 0 : i32
      %dma_wait3A_78 = tpu.memref_slice %arg2[%dma_wait3A_77] : memref<1280128xf32, #tpu.memory_space<hbm>> -> memref<1280128xf32, #tpu.memory_space<hbm>>
      tpu.wait_indirect_dma semaphore(%arg16 : memref<!tpu.dma_semaphore, #tpu.memory_space<semaphore_mem>>) src(%dma_wait3A_78 : memref<1280128xf32, #tpu.memory_space<hbm>>) dst(%dma_wait3A_73 : memref<128xf32, #tpu.memory_space<vmem>>)
      %mul3A_79 = arith.constant 128 : i32
      %mul3A_80 = arith.muli %add3A_61, %mul3A_79 : i32
      %get3A = arith.constant 0 : i32
      %get3A_81 = arith.index_cast %get3A : i32 to index
      %get3A_82 = arith.constant 0 : index
      %get3A_83 = tpu.vector_load %arg13[%get3A_81, %get3A_82] {strides = array<i32>} : memref<2x128xf32, #tpu.memory_space<vmem>>, vector<16xf32>,
      %get3A_84 = arith.constant 0 : i32
      %get3A_85 = arith.index_cast %get3A_84 : i32 to index
      %get3A_86 = arith.constant 0 : index
      %get3A_87 = tpu.vector_load %arg14[%get3A_85, %get3A_86] {strides = array<i32>} : memref<2x128xf32, #tpu.memory_space<vmem>>, vector<16xf32>,
      %add3A_88 = arith.addf %get3A_83, %get3A_87 : vector<16xf32>
      %gt3A = arith.constant 0.000000e+00 : f32
      %gt3A_89 = vector.broadcast %gt3A : f32 to vector<16xf32>
      %gt3A_90 = arith.cmpf ogt, %add3A_88, %gt3A_89 : vector<16xf32>
      %mul3A_91 = arith.constant 2.000000e-01 : f32
      %mul3A_92 = vector.broadcast %mul3A_91 : f32 to vector<16xf32>
      %mul3A_93 = arith.mulf %mul3A_92, %add3A_88 : vector<16xf32>
      %select_n3A = arith.select %gt3A_90, %add3A_88, %mul3A_93 : vector<16xi1>, vector<16xf32>
      %add3A_94 = arith.constant 0 : i32
      %add3A_95 = arith.addi %mul3A_80, %add3A_94 : i32
      %swap3A = arith.index_cast %add3A_95 : i32 to index
      %swap3A_96 = tpu.vector_load %arg11[%swap3A] {strides = array<i32>} : memref<5120xf32, #tpu.memory_space<vmem>>, vector<16xf32>,
      tpu.vector_store %arg11[%swap3A], %select_n3A {strides = array<i32>} : memref<5120xf32, #tpu.memory_space<vmem>>, vector<16xf32>,
      %mul3A_97 = arith.constant 2.500000e-01 : f32
      %mul3A_98 = vector.broadcast %mul3A_97 : f32 to vector<16xf32>
      %mul3A_99 = arith.mulf %select_n3A, %mul3A_98 : vector<16xf32>
      %exp3A = math.exp %mul3A_99 : vector<16xf32>
      %get3A_100 = arith.index_cast %add3A_61 : i32 to index
      %get3A_101 = arith.constant 0 : index
      %get3A_102 = tpu.vector_load %arg10[%get3A_100, %get3A_101] {strides = array<i32>} : memref<40x128xi32, #tpu.memory_space<vmem>>, vector<16xi32>,
      tpu.vector_store_idx %arg12[%get3A_102], %exp3A {add = true} : memref<10016xf32, #tpu.memory_space<vmem>>[vector<16xi32>], vector<16xf32>,
      %get3A_103 = arith.constant 0 : i32
      %get3A_104 = arith.index_cast %get3A_103 : i32 to index
      %get3A_105 = arith.constant 16 : index
      %get3A_106 = tpu.vector_load %arg13[%get3A_104, %get3A_105] {strides = array<i32>} : memref<2x128xf32, #tpu.memory_space<vmem>>, vector<16xf32>,
      %get3A_107 = arith.constant 0 : i32
      %get3A_108 = arith.index_cast %get3A_107 : i32 to index
      %get3A_109 = arith.constant 16 : index
      %get3A_110 = tpu.vector_load %arg14[%get3A_108, %get3A_109] {strides = array<i32>} : memref<2x128xf32, #tpu.memory_space<vmem>>, vector<16xf32>,
      %add3A_111 = arith.addf %get3A_106, %get3A_110 : vector<16xf32>
      %gt3A_112 = arith.constant 0.000000e+00 : f32
      %gt3A_113 = vector.broadcast %gt3A_112 : f32 to vector<16xf32>
      %gt3A_114 = arith.cmpf ogt, %add3A_111, %gt3A_113 : vector<16xf32>
      %mul3A_115 = arith.constant 2.000000e-01 : f32
      %mul3A_116 = vector.broadcast %mul3A_115 : f32 to vector<16xf32>
      %mul3A_117 = arith.mulf %mul3A_116, %add3A_111 : vector<16xf32>
      %select_n3A_118 = arith.select %gt3A_114, %add3A_111, %mul3A_117 : vector<16xi1>, vector<16xf32>
      %add3A_119 = arith.constant 16 : i32
      %add3A_120 = arith.addi %mul3A_80, %add3A_119 : i32
      %swap3A_121 = arith.index_cast %add3A_120 : i32 to index
      %swap3A_122 = tpu.vector_load %arg11[%swap3A_121] {strides = array<i32>} : memref<5120xf32, #tpu.memory_space<vmem>>, vector<16xf32>,
      tpu.vector_store %arg11[%swap3A_121], %select_n3A_118 {strides = array<i32>} : memref<5120xf32, #tpu.memory_space<vmem>>, vector<16xf32>,
      %mul3A_123 = arith.constant 2.500000e-01 : f32
      %mul3A_124 = vector.broadcast %mul3A_123 : f32 to vector<16xf32>
      %mul3A_125 = arith.mulf %select_n3A_118, %mul3A_124 : vector<16xf32>
      %exp3A_126 = math.exp %mul3A_125 : vector<16xf32>
      %get3A_127 = arith.index_cast %add3A_61 : i32 to index
      %get3A_128 = arith.constant 16 : index
      %get3A_129 = tpu.vector_load %arg10[%get3A_127, %get3A_128] {strides = array<i32>} : memref<40x128xi32, #tpu.memory_space<vmem>>, vector<16xi32>,
      tpu.vector_store_idx %arg12[%get3A_129], %exp3A_126 {add = true} : memref<10016xf32, #tpu.memory_space<vmem>>[vector<16xi32>], vector<16xf32>,
      %get3A_130 = arith.constant 0 : i32
      %get3A_131 = arith.index_cast %get3A_130 : i32 to index
      %get3A_132 = arith.constant 32 : index
      %get3A_133 = tpu.vector_load %arg13[%get3A_131, %get3A_132] {strides = array<i32>} : memref<2x128xf32, #tpu.memory_space<vmem>>, vector<16xf32>,
      %get3A_134 = arith.constant 0 : i32
      %get3A_135 = arith.index_cast %get3A_134 : i32 to index
      %get3A_136 = arith.constant 32 : index
      %get3A_137 = tpu.vector_load %arg14[%get3A_135, %get3A_136] {strides = array<i32>} : memref<2x128xf32, #tpu.memory_space<vmem>>, vector<16xf32>,
      %add3A_138 = arith.addf %get3A_133, %get3A_137 : vector<16xf32>
      %gt3A_139 = arith.constant 0.000000e+00 : f32
      %gt3A_140 = vector.broadcast %gt3A_139 : f32 to vector<16xf32>
      %gt3A_141 = arith.cmpf ogt, %add3A_138, %gt3A_140 : vector<16xf32>
      %mul3A_142 = arith.constant 2.000000e-01 : f32
      %mul3A_143 = vector.broadcast %mul3A_142 : f32 to vector<16xf32>
      %mul3A_144 = arith.mulf %mul3A_143, %add3A_138 : vector<16xf32>
      %select_n3A_145 = arith.select %gt3A_141, %add3A_138, %mul3A_144 : vector<16xi1>, vector<16xf32>
      %add3A_146 = arith.constant 32 : i32
      %add3A_147 = arith.addi %mul3A_80, %add3A_146 : i32
      %swap3A_148 = arith.index_cast %add3A_147 : i32 to index
      %swap3A_149 = tpu.vector_load %arg11[%swap3A_148] {strides = array<i32>} : memref<5120xf32, #tpu.memory_space<vmem>>, vector<16xf32>,
      tpu.vector_store %arg11[%swap3A_148], %select_n3A_145 {strides = array<i32>} : memref<5120xf32, #tpu.memory_space<vmem>>, vector<16xf32>,
      %mul3A_150 = arith.constant 2.500000e-01 : f32
      %mul3A_151 = vector.broadcast %mul3A_150 : f32 to vector<16xf32>
      %mul3A_152 = arith.mulf %select_n3A_145, %mul3A_151 : vector<16xf32>
      %exp3A_153 = math.exp %mul3A_152 : vector<16xf32>
      %get3A_154 = arith.index_cast %add3A_61 : i32 to index
      %get3A_155 = arith.constant 32 : index
      %get3A_156 = tpu.vector_load %arg10[%get3A_154, %get3A_155] {strides = array<i32>} : memref<40x128xi32, #tpu.memory_space<vmem>>, vector<16xi32>,
      tpu.vector_store_idx %arg12[%get3A_156], %exp3A_153 {add = true} : memref<10016xf32, #tpu.memory_space<vmem>>[vector<16xi32>], vector<16xf32>,
      %get3A_157 = arith.constant 0 : i32
      %get3A_158 = arith.index_cast %get3A_157 : i32 to index
      %get3A_159 = arith.constant 48 : index
      %get3A_160 = tpu.vector_load %arg13[%get3A_158, %get3A_159] {strides = array<i32>} : memref<2x128xf32, #tpu.memory_space<vmem>>, vector<16xf32>,
      %get3A_161 = arith.constant 0 : i32
      %get3A_162 = arith.index_cast %get3A_161 : i32 to index
      %get3A_163 = arith.constant 48 : index
      %get3A_164 = tpu.vector_load %arg14[%get3A_162, %get3A_163] {strides = array<i32>} : memref<2x128xf32, #tpu.memory_space<vmem>>, vector<16xf32>,
      %add3A_165 = arith.addf %get3A_160, %get3A_164 : vector<16xf32>
      %gt3A_166 = arith.constant 0.000000e+00 : f32
      %gt3A_167 = vector.broadcast %gt3A_166 : f32 to vector<16xf32>
      %gt3A_168 = arith.cmpf ogt, %add3A_165, %gt3A_167 : vector<16xf32>
      %mul3A_169 = arith.constant 2.000000e-01 : f32
      %mul3A_170 = vector.broadcast %mul3A_169 : f32 to vector<16xf32>
      %mul3A_171 = arith.mulf %mul3A_170, %add3A_165 : vector<16xf32>
      %select_n3A_172 = arith.select %gt3A_168, %add3A_165, %mul3A_171 : vector<16xi1>, vector<16xf32>
      %add3A_173 = arith.constant 48 : i32
      %add3A_174 = arith.addi %mul3A_80, %add3A_173 : i32
      %swap3A_175 = arith.index_cast %add3A_174 : i32 to index
      %swap3A_176 = tpu.vector_load %arg11[%swap3A_175] {strides = array<i32>} : memref<5120xf32, #tpu.memory_space<vmem>>, vector<16xf32>,
      tpu.vector_store %arg11[%swap3A_175], %select_n3A_172 {strides = array<i32>} : memref<5120xf32, #tpu.memory_space<vmem>>, vector<16xf32>,
      %mul3A_177 = arith.constant 2.500000e-01 : f32
      %mul3A_178 = vector.broadcast %mul3A_177 : f32 to vector<16xf32>
      %mul3A_179 = arith.mulf %select_n3A_172, %mul3A_178 : vector<16xf32>
      %exp3A_180 = math.exp %mul3A_179 : vector<16xf32>
      %get3A_181 = arith.index_cast %add3A_61 : i32 to index
      %get3A_182 = arith.constant 48 : index
      %get3A_183 = tpu.vector_load %arg10[%get3A_181, %get3A_182] {strides = array<i32>} : memref<40x128xi32, #tpu.memory_space<vmem>>, vector<16xi32>,
      tpu.vector_store_idx %arg12[%get3A_183], %exp3A_180 {add = true} : memref<10016xf32, #tpu.memory_space<vmem>>[vector<16xi32>], vector<16xf32>,
      %get3A_184 = arith.constant 0 : i32
      %get3A_185 = arith.index_cast %get3A_184 : i32 to index
      %get3A_186 = arith.constant 64 : index
      %get3A_187 = tpu.vector_load %arg13[%get3A_185, %get3A_186] {strides = array<i32>} : memref<2x128xf32, #tpu.memory_space<vmem>>, vector<16xf32>,
      %get3A_188 = arith.constant 0 : i32
      %get3A_189 = arith.index_cast %get3A_188 : i32 to index
      %get3A_190 = arith.constant 64 : index
      %get3A_191 = tpu.vector_load %arg14[%get3A_189, %get3A_190] {strides = array<i32>} : memref<2x128xf32, #tpu.memory_space<vmem>>, vector<16xf32>,
      %add3A_192 = arith.addf %get3A_187, %get3A_191 : vector<16xf32>
      %gt3A_193 = arith.constant 0.000000e+00 : f32
      %gt3A_194 = vector.broadcast %gt3A_193 : f32 to vector<16xf32>
      %gt3A_195 = arith.cmpf ogt, %add3A_192, %gt3A_194 : vector<16xf32>
      %mul3A_196 = arith.constant 2.000000e-01 : f32
      %mul3A_197 = vector.broadcast %mul3A_196 : f32 to vector<16xf32>
      %mul3A_198 = arith.mulf %mul3A_197, %add3A_192 : vector<16xf32>
      %select_n3A_199 = arith.select %gt3A_195, %add3A_192, %mul3A_198 : vector<16xi1>, vector<16xf32>
      %add3A_200 = arith.constant 64 : i32
      %add3A_201 = arith.addi %mul3A_80, %add3A_200 : i32
      %swap3A_202 = arith.index_cast %add3A_201 : i32 to index
      %swap3A_203 = tpu.vector_load %arg11[%swap3A_202] {strides = array<i32>} : memref<5120xf32, #tpu.memory_space<vmem>>, vector<16xf32>,
      tpu.vector_store %arg11[%swap3A_202], %select_n3A_199 {strides = array<i32>} : memref<5120xf32, #tpu.memory_space<vmem>>, vector<16xf32>,
      %mul3A_204 = arith.constant 2.500000e-01 : f32
      %mul3A_205 = vector.broadcast %mul3A_204 : f32 to vector<16xf32>
      %mul3A_206 = arith.mulf %select_n3A_199, %mul3A_205 : vector<16xf32>
      %exp3A_207 = math.exp %mul3A_206 : vector<16xf32>
      %get3A_208 = arith.index_cast %add3A_61 : i32 to index
      %get3A_209 = arith.constant 64 : index
      %get3A_210 = tpu.vector_load %arg10[%get3A_208, %get3A_209] {strides = array<i32>} : memref<40x128xi32, #tpu.memory_space<vmem>>, vector<16xi32>,
      tpu.vector_store_idx %arg12[%get3A_210], %exp3A_207 {add = true} : memref<10016xf32, #tpu.memory_space<vmem>>[vector<16xi32>], vector<16xf32>,
      %get3A_211 = arith.constant 0 : i32
      %get3A_212 = arith.index_cast %get3A_211 : i32 to index
      %get3A_213 = arith.constant 80 : index
      %get3A_214 = tpu.vector_load %arg13[%get3A_212, %get3A_213] {strides = array<i32>} : memref<2x128xf32, #tpu.memory_space<vmem>>, vector<16xf32>,
      %get3A_215 = arith.constant 0 : i32
      %get3A_216 = arith.index_cast %get3A_215 : i32 to index
      %get3A_217 = arith.constant 80 : index
      %get3A_218 = tpu.vector_load %arg14[%get3A_216, %get3A_217] {strides = array<i32>} : memref<2x128xf32, #tpu.memory_space<vmem>>, vector<16xf32>,
      %add3A_219 = arith.addf %get3A_214, %get3A_218 : vector<16xf32>
      %gt3A_220 = arith.constant 0.000000e+00 : f32
      %gt3A_221 = vector.broadcast %gt3A_220 : f32 to vector<16xf32>
      %gt3A_222 = arith.cmpf ogt, %add3A_219, %gt3A_221 : vector<16xf32>
      %mul3A_223 = arith.constant 2.000000e-01 : f32
      %mul3A_224 = vector.broadcast %mul3A_223 : f32 to vector<16xf32>
      %mul3A_225 = arith.mulf %mul3A_224, %add3A_219 : vector<16xf32>
      %select_n3A_226 = arith.select %gt3A_222, %add3A_219, %mul3A_225 : vector<16xi1>, vector<16xf32>
      %add3A_227 = arith.constant 80 : i32
      %add3A_228 = arith.addi %mul3A_80, %add3A_227 : i32
      %swap3A_229 = arith.index_cast %add3A_228 : i32 to index
      %swap3A_230 = tpu.vector_load %arg11[%swap3A_229] {strides = array<i32>} : memref<5120xf32, #tpu.memory_space<vmem>>, vector<16xf32>,
      tpu.vector_store %arg11[%swap3A_229], %select_n3A_226 {strides = array<i32>} : memref<5120xf32, #tpu.memory_space<vmem>>, vector<16xf32>,
      %mul3A_231 = arith.constant 2.500000e-01 : f32
      %mul3A_232 = vector.broadcast %mul3A_231 : f32 to vector<16xf32>
      %mul3A_233 = arith.mulf %select_n3A_226, %mul3A_232 : vector<16xf32>
      %exp3A_234 = math.exp %mul3A_233 : vector<16xf32>
      %get3A_235 = arith.index_cast %add3A_61 : i32 to index
      %get3A_236 = arith.constant 80 : index
      %get3A_237 = tpu.vector_load %arg10[%get3A_235, %get3A_236] {strides = array<i32>} : memref<40x128xi32, #tpu.memory_space<vmem>>, vector<16xi32>,
      tpu.vector_store_idx %arg12[%get3A_237], %exp3A_234 {add = true} : memref<10016xf32, #tpu.memory_space<vmem>>[vector<16xi32>], vector<16xf32>,
      %get3A_238 = arith.constant 0 : i32
      %get3A_239 = arith.index_cast %get3A_238 : i32 to index
      %get3A_240 = arith.constant 96 : index
      %get3A_241 = tpu.vector_load %arg13[%get3A_239, %get3A_240] {strides = array<i32>} : memref<2x128xf32, #tpu.memory_space<vmem>>, vector<16xf32>,
      %get3A_242 = arith.constant 0 : i32
      %get3A_243 = arith.index_cast %get3A_242 : i32 to index
      %get3A_244 = arith.constant 96 : index
      %get3A_245 = tpu.vector_load %arg14[%get3A_243, %get3A_244] {strides = array<i32>} : memref<2x128xf32, #tpu.memory_space<vmem>>, vector<16xf32>,
      %add3A_246 = arith.addf %get3A_241, %get3A_245 : vector<16xf32>
      %gt3A_247 = arith.constant 0.000000e+00 : f32
      %gt3A_248 = vector.broadcast %gt3A_247 : f32 to vector<16xf32>
      %gt3A_249 = arith.cmpf ogt, %add3A_246, %gt3A_248 : vector<16xf32>
      %mul3A_250 = arith.constant 2.000000e-01 : f32
      %mul3A_251 = vector.broadcast %mul3A_250 : f32 to vector<16xf32>
      %mul3A_252 = arith.mulf %mul3A_251, %add3A_246 : vector<16xf32>
      %select_n3A_253 = arith.select %gt3A_249, %add3A_246, %mul3A_252 : vector<16xi1>, vector<16xf32>
      %add3A_254 = arith.constant 96 : i32
      %add3A_255 = arith.addi %mul3A_80, %add3A_254 : i32
      %swap3A_256 = arith.index_cast %add3A_255 : i32 to index
      %swap3A_257 = tpu.vector_load %arg11[%swap3A_256] {strides = array<i32>} : memref<5120xf32, #tpu.memory_space<vmem>>, vector<16xf32>,
      tpu.vector_store %arg11[%swap3A_256], %select_n3A_253 {strides = array<i32>} : memref<5120xf32, #tpu.memory_space<vmem>>, vector<16xf32>,
      %mul3A_258 = arith.constant 2.500000e-01 : f32
      %mul3A_259 = vector.broadcast %mul3A_258 : f32 to vector<16xf32>
      %mul3A_260 = arith.mulf %select_n3A_253, %mul3A_259 : vector<16xf32>
      %exp3A_261 = math.exp %mul3A_260 : vector<16xf32>
      %get3A_262 = arith.index_cast %add3A_61 : i32 to index
      %get3A_263 = arith.constant 96 : index
      %get3A_264 = tpu.vector_load %arg10[%get3A_262, %get3A_263] {strides = array<i32>} : memref<40x128xi32, #tpu.memory_space<vmem>>, vector<16xi32>,
      tpu.vector_store_idx %arg12[%get3A_264], %exp3A_261 {add = true} : memref<10016xf32, #tpu.memory_space<vmem>>[vector<16xi32>], vector<16xf32>,
      %get3A_265 = arith.constant 0 : i32
      %get3A_266 = arith.index_cast %get3A_265 : i32 to index
      %get3A_267 = arith.constant 112 : index
      %get3A_268 = tpu.vector_load %arg13[%get3A_266, %get3A_267] {strides = array<i32>} : memref<2x128xf32, #tpu.memory_space<vmem>>, vector<16xf32>,
      %get3A_269 = arith.constant 0 : i32
      %get3A_270 = arith.index_cast %get3A_269 : i32 to index
      %get3A_271 = arith.constant 112 : index
      %get3A_272 = tpu.vector_load %arg14[%get3A_270, %get3A_271] {strides = array<i32>} : memref<2x128xf32, #tpu.memory_space<vmem>>, vector<16xf32>,
      %add3A_273 = arith.addf %get3A_268, %get3A_272 : vector<16xf32>
      %gt3A_274 = arith.constant 0.000000e+00 : f32
      %gt3A_275 = vector.broadcast %gt3A_274 : f32 to vector<16xf32>
      %gt3A_276 = arith.cmpf ogt, %add3A_273, %gt3A_275 : vector<16xf32>
      %mul3A_277 = arith.constant 2.000000e-01 : f32
      %mul3A_278 = vector.broadcast %mul3A_277 : f32 to vector<16xf32>
      %mul3A_279 = arith.mulf %mul3A_278, %add3A_273 : vector<16xf32>
      %select_n3A_280 = arith.select %gt3A_276, %add3A_273, %mul3A_279 : vector<16xi1>, vector<16xf32>
      %add3A_281 = arith.constant 112 : i32
      %add3A_282 = arith.addi %mul3A_80, %add3A_281 : i32
      %swap3A_283 = arith.index_cast %add3A_282 : i32 to index
      %swap3A_284 = tpu.vector_load %arg11[%swap3A_283] {strides = array<i32>} : memref<5120xf32, #tpu.memory_space<vmem>>, vector<16xf32>,
      tpu.vector_store %arg11[%swap3A_283], %select_n3A_280 {strides = array<i32>} : memref<5120xf32, #tpu.memory_space<vmem>>, vector<16xf32>,
      %mul3A_285 = arith.constant 2.500000e-01 : f32
      %mul3A_286 = vector.broadcast %mul3A_285 : f32 to vector<16xf32>
      %mul3A_287 = arith.mulf %select_n3A_280, %mul3A_286 : vector<16xf32>
      %exp3A_288 = math.exp %mul3A_287 : vector<16xf32>
      %get3A_289 = arith.index_cast %add3A_61 : i32 to index
      %get3A_290 = arith.constant 112 : index
      %get3A_291 = tpu.vector_load %arg10[%get3A_289, %get3A_290] {strides = array<i32>} : memref<40x128xi32, #tpu.memory_space<vmem>>, vector<16xi32>,
      tpu.vector_store_idx %arg12[%get3A_291], %exp3A_288 {add = true} : memref<10016xf32, #tpu.memory_space<vmem>>[vector<16xi32>], vector<16xf32>,
      %add3A_292 = arith.constant 2 : i32
      %add3A_293 = arith.addi %add3A_61, %add3A_292 : i32
      %lt3A = arith.constant 40 : i32
      %lt3A_294 = arith.cmpi slt, %add3A_293, %lt3A : i32
      %convert_element_type3A = arith.extui %lt3A_294 : i1 to i32
      %cond3A = arith.constant 0 : i32
      %cond3A_295 = arith.cmpi ne, %convert_element_type3A, %cond3A : i32
      scf.if %cond3A_295 {
        %add3A_543 = arith.constant 2 : i32
        %add3A_544 = arith.addi %add3A_61, %add3A_543 : i32
        %dma_start3A_545 = arith.constant 0 : i32
        %dma_start3A_546 = arith.constant 0 : i32
        %dma_start3A_547 = tpu.memref_slice %arg13[%dma_start3A_545, %dma_start3A_546] : memref<2x128xf32, #tpu.memory_space<vmem>> -> memref<1x128xf32, #tpu.memory_space<vmem>>
        %dma_start3A_548 = tpu.memref_squeeze %dma_start3A_547 : memref<1x128xf32, #tpu.memory_space<vmem>> -> memref<128xf32, #tpu.memory_space<vmem>>
        %dma_start3A_549 = arith.constant 0 : i32
        %dma_start3A_550 = tpu.memref_slice %arg8[%add3A_544, %dma_start3A_549] : memref<40x128xi32, #tpu.memory_space<vmem>> -> memref<1x128xi32, #tpu.memory_space<vmem>>
        %dma_start3A_551 = tpu.memref_squeeze %dma_start3A_550 : memref<1x128xi32, #tpu.memory_space<vmem>> -> memref<128xi32, #tpu.memory_space<vmem>>
        %dma_start3A_552 = arith.constant 0 : i32
        %dma_start3A_553 = tpu.memref_slice %arg2[%dma_start3A_552] : memref<1280128xf32, #tpu.memory_space<hbm>> -> memref<1280128xf32, #tpu.memory_space<hbm>>
        tpu.enqueue_indirect_dma source(%dma_start3A_553 : memref<1280128xf32, #tpu.memory_space<hbm>>) target(%dma_start3A_548 : memref<128xf32, #tpu.memory_space<vmem>>) offsets(%dma_start3A_551 : memref<128xi32, #tpu.memory_space<vmem>>) semaphore(%arg15 : memref<!tpu.dma_semaphore, #tpu.memory_space<semaphore_mem>>)
        %dma_start3A_554 = arith.constant 0 : i32
        %dma_start3A_555 = arith.constant 0 : i32
        %dma_start3A_556 = tpu.memref_slice %arg14[%dma_start3A_554, %dma_start3A_555] : memref<2x128xf32, #tpu.memory_space<vmem>> -> memref<1x128xf32, #tpu.memory_space<vmem>>
        %dma_start3A_557 = tpu.memref_squeeze %dma_start3A_556 : memref<1x128xf32, #tpu.memory_space<vmem>> -> memref<128xf32, #tpu.memory_space<vmem>>
        %dma_start3A_558 = arith.constant 0 : i32
        %dma_start3A_559 = tpu.memref_slice %arg9[%add3A_544, %dma_start3A_558] : memref<40x128xi32, #tpu.memory_space<vmem>> -> memref<1x128xi32, #tpu.memory_space<vmem>>
        %dma_start3A_560 = tpu.memref_squeeze %dma_start3A_559 : memref<1x128xi32, #tpu.memory_space<vmem>> -> memref<128xi32, #tpu.memory_space<vmem>>
        %dma_start3A_561 = arith.constant 0 : i32
        %dma_start3A_562 = tpu.memref_slice %arg2[%dma_start3A_561] : memref<1280128xf32, #tpu.memory_space<hbm>> -> memref<1280128xf32, #tpu.memory_space<hbm>>
        tpu.enqueue_indirect_dma source(%dma_start3A_562 : memref<1280128xf32, #tpu.memory_space<hbm>>) target(%dma_start3A_557 : memref<128xf32, #tpu.memory_space<vmem>>) offsets(%dma_start3A_560 : memref<128xi32, #tpu.memory_space<vmem>>) semaphore(%arg16 : memref<!tpu.dma_semaphore, #tpu.memory_space<semaphore_mem>>)
      } else {
      }
      %mul3A_296 = arith.constant 2 : i32
      %mul3A_297 = arith.muli %mul3A_296, %add3A_57 : i32
      %add3A_298 = arith.constant 1 : i32
      %add3A_299 = arith.addi %mul3A_297, %add3A_298 : i32
      %dma_wait3A_300 = arith.constant 1 : i32
      %dma_wait3A_301 = arith.constant 0 : i32
      %dma_wait3A_302 = tpu.memref_slice %arg13[%dma_wait3A_300, %dma_wait3A_301] : memref<2x128xf32, #tpu.memory_space<vmem>> -> memref<1x128xf32, #tpu.memory_space<vmem>>
      %dma_wait3A_303 = tpu.memref_squeeze %dma_wait3A_302 : memref<1x128xf32, #tpu.memory_space<vmem>> -> memref<128xf32, #tpu.memory_space<vmem>>
      %dma_wait3A_304 = arith.constant 0 : i32
      %dma_wait3A_305 = tpu.memref_slice %arg8[%add3A_299, %dma_wait3A_304] : memref<40x128xi32, #tpu.memory_space<vmem>> -> memref<1x128xi32, #tpu.memory_space<vmem>>
      %dma_wait3A_306 = tpu.memref_squeeze %dma_wait3A_305 : memref<1x128xi32, #tpu.memory_space<vmem>> -> memref<128xi32, #tpu.memory_space<vmem>>
      %dma_wait3A_307 = arith.constant 0 : i32
      %dma_wait3A_308 = tpu.memref_slice %arg2[%dma_wait3A_307] : memref<1280128xf32, #tpu.memory_space<hbm>> -> memref<1280128xf32, #tpu.memory_space<hbm>>
      tpu.wait_indirect_dma semaphore(%arg17 : memref<!tpu.dma_semaphore, #tpu.memory_space<semaphore_mem>>) src(%dma_wait3A_308 : memref<1280128xf32, #tpu.memory_space<hbm>>) dst(%dma_wait3A_303 : memref<128xf32, #tpu.memory_space<vmem>>)
      %dma_wait3A_309 = arith.constant 1 : i32
      %dma_wait3A_310 = arith.constant 0 : i32
      %dma_wait3A_311 = tpu.memref_slice %arg14[%dma_wait3A_309, %dma_wait3A_310] : memref<2x128xf32, #tpu.memory_space<vmem>> -> memref<1x128xf32, #tpu.memory_space<vmem>>
      %dma_wait3A_312 = tpu.memref_squeeze %dma_wait3A_311 : memref<1x128xf32, #tpu.memory_space<vmem>> -> memref<128xf32, #tpu.memory_space<vmem>>
      %dma_wait3A_313 = arith.constant 0 : i32
      %dma_wait3A_314 = tpu.memref_slice %arg9[%add3A_299, %dma_wait3A_313] : memref<40x128xi32, #tpu.memory_space<vmem>> -> memref<1x128xi32, #tpu.memory_space<vmem>>
      %dma_wait3A_315 = tpu.memref_squeeze %dma_wait3A_314 : memref<1x128xi32, #tpu.memory_space<vmem>> -> memref<128xi32, #tpu.memory_space<vmem>>
      %dma_wait3A_316 = arith.constant 0 : i32
      %dma_wait3A_317 = tpu.memref_slice %arg2[%dma_wait3A_316] : memref<1280128xf32, #tpu.memory_space<hbm>> -> memref<1280128xf32, #tpu.memory_space<hbm>>
      tpu.wait_indirect_dma semaphore(%arg18 : memref<!tpu.dma_semaphore, #tpu.memory_space<semaphore_mem>>) src(%dma_wait3A_317 : memref<1280128xf32, #tpu.memory_space<hbm>>) dst(%dma_wait3A_312 : memref<128xf32, #tpu.memory_space<vmem>>)
      %mul3A_318 = arith.constant 128 : i32
      %mul3A_319 = arith.muli %add3A_299, %mul3A_318 : i32
      %get3A_320 = arith.constant 1 : i32
      %get3A_321 = arith.index_cast %get3A_320 : i32 to index
      %get3A_322 = arith.constant 0 : index
      %get3A_323 = tpu.vector_load %arg13[%get3A_321, %get3A_322] {strides = array<i32>} : memref<2x128xf32, #tpu.memory_space<vmem>>, vector<16xf32>,
      %get3A_324 = arith.constant 1 : i32
      %get3A_325 = arith.index_cast %get3A_324 : i32 to index
      %get3A_326 = arith.constant 0 : index
      %get3A_327 = tpu.vector_load %arg14[%get3A_325, %get3A_326] {strides = array<i32>} : memref<2x128xf32, #tpu.memory_space<vmem>>, vector<16xf32>,
      %add3A_328 = arith.addf %get3A_323, %get3A_327 : vector<16xf32>
      %gt3A_329 = arith.constant 0.000000e+00 : f32
      %gt3A_330 = vector.broadcast %gt3A_329 : f32 to vector<16xf32>
      %gt3A_331 = arith.cmpf ogt, %add3A_328, %gt3A_330 : vector<16xf32>
      %mul3A_332 = arith.constant 2.000000e-01 : f32
      %mul3A_333 = vector.broadcast %mul3A_332 : f32 to vector<16xf32>
      %mul3A_334 = arith.mulf %mul3A_333, %add3A_328 : vector<16xf32>
      %select_n3A_335 = arith.select %gt3A_331, %add3A_328, %mul3A_334 : vector<16xi1>, vector<16xf32>
      %add3A_336 = arith.constant 0 : i32
      %add3A_337 = arith.addi %mul3A_319, %add3A_336 : i32
      %swap3A_338 = arith.index_cast %add3A_337 : i32 to index
      %swap3A_339 = tpu.vector_load %arg11[%swap3A_338] {strides = array<i32>} : memref<5120xf32, #tpu.memory_space<vmem>>, vector<16xf32>,
      tpu.vector_store %arg11[%swap3A_338], %select_n3A_335 {strides = array<i32>} : memref<5120xf32, #tpu.memory_space<vmem>>, vector<16xf32>,
      %mul3A_340 = arith.constant 2.500000e-01 : f32
      %mul3A_341 = vector.broadcast %mul3A_340 : f32 to vector<16xf32>
      %mul3A_342 = arith.mulf %select_n3A_335, %mul3A_341 : vector<16xf32>
      %exp3A_343 = math.exp %mul3A_342 : vector<16xf32>
      %get3A_344 = arith.index_cast %add3A_299 : i32 to index
      %get3A_345 = arith.constant 0 : index
      %get3A_346 = tpu.vector_load %arg10[%get3A_344, %get3A_345] {strides = array<i32>} : memref<40x128xi32, #tpu.memory_space<vmem>>, vector<16xi32>,
      tpu.vector_store_idx %arg12[%get3A_346], %exp3A_343 {add = true} : memref<10016xf32, #tpu.memory_space<vmem>>[vector<16xi32>], vector<16xf32>,
      %get3A_347 = arith.constant 1 : i32
      %get3A_348 = arith.index_cast %get3A_347 : i32 to index
      %get3A_349 = arith.constant 16 : index
      %get3A_350 = tpu.vector_load %arg13[%get3A_348, %get3A_349] {strides = array<i32>} : memref<2x128xf32, #tpu.memory_space<vmem>>, vector<16xf32>,
      %get3A_351 = arith.constant 1 : i32
      %get3A_352 = arith.index_cast %get3A_351 : i32 to index
      %get3A_353 = arith.constant 16 : index
      %get3A_354 = tpu.vector_load %arg14[%get3A_352, %get3A_353] {strides = array<i32>} : memref<2x128xf32, #tpu.memory_space<vmem>>, vector<16xf32>,
      %add3A_355 = arith.addf %get3A_350, %get3A_354 : vector<16xf32>
      %gt3A_356 = arith.constant 0.000000e+00 : f32
      %gt3A_357 = vector.broadcast %gt3A_356 : f32 to vector<16xf32>
      %gt3A_358 = arith.cmpf ogt, %add3A_355, %gt3A_357 : vector<16xf32>
      %mul3A_359 = arith.constant 2.000000e-01 : f32
      %mul3A_360 = vector.broadcast %mul3A_359 : f32 to vector<16xf32>
      %mul3A_361 = arith.mulf %mul3A_360, %add3A_355 : vector<16xf32>
      %select_n3A_362 = arith.select %gt3A_358, %add3A_355, %mul3A_361 : vector<16xi1>, vector<16xf32>
      %add3A_363 = arith.constant 16 : i32
      %add3A_364 = arith.addi %mul3A_319, %add3A_363 : i32
      %swap3A_365 = arith.index_cast %add3A_364 : i32 to index
      %swap3A_366 = tpu.vector_load %arg11[%swap3A_365] {strides = array<i32>} : memref<5120xf32, #tpu.memory_space<vmem>>, vector<16xf32>,
      tpu.vector_store %arg11[%swap3A_365], %select_n3A_362 {strides = array<i32>} : memref<5120xf32, #tpu.memory_space<vmem>>, vector<16xf32>,
      %mul3A_367 = arith.constant 2.500000e-01 : f32
      %mul3A_368 = vector.broadcast %mul3A_367 : f32 to vector<16xf32>
      %mul3A_369 = arith.mulf %select_n3A_362, %mul3A_368 : vector<16xf32>
      %exp3A_370 = math.exp %mul3A_369 : vector<16xf32>
      %get3A_371 = arith.index_cast %add3A_299 : i32 to index
      %get3A_372 = arith.constant 16 : index
      %get3A_373 = tpu.vector_load %arg10[%get3A_371, %get3A_372] {strides = array<i32>} : memref<40x128xi32, #tpu.memory_space<vmem>>, vector<16xi32>,
      tpu.vector_store_idx %arg12[%get3A_373], %exp3A_370 {add = true} : memref<10016xf32, #tpu.memory_space<vmem>>[vector<16xi32>], vector<16xf32>,
      %get3A_374 = arith.constant 1 : i32
      %get3A_375 = arith.index_cast %get3A_374 : i32 to index
      %get3A_376 = arith.constant 32 : index
      %get3A_377 = tpu.vector_load %arg13[%get3A_375, %get3A_376] {strides = array<i32>} : memref<2x128xf32, #tpu.memory_space<vmem>>, vector<16xf32>,
      %get3A_378 = arith.constant 1 : i32
      %get3A_379 = arith.index_cast %get3A_378 : i32 to index
      %get3A_380 = arith.constant 32 : index
      %get3A_381 = tpu.vector_load %arg14[%get3A_379, %get3A_380] {strides = array<i32>} : memref<2x128xf32, #tpu.memory_space<vmem>>, vector<16xf32>,
      %add3A_382 = arith.addf %get3A_377, %get3A_381 : vector<16xf32>
      %gt3A_383 = arith.constant 0.000000e+00 : f32
      %gt3A_384 = vector.broadcast %gt3A_383 : f32 to vector<16xf32>
      %gt3A_385 = arith.cmpf ogt, %add3A_382, %gt3A_384 : vector<16xf32>
      %mul3A_386 = arith.constant 2.000000e-01 : f32
      %mul3A_387 = vector.broadcast %mul3A_386 : f32 to vector<16xf32>
      %mul3A_388 = arith.mulf %mul3A_387, %add3A_382 : vector<16xf32>
      %select_n3A_389 = arith.select %gt3A_385, %add3A_382, %mul3A_388 : vector<16xi1>, vector<16xf32>
      %add3A_390 = arith.constant 32 : i32
      %add3A_391 = arith.addi %mul3A_319, %add3A_390 : i32
      %swap3A_392 = arith.index_cast %add3A_391 : i32 to index
      %swap3A_393 = tpu.vector_load %arg11[%swap3A_392] {strides = array<i32>} : memref<5120xf32, #tpu.memory_space<vmem>>, vector<16xf32>,
      tpu.vector_store %arg11[%swap3A_392], %select_n3A_389 {strides = array<i32>} : memref<5120xf32, #tpu.memory_space<vmem>>, vector<16xf32>,
      %mul3A_394 = arith.constant 2.500000e-01 : f32
      %mul3A_395 = vector.broadcast %mul3A_394 : f32 to vector<16xf32>
      %mul3A_396 = arith.mulf %select_n3A_389, %mul3A_395 : vector<16xf32>
      %exp3A_397 = math.exp %mul3A_396 : vector<16xf32>
      %get3A_398 = arith.index_cast %add3A_299 : i32 to index
      %get3A_399 = arith.constant 32 : index
      %get3A_400 = tpu.vector_load %arg10[%get3A_398, %get3A_399] {strides = array<i32>} : memref<40x128xi32, #tpu.memory_space<vmem>>, vector<16xi32>,
      tpu.vector_store_idx %arg12[%get3A_400], %exp3A_397 {add = true} : memref<10016xf32, #tpu.memory_space<vmem>>[vector<16xi32>], vector<16xf32>,
      %get3A_401 = arith.constant 1 : i32
      %get3A_402 = arith.index_cast %get3A_401 : i32 to index
      %get3A_403 = arith.constant 48 : index
      %get3A_404 = tpu.vector_load %arg13[%get3A_402, %get3A_403] {strides = array<i32>} : memref<2x128xf32, #tpu.memory_space<vmem>>, vector<16xf32>,
      %get3A_405 = arith.constant 1 : i32
      %get3A_406 = arith.index_cast %get3A_405 : i32 to index
      %get3A_407 = arith.constant 48 : index
      %get3A_408 = tpu.vector_load %arg14[%get3A_406, %get3A_407] {strides = array<i32>} : memref<2x128xf32, #tpu.memory_space<vmem>>, vector<16xf32>,
      %add3A_409 = arith.addf %get3A_404, %get3A_408 : vector<16xf32>
      %gt3A_410 = arith.constant 0.000000e+00 : f32
      %gt3A_411 = vector.broadcast %gt3A_410 : f32 to vector<16xf32>
      %gt3A_412 = arith.cmpf ogt, %add3A_409, %gt3A_411 : vector<16xf32>
      %mul3A_413 = arith.constant 2.000000e-01 : f32
      %mul3A_414 = vector.broadcast %mul3A_413 : f32 to vector<16xf32>
      %mul3A_415 = arith.mulf %mul3A_414, %add3A_409 : vector<16xf32>
      %select_n3A_416 = arith.select %gt3A_412, %add3A_409, %mul3A_415 : vector<16xi1>, vector<16xf32>
      %add3A_417 = arith.constant 48 : i32
      %add3A_418 = arith.addi %mul3A_319, %add3A_417 : i32
      %swap3A_419 = arith.index_cast %add3A_418 : i32 to index
      %swap3A_420 = tpu.vector_load %arg11[%swap3A_419] {strides = array<i32>} : memref<5120xf32, #tpu.memory_space<vmem>>, vector<16xf32>,
      tpu.vector_store %arg11[%swap3A_419], %select_n3A_416 {strides = array<i32>} : memref<5120xf32, #tpu.memory_space<vmem>>, vector<16xf32>,
      %mul3A_421 = arith.constant 2.500000e-01 : f32
      %mul3A_422 = vector.broadcast %mul3A_421 : f32 to vector<16xf32>
      %mul3A_423 = arith.mulf %select_n3A_416, %mul3A_422 : vector<16xf32>
      %exp3A_424 = math.exp %mul3A_423 : vector<16xf32>
      %get3A_425 = arith.index_cast %add3A_299 : i32 to index
      %get3A_426 = arith.constant 48 : index
      %get3A_427 = tpu.vector_load %arg10[%get3A_425, %get3A_426] {strides = array<i32>} : memref<40x128xi32, #tpu.memory_space<vmem>>, vector<16xi32>,
      tpu.vector_store_idx %arg12[%get3A_427], %exp3A_424 {add = true} : memref<10016xf32, #tpu.memory_space<vmem>>[vector<16xi32>], vector<16xf32>,
      %get3A_428 = arith.constant 1 : i32
      %get3A_429 = arith.index_cast %get3A_428 : i32 to index
      %get3A_430 = arith.constant 64 : index
      %get3A_431 = tpu.vector_load %arg13[%get3A_429, %get3A_430] {strides = array<i32>} : memref<2x128xf32, #tpu.memory_space<vmem>>, vector<16xf32>,
      %get3A_432 = arith.constant 1 : i32
      %get3A_433 = arith.index_cast %get3A_432 : i32 to index
      %get3A_434 = arith.constant 64 : index
      %get3A_435 = tpu.vector_load %arg14[%get3A_433, %get3A_434] {strides = array<i32>} : memref<2x128xf32, #tpu.memory_space<vmem>>, vector<16xf32>,
      %add3A_436 = arith.addf %get3A_431, %get3A_435 : vector<16xf32>
      %gt3A_437 = arith.constant 0.000000e+00 : f32
      %gt3A_438 = vector.broadcast %gt3A_437 : f32 to vector<16xf32>
      %gt3A_439 = arith.cmpf ogt, %add3A_436, %gt3A_438 : vector<16xf32>
      %mul3A_440 = arith.constant 2.000000e-01 : f32
      %mul3A_441 = vector.broadcast %mul3A_440 : f32 to vector<16xf32>
      %mul3A_442 = arith.mulf %mul3A_441, %add3A_436 : vector<16xf32>
      %select_n3A_443 = arith.select %gt3A_439, %add3A_436, %mul3A_442 : vector<16xi1>, vector<16xf32>
      %add3A_444 = arith.constant 64 : i32
      %add3A_445 = arith.addi %mul3A_319, %add3A_444 : i32
      %swap3A_446 = arith.index_cast %add3A_445 : i32 to index
      %swap3A_447 = tpu.vector_load %arg11[%swap3A_446] {strides = array<i32>} : memref<5120xf32, #tpu.memory_space<vmem>>, vector<16xf32>,
      tpu.vector_store %arg11[%swap3A_446], %select_n3A_443 {strides = array<i32>} : memref<5120xf32, #tpu.memory_space<vmem>>, vector<16xf32>,
      %mul3A_448 = arith.constant 2.500000e-01 : f32
      %mul3A_449 = vector.broadcast %mul3A_448 : f32 to vector<16xf32>
      %mul3A_450 = arith.mulf %select_n3A_443, %mul3A_449 : vector<16xf32>
      %exp3A_451 = math.exp %mul3A_450 : vector<16xf32>
      %get3A_452 = arith.index_cast %add3A_299 : i32 to index
      %get3A_453 = arith.constant 64 : index
      %get3A_454 = tpu.vector_load %arg10[%get3A_452, %get3A_453] {strides = array<i32>} : memref<40x128xi32, #tpu.memory_space<vmem>>, vector<16xi32>,
      tpu.vector_store_idx %arg12[%get3A_454], %exp3A_451 {add = true} : memref<10016xf32, #tpu.memory_space<vmem>>[vector<16xi32>], vector<16xf32>,
      %get3A_455 = arith.constant 1 : i32
      %get3A_456 = arith.index_cast %get3A_455 : i32 to index
      %get3A_457 = arith.constant 80 : index
      %get3A_458 = tpu.vector_load %arg13[%get3A_456, %get3A_457] {strides = array<i32>} : memref<2x128xf32, #tpu.memory_space<vmem>>, vector<16xf32>,
      %get3A_459 = arith.constant 1 : i32
      %get3A_460 = arith.index_cast %get3A_459 : i32 to index
      %get3A_461 = arith.constant 80 : index
      %get3A_462 = tpu.vector_load %arg14[%get3A_460, %get3A_461] {strides = array<i32>} : memref<2x128xf32, #tpu.memory_space<vmem>>, vector<16xf32>,
      %add3A_463 = arith.addf %get3A_458, %get3A_462 : vector<16xf32>
      %gt3A_464 = arith.constant 0.000000e+00 : f32
      %gt3A_465 = vector.broadcast %gt3A_464 : f32 to vector<16xf32>
      %gt3A_466 = arith.cmpf ogt, %add3A_463, %gt3A_465 : vector<16xf32>
      %mul3A_467 = arith.constant 2.000000e-01 : f32
      %mul3A_468 = vector.broadcast %mul3A_467 : f32 to vector<16xf32>
      %mul3A_469 = arith.mulf %mul3A_468, %add3A_463 : vector<16xf32>
      %select_n3A_470 = arith.select %gt3A_466, %add3A_463, %mul3A_469 : vector<16xi1>, vector<16xf32>
      %add3A_471 = arith.constant 80 : i32
      %add3A_472 = arith.addi %mul3A_319, %add3A_471 : i32
      %swap3A_473 = arith.index_cast %add3A_472 : i32 to index
      %swap3A_474 = tpu.vector_load %arg11[%swap3A_473] {strides = array<i32>} : memref<5120xf32, #tpu.memory_space<vmem>>, vector<16xf32>,
      tpu.vector_store %arg11[%swap3A_473], %select_n3A_470 {strides = array<i32>} : memref<5120xf32, #tpu.memory_space<vmem>>, vector<16xf32>,
      %mul3A_475 = arith.constant 2.500000e-01 : f32
      %mul3A_476 = vector.broadcast %mul3A_475 : f32 to vector<16xf32>
      %mul3A_477 = arith.mulf %select_n3A_470, %mul3A_476 : vector<16xf32>
      %exp3A_478 = math.exp %mul3A_477 : vector<16xf32>
      %get3A_479 = arith.index_cast %add3A_299 : i32 to index
      %get3A_480 = arith.constant 80 : index
      %get3A_481 = tpu.vector_load %arg10[%get3A_479, %get3A_480] {strides = array<i32>} : memref<40x128xi32, #tpu.memory_space<vmem>>, vector<16xi32>,
      tpu.vector_store_idx %arg12[%get3A_481], %exp3A_478 {add = true} : memref<10016xf32, #tpu.memory_space<vmem>>[vector<16xi32>], vector<16xf32>,
      %get3A_482 = arith.constant 1 : i32
      %get3A_483 = arith.index_cast %get3A_482 : i32 to index
      %get3A_484 = arith.constant 96 : index
      %get3A_485 = tpu.vector_load %arg13[%get3A_483, %get3A_484] {strides = array<i32>} : memref<2x128xf32, #tpu.memory_space<vmem>>, vector<16xf32>,
      %get3A_486 = arith.constant 1 : i32
      %get3A_487 = arith.index_cast %get3A_486 : i32 to index
      %get3A_488 = arith.constant 96 : index
      %get3A_489 = tpu.vector_load %arg14[%get3A_487, %get3A_488] {strides = array<i32>} : memref<2x128xf32, #tpu.memory_space<vmem>>, vector<16xf32>,
      %add3A_490 = arith.addf %get3A_485, %get3A_489 : vector<16xf32>
      %gt3A_491 = arith.constant 0.000000e+00 : f32
      %gt3A_492 = vector.broadcast %gt3A_491 : f32 to vector<16xf32>
      %gt3A_493 = arith.cmpf ogt, %add3A_490, %gt3A_492 : vector<16xf32>
      %mul3A_494 = arith.constant 2.000000e-01 : f32
      %mul3A_495 = vector.broadcast %mul3A_494 : f32 to vector<16xf32>
      %mul3A_496 = arith.mulf %mul3A_495, %add3A_490 : vector<16xf32>
      %select_n3A_497 = arith.select %gt3A_493, %add3A_490, %mul3A_496 : vector<16xi1>, vector<16xf32>
      %add3A_498 = arith.constant 96 : i32
      %add3A_499 = arith.addi %mul3A_319, %add3A_498 : i32
      %swap3A_500 = arith.index_cast %add3A_499 : i32 to index
      %swap3A_501 = tpu.vector_load %arg11[%swap3A_500] {strides = array<i32>} : memref<5120xf32, #tpu.memory_space<vmem>>, vector<16xf32>,
      tpu.vector_store %arg11[%swap3A_500], %select_n3A_497 {strides = array<i32>} : memref<5120xf32, #tpu.memory_space<vmem>>, vector<16xf32>,
      %mul3A_502 = arith.constant 2.500000e-01 : f32
      %mul3A_503 = vector.broadcast %mul3A_502 : f32 to vector<16xf32>
      %mul3A_504 = arith.mulf %select_n3A_497, %mul3A_503 : vector<16xf32>
      %exp3A_505 = math.exp %mul3A_504 : vector<16xf32>
      %get3A_506 = arith.index_cast %add3A_299 : i32 to index
      %get3A_507 = arith.constant 96 : index
      %get3A_508 = tpu.vector_load %arg10[%get3A_506, %get3A_507] {strides = array<i32>} : memref<40x128xi32, #tpu.memory_space<vmem>>, vector<16xi32>,
      tpu.vector_store_idx %arg12[%get3A_508], %exp3A_505 {add = true} : memref<10016xf32, #tpu.memory_space<vmem>>[vector<16xi32>], vector<16xf32>,
      %get3A_509 = arith.constant 1 : i32
      %get3A_510 = arith.index_cast %get3A_509 : i32 to index
      %get3A_511 = arith.constant 112 : index
      %get3A_512 = tpu.vector_load %arg13[%get3A_510, %get3A_511] {strides = array<i32>} : memref<2x128xf32, #tpu.memory_space<vmem>>, vector<16xf32>,
      %get3A_513 = arith.constant 1 : i32
      %get3A_514 = arith.index_cast %get3A_513 : i32 to index
      %get3A_515 = arith.constant 112 : index
      %get3A_516 = tpu.vector_load %arg14[%get3A_514, %get3A_515] {strides = array<i32>} : memref<2x128xf32, #tpu.memory_space<vmem>>, vector<16xf32>,
      %add3A_517 = arith.addf %get3A_512, %get3A_516 : vector<16xf32>
      %gt3A_518 = arith.constant 0.000000e+00 : f32
      %gt3A_519 = vector.broadcast %gt3A_518 : f32 to vector<16xf32>
      %gt3A_520 = arith.cmpf ogt, %add3A_517, %gt3A_519 : vector<16xf32>
      %mul3A_521 = arith.constant 2.000000e-01 : f32
      %mul3A_522 = vector.broadcast %mul3A_521 : f32 to vector<16xf32>
      %mul3A_523 = arith.mulf %mul3A_522, %add3A_517 : vector<16xf32>
      %select_n3A_524 = arith.select %gt3A_520, %add3A_517, %mul3A_523 : vector<16xi1>, vector<16xf32>
      %add3A_525 = arith.constant 112 : i32
      %add3A_526 = arith.addi %mul3A_319, %add3A_525 : i32
      %swap3A_527 = arith.index_cast %add3A_526 : i32 to index
      %swap3A_528 = tpu.vector_load %arg11[%swap3A_527] {strides = array<i32>} : memref<5120xf32, #tpu.memory_space<vmem>>, vector<16xf32>,
      tpu.vector_store %arg11[%swap3A_527], %select_n3A_524 {strides = array<i32>} : memref<5120xf32, #tpu.memory_space<vmem>>, vector<16xf32>,
      %mul3A_529 = arith.constant 2.500000e-01 : f32
      %mul3A_530 = vector.broadcast %mul3A_529 : f32 to vector<16xf32>
      %mul3A_531 = arith.mulf %select_n3A_524, %mul3A_530 : vector<16xf32>
      %exp3A_532 = math.exp %mul3A_531 : vector<16xf32>
      %get3A_533 = arith.index_cast %add3A_299 : i32 to index
      %get3A_534 = arith.constant 112 : index
      %get3A_535 = tpu.vector_load %arg10[%get3A_533, %get3A_534] {strides = array<i32>} : memref<40x128xi32, #tpu.memory_space<vmem>>, vector<16xi32>,
      tpu.vector_store_idx %arg12[%get3A_535], %exp3A_532 {add = true} : memref<10016xf32, #tpu.memory_space<vmem>>[vector<16xi32>], vector<16xf32>,
      %add3A_536 = arith.constant 2 : i32
      %add3A_537 = arith.addi %add3A_299, %add3A_536 : i32
      %lt3A_538 = arith.constant 40 : i32
      %lt3A_539 = arith.cmpi slt, %add3A_537, %lt3A_538 : i32
      %convert_element_type3A_540 = arith.extui %lt3A_539 : i1 to i32
      %cond3A_541 = arith.constant 0 : i32
      %cond3A_542 = arith.cmpi ne, %convert_element_type3A_540, %cond3A_541 : i32
      scf.if %cond3A_542 {
        %add3A_543 = arith.constant 2 : i32
        %add3A_544 = arith.addi %add3A_299, %add3A_543 : i32
        %dma_start3A_545 = arith.constant 1 : i32
        %dma_start3A_546 = arith.constant 0 : i32
        %dma_start3A_547 = tpu.memref_slice %arg13[%dma_start3A_545, %dma_start3A_546] : memref<2x128xf32, #tpu.memory_space<vmem>> -> memref<1x128xf32, #tpu.memory_space<vmem>>
        %dma_start3A_548 = tpu.memref_squeeze %dma_start3A_547 : memref<1x128xf32, #tpu.memory_space<vmem>> -> memref<128xf32, #tpu.memory_space<vmem>>
        %dma_start3A_549 = arith.constant 0 : i32
        %dma_start3A_550 = tpu.memref_slice %arg8[%add3A_544, %dma_start3A_549] : memref<40x128xi32, #tpu.memory_space<vmem>> -> memref<1x128xi32, #tpu.memory_space<vmem>>
        %dma_start3A_551 = tpu.memref_squeeze %dma_start3A_550 : memref<1x128xi32, #tpu.memory_space<vmem>> -> memref<128xi32, #tpu.memory_space<vmem>>
        %dma_start3A_552 = arith.constant 0 : i32
        %dma_start3A_553 = tpu.memref_slice %arg2[%dma_start3A_552] : memref<1280128xf32, #tpu.memory_space<hbm>> -> memref<1280128xf32, #tpu.memory_space<hbm>>
        tpu.enqueue_indirect_dma source(%dma_start3A_553 : memref<1280128xf32, #tpu.memory_space<hbm>>) target(%dma_start3A_548 : memref<128xf32, #tpu.memory_space<vmem>>) offsets(%dma_start3A_551 : memref<128xi32, #tpu.memory_space<vmem>>) semaphore(%arg17 : memref<!tpu.dma_semaphore, #tpu.memory_space<semaphore_mem>>)
        %dma_start3A_554 = arith.constant 1 : i32
        %dma_start3A_555 = arith.constant 0 : i32
        %dma_start3A_556 = tpu.memref_slice %arg14[%dma_start3A_554, %dma_start3A_555] : memref<2x128xf32, #tpu.memory_space<vmem>> -> memref<1x128xf32, #tpu.memory_space<vmem>>
        %dma_start3A_557 = tpu.memref_squeeze %dma_start3A_556 : memref<1x128xf32, #tpu.memory_space<vmem>> -> memref<128xf32, #tpu.memory_space<vmem>>
        %dma_start3A_558 = arith.constant 0 : i32
        %dma_start3A_559 = tpu.memref_slice %arg9[%add3A_544, %dma_start3A_558] : memref<40x128xi32, #tpu.memory_space<vmem>> -> memref<1x128xi32, #tpu.memory_space<vmem>>
        %dma_start3A_560 = tpu.memref_squeeze %dma_start3A_559 : memref<1x128xi32, #tpu.memory_space<vmem>> -> memref<128xi32, #tpu.memory_space<vmem>>
        %dma_start3A_561 = arith.constant 0 : i32
        %dma_start3A_562 = tpu.memref_slice %arg2[%dma_start3A_561] : memref<1280128xf32, #tpu.memory_space<hbm>> -> memref<1280128xf32, #tpu.memory_space<hbm>>
        tpu.enqueue_indirect_dma source(%dma_start3A_562 : memref<1280128xf32, #tpu.memory_space<hbm>>) target(%dma_start3A_557 : memref<128xf32, #tpu.memory_space<vmem>>) offsets(%dma_start3A_560 : memref<128xi32, #tpu.memory_space<vmem>>) semaphore(%arg18 : memref<!tpu.dma_semaphore, #tpu.memory_space<semaphore_mem>>)
      } else {
      }
    }
    %scan3A_48 = arith.constant 20 : i32
    %mul3A_49 = arith.constant 5000 : i32
    %mul3A_50 = arith.muli %add3A, %mul3A_49 : i32
    "tpu.region"() ({
      %run_scoped3A = tpu.sem_alloc : memref<!tpu.dma_semaphore, #tpu.memory_space<semaphore_mem>>
      %dma_start3A_53 = arith.constant 0 : i32
      %dma_start3A_54 = tpu.memref_slice %arg11[%dma_start3A_53] : memref<5120xf32, #tpu.memory_space<vmem>> -> memref<5000xf32, #tpu.memory_space<vmem>>
      %dma_start3A_55 = tpu.memref_slice %arg6[%mul3A_50] : memref<160000xf32, #tpu.memory_space<hbm>> -> memref<5000xf32, #tpu.memory_space<hbm>>
      %dma_start3A_56 = tpu.memref_slice %arg6[%mul3A_50] : memref<160000xf32, #tpu.memory_space<hbm>> -> memref<5000xf32, #tpu.memory_space<hbm>>
      %dma_start3A_57 = arith.constant 0 : i32
      %dma_start3A_58 = tpu.memref_slice %arg11[%dma_start3A_57] : memref<5120xf32, #tpu.memory_space<vmem>> -> memref<5000xf32, #tpu.memory_space<vmem>>
      tpu.enqueue_dma source(%dma_start3A_58 : memref<5000xf32, #tpu.memory_space<vmem>>) target(%dma_start3A_56 : memref<5000xf32, #tpu.memory_space<hbm>>) target_semaphore(%run_scoped3A : memref<!tpu.dma_semaphore, #tpu.memory_space<semaphore_mem>>)
      %dma_wait3A = arith.constant 0 : i32
      %dma_wait3A_59 = tpu.memref_slice %arg11[%dma_wait3A] : memref<5120xf32, #tpu.memory_space<vmem>> -> memref<5000xf32, #tpu.memory_space<vmem>>
      %dma_wait3A_60 = tpu.memref_slice %arg6[%mul3A_50] : memref<160000xf32, #tpu.memory_space<hbm>> -> memref<5000xf32, #tpu.memory_space<hbm>>
      %dma_wait3A_61 = tpu.memref_slice %arg6[%mul3A_50] : memref<160000xf32, #tpu.memory_space<hbm>> -> memref<5000xf32, #tpu.memory_space<hbm>>
      %dma_wait3A_62 = arith.constant 0 : i32
      %dma_wait3A_63 = tpu.memref_slice %arg11[%dma_wait3A_62] : memref<5120xf32, #tpu.memory_space<vmem>> -> memref<5000xf32, #tpu.memory_space<vmem>>
      tpu.wait_dma2 semaphore(%run_scoped3A : memref<!tpu.dma_semaphore, #tpu.memory_space<semaphore_mem>>) src(%dma_wait3A_63 : memref<5000xf32, #tpu.memory_space<vmem>>) dst(%dma_wait3A_61 : memref<5000xf32, #tpu.memory_space<hbm>>)
      tpu.yield
    }) : () -> ()
    %mul3A_51 = arith.constant 10000 : i32
    %mul3A_52 = arith.muli %add3A, %mul3A_51 : i32
    "tpu.region"() ({
      %run_scoped3A = tpu.sem_alloc : memref<!tpu.dma_semaphore, #tpu.memory_space<semaphore_mem>>
      %dma_start3A_53 = arith.constant 0 : i32
      %dma_start3A_54 = tpu.memref_slice %arg12[%dma_start3A_53] : memref<10016xf32, #tpu.memory_space<vmem>> -> memref<10000xf32, #tpu.memory_space<vmem>>
      %dma_start3A_55 = tpu.memref_slice %arg7[%mul3A_52] : memref<320000xf32, #tpu.memory_space<hbm>> -> memref<10000xf32, #tpu.memory_space<hbm>>
      %dma_start3A_56 = tpu.memref_slice %arg7[%mul3A_52] : memref<320000xf32, #tpu.memory_space<hbm>> -> memref<10000xf32, #tpu.memory_space<hbm>>
      %dma_start3A_57 = arith.constant 0 : i32
      %dma_start3A_58 = tpu.memref_slice %arg12[%dma_start3A_57] : memref<10016xf32, #tpu.memory_space<vmem>> -> memref<10000xf32, #tpu.memory_space<vmem>>
      tpu.enqueue_dma source(%dma_start3A_58 : memref<10000xf32, #tpu.memory_space<vmem>>) target(%dma_start3A_56 : memref<10000xf32, #tpu.memory_space<hbm>>) target_semaphore(%run_scoped3A : memref<!tpu.dma_semaphore, #tpu.memory_space<semaphore_mem>>)
      %dma_wait3A = arith.constant 0 : i32
      %dma_wait3A_59 = tpu.memref_slice %arg12[%dma_wait3A] : memref<10016xf32, #tpu.memory_space<vmem>> -> memref<10000xf32, #tpu.memory_space<vmem>>
      %dma_wait3A_60 = tpu.memref_slice %arg7[%mul3A_52] : memref<320000xf32, #tpu.memory_space<hbm>> -> memref<10000xf32, #tpu.memory_space<hbm>>
      %dma_wait3A_61 = tpu.memref_slice %arg7[%mul3A_52] : memref<320000xf32, #tpu.memory_space<hbm>> -> memref<10000xf32, #tpu.memory_space<hbm>>
      %dma_wait3A_62 = arith.constant 0 : i32
      %dma_wait3A_63 = tpu.memref_slice %arg12[%dma_wait3A_62] : memref<10016xf32, #tpu.memory_space<vmem>> -> memref<10000xf32, #tpu.memory_space<vmem>>
      tpu.wait_dma2 semaphore(%run_scoped3A : memref<!tpu.dma_semaphore, #tpu.memory_space<semaphore_mem>>) src(%dma_wait3A_63 : memref<10000xf32, #tpu.memory_space<vmem>>) dst(%dma_wait3A_61 : memref<10000xf32, #tpu.memory_space<hbm>>)
      tpu.yield
    }) : () -> ()
    return
  }
}

#map = affine_map<(d0, d1) -> (0, 0)>
#map1 = affine_map<(d0, d1) -> (0, 0, 0, 0)>
#map2 = affine_map<(d0, d1) -> (0)>
module attributes {stable_mosaic.version = 14 : i64} {
  func.func @_edge_pass2(%arg0: i32, %arg1: i32, %arg2: memref<20002x128xf32, #tpu.memory_space<hbm>>, %arg3: memref<16x106x3x96xi32, #tpu.memory_space<hbm>>, %arg4: memref<10016xf32, #tpu.memory_space<hbm>>, %arg5: memref<20480x128xf32, #tpu.memory_space<hbm>>, %arg6: memref<320000xf32, #tpu.memory_space<hbm>>, %arg7: memref<3x96xi32, #tpu.memory_space<vmem>>, %arg8: memref<3x96xi32, #tpu.memory_space<vmem>>, %arg9: memref<96xi32, #tpu.memory_space<vmem>>, %arg10: memref<96xi32, #tpu.memory_space<vmem>>, %arg11: memref<10016xf32, #tpu.memory_space<vmem>>, %arg12: memref<10016xf32, #tpu.memory_space<vmem>>, %arg13: memref<96xf32, #tpu.memory_space<vmem>>, %arg14: memref<96x128xf32, #tpu.memory_space<vmem>>, %arg15: memref<96x128xf32, #tpu.memory_space<vmem>>, %arg16: memref<10240x128xf32, #tpu.memory_space<vmem_shared>>, %arg17: memref<!tpu.dma_semaphore, #tpu.memory_space<semaphore_mem>>, %arg18: memref<!tpu.dma_semaphore, #tpu.memory_space<semaphore_mem>>) attributes {dimension_semantics = [#tpu.dimension_semantics<core_parallel>, #tpu.dimension_semantics<subcore_parallel>], iteration_bounds = array<i64: 2, 16>, scalar_prefetch = 0 : i64, scratch_operands = 12 : i64, tpu.core_type = #tpu.core_type<sc_vector_subcore>, window_params = [{transform_indices = #map}, {transform_indices = #map1}, {transform_indices = #map2}, {transform_indices = #map}, {transform_indices = #map2}]} {
    %mul3A = arith.constant 2 : i32
    %mul3A_0 = arith.muli %arg1, %mul3A : i32
    %add3A = arith.addi %mul3A_0, %arg0 : i32
    "tpu.region"() ({
      %run_scoped3A_153 = tpu.sem_alloc : memref<!tpu.dma_semaphore, #tpu.memory_space<semaphore_mem>>
      tpu.enqueue_dma source(%arg4 : memref<10016xf32, #tpu.memory_space<hbm>>) target(%arg11 : memref<10016xf32, #tpu.memory_space<vmem>>) target_semaphore(%run_scoped3A_153 : memref<!tpu.dma_semaphore, #tpu.memory_space<semaphore_mem>>)
      tpu.wait_dma2 semaphore(%run_scoped3A_153 : memref<!tpu.dma_semaphore, #tpu.memory_space<semaphore_mem>>) src(%arg4 : memref<10016xf32, #tpu.memory_space<hbm>>) dst(%arg11 : memref<10016xf32, #tpu.memory_space<vmem>>)
      tpu.yield
    }) : () -> ()
    %scan3A = arith.constant 0 : i32
    %scan3A_1 = arith.constant 626 : i32
    %scan3A_2 = arith.addi %scan3A, %scan3A_1 : i32
    %scan3A_3 = arith.constant 1 : i32
    scf.for %scan3A_153 = %scan3A to %scan3A_2 step %scan3A_3  : i32 {
      %mul3A_154 = arith.constant 1 : i32
      %mul3A_155 = arith.muli %scan3A_153, %mul3A_154 : i32
      %add3A_156 = arith.constant 0 : i32
      %add3A_157 = arith.addi %add3A_156, %mul3A_155 : i32
      %broadcast_in_dim3A = arith.constant 0.000000e+00 : f32
      %broadcast_in_dim3A_158 = vector.broadcast %broadcast_in_dim3A : f32 to vector<16xf32>
      %mul3A_159 = arith.constant 16 : i32
      %mul3A_160 = arith.muli %add3A_157, %mul3A_159 : i32
      %swap3A_161 = arith.index_cast %mul3A_160 : i32 to index
      %swap3A_162 = tpu.vector_load %arg12[%swap3A_161] {strides = array<i32>} : memref<10016xf32, #tpu.memory_space<vmem>>, vector<16xf32>,
      tpu.vector_store %arg12[%swap3A_161], %broadcast_in_dim3A_158 {strides = array<i32>} : memref<10016xf32, #tpu.memory_space<vmem>>, vector<16xf32>,
    }
    %scan3A_4 = arith.constant 626 : i32
    %scan3A_5 = arith.constant 0 : i32
    %scan3A_6 = arith.constant 96 : i32
    %scan3A_7 = arith.addi %scan3A_5, %scan3A_6 : i32
    %scan3A_8 = arith.constant 1 : i32
    scf.for %scan3A_153 = %scan3A_5 to %scan3A_7 step %scan3A_8  : i32 {
      %mul3A_154 = arith.constant 1 : i32
      %mul3A_155 = arith.muli %scan3A_153, %mul3A_154 : i32
      %add3A_156 = arith.constant 0 : i32
      %add3A_157 = arith.addi %add3A_156, %mul3A_155 : i32
      %broadcast_in_dim3A = arith.constant 0.000000e+00 : f32
      %broadcast_in_dim3A_158 = vector.broadcast %broadcast_in_dim3A : f32 to vector<16xf32>
      %swap3A_159 = arith.index_cast %add3A_157 : i32 to index
      %swap3A_160 = arith.constant 0 : index
      %swap3A_161 = tpu.vector_load %arg14[%swap3A_159, %swap3A_160] {strides = array<i32>} : memref<96x128xf32, #tpu.memory_space<vmem>>, vector<16xf32>,
      tpu.vector_store %arg14[%swap3A_159, %swap3A_160], %broadcast_in_dim3A_158 {strides = array<i32>} : memref<96x128xf32, #tpu.memory_space<vmem>>, vector<16xf32>,
      %swap3A_162 = arith.index_cast %add3A_157 : i32 to index
      %swap3A_163 = arith.constant 0 : index
      %swap3A_164 = tpu.vector_load %arg15[%swap3A_162, %swap3A_163] {strides = array<i32>} : memref<96x128xf32, #tpu.memory_space<vmem>>, vector<16xf32>,
      tpu.vector_store %arg15[%swap3A_162, %swap3A_163], %broadcast_in_dim3A_158 {strides = array<i32>} : memref<96x128xf32, #tpu.memory_space<vmem>>, vector<16xf32>,
      %broadcast_in_dim3A_165 = arith.constant 0.000000e+00 : f32
      %broadcast_in_dim3A_166 = vector.broadcast %broadcast_in_dim3A_165 : f32 to vector<16xf32>
      %swap3A_167 = arith.index_cast %add3A_157 : i32 to index
      %swap3A_168 = arith.constant 16 : index
      %swap3A_169 = tpu.vector_load %arg14[%swap3A_167, %swap3A_168] {strides = array<i32>} : memref<96x128xf32, #tpu.memory_space<vmem>>, vector<16xf32>,
      tpu.vector_store %arg14[%swap3A_167, %swap3A_168], %broadcast_in_dim3A_166 {strides = array<i32>} : memref<96x128xf32, #tpu.memory_space<vmem>>, vector<16xf32>,
      %swap3A_170 = arith.index_cast %add3A_157 : i32 to index
      %swap3A_171 = arith.constant 16 : index
      %swap3A_172 = tpu.vector_load %arg15[%swap3A_170, %swap3A_171] {strides = array<i32>} : memref<96x128xf32, #tpu.memory_space<vmem>>, vector<16xf32>,
      tpu.vector_store %arg15[%swap3A_170, %swap3A_171], %broadcast_in_dim3A_166 {strides = array<i32>} : memref<96x128xf32, #tpu.memory_space<vmem>>, vector<16xf32>,
      %broadcast_in_dim3A_173 = arith.constant 0.000000e+00 : f32
      %broadcast_in_dim3A_174 = vector.broadcast %broadcast_in_dim3A_173 : f32 to vector<16xf32>
      %swap3A_175 = arith.index_cast %add3A_157 : i32 to index
      %swap3A_176 = arith.constant 32 : index
      %swap3A_177 = tpu.vector_load %arg14[%swap3A_175, %swap3A_176] {strides = array<i32>} : memref<96x128xf32, #tpu.memory_space<vmem>>, vector<16xf32>,
      tpu.vector_store %arg14[%swap3A_175, %swap3A_176], %broadcast_in_dim3A_174 {strides = array<i32>} : memref<96x128xf32, #tpu.memory_space<vmem>>, vector<16xf32>,
      %swap3A_178 = arith.index_cast %add3A_157 : i32 to index
      %swap3A_179 = arith.constant 32 : index
      %swap3A_180 = tpu.vector_load %arg15[%swap3A_178, %swap3A_179] {strides = array<i32>} : memref<96x128xf32, #tpu.memory_space<vmem>>, vector<16xf32>,
      tpu.vector_store %arg15[%swap3A_178, %swap3A_179], %broadcast_in_dim3A_174 {strides = array<i32>} : memref<96x128xf32, #tpu.memory_space<vmem>>, vector<16xf32>,
      %broadcast_in_dim3A_181 = arith.constant 0.000000e+00 : f32
      %broadcast_in_dim3A_182 = vector.broadcast %broadcast_in_dim3A_181 : f32 to vector<16xf32>
      %swap3A_183 = arith.index_cast %add3A_157 : i32 to index
      %swap3A_184 = arith.constant 48 : index
      %swap3A_185 = tpu.vector_load %arg14[%swap3A_183, %swap3A_184] {strides = array<i32>} : memref<96x128xf32, #tpu.memory_space<vmem>>, vector<16xf32>,
      tpu.vector_store %arg14[%swap3A_183, %swap3A_184], %broadcast_in_dim3A_182 {strides = array<i32>} : memref<96x128xf32, #tpu.memory_space<vmem>>, vector<16xf32>,
      %swap3A_186 = arith.index_cast %add3A_157 : i32 to index
      %swap3A_187 = arith.constant 48 : index
      %swap3A_188 = tpu.vector_load %arg15[%swap3A_186, %swap3A_187] {strides = array<i32>} : memref<96x128xf32, #tpu.memory_space<vmem>>, vector<16xf32>,
      tpu.vector_store %arg15[%swap3A_186, %swap3A_187], %broadcast_in_dim3A_182 {strides = array<i32>} : memref<96x128xf32, #tpu.memory_space<vmem>>, vector<16xf32>,
      %broadcast_in_dim3A_189 = arith.constant 0.000000e+00 : f32
      %broadcast_in_dim3A_190 = vector.broadcast %broadcast_in_dim3A_189 : f32 to vector<16xf32>
      %swap3A_191 = arith.index_cast %add3A_157 : i32 to index
      %swap3A_192 = arith.constant 64 : index
      %swap3A_193 = tpu.vector_load %arg14[%swap3A_191, %swap3A_192] {strides = array<i32>} : memref<96x128xf32, #tpu.memory_space<vmem>>, vector<16xf32>,
      tpu.vector_store %arg14[%swap3A_191, %swap3A_192], %broadcast_in_dim3A_190 {strides = array<i32>} : memref<96x128xf32, #tpu.memory_space<vmem>>, vector<16xf32>,
      %swap3A_194 = arith.index_cast %add3A_157 : i32 to index
      %swap3A_195 = arith.constant 64 : index
      %swap3A_196 = tpu.vector_load %arg15[%swap3A_194, %swap3A_195] {strides = array<i32>} : memref<96x128xf32, #tpu.memory_space<vmem>>, vector<16xf32>,
      tpu.vector_store %arg15[%swap3A_194, %swap3A_195], %broadcast_in_dim3A_190 {strides = array<i32>} : memref<96x128xf32, #tpu.memory_space<vmem>>, vector<16xf32>,
      %broadcast_in_dim3A_197 = arith.constant 0.000000e+00 : f32
      %broadcast_in_dim3A_198 = vector.broadcast %broadcast_in_dim3A_197 : f32 to vector<16xf32>
      %swap3A_199 = arith.index_cast %add3A_157 : i32 to index
      %swap3A_200 = arith.constant 80 : index
      %swap3A_201 = tpu.vector_load %arg14[%swap3A_199, %swap3A_200] {strides = array<i32>} : memref<96x128xf32, #tpu.memory_space<vmem>>, vector<16xf32>,
      tpu.vector_store %arg14[%swap3A_199, %swap3A_200], %broadcast_in_dim3A_198 {strides = array<i32>} : memref<96x128xf32, #tpu.memory_space<vmem>>, vector<16xf32>,
      %swap3A_202 = arith.index_cast %add3A_157 : i32 to index
      %swap3A_203 = arith.constant 80 : index
      %swap3A_204 = tpu.vector_load %arg15[%swap3A_202, %swap3A_203] {strides = array<i32>} : memref<96x128xf32, #tpu.memory_space<vmem>>, vector<16xf32>,
      tpu.vector_store %arg15[%swap3A_202, %swap3A_203], %broadcast_in_dim3A_198 {strides = array<i32>} : memref<96x128xf32, #tpu.memory_space<vmem>>, vector<16xf32>,
      %broadcast_in_dim3A_205 = arith.constant 0.000000e+00 : f32
      %broadcast_in_dim3A_206 = vector.broadcast %broadcast_in_dim3A_205 : f32 to vector<16xf32>
      %swap3A_207 = arith.index_cast %add3A_157 : i32 to index
      %swap3A_208 = arith.constant 96 : index
      %swap3A_209 = tpu.vector_load %arg14[%swap3A_207, %swap3A_208] {strides = array<i32>} : memref<96x128xf32, #tpu.memory_space<vmem>>, vector<16xf32>,
      tpu.vector_store %arg14[%swap3A_207, %swap3A_208], %broadcast_in_dim3A_206 {strides = array<i32>} : memref<96x128xf32, #tpu.memory_space<vmem>>, vector<16xf32>,
      %swap3A_210 = arith.index_cast %add3A_157 : i32 to index
      %swap3A_211 = arith.constant 96 : index
      %swap3A_212 = tpu.vector_load %arg15[%swap3A_210, %swap3A_211] {strides = array<i32>} : memref<96x128xf32, #tpu.memory_space<vmem>>, vector<16xf32>,
      tpu.vector_store %arg15[%swap3A_210, %swap3A_211], %broadcast_in_dim3A_206 {strides = array<i32>} : memref<96x128xf32, #tpu.memory_space<vmem>>, vector<16xf32>,
      %broadcast_in_dim3A_213 = arith.constant 0.000000e+00 : f32
      %broadcast_in_dim3A_214 = vector.broadcast %broadcast_in_dim3A_213 : f32 to vector<16xf32>
      %swap3A_215 = arith.index_cast %add3A_157 : i32 to index
      %swap3A_216 = arith.constant 112 : index
      %swap3A_217 = tpu.vector_load %arg14[%swap3A_215, %swap3A_216] {strides = array<i32>} : memref<96x128xf32, #tpu.memory_space<vmem>>, vector<16xf32>,
      tpu.vector_store %arg14[%swap3A_215, %swap3A_216], %broadcast_in_dim3A_214 {strides = array<i32>} : memref<96x128xf32, #tpu.memory_space<vmem>>, vector<16xf32>,
      %swap3A_218 = arith.index_cast %add3A_157 : i32 to index
      %swap3A_219 = arith.constant 112 : index
      %swap3A_220 = tpu.vector_load %arg15[%swap3A_218, %swap3A_219] {strides = array<i32>} : memref<96x128xf32, #tpu.memory_space<vmem>>, vector<16xf32>,
      tpu.vector_store %arg15[%swap3A_218, %swap3A_219], %broadcast_in_dim3A_214 {strides = array<i32>} : memref<96x128xf32, #tpu.memory_space<vmem>>, vector<16xf32>,
    }
    %scan3A_9 = arith.constant 96 : i32
    %mul3A_10 = arith.constant 640 : i32
    %mul3A_11 = arith.muli %arg1, %mul3A_10 : i32
    %add3A_12 = arith.constant 0 : i32
    %add3A_13 = arith.addi %mul3A_11, %add3A_12 : i32
    "tpu.region"() ({
      %run_scoped3A_153 = tpu.sem_alloc : memref<!tpu.dma_semaphore, #tpu.memory_space<semaphore_mem>>
      %dma_start3A_154 = arith.constant 0 : i32
      %dma_start3A_155 = arith.constant 0 : i32
      %dma_start3A_156 = tpu.memref_slice %arg14[%dma_start3A_154, %dma_start3A_155] : memref<96x128xf32, #tpu.memory_space<vmem>> -> memref<96x128xf32, #tpu.memory_space<vmem>>
      %dma_start3A_157 = arith.constant 0 : i32
      %dma_start3A_158 = tpu.memref_slice %arg16[%add3A_13, %dma_start3A_157] : memref<10240x128xf32, #tpu.memory_space<vmem_shared>> -> memref<96x128xf32, #tpu.memory_space<vmem_shared>>
      %dma_start3A_159 = arith.constant 0 : i32
      %dma_start3A_160 = tpu.memref_slice %arg16[%add3A_13, %dma_start3A_159] : memref<10240x128xf32, #tpu.memory_space<vmem_shared>> -> memref<96x128xf32, #tpu.memory_space<vmem_shared>>
      %dma_start3A_161 = arith.constant 0 : i32
      %dma_start3A_162 = arith.constant 0 : i32
      %dma_start3A_163 = tpu.memref_slice %arg14[%dma_start3A_161, %dma_start3A_162] : memref<96x128xf32, #tpu.memory_space<vmem>> -> memref<96x128xf32, #tpu.memory_space<vmem>>
      tpu.enqueue_dma source(%dma_start3A_163 : memref<96x128xf32, #tpu.memory_space<vmem>>) target(%dma_start3A_160 : memref<96x128xf32, #tpu.memory_space<vmem_shared>>) target_semaphore(%run_scoped3A_153 : memref<!tpu.dma_semaphore, #tpu.memory_space<semaphore_mem>>)
      %dma_wait3A = arith.constant 0 : i32
      %dma_wait3A_164 = arith.constant 0 : i32
      %dma_wait3A_165 = tpu.memref_slice %arg14[%dma_wait3A, %dma_wait3A_164] : memref<96x128xf32, #tpu.memory_space<vmem>> -> memref<96x128xf32, #tpu.memory_space<vmem>>
      %dma_wait3A_166 = arith.constant 0 : i32
      %dma_wait3A_167 = tpu.memref_slice %arg16[%add3A_13, %dma_wait3A_166] : memref<10240x128xf32, #tpu.memory_space<vmem_shared>> -> memref<96x128xf32, #tpu.memory_space<vmem_shared>>
      %dma_wait3A_168 = arith.constant 0 : i32
      %dma_wait3A_169 = tpu.memref_slice %arg16[%add3A_13, %dma_wait3A_168] : memref<10240x128xf32, #tpu.memory_space<vmem_shared>> -> memref<96x128xf32, #tpu.memory_space<vmem_shared>>
      %dma_wait3A_170 = arith.constant 0 : i32
      %dma_wait3A_171 = arith.constant 0 : i32
      %dma_wait3A_172 = tpu.memref_slice %arg14[%dma_wait3A_170, %dma_wait3A_171] : memref<96x128xf32, #tpu.memory_space<vmem>> -> memref<96x128xf32, #tpu.memory_space<vmem>>
      tpu.wait_dma2 semaphore(%run_scoped3A_153 : memref<!tpu.dma_semaphore, #tpu.memory_space<semaphore_mem>>) src(%dma_wait3A_172 : memref<96x128xf32, #tpu.memory_space<vmem>>) dst(%dma_wait3A_169 : memref<96x128xf32, #tpu.memory_space<vmem_shared>>)
      tpu.yield
    }) : () -> ()
    %mul3A_14 = arith.constant 640 : i32
    %mul3A_15 = arith.muli %arg1, %mul3A_14 : i32
    %add3A_16 = arith.constant 96 : i32
    %add3A_17 = arith.addi %mul3A_15, %add3A_16 : i32
    "tpu.region"() ({
      %run_scoped3A_153 = tpu.sem_alloc : memref<!tpu.dma_semaphore, #tpu.memory_space<semaphore_mem>>
      %dma_start3A_154 = arith.constant 0 : i32
      %dma_start3A_155 = arith.constant 0 : i32
      %dma_start3A_156 = tpu.memref_slice %arg14[%dma_start3A_154, %dma_start3A_155] : memref<96x128xf32, #tpu.memory_space<vmem>> -> memref<96x128xf32, #tpu.memory_space<vmem>>
      %dma_start3A_157 = arith.constant 0 : i32
      %dma_start3A_158 = tpu.memref_slice %arg16[%add3A_17, %dma_start3A_157] : memref<10240x128xf32, #tpu.memory_space<vmem_shared>> -> memref<96x128xf32, #tpu.memory_space<vmem_shared>>
      %dma_start3A_159 = arith.constant 0 : i32
      %dma_start3A_160 = tpu.memref_slice %arg16[%add3A_17, %dma_start3A_159] : memref<10240x128xf32, #tpu.memory_space<vmem_shared>> -> memref<96x128xf32, #tpu.memory_space<vmem_shared>>
      %dma_start3A_161 = arith.constant 0 : i32
      %dma_start3A_162 = arith.constant 0 : i32
      %dma_start3A_163 = tpu.memref_slice %arg14[%dma_start3A_161, %dma_start3A_162] : memref<96x128xf32, #tpu.memory_space<vmem>> -> memref<96x128xf32, #tpu.memory_space<vmem>>
      tpu.enqueue_dma source(%dma_start3A_163 : memref<96x128xf32, #tpu.memory_space<vmem>>) target(%dma_start3A_160 : memref<96x128xf32, #tpu.memory_space<vmem_shared>>) target_semaphore(%run_scoped3A_153 : memref<!tpu.dma_semaphore, #tpu.memory_space<semaphore_mem>>)
      %dma_wait3A = arith.constant 0 : i32
      %dma_wait3A_164 = arith.constant 0 : i32
      %dma_wait3A_165 = tpu.memref_slice %arg14[%dma_wait3A, %dma_wait3A_164] : memref<96x128xf32, #tpu.memory_space<vmem>> -> memref<96x128xf32, #tpu.memory_space<vmem>>
      %dma_wait3A_166 = arith.constant 0 : i32
      %dma_wait3A_167 = tpu.memref_slice %arg16[%add3A_17, %dma_wait3A_166] : memref<10240x128xf32, #tpu.memory_space<vmem_shared>> -> memref<96x128xf32, #tpu.memory_space<vmem_shared>>
      %dma_wait3A_168 = arith.constant 0 : i32
      %dma_wait3A_169 = tpu.memref_slice %arg16[%add3A_17, %dma_wait3A_168] : memref<10240x128xf32, #tpu.memory_space<vmem_shared>> -> memref<96x128xf32, #tpu.memory_space<vmem_shared>>
      %dma_wait3A_170 = arith.constant 0 : i32
      %dma_wait3A_171 = arith.constant 0 : i32
      %dma_wait3A_172 = tpu.memref_slice %arg14[%dma_wait3A_170, %dma_wait3A_171] : memref<96x128xf32, #tpu.memory_space<vmem>> -> memref<96x128xf32, #tpu.memory_space<vmem>>
      tpu.wait_dma2 semaphore(%run_scoped3A_153 : memref<!tpu.dma_semaphore, #tpu.memory_space<semaphore_mem>>) src(%dma_wait3A_172 : memref<96x128xf32, #tpu.memory_space<vmem>>) dst(%dma_wait3A_169 : memref<96x128xf32, #tpu.memory_space<vmem_shared>>)
      tpu.yield
    }) : () -> ()
    %mul3A_18 = arith.constant 640 : i32
    %mul3A_19 = arith.muli %arg1, %mul3A_18 : i32
    %add3A_20 = arith.constant 192 : i32
    %add3A_21 = arith.addi %mul3A_19, %add3A_20 : i32
    "tpu.region"() ({
      %run_scoped3A_153 = tpu.sem_alloc : memref<!tpu.dma_semaphore, #tpu.memory_space<semaphore_mem>>
      %dma_start3A_154 = arith.constant 0 : i32
      %dma_start3A_155 = arith.constant 0 : i32
      %dma_start3A_156 = tpu.memref_slice %arg14[%dma_start3A_154, %dma_start3A_155] : memref<96x128xf32, #tpu.memory_space<vmem>> -> memref<96x128xf32, #tpu.memory_space<vmem>>
      %dma_start3A_157 = arith.constant 0 : i32
      %dma_start3A_158 = tpu.memref_slice %arg16[%add3A_21, %dma_start3A_157] : memref<10240x128xf32, #tpu.memory_space<vmem_shared>> -> memref<96x128xf32, #tpu.memory_space<vmem_shared>>
      %dma_start3A_159 = arith.constant 0 : i32
      %dma_start3A_160 = tpu.memref_slice %arg16[%add3A_21, %dma_start3A_159] : memref<10240x128xf32, #tpu.memory_space<vmem_shared>> -> memref<96x128xf32, #tpu.memory_space<vmem_shared>>
      %dma_start3A_161 = arith.constant 0 : i32
      %dma_start3A_162 = arith.constant 0 : i32
      %dma_start3A_163 = tpu.memref_slice %arg14[%dma_start3A_161, %dma_start3A_162] : memref<96x128xf32, #tpu.memory_space<vmem>> -> memref<96x128xf32, #tpu.memory_space<vmem>>
      tpu.enqueue_dma source(%dma_start3A_163 : memref<96x128xf32, #tpu.memory_space<vmem>>) target(%dma_start3A_160 : memref<96x128xf32, #tpu.memory_space<vmem_shared>>) target_semaphore(%run_scoped3A_153 : memref<!tpu.dma_semaphore, #tpu.memory_space<semaphore_mem>>)
      %dma_wait3A = arith.constant 0 : i32
      %dma_wait3A_164 = arith.constant 0 : i32
      %dma_wait3A_165 = tpu.memref_slice %arg14[%dma_wait3A, %dma_wait3A_164] : memref<96x128xf32, #tpu.memory_space<vmem>> -> memref<96x128xf32, #tpu.memory_space<vmem>>
      %dma_wait3A_166 = arith.constant 0 : i32
      %dma_wait3A_167 = tpu.memref_slice %arg16[%add3A_21, %dma_wait3A_166] : memref<10240x128xf32, #tpu.memory_space<vmem_shared>> -> memref<96x128xf32, #tpu.memory_space<vmem_shared>>
      %dma_wait3A_168 = arith.constant 0 : i32
      %dma_wait3A_169 = tpu.memref_slice %arg16[%add3A_21, %dma_wait3A_168] : memref<10240x128xf32, #tpu.memory_space<vmem_shared>> -> memref<96x128xf32, #tpu.memory_space<vmem_shared>>
      %dma_wait3A_170 = arith.constant 0 : i32
      %dma_wait3A_171 = arith.constant 0 : i32
      %dma_wait3A_172 = tpu.memref_slice %arg14[%dma_wait3A_170, %dma_wait3A_171] : memref<96x128xf32, #tpu.memory_space<vmem>> -> memref<96x128xf32, #tpu.memory_space<vmem>>
      tpu.wait_dma2 semaphore(%run_scoped3A_153 : memref<!tpu.dma_semaphore, #tpu.memory_space<semaphore_mem>>) src(%dma_wait3A_172 : memref<96x128xf32, #tpu.memory_space<vmem>>) dst(%dma_wait3A_169 : memref<96x128xf32, #tpu.memory_space<vmem_shared>>)
      tpu.yield
    }) : () -> ()
    %mul3A_22 = arith.constant 640 : i32
    %mul3A_23 = arith.muli %arg1, %mul3A_22 : i32
    %add3A_24 = arith.constant 288 : i32
    %add3A_25 = arith.addi %mul3A_23, %add3A_24 : i32
    "tpu.region"() ({
      %run_scoped3A_153 = tpu.sem_alloc : memref<!tpu.dma_semaphore, #tpu.memory_space<semaphore_mem>>
      %dma_start3A_154 = arith.constant 0 : i32
      %dma_start3A_155 = arith.constant 0 : i32
      %dma_start3A_156 = tpu.memref_slice %arg14[%dma_start3A_154, %dma_start3A_155] : memref<96x128xf32, #tpu.memory_space<vmem>> -> memref<96x128xf32, #tpu.memory_space<vmem>>
      %dma_start3A_157 = arith.constant 0 : i32
      %dma_start3A_158 = tpu.memref_slice %arg16[%add3A_25, %dma_start3A_157] : memref<10240x128xf32, #tpu.memory_space<vmem_shared>> -> memref<96x128xf32, #tpu.memory_space<vmem_shared>>
      %dma_start3A_159 = arith.constant 0 : i32
      %dma_start3A_160 = tpu.memref_slice %arg16[%add3A_25, %dma_start3A_159] : memref<10240x128xf32, #tpu.memory_space<vmem_shared>> -> memref<96x128xf32, #tpu.memory_space<vmem_shared>>
      %dma_start3A_161 = arith.constant 0 : i32
      %dma_start3A_162 = arith.constant 0 : i32
      %dma_start3A_163 = tpu.memref_slice %arg14[%dma_start3A_161, %dma_start3A_162] : memref<96x128xf32, #tpu.memory_space<vmem>> -> memref<96x128xf32, #tpu.memory_space<vmem>>
      tpu.enqueue_dma source(%dma_start3A_163 : memref<96x128xf32, #tpu.memory_space<vmem>>) target(%dma_start3A_160 : memref<96x128xf32, #tpu.memory_space<vmem_shared>>) target_semaphore(%run_scoped3A_153 : memref<!tpu.dma_semaphore, #tpu.memory_space<semaphore_mem>>)
      %dma_wait3A = arith.constant 0 : i32
      %dma_wait3A_164 = arith.constant 0 : i32
      %dma_wait3A_165 = tpu.memref_slice %arg14[%dma_wait3A, %dma_wait3A_164] : memref<96x128xf32, #tpu.memory_space<vmem>> -> memref<96x128xf32, #tpu.memory_space<vmem>>
      %dma_wait3A_166 = arith.constant 0 : i32
      %dma_wait3A_167 = tpu.memref_slice %arg16[%add3A_25, %dma_wait3A_166] : memref<10240x128xf32, #tpu.memory_space<vmem_shared>> -> memref<96x128xf32, #tpu.memory_space<vmem_shared>>
      %dma_wait3A_168 = arith.constant 0 : i32
      %dma_wait3A_169 = tpu.memref_slice %arg16[%add3A_25, %dma_wait3A_168] : memref<10240x128xf32, #tpu.memory_space<vmem_shared>> -> memref<96x128xf32, #tpu.memory_space<vmem_shared>>
      %dma_wait3A_170 = arith.constant 0 : i32
      %dma_wait3A_171 = arith.constant 0 : i32
      %dma_wait3A_172 = tpu.memref_slice %arg14[%dma_wait3A_170, %dma_wait3A_171] : memref<96x128xf32, #tpu.memory_space<vmem>> -> memref<96x128xf32, #tpu.memory_space<vmem>>
      tpu.wait_dma2 semaphore(%run_scoped3A_153 : memref<!tpu.dma_semaphore, #tpu.memory_space<semaphore_mem>>) src(%dma_wait3A_172 : memref<96x128xf32, #tpu.memory_space<vmem>>) dst(%dma_wait3A_169 : memref<96x128xf32, #tpu.memory_space<vmem_shared>>)
      tpu.yield
    }) : () -> ()
    %mul3A_26 = arith.constant 640 : i32
    %mul3A_27 = arith.muli %arg1, %mul3A_26 : i32
    %add3A_28 = arith.constant 384 : i32
    %add3A_29 = arith.addi %mul3A_27, %add3A_28 : i32
    "tpu.region"() ({
      %run_scoped3A_153 = tpu.sem_alloc : memref<!tpu.dma_semaphore, #tpu.memory_space<semaphore_mem>>
      %dma_start3A_154 = arith.constant 0 : i32
      %dma_start3A_155 = arith.constant 0 : i32
      %dma_start3A_156 = tpu.memref_slice %arg14[%dma_start3A_154, %dma_start3A_155] : memref<96x128xf32, #tpu.memory_space<vmem>> -> memref<96x128xf32, #tpu.memory_space<vmem>>
      %dma_start3A_157 = arith.constant 0 : i32
      %dma_start3A_158 = tpu.memref_slice %arg16[%add3A_29, %dma_start3A_157] : memref<10240x128xf32, #tpu.memory_space<vmem_shared>> -> memref<96x128xf32, #tpu.memory_space<vmem_shared>>
      %dma_start3A_159 = arith.constant 0 : i32
      %dma_start3A_160 = tpu.memref_slice %arg16[%add3A_29, %dma_start3A_159] : memref<10240x128xf32, #tpu.memory_space<vmem_shared>> -> memref<96x128xf32, #tpu.memory_space<vmem_shared>>
      %dma_start3A_161 = arith.constant 0 : i32
      %dma_start3A_162 = arith.constant 0 : i32
      %dma_start3A_163 = tpu.memref_slice %arg14[%dma_start3A_161, %dma_start3A_162] : memref<96x128xf32, #tpu.memory_space<vmem>> -> memref<96x128xf32, #tpu.memory_space<vmem>>
      tpu.enqueue_dma source(%dma_start3A_163 : memref<96x128xf32, #tpu.memory_space<vmem>>) target(%dma_start3A_160 : memref<96x128xf32, #tpu.memory_space<vmem_shared>>) target_semaphore(%run_scoped3A_153 : memref<!tpu.dma_semaphore, #tpu.memory_space<semaphore_mem>>)
      %dma_wait3A = arith.constant 0 : i32
      %dma_wait3A_164 = arith.constant 0 : i32
      %dma_wait3A_165 = tpu.memref_slice %arg14[%dma_wait3A, %dma_wait3A_164] : memref<96x128xf32, #tpu.memory_space<vmem>> -> memref<96x128xf32, #tpu.memory_space<vmem>>
      %dma_wait3A_166 = arith.constant 0 : i32
      %dma_wait3A_167 = tpu.memref_slice %arg16[%add3A_29, %dma_wait3A_166] : memref<10240x128xf32, #tpu.memory_space<vmem_shared>> -> memref<96x128xf32, #tpu.memory_space<vmem_shared>>
      %dma_wait3A_168 = arith.constant 0 : i32
      %dma_wait3A_169 = tpu.memref_slice %arg16[%add3A_29, %dma_wait3A_168] : memref<10240x128xf32, #tpu.memory_space<vmem_shared>> -> memref<96x128xf32, #tpu.memory_space<vmem_shared>>
      %dma_wait3A_170 = arith.constant 0 : i32
      %dma_wait3A_171 = arith.constant 0 : i32
      %dma_wait3A_172 = tpu.memref_slice %arg14[%dma_wait3A_170, %dma_wait3A_171] : memref<96x128xf32, #tpu.memory_space<vmem>> -> memref<96x128xf32, #tpu.memory_space<vmem>>
      tpu.wait_dma2 semaphore(%run_scoped3A_153 : memref<!tpu.dma_semaphore, #tpu.memory_space<semaphore_mem>>) src(%dma_wait3A_172 : memref<96x128xf32, #tpu.memory_space<vmem>>) dst(%dma_wait3A_169 : memref<96x128xf32, #tpu.memory_space<vmem_shared>>)
      tpu.yield
    }) : () -> ()
    %mul3A_30 = arith.constant 640 : i32
    %mul3A_31 = arith.muli %arg1, %mul3A_30 : i32
    %add3A_32 = arith.constant 480 : i32
    %add3A_33 = arith.addi %mul3A_31, %add3A_32 : i32
    "tpu.region"() ({
      %run_scoped3A_153 = tpu.sem_alloc : memref<!tpu.dma_semaphore, #tpu.memory_space<semaphore_mem>>
      %dma_start3A_154 = arith.constant 0 : i32
      %dma_start3A_155 = arith.constant 0 : i32
      %dma_start3A_156 = tpu.memref_slice %arg14[%dma_start3A_154, %dma_start3A_155] : memref<96x128xf32, #tpu.memory_space<vmem>> -> memref<96x128xf32, #tpu.memory_space<vmem>>
      %dma_start3A_157 = arith.constant 0 : i32
      %dma_start3A_158 = tpu.memref_slice %arg16[%add3A_33, %dma_start3A_157] : memref<10240x128xf32, #tpu.memory_space<vmem_shared>> -> memref<96x128xf32, #tpu.memory_space<vmem_shared>>
      %dma_start3A_159 = arith.constant 0 : i32
      %dma_start3A_160 = tpu.memref_slice %arg16[%add3A_33, %dma_start3A_159] : memref<10240x128xf32, #tpu.memory_space<vmem_shared>> -> memref<96x128xf32, #tpu.memory_space<vmem_shared>>
      %dma_start3A_161 = arith.constant 0 : i32
      %dma_start3A_162 = arith.constant 0 : i32
      %dma_start3A_163 = tpu.memref_slice %arg14[%dma_start3A_161, %dma_start3A_162] : memref<96x128xf32, #tpu.memory_space<vmem>> -> memref<96x128xf32, #tpu.memory_space<vmem>>
      tpu.enqueue_dma source(%dma_start3A_163 : memref<96x128xf32, #tpu.memory_space<vmem>>) target(%dma_start3A_160 : memref<96x128xf32, #tpu.memory_space<vmem_shared>>) target_semaphore(%run_scoped3A_153 : memref<!tpu.dma_semaphore, #tpu.memory_space<semaphore_mem>>)
      %dma_wait3A = arith.constant 0 : i32
      %dma_wait3A_164 = arith.constant 0 : i32
      %dma_wait3A_165 = tpu.memref_slice %arg14[%dma_wait3A, %dma_wait3A_164] : memref<96x128xf32, #tpu.memory_space<vmem>> -> memref<96x128xf32, #tpu.memory_space<vmem>>
      %dma_wait3A_166 = arith.constant 0 : i32
      %dma_wait3A_167 = tpu.memref_slice %arg16[%add3A_33, %dma_wait3A_166] : memref<10240x128xf32, #tpu.memory_space<vmem_shared>> -> memref<96x128xf32, #tpu.memory_space<vmem_shared>>
      %dma_wait3A_168 = arith.constant 0 : i32
      %dma_wait3A_169 = tpu.memref_slice %arg16[%add3A_33, %dma_wait3A_168] : memref<10240x128xf32, #tpu.memory_space<vmem_shared>> -> memref<96x128xf32, #tpu.memory_space<vmem_shared>>
      %dma_wait3A_170 = arith.constant 0 : i32
      %dma_wait3A_171 = arith.constant 0 : i32
      %dma_wait3A_172 = tpu.memref_slice %arg14[%dma_wait3A_170, %dma_wait3A_171] : memref<96x128xf32, #tpu.memory_space<vmem>> -> memref<96x128xf32, #tpu.memory_space<vmem>>
      tpu.wait_dma2 semaphore(%run_scoped3A_153 : memref<!tpu.dma_semaphore, #tpu.memory_space<semaphore_mem>>) src(%dma_wait3A_172 : memref<96x128xf32, #tpu.memory_space<vmem>>) dst(%dma_wait3A_169 : memref<96x128xf32, #tpu.memory_space<vmem_shared>>)
      tpu.yield
    }) : () -> ()
    %mul3A_34 = arith.constant 640 : i32
    %mul3A_35 = arith.muli %arg1, %mul3A_34 : i32
    %add3A_36 = arith.constant 576 : i32
    %add3A_37 = arith.addi %mul3A_35, %add3A_36 : i32
    "tpu.region"() ({
      %run_scoped3A_153 = tpu.sem_alloc : memref<!tpu.dma_semaphore, #tpu.memory_space<semaphore_mem>>
      %dma_start3A_154 = arith.constant 0 : i32
      %dma_start3A_155 = arith.constant 0 : i32
      %dma_start3A_156 = tpu.memref_slice %arg14[%dma_start3A_154, %dma_start3A_155] : memref<96x128xf32, #tpu.memory_space<vmem>> -> memref<64x128xf32, #tpu.memory_space<vmem>>
      %dma_start3A_157 = arith.constant 0 : i32
      %dma_start3A_158 = tpu.memref_slice %arg16[%add3A_37, %dma_start3A_157] : memref<10240x128xf32, #tpu.memory_space<vmem_shared>> -> memref<64x128xf32, #tpu.memory_space<vmem_shared>>
      %dma_start3A_159 = arith.constant 0 : i32
      %dma_start3A_160 = tpu.memref_slice %arg16[%add3A_37, %dma_start3A_159] : memref<10240x128xf32, #tpu.memory_space<vmem_shared>> -> memref<64x128xf32, #tpu.memory_space<vmem_shared>>
      %dma_start3A_161 = arith.constant 0 : i32
      %dma_start3A_162 = arith.constant 0 : i32
      %dma_start3A_163 = tpu.memref_slice %arg14[%dma_start3A_161, %dma_start3A_162] : memref<96x128xf32, #tpu.memory_space<vmem>> -> memref<64x128xf32, #tpu.memory_space<vmem>>
      tpu.enqueue_dma source(%dma_start3A_163 : memref<64x128xf32, #tpu.memory_space<vmem>>) target(%dma_start3A_160 : memref<64x128xf32, #tpu.memory_space<vmem_shared>>) target_semaphore(%run_scoped3A_153 : memref<!tpu.dma_semaphore, #tpu.memory_space<semaphore_mem>>)
      %dma_wait3A = arith.constant 0 : i32
      %dma_wait3A_164 = arith.constant 0 : i32
      %dma_wait3A_165 = tpu.memref_slice %arg14[%dma_wait3A, %dma_wait3A_164] : memref<96x128xf32, #tpu.memory_space<vmem>> -> memref<64x128xf32, #tpu.memory_space<vmem>>
      %dma_wait3A_166 = arith.constant 0 : i32
      %dma_wait3A_167 = tpu.memref_slice %arg16[%add3A_37, %dma_wait3A_166] : memref<10240x128xf32, #tpu.memory_space<vmem_shared>> -> memref<64x128xf32, #tpu.memory_space<vmem_shared>>
      %dma_wait3A_168 = arith.constant 0 : i32
      %dma_wait3A_169 = tpu.memref_slice %arg16[%add3A_37, %dma_wait3A_168] : memref<10240x128xf32, #tpu.memory_space<vmem_shared>> -> memref<64x128xf32, #tpu.memory_space<vmem_shared>>
      %dma_wait3A_170 = arith.constant 0 : i32
      %dma_wait3A_171 = arith.constant 0 : i32
      %dma_wait3A_172 = tpu.memref_slice %arg14[%dma_wait3A_170, %dma_wait3A_171] : memref<96x128xf32, #tpu.memory_space<vmem>> -> memref<64x128xf32, #tpu.memory_space<vmem>>
      tpu.wait_dma2 semaphore(%run_scoped3A_153 : memref<!tpu.dma_semaphore, #tpu.memory_space<semaphore_mem>>) src(%dma_wait3A_172 : memref<64x128xf32, #tpu.memory_space<vmem>>) dst(%dma_wait3A_169 : memref<64x128xf32, #tpu.memory_space<vmem_shared>>)
      tpu.yield
    }) : () -> ()
    %barrier3A = arith.constant 0 : index
    tpu.barrier barrier_id(%barrier3A)
    %run_scoped3A = arith.constant 0 : i32
    "tpu.region"() ({
      %run_scoped3A_153 = tpu.sem_alloc : memref<!tpu.dma_semaphore, #tpu.memory_space<semaphore_mem>>
      %dma_start3A_154 = arith.constant 0 : i32
      %dma_start3A_155 = arith.constant 0 : i32
      %dma_start3A_156 = tpu.memref_slice %arg3[%arg1, %run_scoped3A, %dma_start3A_154, %dma_start3A_155] : memref<16x106x3x96xi32, #tpu.memory_space<hbm>> -> memref<1x1x3x96xi32, #tpu.memory_space<hbm>>
      %dma_start3A_157 = tpu.memref_squeeze %dma_start3A_156 : memref<1x1x3x96xi32, #tpu.memory_space<hbm>> -> memref<3x96xi32, #tpu.memory_space<hbm>>
      %dma_start3A_158 = arith.constant 0 : i32
      %dma_start3A_159 = arith.constant 0 : i32
      %dma_start3A_160 = tpu.memref_slice %arg3[%arg1, %run_scoped3A, %dma_start3A_158, %dma_start3A_159] : memref<16x106x3x96xi32, #tpu.memory_space<hbm>> -> memref<1x1x3x96xi32, #tpu.memory_space<hbm>>
      %dma_start3A_161 = tpu.memref_squeeze %dma_start3A_160 : memref<1x1x3x96xi32, #tpu.memory_space<hbm>> -> memref<3x96xi32, #tpu.memory_space<hbm>>
      tpu.enqueue_dma source(%dma_start3A_161 : memref<3x96xi32, #tpu.memory_space<hbm>>) target(%arg7 : memref<3x96xi32, #tpu.memory_space<vmem>>) target_semaphore(%run_scoped3A_153 : memref<!tpu.dma_semaphore, #tpu.memory_space<semaphore_mem>>)
      %dma_wait3A = arith.constant 0 : i32
      %dma_wait3A_162 = arith.constant 0 : i32
      %dma_wait3A_163 = tpu.memref_slice %arg3[%arg1, %run_scoped3A, %dma_wait3A, %dma_wait3A_162] : memref<16x106x3x96xi32, #tpu.memory_space<hbm>> -> memref<1x1x3x96xi32, #tpu.memory_space<hbm>>
      %dma_wait3A_164 = tpu.memref_squeeze %dma_wait3A_163 : memref<1x1x3x96xi32, #tpu.memory_space<hbm>> -> memref<3x96xi32, #tpu.memory_space<hbm>>
      %dma_wait3A_165 = arith.constant 0 : i32
      %dma_wait3A_166 = arith.constant 0 : i32
      %dma_wait3A_167 = tpu.memref_slice %arg3[%arg1, %run_scoped3A, %dma_wait3A_165, %dma_wait3A_166] : memref<16x106x3x96xi32, #tpu.memory_space<hbm>> -> memref<1x1x3x96xi32, #tpu.memory_space<hbm>>
      %dma_wait3A_168 = tpu.memref_squeeze %dma_wait3A_167 : memref<1x1x3x96xi32, #tpu.memory_space<hbm>> -> memref<3x96xi32, #tpu.memory_space<hbm>>
      tpu.wait_dma2 semaphore(%run_scoped3A_153 : memref<!tpu.dma_semaphore, #tpu.memory_space<semaphore_mem>>) src(%dma_wait3A_168 : memref<3x96xi32, #tpu.memory_space<hbm>>) dst(%arg7 : memref<3x96xi32, #tpu.memory_space<vmem>>)
      tpu.yield
    }) : () -> ()
    %get3A = arith.constant 1 : i32
    %get3A_38 = arith.index_cast %get3A : i32 to index
    %get3A_39 = arith.constant 0 : index
    %get3A_40 = tpu.vector_load %arg7[%get3A_38, %get3A_39] {strides = array<i32>} : memref<3x96xi32, #tpu.memory_space<vmem>>, vector<16xi32>,
    %add3A_41 = vector.broadcast %arg0 : i32 to vector<16xi32>
    %add3A_42 = arith.addi %get3A_40, %add3A_41 : vector<16xi32>
    %swap3A = arith.constant 0 : index
    %swap3A_43 = tpu.vector_load %arg9[%swap3A] {strides = array<i32>} : memref<96xi32, #tpu.memory_space<vmem>>, vector<16xi32>,
    tpu.vector_store %arg9[%swap3A], %add3A_42 {strides = array<i32>} : memref<96xi32, #tpu.memory_space<vmem>>, vector<16xi32>,
    %get3A_44 = arith.constant 1 : i32
    %get3A_45 = arith.index_cast %get3A_44 : i32 to index
    %get3A_46 = arith.constant 16 : index
    %get3A_47 = tpu.vector_load %arg7[%get3A_45, %get3A_46] {strides = array<i32>} : memref<3x96xi32, #tpu.memory_space<vmem>>, vector<16xi32>,
    %add3A_48 = vector.broadcast %arg0 : i32 to vector<16xi32>
    %add3A_49 = arith.addi %get3A_47, %add3A_48 : vector<16xi32>
    %swap3A_50 = arith.constant 16 : index
    %swap3A_51 = tpu.vector_load %arg9[%swap3A_50] {strides = array<i32>} : memref<96xi32, #tpu.memory_space<vmem>>, vector<16xi32>,
    tpu.vector_store %arg9[%swap3A_50], %add3A_49 {strides = array<i32>} : memref<96xi32, #tpu.memory_space<vmem>>, vector<16xi32>,
    %get3A_52 = arith.constant 1 : i32
    %get3A_53 = arith.index_cast %get3A_52 : i32 to index
    %get3A_54 = arith.constant 32 : index
    %get3A_55 = tpu.vector_load %arg7[%get3A_53, %get3A_54] {strides = array<i32>} : memref<3x96xi32, #tpu.memory_space<vmem>>, vector<16xi32>,
    %add3A_56 = vector.broadcast %arg0 : i32 to vector<16xi32>
    %add3A_57 = arith.addi %get3A_55, %add3A_56 : vector<16xi32>
    %swap3A_58 = arith.constant 32 : index
    %swap3A_59 = tpu.vector_load %arg9[%swap3A_58] {strides = array<i32>} : memref<96xi32, #tpu.memory_space<vmem>>, vector<16xi32>,
    tpu.vector_store %arg9[%swap3A_58], %add3A_57 {strides = array<i32>} : memref<96xi32, #tpu.memory_space<vmem>>, vector<16xi32>,
    %get3A_60 = arith.constant 1 : i32
    %get3A_61 = arith.index_cast %get3A_60 : i32 to index
    %get3A_62 = arith.constant 48 : index
    %get3A_63 = tpu.vector_load %arg7[%get3A_61, %get3A_62] {strides = array<i32>} : memref<3x96xi32, #tpu.memory_space<vmem>>, vector<16xi32>,
    %add3A_64 = vector.broadcast %arg0 : i32 to vector<16xi32>
    %add3A_65 = arith.addi %get3A_63, %add3A_64 : vector<16xi32>
    %swap3A_66 = arith.constant 48 : index
    %swap3A_67 = tpu.vector_load %arg9[%swap3A_66] {strides = array<i32>} : memref<96xi32, #tpu.memory_space<vmem>>, vector<16xi32>,
    tpu.vector_store %arg9[%swap3A_66], %add3A_65 {strides = array<i32>} : memref<96xi32, #tpu.memory_space<vmem>>, vector<16xi32>,
    %get3A_68 = arith.constant 1 : i32
    %get3A_69 = arith.index_cast %get3A_68 : i32 to index
    %get3A_70 = arith.constant 64 : index
    %get3A_71 = tpu.vector_load %arg7[%get3A_69, %get3A_70] {strides = array<i32>} : memref<3x96xi32, #tpu.memory_space<vmem>>, vector<16xi32>,
    %add3A_72 = vector.broadcast %arg0 : i32 to vector<16xi32>
    %add3A_73 = arith.addi %get3A_71, %add3A_72 : vector<16xi32>
    %swap3A_74 = arith.constant 64 : index
    %swap3A_75 = tpu.vector_load %arg9[%swap3A_74] {strides = array<i32>} : memref<96xi32, #tpu.memory_space<vmem>>, vector<16xi32>,
    tpu.vector_store %arg9[%swap3A_74], %add3A_73 {strides = array<i32>} : memref<96xi32, #tpu.memory_space<vmem>>, vector<16xi32>,
    %get3A_76 = arith.constant 1 : i32
    %get3A_77 = arith.index_cast %get3A_76 : i32 to index
    %get3A_78 = arith.constant 80 : index
    %get3A_79 = tpu.vector_load %arg7[%get3A_77, %get3A_78] {strides = array<i32>} : memref<3x96xi32, #tpu.memory_space<vmem>>, vector<16xi32>,
    %add3A_80 = vector.broadcast %arg0 : i32 to vector<16xi32>
    %add3A_81 = arith.addi %get3A_79, %add3A_80 : vector<16xi32>
    %swap3A_82 = arith.constant 80 : index
    %swap3A_83 = tpu.vector_load %arg9[%swap3A_82] {strides = array<i32>} : memref<96xi32, #tpu.memory_space<vmem>>, vector<16xi32>,
    tpu.vector_store %arg9[%swap3A_82], %add3A_81 {strides = array<i32>} : memref<96xi32, #tpu.memory_space<vmem>>, vector<16xi32>,
    %dma_start3A = arith.constant 0 : i32
    %dma_start3A_84 = arith.constant 0 : i32
    %dma_start3A_85 = tpu.memref_slice %arg2[%dma_start3A, %dma_start3A_84] : memref<20002x128xf32, #tpu.memory_space<hbm>> -> memref<20002x128xf32, #tpu.memory_space<hbm>>
    tpu.enqueue_indirect_dma source(%dma_start3A_85 : memref<20002x128xf32, #tpu.memory_space<hbm>>) target(%arg14 : memref<96x128xf32, #tpu.memory_space<vmem>>) offsets(%arg9 : memref<96xi32, #tpu.memory_space<vmem>>) semaphore(%arg17 : memref<!tpu.dma_semaphore, #tpu.memory_space<semaphore_mem>>)
    %run_scoped3A_86 = arith.constant 1 : i32
    "tpu.region"() ({
      %run_scoped3A_153 = tpu.sem_alloc : memref<!tpu.dma_semaphore, #tpu.memory_space<semaphore_mem>>
      %dma_start3A_154 = arith.constant 0 : i32
      %dma_start3A_155 = arith.constant 0 : i32
      %dma_start3A_156 = tpu.memref_slice %arg3[%arg1, %run_scoped3A_86, %dma_start3A_154, %dma_start3A_155] : memref<16x106x3x96xi32, #tpu.memory_space<hbm>> -> memref<1x1x3x96xi32, #tpu.memory_space<hbm>>
      %dma_start3A_157 = tpu.memref_squeeze %dma_start3A_156 : memref<1x1x3x96xi32, #tpu.memory_space<hbm>> -> memref<3x96xi32, #tpu.memory_space<hbm>>
      %dma_start3A_158 = arith.constant 0 : i32
      %dma_start3A_159 = arith.constant 0 : i32
      %dma_start3A_160 = tpu.memref_slice %arg3[%arg1, %run_scoped3A_86, %dma_start3A_158, %dma_start3A_159] : memref<16x106x3x96xi32, #tpu.memory_space<hbm>> -> memref<1x1x3x96xi32, #tpu.memory_space<hbm>>
      %dma_start3A_161 = tpu.memref_squeeze %dma_start3A_160 : memref<1x1x3x96xi32, #tpu.memory_space<hbm>> -> memref<3x96xi32, #tpu.memory_space<hbm>>
      tpu.enqueue_dma source(%dma_start3A_161 : memref<3x96xi32, #tpu.memory_space<hbm>>) target(%arg8 : memref<3x96xi32, #tpu.memory_space<vmem>>) target_semaphore(%run_scoped3A_153 : memref<!tpu.dma_semaphore, #tpu.memory_space<semaphore_mem>>)
      %dma_wait3A = arith.constant 0 : i32
      %dma_wait3A_162 = arith.constant 0 : i32
      %dma_wait3A_163 = tpu.memref_slice %arg3[%arg1, %run_scoped3A_86, %dma_wait3A, %dma_wait3A_162] : memref<16x106x3x96xi32, #tpu.memory_space<hbm>> -> memref<1x1x3x96xi32, #tpu.memory_space<hbm>>
      %dma_wait3A_164 = tpu.memref_squeeze %dma_wait3A_163 : memref<1x1x3x96xi32, #tpu.memory_space<hbm>> -> memref<3x96xi32, #tpu.memory_space<hbm>>
      %dma_wait3A_165 = arith.constant 0 : i32
      %dma_wait3A_166 = arith.constant 0 : i32
      %dma_wait3A_167 = tpu.memref_slice %arg3[%arg1, %run_scoped3A_86, %dma_wait3A_165, %dma_wait3A_166] : memref<16x106x3x96xi32, #tpu.memory_space<hbm>> -> memref<1x1x3x96xi32, #tpu.memory_space<hbm>>
      %dma_wait3A_168 = tpu.memref_squeeze %dma_wait3A_167 : memref<1x1x3x96xi32, #tpu.memory_space<hbm>> -> memref<3x96xi32, #tpu.memory_space<hbm>>
      tpu.wait_dma2 semaphore(%run_scoped3A_153 : memref<!tpu.dma_semaphore, #tpu.memory_space<semaphore_mem>>) src(%dma_wait3A_168 : memref<3x96xi32, #tpu.memory_space<hbm>>) dst(%arg8 : memref<3x96xi32, #tpu.memory_space<vmem>>)
      tpu.yield
    }) : () -> ()
    %get3A_87 = arith.constant 1 : i32
    %get3A_88 = arith.index_cast %get3A_87 : i32 to index
    %get3A_89 = arith.constant 0 : index
    %get3A_90 = tpu.vector_load %arg8[%get3A_88, %get3A_89] {strides = array<i32>} : memref<3x96xi32, #tpu.memory_space<vmem>>, vector<16xi32>,
    %add3A_91 = vector.broadcast %arg0 : i32 to vector<16xi32>
    %add3A_92 = arith.addi %get3A_90, %add3A_91 : vector<16xi32>
    %swap3A_93 = arith.constant 0 : index
    %swap3A_94 = tpu.vector_load %arg10[%swap3A_93] {strides = array<i32>} : memref<96xi32, #tpu.memory_space<vmem>>, vector<16xi32>,
    tpu.vector_store %arg10[%swap3A_93], %add3A_92 {strides = array<i32>} : memref<96xi32, #tpu.memory_space<vmem>>, vector<16xi32>,
    %get3A_95 = arith.constant 1 : i32
    %get3A_96 = arith.index_cast %get3A_95 : i32 to index
    %get3A_97 = arith.constant 16 : index
    %get3A_98 = tpu.vector_load %arg8[%get3A_96, %get3A_97] {strides = array<i32>} : memref<3x96xi32, #tpu.memory_space<vmem>>, vector<16xi32>,
    %add3A_99 = vector.broadcast %arg0 : i32 to vector<16xi32>
    %add3A_100 = arith.addi %get3A_98, %add3A_99 : vector<16xi32>
    %swap3A_101 = arith.constant 16 : index
    %swap3A_102 = tpu.vector_load %arg10[%swap3A_101] {strides = array<i32>} : memref<96xi32, #tpu.memory_space<vmem>>, vector<16xi32>,
    tpu.vector_store %arg10[%swap3A_101], %add3A_100 {strides = array<i32>} : memref<96xi32, #tpu.memory_space<vmem>>, vector<16xi32>,
    %get3A_103 = arith.constant 1 : i32
    %get3A_104 = arith.index_cast %get3A_103 : i32 to index
    %get3A_105 = arith.constant 32 : index
    %get3A_106 = tpu.vector_load %arg8[%get3A_104, %get3A_105] {strides = array<i32>} : memref<3x96xi32, #tpu.memory_space<vmem>>, vector<16xi32>,
    %add3A_107 = vector.broadcast %arg0 : i32 to vector<16xi32>
    %add3A_108 = arith.addi %get3A_106, %add3A_107 : vector<16xi32>
    %swap3A_109 = arith.constant 32 : index
    %swap3A_110 = tpu.vector_load %arg10[%swap3A_109] {strides = array<i32>} : memref<96xi32, #tpu.memory_space<vmem>>, vector<16xi32>,
    tpu.vector_store %arg10[%swap3A_109], %add3A_108 {strides = array<i32>} : memref<96xi32, #tpu.memory_space<vmem>>, vector<16xi32>,
    %get3A_111 = arith.constant 1 : i32
    %get3A_112 = arith.index_cast %get3A_111 : i32 to index
    %get3A_113 = arith.constant 48 : index
    %get3A_114 = tpu.vector_load %arg8[%get3A_112, %get3A_113] {strides = array<i32>} : memref<3x96xi32, #tpu.memory_space<vmem>>, vector<16xi32>,
    %add3A_115 = vector.broadcast %arg0 : i32 to vector<16xi32>
    %add3A_116 = arith.addi %get3A_114, %add3A_115 : vector<16xi32>
    %swap3A_117 = arith.constant 48 : index
    %swap3A_118 = tpu.vector_load %arg10[%swap3A_117] {strides = array<i32>} : memref<96xi32, #tpu.memory_space<vmem>>, vector<16xi32>,
    tpu.vector_store %arg10[%swap3A_117], %add3A_116 {strides = array<i32>} : memref<96xi32, #tpu.memory_space<vmem>>, vector<16xi32>,
    %get3A_119 = arith.constant 1 : i32
    %get3A_120 = arith.index_cast %get3A_119 : i32 to index
    %get3A_121 = arith.constant 64 : index
    %get3A_122 = tpu.vector_load %arg8[%get3A_120, %get3A_121] {strides = array<i32>} : memref<3x96xi32, #tpu.memory_space<vmem>>, vector<16xi32>,
    %add3A_123 = vector.broadcast %arg0 : i32 to vector<16xi32>
    %add3A_124 = arith.addi %get3A_122, %add3A_123 : vector<16xi32>
    %swap3A_125 = arith.constant 64 : index
    %swap3A_126 = tpu.vector_load %arg10[%swap3A_125] {strides = array<i32>} : memref<96xi32, #tpu.memory_space<vmem>>, vector<16xi32>,
    tpu.vector_store %arg10[%swap3A_125], %add3A_124 {strides = array<i32>} : memref<96xi32, #tpu.memory_space<vmem>>, vector<16xi32>,
    %get3A_127 = arith.constant 1 : i32
    %get3A_128 = arith.index_cast %get3A_127 : i32 to index
    %get3A_129 = arith.constant 80 : index
    %get3A_130 = tpu.vector_load %arg8[%get3A_128, %get3A_129] {strides = array<i32>} : memref<3x96xi32, #tpu.memory_space<vmem>>, vector<16xi32>,
    %add3A_131 = vector.broadcast %arg0 : i32 to vector<16xi32>
    %add3A_132 = arith.addi %get3A_130, %add3A_131 : vector<16xi32>
    %swap3A_133 = arith.constant 80 : index
    %swap3A_134 = tpu.vector_load %arg10[%swap3A_133] {strides = array<i32>} : memref<96xi32, #tpu.memory_space<vmem>>, vector<16xi32>,
    tpu.vector_store %arg10[%swap3A_133], %add3A_132 {strides = array<i32>} : memref<96xi32, #tpu.memory_space<vmem>>, vector<16xi32>,
    %dma_start3A_135 = arith.constant 0 : i32
    %dma_start3A_136 = arith.constant 0 : i32
    %dma_start3A_137 = tpu.memref_slice %arg2[%dma_start3A_135, %dma_start3A_136] : memref<20002x128xf32, #tpu.memory_space<hbm>> -> memref<20002x128xf32, #tpu.memory_space<hbm>>
    tpu.enqueue_indirect_dma source(%dma_start3A_137 : memref<20002x128xf32, #tpu.memory_space<hbm>>) target(%arg15 : memref<96x128xf32, #tpu.memory_space<vmem>>) offsets(%arg10 : memref<96xi32, #tpu.memory_space<vmem>>) semaphore(%arg18 : memref<!tpu.dma_semaphore, #tpu.memory_space<semaphore_mem>>)
    %scan3A_138 = arith.constant 0 : i32
    %scan3A_139 = arith.constant 53 : i32
    %scan3A_140 = arith.addi %scan3A_138, %scan3A_139 : i32
    %scan3A_141 = arith.constant 1 : i32
    scf.for %scan3A_153 = %scan3A_138 to %scan3A_140 step %scan3A_141  : i32 {
      %mul3A_154 = arith.constant 1 : i32
      %mul3A_155 = arith.muli %scan3A_153, %mul3A_154 : i32
      %add3A_156 = arith.constant 0 : i32
      %add3A_157 = arith.addi %add3A_156, %mul3A_155 : i32
      %dma_wait3A = arith.constant 0 : i32
      %dma_wait3A_158 = arith.constant 0 : i32
      %dma_wait3A_159 = tpu.memref_slice %arg2[%dma_wait3A, %dma_wait3A_158] : memref<20002x128xf32, #tpu.memory_space<hbm>> -> memref<20002x128xf32, #tpu.memory_space<hbm>>
      tpu.wait_indirect_dma semaphore(%arg17 : memref<!tpu.dma_semaphore, #tpu.memory_space<semaphore_mem>>) src(%dma_wait3A_159 : memref<20002x128xf32, #tpu.memory_space<hbm>>) dst(%arg14 : memref<96x128xf32, #tpu.memory_space<vmem>>)
      %get3A_160 = arith.constant 0 : i32
      %get3A_161 = arith.index_cast %get3A_160 : i32 to index
      %get3A_162 = arith.constant 0 : index
      %get3A_163 = tpu.vector_load %arg7[%get3A_161, %get3A_162] {strides = array<i32>} : memref<3x96xi32, #tpu.memory_space<vmem>>, vector<16xi32>,
      %gather3A = tpu.vector_load_idx %arg11[%get3A_163] : memref<10016xf32, #tpu.memory_space<vmem>>[vector<16xi32>], vector<16xf32>,
      %get3A_164 = arith.constant 2 : i32
      %get3A_165 = arith.index_cast %get3A_164 : i32 to index
      %get3A_166 = arith.constant 0 : index
      %get3A_167 = tpu.vector_load %arg7[%get3A_165, %get3A_166] {strides = array<i32>} : memref<3x96xi32, #tpu.memory_space<vmem>>, vector<16xi32>,
      %bitcast3A = vector.bitcast %get3A_167 : vector<16xi32> to vector<16xf32>
      %sub3A = arith.subf %bitcast3A, %gather3A : vector<16xf32>
      %exp3A = math.exp %sub3A : vector<16xf32>
      %swap3A_168 = arith.constant 0 : index
      %swap3A_169 = tpu.vector_load %arg13[%swap3A_168] {strides = array<i32>} : memref<96xf32, #tpu.memory_space<vmem>>, vector<16xf32>,
      tpu.vector_store %arg13[%swap3A_168], %exp3A {strides = array<i32>} : memref<96xf32, #tpu.memory_space<vmem>>, vector<16xf32>,
      tpu.vector_store_idx %arg12[%get3A_163], %exp3A {add = true} : memref<10016xf32, #tpu.memory_space<vmem>>[vector<16xi32>], vector<16xf32>,
      %get3A_170 = arith.constant 0 : i32
      %get3A_171 = arith.index_cast %get3A_170 : i32 to index
      %get3A_172 = arith.constant 16 : index
      %get3A_173 = tpu.vector_load %arg7[%get3A_171, %get3A_172] {strides = array<i32>} : memref<3x96xi32, #tpu.memory_space<vmem>>, vector<16xi32>,
      %gather3A_174 = tpu.vector_load_idx %arg11[%get3A_173] : memref<10016xf32, #tpu.memory_space<vmem>>[vector<16xi32>], vector<16xf32>,
      %get3A_175 = arith.constant 2 : i32
      %get3A_176 = arith.index_cast %get3A_175 : i32 to index
      %get3A_177 = arith.constant 16 : index
      %get3A_178 = tpu.vector_load %arg7[%get3A_176, %get3A_177] {strides = array<i32>} : memref<3x96xi32, #tpu.memory_space<vmem>>, vector<16xi32>,
      %bitcast3A_179 = vector.bitcast %get3A_178 : vector<16xi32> to vector<16xf32>
      %sub3A_180 = arith.subf %bitcast3A_179, %gather3A_174 : vector<16xf32>
      %exp3A_181 = math.exp %sub3A_180 : vector<16xf32>
      %swap3A_182 = arith.constant 16 : index
      %swap3A_183 = tpu.vector_load %arg13[%swap3A_182] {strides = array<i32>} : memref<96xf32, #tpu.memory_space<vmem>>, vector<16xf32>,
      tpu.vector_store %arg13[%swap3A_182], %exp3A_181 {strides = array<i32>} : memref<96xf32, #tpu.memory_space<vmem>>, vector<16xf32>,
      tpu.vector_store_idx %arg12[%get3A_173], %exp3A_181 {add = true} : memref<10016xf32, #tpu.memory_space<vmem>>[vector<16xi32>], vector<16xf32>,
      %get3A_184 = arith.constant 0 : i32
      %get3A_185 = arith.index_cast %get3A_184 : i32 to index
      %get3A_186 = arith.constant 32 : index
      %get3A_187 = tpu.vector_load %arg7[%get3A_185, %get3A_186] {strides = array<i32>} : memref<3x96xi32, #tpu.memory_space<vmem>>, vector<16xi32>,
      %gather3A_188 = tpu.vector_load_idx %arg11[%get3A_187] : memref<10016xf32, #tpu.memory_space<vmem>>[vector<16xi32>], vector<16xf32>,
      %get3A_189 = arith.constant 2 : i32
      %get3A_190 = arith.index_cast %get3A_189 : i32 to index
      %get3A_191 = arith.constant 32 : index
      %get3A_192 = tpu.vector_load %arg7[%get3A_190, %get3A_191] {strides = array<i32>} : memref<3x96xi32, #tpu.memory_space<vmem>>, vector<16xi32>,
      %bitcast3A_193 = vector.bitcast %get3A_192 : vector<16xi32> to vector<16xf32>
      %sub3A_194 = arith.subf %bitcast3A_193, %gather3A_188 : vector<16xf32>
      %exp3A_195 = math.exp %sub3A_194 : vector<16xf32>
      %swap3A_196 = arith.constant 32 : index
      %swap3A_197 = tpu.vector_load %arg13[%swap3A_196] {strides = array<i32>} : memref<96xf32, #tpu.memory_space<vmem>>, vector<16xf32>,
      tpu.vector_store %arg13[%swap3A_196], %exp3A_195 {strides = array<i32>} : memref<96xf32, #tpu.memory_space<vmem>>, vector<16xf32>,
      tpu.vector_store_idx %arg12[%get3A_187], %exp3A_195 {add = true} : memref<10016xf32, #tpu.memory_space<vmem>>[vector<16xi32>], vector<16xf32>,
      %get3A_198 = arith.constant 0 : i32
      %get3A_199 = arith.index_cast %get3A_198 : i32 to index
      %get3A_200 = arith.constant 48 : index
      %get3A_201 = tpu.vector_load %arg7[%get3A_199, %get3A_200] {strides = array<i32>} : memref<3x96xi32, #tpu.memory_space<vmem>>, vector<16xi32>,
      %gather3A_202 = tpu.vector_load_idx %arg11[%get3A_201] : memref<10016xf32, #tpu.memory_space<vmem>>[vector<16xi32>], vector<16xf32>,
      %get3A_203 = arith.constant 2 : i32
      %get3A_204 = arith.index_cast %get3A_203 : i32 to index
      %get3A_205 = arith.constant 48 : index
      %get3A_206 = tpu.vector_load %arg7[%get3A_204, %get3A_205] {strides = array<i32>} : memref<3x96xi32, #tpu.memory_space<vmem>>, vector<16xi32>,
      %bitcast3A_207 = vector.bitcast %get3A_206 : vector<16xi32> to vector<16xf32>
      %sub3A_208 = arith.subf %bitcast3A_207, %gather3A_202 : vector<16xf32>
      %exp3A_209 = math.exp %sub3A_208 : vector<16xf32>
      %swap3A_210 = arith.constant 48 : index
      %swap3A_211 = tpu.vector_load %arg13[%swap3A_210] {strides = array<i32>} : memref<96xf32, #tpu.memory_space<vmem>>, vector<16xf32>,
      tpu.vector_store %arg13[%swap3A_210], %exp3A_209 {strides = array<i32>} : memref<96xf32, #tpu.memory_space<vmem>>, vector<16xf32>,
      tpu.vector_store_idx %arg12[%get3A_201], %exp3A_209 {add = true} : memref<10016xf32, #tpu.memory_space<vmem>>[vector<16xi32>], vector<16xf32>,
      %get3A_212 = arith.constant 0 : i32
      %get3A_213 = arith.index_cast %get3A_212 : i32 to index
      %get3A_214 = arith.constant 64 : index
      %get3A_215 = tpu.vector_load %arg7[%get3A_213, %get3A_214] {strides = array<i32>} : memref<3x96xi32, #tpu.memory_space<vmem>>, vector<16xi32>,
      %gather3A_216 = tpu.vector_load_idx %arg11[%get3A_215] : memref<10016xf32, #tpu.memory_space<vmem>>[vector<16xi32>], vector<16xf32>,
      %get3A_217 = arith.constant 2 : i32
      %get3A_218 = arith.index_cast %get3A_217 : i32 to index
      %get3A_219 = arith.constant 64 : index
      %get3A_220 = tpu.vector_load %arg7[%get3A_218, %get3A_219] {strides = array<i32>} : memref<3x96xi32, #tpu.memory_space<vmem>>, vector<16xi32>,
      %bitcast3A_221 = vector.bitcast %get3A_220 : vector<16xi32> to vector<16xf32>
      %sub3A_222 = arith.subf %bitcast3A_221, %gather3A_216 : vector<16xf32>
      %exp3A_223 = math.exp %sub3A_222 : vector<16xf32>
      %swap3A_224 = arith.constant 64 : index
      %swap3A_225 = tpu.vector_load %arg13[%swap3A_224] {strides = array<i32>} : memref<96xf32, #tpu.memory_space<vmem>>, vector<16xf32>,
      tpu.vector_store %arg13[%swap3A_224], %exp3A_223 {strides = array<i32>} : memref<96xf32, #tpu.memory_space<vmem>>, vector<16xf32>,
      tpu.vector_store_idx %arg12[%get3A_215], %exp3A_223 {add = true} : memref<10016xf32, #tpu.memory_space<vmem>>[vector<16xi32>], vector<16xf32>,
      %get3A_226 = arith.constant 0 : i32
      %get3A_227 = arith.index_cast %get3A_226 : i32 to index
      %get3A_228 = arith.constant 80 : index
      %get3A_229 = tpu.vector_load %arg7[%get3A_227, %get3A_228] {strides = array<i32>} : memref<3x96xi32, #tpu.memory_space<vmem>>, vector<16xi32>,
      %gather3A_230 = tpu.vector_load_idx %arg11[%get3A_229] : memref<10016xf32, #tpu.memory_space<vmem>>[vector<16xi32>], vector<16xf32>,
      %get3A_231 = arith.constant 2 : i32
      %get3A_232 = arith.index_cast %get3A_231 : i32 to index
      %get3A_233 = arith.constant 80 : index
      %get3A_234 = tpu.vector_load %arg7[%get3A_232, %get3A_233] {strides = array<i32>} : memref<3x96xi32, #tpu.memory_space<vmem>>, vector<16xi32>,
      %bitcast3A_235 = vector.bitcast %get3A_234 : vector<16xi32> to vector<16xf32>
      %sub3A_236 = arith.subf %bitcast3A_235, %gather3A_230 : vector<16xf32>
      %exp3A_237 = math.exp %sub3A_236 : vector<16xf32>
      %swap3A_238 = arith.constant 80 : index
      %swap3A_239 = tpu.vector_load %arg13[%swap3A_238] {strides = array<i32>} : memref<96xf32, #tpu.memory_space<vmem>>, vector<16xf32>,
      tpu.vector_store %arg13[%swap3A_238], %exp3A_237 {strides = array<i32>} : memref<96xf32, #tpu.memory_space<vmem>>, vector<16xf32>,
      tpu.vector_store_idx %arg12[%get3A_229], %exp3A_237 {add = true} : memref<10016xf32, #tpu.memory_space<vmem>>[vector<16xi32>], vector<16xf32>,
      %scan3A_240 = arith.constant 0 : i32
      %scan3A_241 = arith.constant 96 : i32
      %scan3A_242 = arith.addi %scan3A_240, %scan3A_241 : i32
      %scan3A_243 = arith.constant 1 : i32
      scf.for %scan3A_346 = %scan3A_240 to %scan3A_242 step %scan3A_243  : i32 {
        %mul3A_347 = arith.constant 1 : i32
        %mul3A_348 = arith.muli %scan3A_346, %mul3A_347 : i32
        %add3A_349 = arith.constant 0 : i32
        %add3A_350 = arith.addi %add3A_349, %mul3A_348 : i32
        %broadcast_in_dim3A = arith.constant 0 : i32
        %broadcast_in_dim3A_351 = vector.broadcast %broadcast_in_dim3A : i32 to vector<16xi32>
        %add3A_352 = vector.broadcast %add3A_350 : i32 to vector<16xi32>
        %add3A_353 = arith.addi %broadcast_in_dim3A_351, %add3A_352 : vector<16xi32>
        %gather3A_354 = tpu.vector_load_idx %arg13[%add3A_353] : memref<96xf32, #tpu.memory_space<vmem>>[vector<16xi32>], vector<16xf32>,
        %get3A_355 = arith.index_cast %add3A_350 : i32 to index
        %get3A_356 = arith.constant 0 : index
        %get3A_357 = tpu.vector_load %arg14[%get3A_355, %get3A_356] {strides = array<i32>} : memref<96x128xf32, #tpu.memory_space<vmem>>, vector<16xf32>,
        %mul3A_358 = arith.mulf %get3A_357, %gather3A_354 : vector<16xf32>
        %swap3A_359 = arith.index_cast %add3A_350 : i32 to index
        %swap3A_360 = arith.constant 0 : index
        %swap3A_361 = tpu.vector_load %arg14[%swap3A_359, %swap3A_360] {strides = array<i32>} : memref<96x128xf32, #tpu.memory_space<vmem>>, vector<16xf32>,
        tpu.vector_store %arg14[%swap3A_359, %swap3A_360], %mul3A_358 {strides = array<i32>} : memref<96x128xf32, #tpu.memory_space<vmem>>, vector<16xf32>,
        %get3A_362 = arith.index_cast %add3A_350 : i32 to index
        %get3A_363 = arith.constant 16 : index
        %get3A_364 = tpu.vector_load %arg14[%get3A_362, %get3A_363] {strides = array<i32>} : memref<96x128xf32, #tpu.memory_space<vmem>>, vector<16xf32>,
        %mul3A_365 = arith.mulf %get3A_364, %gather3A_354 : vector<16xf32>
        %swap3A_366 = arith.index_cast %add3A_350 : i32 to index
        %swap3A_367 = arith.constant 16 : index
        %swap3A_368 = tpu.vector_load %arg14[%swap3A_366, %swap3A_367] {strides = array<i32>} : memref<96x128xf32, #tpu.memory_space<vmem>>, vector<16xf32>,
        tpu.vector_store %arg14[%swap3A_366, %swap3A_367], %mul3A_365 {strides = array<i32>} : memref<96x128xf32, #tpu.memory_space<vmem>>, vector<16xf32>,
        %get3A_369 = arith.index_cast %add3A_350 : i32 to index
        %get3A_370 = arith.constant 32 : index
        %get3A_371 = tpu.vector_load %arg14[%get3A_369, %get3A_370] {strides = array<i32>} : memref<96x128xf32, #tpu.memory_space<vmem>>, vector<16xf32>,
        %mul3A_372 = arith.mulf %get3A_371, %gather3A_354 : vector<16xf32>
        %swap3A_373 = arith.index_cast %add3A_350 : i32 to index
        %swap3A_374 = arith.constant 32 : index
        %swap3A_375 = tpu.vector_load %arg14[%swap3A_373, %swap3A_374] {strides = array<i32>} : memref<96x128xf32, #tpu.memory_space<vmem>>, vector<16xf32>,
        tpu.vector_store %arg14[%swap3A_373, %swap3A_374], %mul3A_372 {strides = array<i32>} : memref<96x128xf32, #tpu.memory_space<vmem>>, vector<16xf32>,
        %get3A_376 = arith.index_cast %add3A_350 : i32 to index
        %get3A_377 = arith.constant 48 : index
        %get3A_378 = tpu.vector_load %arg14[%get3A_376, %get3A_377] {strides = array<i32>} : memref<96x128xf32, #tpu.memory_space<vmem>>, vector<16xf32>,
        %mul3A_379 = arith.mulf %get3A_378, %gather3A_354 : vector<16xf32>
        %swap3A_380 = arith.index_cast %add3A_350 : i32 to index
        %swap3A_381 = arith.constant 48 : index
        %swap3A_382 = tpu.vector_load %arg14[%swap3A_380, %swap3A_381] {strides = array<i32>} : memref<96x128xf32, #tpu.memory_space<vmem>>, vector<16xf32>,
        tpu.vector_store %arg14[%swap3A_380, %swap3A_381], %mul3A_379 {strides = array<i32>} : memref<96x128xf32, #tpu.memory_space<vmem>>, vector<16xf32>,
        %get3A_383 = arith.index_cast %add3A_350 : i32 to index
        %get3A_384 = arith.constant 64 : index
        %get3A_385 = tpu.vector_load %arg14[%get3A_383, %get3A_384] {strides = array<i32>} : memref<96x128xf32, #tpu.memory_space<vmem>>, vector<16xf32>,
        %mul3A_386 = arith.mulf %get3A_385, %gather3A_354 : vector<16xf32>
        %swap3A_387 = arith.index_cast %add3A_350 : i32 to index
        %swap3A_388 = arith.constant 64 : index
        %swap3A_389 = tpu.vector_load %arg14[%swap3A_387, %swap3A_388] {strides = array<i32>} : memref<96x128xf32, #tpu.memory_space<vmem>>, vector<16xf32>,
        tpu.vector_store %arg14[%swap3A_387, %swap3A_388], %mul3A_386 {strides = array<i32>} : memref<96x128xf32, #tpu.memory_space<vmem>>, vector<16xf32>,
        %get3A_390 = arith.index_cast %add3A_350 : i32 to index
        %get3A_391 = arith.constant 80 : index
        %get3A_392 = tpu.vector_load %arg14[%get3A_390, %get3A_391] {strides = array<i32>} : memref<96x128xf32, #tpu.memory_space<vmem>>, vector<16xf32>,
        %mul3A_393 = arith.mulf %get3A_392, %gather3A_354 : vector<16xf32>
        %swap3A_394 = arith.index_cast %add3A_350 : i32 to index
        %swap3A_395 = arith.constant 80 : index
        %swap3A_396 = tpu.vector_load %arg14[%swap3A_394, %swap3A_395] {strides = array<i32>} : memref<96x128xf32, #tpu.memory_space<vmem>>, vector<16xf32>,
        tpu.vector_store %arg14[%swap3A_394, %swap3A_395], %mul3A_393 {strides = array<i32>} : memref<96x128xf32, #tpu.memory_space<vmem>>, vector<16xf32>,
        %get3A_397 = arith.index_cast %add3A_350 : i32 to index
        %get3A_398 = arith.constant 96 : index
        %get3A_399 = tpu.vector_load %arg14[%get3A_397, %get3A_398] {strides = array<i32>} : memref<96x128xf32, #tpu.memory_space<vmem>>, vector<16xf32>,
        %mul3A_400 = arith.mulf %get3A_399, %gather3A_354 : vector<16xf32>
        %swap3A_401 = arith.index_cast %add3A_350 : i32 to index
        %swap3A_402 = arith.constant 96 : index
        %swap3A_403 = tpu.vector_load %arg14[%swap3A_401, %swap3A_402] {strides = array<i32>} : memref<96x128xf32, #tpu.memory_space<vmem>>, vector<16xf32>,
        tpu.vector_store %arg14[%swap3A_401, %swap3A_402], %mul3A_400 {strides = array<i32>} : memref<96x128xf32, #tpu.memory_space<vmem>>, vector<16xf32>,
        %get3A_404 = arith.index_cast %add3A_350 : i32 to index
        %get3A_405 = arith.constant 112 : index
        %get3A_406 = tpu.vector_load %arg14[%get3A_404, %get3A_405] {strides = array<i32>} : memref<96x128xf32, #tpu.memory_space<vmem>>, vector<16xf32>,
        %mul3A_407 = arith.mulf %get3A_406, %gather3A_354 : vector<16xf32>
        %swap3A_408 = arith.index_cast %add3A_350 : i32 to index
        %swap3A_409 = arith.constant 112 : index
        %swap3A_410 = tpu.vector_load %arg14[%swap3A_408, %swap3A_409] {strides = array<i32>} : memref<96x128xf32, #tpu.memory_space<vmem>>, vector<16xf32>,
        tpu.vector_store %arg14[%swap3A_408, %swap3A_409], %mul3A_407 {strides = array<i32>} : memref<96x128xf32, #tpu.memory_space<vmem>>, vector<16xf32>,
      }
      %scan3A_244 = arith.constant 96 : i32
      %run_scoped3A_245 = arith.constant 0 : i32
      "tpu.region"() ({
        %run_scoped3A_346 = tpu.sem_alloc : memref<!tpu.dma_semaphore, #tpu.memory_space<semaphore_mem>>
        %dma_start3A_347 = arith.constant 0 : i32
        %dma_start3A_348 = tpu.memref_slice %arg7[%run_scoped3A_245, %dma_start3A_347] : memref<3x96xi32, #tpu.memory_space<vmem>> -> memref<1x96xi32, #tpu.memory_space<vmem>>
        %dma_start3A_349 = tpu.memref_squeeze %dma_start3A_348 : memref<1x96xi32, #tpu.memory_space<vmem>> -> memref<96xi32, #tpu.memory_space<vmem>>
        %dma_start3A_350 = arith.constant 0 : i32
        %dma_start3A_351 = arith.constant 0 : i32
        %dma_start3A_352 = tpu.memref_slice %arg16[%dma_start3A_350, %dma_start3A_351] : memref<10240x128xf32, #tpu.memory_space<vmem_shared>> -> memref<10240x128xf32, #tpu.memory_space<vmem_shared>>
        tpu.enqueue_indirect_dma source(%arg14 : memref<96x128xf32, #tpu.memory_space<vmem>>) target(%dma_start3A_352 : memref<10240x128xf32, #tpu.memory_space<vmem_shared>>) offsets(%dma_start3A_349 : memref<96xi32, #tpu.memory_space<vmem>>) semaphore(%run_scoped3A_346 : memref<!tpu.dma_semaphore, #tpu.memory_space<semaphore_mem>>) {add = true}
        %dma_wait3A_353 = arith.constant 0 : i32
        %dma_wait3A_354 = tpu.memref_slice %arg7[%run_scoped3A_245, %dma_wait3A_353] : memref<3x96xi32, #tpu.memory_space<vmem>> -> memref<1x96xi32, #tpu.memory_space<vmem>>
        %dma_wait3A_355 = tpu.memref_squeeze %dma_wait3A_354 : memref<1x96xi32, #tpu.memory_space<vmem>> -> memref<96xi32, #tpu.memory_space<vmem>>
        %dma_wait3A_356 = arith.constant 0 : i32
        %dma_wait3A_357 = arith.constant 0 : i32
        %dma_wait3A_358 = tpu.memref_slice %arg16[%dma_wait3A_356, %dma_wait3A_357] : memref<10240x128xf32, #tpu.memory_space<vmem_shared>> -> memref<10240x128xf32, #tpu.memory_space<vmem_shared>>
        tpu.wait_indirect_dma semaphore(%run_scoped3A_346 : memref<!tpu.dma_semaphore, #tpu.memory_space<semaphore_mem>>) src(%arg14 : memref<96x128xf32, #tpu.memory_space<vmem>>) dst(%dma_wait3A_358 : memref<10240x128xf32, #tpu.memory_space<vmem_shared>>)
        tpu.yield
      }) : () -> ()
      %lt3A = arith.constant 52 : i32
      %lt3A_246 = arith.cmpi slt, %add3A_157, %lt3A : i32
      %convert_element_type3A = arith.extui %lt3A_246 : i1 to i32
      %cond3A = arith.constant 0 : i32
      %cond3A_247 = arith.cmpi ne, %convert_element_type3A, %cond3A : i32
      scf.if %cond3A_247 {
        %mul3A_346 = arith.constant 2 : i32
        %mul3A_347 = arith.muli %mul3A_346, %add3A_157 : i32
        %add3A_348 = arith.constant 2 : i32
        %add3A_349 = arith.addi %mul3A_347, %add3A_348 : i32
        "tpu.region"() ({
          %run_scoped3A_401 = tpu.sem_alloc : memref<!tpu.dma_semaphore, #tpu.memory_space<semaphore_mem>>
          %dma_start3A_402 = arith.constant 0 : i32
          %dma_start3A_403 = arith.constant 0 : i32
          %dma_start3A_404 = tpu.memref_slice %arg3[%arg1, %add3A_349, %dma_start3A_402, %dma_start3A_403] : memref<16x106x3x96xi32, #tpu.memory_space<hbm>> -> memref<1x1x3x96xi32, #tpu.memory_space<hbm>>
          %dma_start3A_405 = tpu.memref_squeeze %dma_start3A_404 : memref<1x1x3x96xi32, #tpu.memory_space<hbm>> -> memref<3x96xi32, #tpu.memory_space<hbm>>
          %dma_start3A_406 = arith.constant 0 : i32
          %dma_start3A_407 = arith.constant 0 : i32
          %dma_start3A_408 = tpu.memref_slice %arg3[%arg1, %add3A_349, %dma_start3A_406, %dma_start3A_407] : memref<16x106x3x96xi32, #tpu.memory_space<hbm>> -> memref<1x1x3x96xi32, #tpu.memory_space<hbm>>
          %dma_start3A_409 = tpu.memref_squeeze %dma_start3A_408 : memref<1x1x3x96xi32, #tpu.memory_space<hbm>> -> memref<3x96xi32, #tpu.memory_space<hbm>>
          tpu.enqueue_dma source(%dma_start3A_409 : memref<3x96xi32, #tpu.memory_space<hbm>>) target(%arg7 : memref<3x96xi32, #tpu.memory_space<vmem>>) target_semaphore(%run_scoped3A_401 : memref<!tpu.dma_semaphore, #tpu.memory_space<semaphore_mem>>)
          %dma_wait3A_410 = arith.constant 0 : i32
          %dma_wait3A_411 = arith.constant 0 : i32
          %dma_wait3A_412 = tpu.memref_slice %arg3[%arg1, %add3A_349, %dma_wait3A_410, %dma_wait3A_411] : memref<16x106x3x96xi32, #tpu.memory_space<hbm>> -> memref<1x1x3x96xi32, #tpu.memory_space<hbm>>
          %dma_wait3A_413 = tpu.memref_squeeze %dma_wait3A_412 : memref<1x1x3x96xi32, #tpu.memory_space<hbm>> -> memref<3x96xi32, #tpu.memory_space<hbm>>
          %dma_wait3A_414 = arith.constant 0 : i32
          %dma_wait3A_415 = arith.constant 0 : i32
          %dma_wait3A_416 = tpu.memref_slice %arg3[%arg1, %add3A_349, %dma_wait3A_414, %dma_wait3A_415] : memref<16x106x3x96xi32, #tpu.memory_space<hbm>> -> memref<1x1x3x96xi32, #tpu.memory_space<hbm>>
          %dma_wait3A_417 = tpu.memref_squeeze %dma_wait3A_416 : memref<1x1x3x96xi32, #tpu.memory_space<hbm>> -> memref<3x96xi32, #tpu.memory_space<hbm>>
          tpu.wait_dma2 semaphore(%run_scoped3A_401 : memref<!tpu.dma_semaphore, #tpu.memory_space<semaphore_mem>>) src(%dma_wait3A_417 : memref<3x96xi32, #tpu.memory_space<hbm>>) dst(%arg7 : memref<3x96xi32, #tpu.memory_space<vmem>>)
          tpu.yield
        }) : () -> ()
        %get3A_350 = arith.constant 1 : i32
        %get3A_351 = arith.index_cast %get3A_350 : i32 to index
        %get3A_352 = arith.constant 0 : index
        %get3A_353 = tpu.vector_load %arg7[%get3A_351, %get3A_352] {strides = array<i32>} : memref<3x96xi32, #tpu.memory_space<vmem>>, vector<16xi32>,
        %add3A_354 = vector.broadcast %arg0 : i32 to vector<16xi32>
        %add3A_355 = arith.addi %get3A_353, %add3A_354 : vector<16xi32>
        %swap3A_356 = arith.constant 0 : index
        %swap3A_357 = tpu.vector_load %arg9[%swap3A_356] {strides = array<i32>} : memref<96xi32, #tpu.memory_space<vmem>>, vector<16xi32>,
        tpu.vector_store %arg9[%swap3A_356], %add3A_355 {strides = array<i32>} : memref<96xi32, #tpu.memory_space<vmem>>, vector<16xi32>,
        %get3A_358 = arith.constant 1 : i32
        %get3A_359 = arith.index_cast %get3A_358 : i32 to index
        %get3A_360 = arith.constant 16 : index
        %get3A_361 = tpu.vector_load %arg7[%get3A_359, %get3A_360] {strides = array<i32>} : memref<3x96xi32, #tpu.memory_space<vmem>>, vector<16xi32>,
        %add3A_362 = vector.broadcast %arg0 : i32 to vector<16xi32>
        %add3A_363 = arith.addi %get3A_361, %add3A_362 : vector<16xi32>
        %swap3A_364 = arith.constant 16 : index
        %swap3A_365 = tpu.vector_load %arg9[%swap3A_364] {strides = array<i32>} : memref<96xi32, #tpu.memory_space<vmem>>, vector<16xi32>,
        tpu.vector_store %arg9[%swap3A_364], %add3A_363 {strides = array<i32>} : memref<96xi32, #tpu.memory_space<vmem>>, vector<16xi32>,
        %get3A_366 = arith.constant 1 : i32
        %get3A_367 = arith.index_cast %get3A_366 : i32 to index
        %get3A_368 = arith.constant 32 : index
        %get3A_369 = tpu.vector_load %arg7[%get3A_367, %get3A_368] {strides = array<i32>} : memref<3x96xi32, #tpu.memory_space<vmem>>, vector<16xi32>,
        %add3A_370 = vector.broadcast %arg0 : i32 to vector<16xi32>
        %add3A_371 = arith.addi %get3A_369, %add3A_370 : vector<16xi32>
        %swap3A_372 = arith.constant 32 : index
        %swap3A_373 = tpu.vector_load %arg9[%swap3A_372] {strides = array<i32>} : memref<96xi32, #tpu.memory_space<vmem>>, vector<16xi32>,
        tpu.vector_store %arg9[%swap3A_372], %add3A_371 {strides = array<i32>} : memref<96xi32, #tpu.memory_space<vmem>>, vector<16xi32>,
        %get3A_374 = arith.constant 1 : i32
        %get3A_375 = arith.index_cast %get3A_374 : i32 to index
        %get3A_376 = arith.constant 48 : index
        %get3A_377 = tpu.vector_load %arg7[%get3A_375, %get3A_376] {strides = array<i32>} : memref<3x96xi32, #tpu.memory_space<vmem>>, vector<16xi32>,
        %add3A_378 = vector.broadcast %arg0 : i32 to vector<16xi32>
        %add3A_379 = arith.addi %get3A_377, %add3A_378 : vector<16xi32>
        %swap3A_380 = arith.constant 48 : index
        %swap3A_381 = tpu.vector_load %arg9[%swap3A_380] {strides = array<i32>} : memref<96xi32, #tpu.memory_space<vmem>>, vector<16xi32>,
        tpu.vector_store %arg9[%swap3A_380], %add3A_379 {strides = array<i32>} : memref<96xi32, #tpu.memory_space<vmem>>, vector<16xi32>,
        %get3A_382 = arith.constant 1 : i32
        %get3A_383 = arith.index_cast %get3A_382 : i32 to index
        %get3A_384 = arith.constant 64 : index
        %get3A_385 = tpu.vector_load %arg7[%get3A_383, %get3A_384] {strides = array<i32>} : memref<3x96xi32, #tpu.memory_space<vmem>>, vector<16xi32>,
        %add3A_386 = vector.broadcast %arg0 : i32 to vector<16xi32>
        %add3A_387 = arith.addi %get3A_385, %add3A_386 : vector<16xi32>
        %swap3A_388 = arith.constant 64 : index
        %swap3A_389 = tpu.vector_load %arg9[%swap3A_388] {strides = array<i32>} : memref<96xi32, #tpu.memory_space<vmem>>, vector<16xi32>,
        tpu.vector_store %arg9[%swap3A_388], %add3A_387 {strides = array<i32>} : memref<96xi32, #tpu.memory_space<vmem>>, vector<16xi32>,
        %get3A_390 = arith.constant 1 : i32
        %get3A_391 = arith.index_cast %get3A_390 : i32 to index
        %get3A_392 = arith.constant 80 : index
        %get3A_393 = tpu.vector_load %arg7[%get3A_391, %get3A_392] {strides = array<i32>} : memref<3x96xi32, #tpu.memory_space<vmem>>, vector<16xi32>,
        %add3A_394 = vector.broadcast %arg0 : i32 to vector<16xi32>
        %add3A_395 = arith.addi %get3A_393, %add3A_394 : vector<16xi32>
        %swap3A_396 = arith.constant 80 : index
        %swap3A_397 = tpu.vector_load %arg9[%swap3A_396] {strides = array<i32>} : memref<96xi32, #tpu.memory_space<vmem>>, vector<16xi32>,
        tpu.vector_store %arg9[%swap3A_396], %add3A_395 {strides = array<i32>} : memref<96xi32, #tpu.memory_space<vmem>>, vector<16xi32>,
        %dma_start3A_398 = arith.constant 0 : i32
        %dma_start3A_399 = arith.constant 0 : i32
        %dma_start3A_400 = tpu.memref_slice %arg2[%dma_start3A_398, %dma_start3A_399] : memref<20002x128xf32, #tpu.memory_space<hbm>> -> memref<20002x128xf32, #tpu.memory_space<hbm>>
        tpu.enqueue_indirect_dma source(%dma_start3A_400 : memref<20002x128xf32, #tpu.memory_space<hbm>>) target(%arg14 : memref<96x128xf32, #tpu.memory_space<vmem>>) offsets(%arg9 : memref<96xi32, #tpu.memory_space<vmem>>) semaphore(%arg17 : memref<!tpu.dma_semaphore, #tpu.memory_space<semaphore_mem>>)
      } else {
      }
      %dma_wait3A_248 = arith.constant 0 : i32
      %dma_wait3A_249 = arith.constant 0 : i32
      %dma_wait3A_250 = tpu.memref_slice %arg2[%dma_wait3A_248, %dma_wait3A_249] : memref<20002x128xf32, #tpu.memory_space<hbm>> -> memref<20002x128xf32, #tpu.memory_space<hbm>>
      tpu.wait_indirect_dma semaphore(%arg18 : memref<!tpu.dma_semaphore, #tpu.memory_space<semaphore_mem>>) src(%dma_wait3A_250 : memref<20002x128xf32, #tpu.memory_space<hbm>>) dst(%arg15 : memref<96x128xf32, #tpu.memory_space<vmem>>)
      %get3A_251 = arith.constant 0 : i32
      %get3A_252 = arith.index_cast %get3A_251 : i32 to index
      %get3A_253 = arith.constant 0 : index
      %get3A_254 = tpu.vector_load %arg8[%get3A_252, %get3A_253] {strides = array<i32>} : memref<3x96xi32, #tpu.memory_space<vmem>>, vector<16xi32>,
      %gather3A_255 = tpu.vector_load_idx %arg11[%get3A_254] : memref<10016xf32, #tpu.memory_space<vmem>>[vector<16xi32>], vector<16xf32>,
      %get3A_256 = arith.constant 2 : i32
      %get3A_257 = arith.index_cast %get3A_256 : i32 to index
      %get3A_258 = arith.constant 0 : index
      %get3A_259 = tpu.vector_load %arg8[%get3A_257, %get3A_258] {strides = array<i32>} : memref<3x96xi32, #tpu.memory_space<vmem>>, vector<16xi32>,
      %bitcast3A_260 = vector.bitcast %get3A_259 : vector<16xi32> to vector<16xf32>
      %sub3A_261 = arith.subf %bitcast3A_260, %gather3A_255 : vector<16xf32>
      %exp3A_262 = math.exp %sub3A_261 : vector<16xf32>
      %swap3A_263 = arith.constant 0 : index
      %swap3A_264 = tpu.vector_load %arg13[%swap3A_263] {strides = array<i32>} : memref<96xf32, #tpu.memory_space<vmem>>, vector<16xf32>,
      tpu.vector_store %arg13[%swap3A_263], %exp3A_262 {strides = array<i32>} : memref<96xf32, #tpu.memory_space<vmem>>, vector<16xf32>,
      tpu.vector_store_idx %arg12[%get3A_254], %exp3A_262 {add = true} : memref<10016xf32, #tpu.memory_space<vmem>>[vector<16xi32>], vector<16xf32>,
      %get3A_265 = arith.constant 0 : i32
      %get3A_266 = arith.index_cast %get3A_265 : i32 to index
      %get3A_267 = arith.constant 16 : index
      %get3A_268 = tpu.vector_load %arg8[%get3A_266, %get3A_267] {strides = array<i32>} : memref<3x96xi32, #tpu.memory_space<vmem>>, vector<16xi32>,
      %gather3A_269 = tpu.vector_load_idx %arg11[%get3A_268] : memref<10016xf32, #tpu.memory_space<vmem>>[vector<16xi32>], vector<16xf32>,
      %get3A_270 = arith.constant 2 : i32
      %get3A_271 = arith.index_cast %get3A_270 : i32 to index
      %get3A_272 = arith.constant 16 : index
      %get3A_273 = tpu.vector_load %arg8[%get3A_271, %get3A_272] {strides = array<i32>} : memref<3x96xi32, #tpu.memory_space<vmem>>, vector<16xi32>,
      %bitcast3A_274 = vector.bitcast %get3A_273 : vector<16xi32> to vector<16xf32>
      %sub3A_275 = arith.subf %bitcast3A_274, %gather3A_269 : vector<16xf32>
      %exp3A_276 = math.exp %sub3A_275 : vector<16xf32>
      %swap3A_277 = arith.constant 16 : index
      %swap3A_278 = tpu.vector_load %arg13[%swap3A_277] {strides = array<i32>} : memref<96xf32, #tpu.memory_space<vmem>>, vector<16xf32>,
      tpu.vector_store %arg13[%swap3A_277], %exp3A_276 {strides = array<i32>} : memref<96xf32, #tpu.memory_space<vmem>>, vector<16xf32>,
      tpu.vector_store_idx %arg12[%get3A_268], %exp3A_276 {add = true} : memref<10016xf32, #tpu.memory_space<vmem>>[vector<16xi32>], vector<16xf32>,
      %get3A_279 = arith.constant 0 : i32
      %get3A_280 = arith.index_cast %get3A_279 : i32 to index
      %get3A_281 = arith.constant 32 : index
      %get3A_282 = tpu.vector_load %arg8[%get3A_280, %get3A_281] {strides = array<i32>} : memref<3x96xi32, #tpu.memory_space<vmem>>, vector<16xi32>,
      %gather3A_283 = tpu.vector_load_idx %arg11[%get3A_282] : memref<10016xf32, #tpu.memory_space<vmem>>[vector<16xi32>], vector<16xf32>,
      %get3A_284 = arith.constant 2 : i32
      %get3A_285 = arith.index_cast %get3A_284 : i32 to index
      %get3A_286 = arith.constant 32 : index
      %get3A_287 = tpu.vector_load %arg8[%get3A_285, %get3A_286] {strides = array<i32>} : memref<3x96xi32, #tpu.memory_space<vmem>>, vector<16xi32>,
      %bitcast3A_288 = vector.bitcast %get3A_287 : vector<16xi32> to vector<16xf32>
      %sub3A_289 = arith.subf %bitcast3A_288, %gather3A_283 : vector<16xf32>
      %exp3A_290 = math.exp %sub3A_289 : vector<16xf32>
      %swap3A_291 = arith.constant 32 : index
      %swap3A_292 = tpu.vector_load %arg13[%swap3A_291] {strides = array<i32>} : memref<96xf32, #tpu.memory_space<vmem>>, vector<16xf32>,
      tpu.vector_store %arg13[%swap3A_291], %exp3A_290 {strides = array<i32>} : memref<96xf32, #tpu.memory_space<vmem>>, vector<16xf32>,
      tpu.vector_store_idx %arg12[%get3A_282], %exp3A_290 {add = true} : memref<10016xf32, #tpu.memory_space<vmem>>[vector<16xi32>], vector<16xf32>,
      %get3A_293 = arith.constant 0 : i32
      %get3A_294 = arith.index_cast %get3A_293 : i32 to index
      %get3A_295 = arith.constant 48 : index
      %get3A_296 = tpu.vector_load %arg8[%get3A_294, %get3A_295] {strides = array<i32>} : memref<3x96xi32, #tpu.memory_space<vmem>>, vector<16xi32>,
      %gather3A_297 = tpu.vector_load_idx %arg11[%get3A_296] : memref<10016xf32, #tpu.memory_space<vmem>>[vector<16xi32>], vector<16xf32>,
      %get3A_298 = arith.constant 2 : i32
      %get3A_299 = arith.index_cast %get3A_298 : i32 to index
      %get3A_300 = arith.constant 48 : index
      %get3A_301 = tpu.vector_load %arg8[%get3A_299, %get3A_300] {strides = array<i32>} : memref<3x96xi32, #tpu.memory_space<vmem>>, vector<16xi32>,
      %bitcast3A_302 = vector.bitcast %get3A_301 : vector<16xi32> to vector<16xf32>
      %sub3A_303 = arith.subf %bitcast3A_302, %gather3A_297 : vector<16xf32>
      %exp3A_304 = math.exp %sub3A_303 : vector<16xf32>
      %swap3A_305 = arith.constant 48 : index
      %swap3A_306 = tpu.vector_load %arg13[%swap3A_305] {strides = array<i32>} : memref<96xf32, #tpu.memory_space<vmem>>, vector<16xf32>,
      tpu.vector_store %arg13[%swap3A_305], %exp3A_304 {strides = array<i32>} : memref<96xf32, #tpu.memory_space<vmem>>, vector<16xf32>,
      tpu.vector_store_idx %arg12[%get3A_296], %exp3A_304 {add = true} : memref<10016xf32, #tpu.memory_space<vmem>>[vector<16xi32>], vector<16xf32>,
      %get3A_307 = arith.constant 0 : i32
      %get3A_308 = arith.index_cast %get3A_307 : i32 to index
      %get3A_309 = arith.constant 64 : index
      %get3A_310 = tpu.vector_load %arg8[%get3A_308, %get3A_309] {strides = array<i32>} : memref<3x96xi32, #tpu.memory_space<vmem>>, vector<16xi32>,
      %gather3A_311 = tpu.vector_load_idx %arg11[%get3A_310] : memref<10016xf32, #tpu.memory_space<vmem>>[vector<16xi32>], vector<16xf32>,
      %get3A_312 = arith.constant 2 : i32
      %get3A_313 = arith.index_cast %get3A_312 : i32 to index
      %get3A_314 = arith.constant 64 : index
      %get3A_315 = tpu.vector_load %arg8[%get3A_313, %get3A_314] {strides = array<i32>} : memref<3x96xi32, #tpu.memory_space<vmem>>, vector<16xi32>,
      %bitcast3A_316 = vector.bitcast %get3A_315 : vector<16xi32> to vector<16xf32>
      %sub3A_317 = arith.subf %bitcast3A_316, %gather3A_311 : vector<16xf32>
      %exp3A_318 = math.exp %sub3A_317 : vector<16xf32>
      %swap3A_319 = arith.constant 64 : index
      %swap3A_320 = tpu.vector_load %arg13[%swap3A_319] {strides = array<i32>} : memref<96xf32, #tpu.memory_space<vmem>>, vector<16xf32>,
      tpu.vector_store %arg13[%swap3A_319], %exp3A_318 {strides = array<i32>} : memref<96xf32, #tpu.memory_space<vmem>>, vector<16xf32>,
      tpu.vector_store_idx %arg12[%get3A_310], %exp3A_318 {add = true} : memref<10016xf32, #tpu.memory_space<vmem>>[vector<16xi32>], vector<16xf32>,
      %get3A_321 = arith.constant 0 : i32
      %get3A_322 = arith.index_cast %get3A_321 : i32 to index
      %get3A_323 = arith.constant 80 : index
      %get3A_324 = tpu.vector_load %arg8[%get3A_322, %get3A_323] {strides = array<i32>} : memref<3x96xi32, #tpu.memory_space<vmem>>, vector<16xi32>,
      %gather3A_325 = tpu.vector_load_idx %arg11[%get3A_324] : memref<10016xf32, #tpu.memory_space<vmem>>[vector<16xi32>], vector<16xf32>,
      %get3A_326 = arith.constant 2 : i32
      %get3A_327 = arith.index_cast %get3A_326 : i32 to index
      %get3A_328 = arith.constant 80 : index
      %get3A_329 = tpu.vector_load %arg8[%get3A_327, %get3A_328] {strides = array<i32>} : memref<3x96xi32, #tpu.memory_space<vmem>>, vector<16xi32>,
      %bitcast3A_330 = vector.bitcast %get3A_329 : vector<16xi32> to vector<16xf32>
      %sub3A_331 = arith.subf %bitcast3A_330, %gather3A_325 : vector<16xf32>
      %exp3A_332 = math.exp %sub3A_331 : vector<16xf32>
      %swap3A_333 = arith.constant 80 : index
      %swap3A_334 = tpu.vector_load %arg13[%swap3A_333] {strides = array<i32>} : memref<96xf32, #tpu.memory_space<vmem>>, vector<16xf32>,
      tpu.vector_store %arg13[%swap3A_333], %exp3A_332 {strides = array<i32>} : memref<96xf32, #tpu.memory_space<vmem>>, vector<16xf32>,
      tpu.vector_store_idx %arg12[%get3A_324], %exp3A_332 {add = true} : memref<10016xf32, #tpu.memory_space<vmem>>[vector<16xi32>], vector<16xf32>,
      %scan3A_335 = arith.constant 0 : i32
      %scan3A_336 = arith.constant 96 : i32
      %scan3A_337 = arith.addi %scan3A_335, %scan3A_336 : i32
      %scan3A_338 = arith.constant 1 : i32
      scf.for %scan3A_346 = %scan3A_335 to %scan3A_337 step %scan3A_338  : i32 {
        %mul3A_347 = arith.constant 1 : i32
        %mul3A_348 = arith.muli %scan3A_346, %mul3A_347 : i32
        %add3A_349 = arith.constant 0 : i32
        %add3A_350 = arith.addi %add3A_349, %mul3A_348 : i32
        %broadcast_in_dim3A = arith.constant 0 : i32
        %broadcast_in_dim3A_351 = vector.broadcast %broadcast_in_dim3A : i32 to vector<16xi32>
        %add3A_352 = vector.broadcast %add3A_350 : i32 to vector<16xi32>
        %add3A_353 = arith.addi %broadcast_in_dim3A_351, %add3A_352 : vector<16xi32>
        %gather3A_354 = tpu.vector_load_idx %arg13[%add3A_353] : memref<96xf32, #tpu.memory_space<vmem>>[vector<16xi32>], vector<16xf32>,
        %get3A_355 = arith.index_cast %add3A_350 : i32 to index
        %get3A_356 = arith.constant 0 : index
        %get3A_357 = tpu.vector_load %arg15[%get3A_355, %get3A_356] {strides = array<i32>} : memref<96x128xf32, #tpu.memory_space<vmem>>, vector<16xf32>,
        %mul3A_358 = arith.mulf %get3A_357, %gather3A_354 : vector<16xf32>
        %swap3A_359 = arith.index_cast %add3A_350 : i32 to index
        %swap3A_360 = arith.constant 0 : index
        %swap3A_361 = tpu.vector_load %arg15[%swap3A_359, %swap3A_360] {strides = array<i32>} : memref<96x128xf32, #tpu.memory_space<vmem>>, vector<16xf32>,
        tpu.vector_store %arg15[%swap3A_359, %swap3A_360], %mul3A_358 {strides = array<i32>} : memref<96x128xf32, #tpu.memory_space<vmem>>, vector<16xf32>,
        %get3A_362 = arith.index_cast %add3A_350 : i32 to index
        %get3A_363 = arith.constant 16 : index
        %get3A_364 = tpu.vector_load %arg15[%get3A_362, %get3A_363] {strides = array<i32>} : memref<96x128xf32, #tpu.memory_space<vmem>>, vector<16xf32>,
        %mul3A_365 = arith.mulf %get3A_364, %gather3A_354 : vector<16xf32>
        %swap3A_366 = arith.index_cast %add3A_350 : i32 to index
        %swap3A_367 = arith.constant 16 : index
        %swap3A_368 = tpu.vector_load %arg15[%swap3A_366, %swap3A_367] {strides = array<i32>} : memref<96x128xf32, #tpu.memory_space<vmem>>, vector<16xf32>,
        tpu.vector_store %arg15[%swap3A_366, %swap3A_367], %mul3A_365 {strides = array<i32>} : memref<96x128xf32, #tpu.memory_space<vmem>>, vector<16xf32>,
        %get3A_369 = arith.index_cast %add3A_350 : i32 to index
        %get3A_370 = arith.constant 32 : index
        %get3A_371 = tpu.vector_load %arg15[%get3A_369, %get3A_370] {strides = array<i32>} : memref<96x128xf32, #tpu.memory_space<vmem>>, vector<16xf32>,
        %mul3A_372 = arith.mulf %get3A_371, %gather3A_354 : vector<16xf32>
        %swap3A_373 = arith.index_cast %add3A_350 : i32 to index
        %swap3A_374 = arith.constant 32 : index
        %swap3A_375 = tpu.vector_load %arg15[%swap3A_373, %swap3A_374] {strides = array<i32>} : memref<96x128xf32, #tpu.memory_space<vmem>>, vector<16xf32>,
        tpu.vector_store %arg15[%swap3A_373, %swap3A_374], %mul3A_372 {strides = array<i32>} : memref<96x128xf32, #tpu.memory_space<vmem>>, vector<16xf32>,
        %get3A_376 = arith.index_cast %add3A_350 : i32 to index
        %get3A_377 = arith.constant 48 : index
        %get3A_378 = tpu.vector_load %arg15[%get3A_376, %get3A_377] {strides = array<i32>} : memref<96x128xf32, #tpu.memory_space<vmem>>, vector<16xf32>,
        %mul3A_379 = arith.mulf %get3A_378, %gather3A_354 : vector<16xf32>
        %swap3A_380 = arith.index_cast %add3A_350 : i32 to index
        %swap3A_381 = arith.constant 48 : index
        %swap3A_382 = tpu.vector_load %arg15[%swap3A_380, %swap3A_381] {strides = array<i32>} : memref<96x128xf32, #tpu.memory_space<vmem>>, vector<16xf32>,
        tpu.vector_store %arg15[%swap3A_380, %swap3A_381], %mul3A_379 {strides = array<i32>} : memref<96x128xf32, #tpu.memory_space<vmem>>, vector<16xf32>,
        %get3A_383 = arith.index_cast %add3A_350 : i32 to index
        %get3A_384 = arith.constant 64 : index
        %get3A_385 = tpu.vector_load %arg15[%get3A_383, %get3A_384] {strides = array<i32>} : memref<96x128xf32, #tpu.memory_space<vmem>>, vector<16xf32>,
        %mul3A_386 = arith.mulf %get3A_385, %gather3A_354 : vector<16xf32>
        %swap3A_387 = arith.index_cast %add3A_350 : i32 to index
        %swap3A_388 = arith.constant 64 : index
        %swap3A_389 = tpu.vector_load %arg15[%swap3A_387, %swap3A_388] {strides = array<i32>} : memref<96x128xf32, #tpu.memory_space<vmem>>, vector<16xf32>,
        tpu.vector_store %arg15[%swap3A_387, %swap3A_388], %mul3A_386 {strides = array<i32>} : memref<96x128xf32, #tpu.memory_space<vmem>>, vector<16xf32>,
        %get3A_390 = arith.index_cast %add3A_350 : i32 to index
        %get3A_391 = arith.constant 80 : index
        %get3A_392 = tpu.vector_load %arg15[%get3A_390, %get3A_391] {strides = array<i32>} : memref<96x128xf32, #tpu.memory_space<vmem>>, vector<16xf32>,
        %mul3A_393 = arith.mulf %get3A_392, %gather3A_354 : vector<16xf32>
        %swap3A_394 = arith.index_cast %add3A_350 : i32 to index
        %swap3A_395 = arith.constant 80 : index
        %swap3A_396 = tpu.vector_load %arg15[%swap3A_394, %swap3A_395] {strides = array<i32>} : memref<96x128xf32, #tpu.memory_space<vmem>>, vector<16xf32>,
        tpu.vector_store %arg15[%swap3A_394, %swap3A_395], %mul3A_393 {strides = array<i32>} : memref<96x128xf32, #tpu.memory_space<vmem>>, vector<16xf32>,
        %get3A_397 = arith.index_cast %add3A_350 : i32 to index
        %get3A_398 = arith.constant 96 : index
        %get3A_399 = tpu.vector_load %arg15[%get3A_397, %get3A_398] {strides = array<i32>} : memref<96x128xf32, #tpu.memory_space<vmem>>, vector<16xf32>,
        %mul3A_400 = arith.mulf %get3A_399, %gather3A_354 : vector<16xf32>
        %swap3A_401 = arith.index_cast %add3A_350 : i32 to index
        %swap3A_402 = arith.constant 96 : index
        %swap3A_403 = tpu.vector_load %arg15[%swap3A_401, %swap3A_402] {strides = array<i32>} : memref<96x128xf32, #tpu.memory_space<vmem>>, vector<16xf32>,
        tpu.vector_store %arg15[%swap3A_401, %swap3A_402], %mul3A_400 {strides = array<i32>} : memref<96x128xf32, #tpu.memory_space<vmem>>, vector<16xf32>,
        %get3A_404 = arith.index_cast %add3A_350 : i32 to index
        %get3A_405 = arith.constant 112 : index
        %get3A_406 = tpu.vector_load %arg15[%get3A_404, %get3A_405] {strides = array<i32>} : memref<96x128xf32, #tpu.memory_space<vmem>>, vector<16xf32>,
        %mul3A_407 = arith.mulf %get3A_406, %gather3A_354 : vector<16xf32>
        %swap3A_408 = arith.index_cast %add3A_350 : i32 to index
        %swap3A_409 = arith.constant 112 : index
        %swap3A_410 = tpu.vector_load %arg15[%swap3A_408, %swap3A_409] {strides = array<i32>} : memref<96x128xf32, #tpu.memory_space<vmem>>, vector<16xf32>,
        tpu.vector_store %arg15[%swap3A_408, %swap3A_409], %mul3A_407 {strides = array<i32>} : memref<96x128xf32, #tpu.memory_space<vmem>>, vector<16xf32>,
      }
      %scan3A_339 = arith.constant 96 : i32
      %run_scoped3A_340 = arith.constant 0 : i32
      "tpu.region"() ({
        %run_scoped3A_346 = tpu.sem_alloc : memref<!tpu.dma_semaphore, #tpu.memory_space<semaphore_mem>>
        %dma_start3A_347 = arith.constant 0 : i32
        %dma_start3A_348 = tpu.memref_slice %arg8[%run_scoped3A_340, %dma_start3A_347] : memref<3x96xi32, #tpu.memory_space<vmem>> -> memref<1x96xi32, #tpu.memory_space<vmem>>
        %dma_start3A_349 = tpu.memref_squeeze %dma_start3A_348 : memref<1x96xi32, #tpu.memory_space<vmem>> -> memref<96xi32, #tpu.memory_space<vmem>>
        %dma_start3A_350 = arith.constant 0 : i32
        %dma_start3A_351 = arith.constant 0 : i32
        %dma_start3A_352 = tpu.memref_slice %arg16[%dma_start3A_350, %dma_start3A_351] : memref<10240x128xf32, #tpu.memory_space<vmem_shared>> -> memref<10240x128xf32, #tpu.memory_space<vmem_shared>>
        tpu.enqueue_indirect_dma source(%arg15 : memref<96x128xf32, #tpu.memory_space<vmem>>) target(%dma_start3A_352 : memref<10240x128xf32, #tpu.memory_space<vmem_shared>>) offsets(%dma_start3A_349 : memref<96xi32, #tpu.memory_space<vmem>>) semaphore(%run_scoped3A_346 : memref<!tpu.dma_semaphore, #tpu.memory_space<semaphore_mem>>) {add = true}
        %dma_wait3A_353 = arith.constant 0 : i32
        %dma_wait3A_354 = tpu.memref_slice %arg8[%run_scoped3A_340, %dma_wait3A_353] : memref<3x96xi32, #tpu.memory_space<vmem>> -> memref<1x96xi32, #tpu.memory_space<vmem>>
        %dma_wait3A_355 = tpu.memref_squeeze %dma_wait3A_354 : memref<1x96xi32, #tpu.memory_space<vmem>> -> memref<96xi32, #tpu.memory_space<vmem>>
        %dma_wait3A_356 = arith.constant 0 : i32
        %dma_wait3A_357 = arith.constant 0 : i32
        %dma_wait3A_358 = tpu.memref_slice %arg16[%dma_wait3A_356, %dma_wait3A_357] : memref<10240x128xf32, #tpu.memory_space<vmem_shared>> -> memref<10240x128xf32, #tpu.memory_space<vmem_shared>>
        tpu.wait_indirect_dma semaphore(%run_scoped3A_346 : memref<!tpu.dma_semaphore, #tpu.memory_space<semaphore_mem>>) src(%arg15 : memref<96x128xf32, #tpu.memory_space<vmem>>) dst(%dma_wait3A_358 : memref<10240x128xf32, #tpu.memory_space<vmem_shared>>)
        tpu.yield
      }) : () -> ()
      %lt3A_341 = arith.constant 52 : i32
      %lt3A_342 = arith.cmpi slt, %add3A_157, %lt3A_341 : i32
      %convert_element_type3A_343 = arith.extui %lt3A_342 : i1 to i32
      %cond3A_344 = arith.constant 0 : i32
      %cond3A_345 = arith.cmpi ne, %convert_element_type3A_343, %cond3A_344 : i32
      scf.if %cond3A_345 {
        %mul3A_346 = arith.constant 2 : i32
        %mul3A_347 = arith.muli %mul3A_346, %add3A_157 : i32
        %add3A_348 = arith.constant 3 : i32
        %add3A_349 = arith.addi %mul3A_347, %add3A_348 : i32
        "tpu.region"() ({
          %run_scoped3A_401 = tpu.sem_alloc : memref<!tpu.dma_semaphore, #tpu.memory_space<semaphore_mem>>
          %dma_start3A_402 = arith.constant 0 : i32
          %dma_start3A_403 = arith.constant 0 : i32
          %dma_start3A_404 = tpu.memref_slice %arg3[%arg1, %add3A_349, %dma_start3A_402, %dma_start3A_403] : memref<16x106x3x96xi32, #tpu.memory_space<hbm>> -> memref<1x1x3x96xi32, #tpu.memory_space<hbm>>
          %dma_start3A_405 = tpu.memref_squeeze %dma_start3A_404 : memref<1x1x3x96xi32, #tpu.memory_space<hbm>> -> memref<3x96xi32, #tpu.memory_space<hbm>>
          %dma_start3A_406 = arith.constant 0 : i32
          %dma_start3A_407 = arith.constant 0 : i32
          %dma_start3A_408 = tpu.memref_slice %arg3[%arg1, %add3A_349, %dma_start3A_406, %dma_start3A_407] : memref<16x106x3x96xi32, #tpu.memory_space<hbm>> -> memref<1x1x3x96xi32, #tpu.memory_space<hbm>>
          %dma_start3A_409 = tpu.memref_squeeze %dma_start3A_408 : memref<1x1x3x96xi32, #tpu.memory_space<hbm>> -> memref<3x96xi32, #tpu.memory_space<hbm>>
          tpu.enqueue_dma source(%dma_start3A_409 : memref<3x96xi32, #tpu.memory_space<hbm>>) target(%arg8 : memref<3x96xi32, #tpu.memory_space<vmem>>) target_semaphore(%run_scoped3A_401 : memref<!tpu.dma_semaphore, #tpu.memory_space<semaphore_mem>>)
          %dma_wait3A_410 = arith.constant 0 : i32
          %dma_wait3A_411 = arith.constant 0 : i32
          %dma_wait3A_412 = tpu.memref_slice %arg3[%arg1, %add3A_349, %dma_wait3A_410, %dma_wait3A_411] : memref<16x106x3x96xi32, #tpu.memory_space<hbm>> -> memref<1x1x3x96xi32, #tpu.memory_space<hbm>>
          %dma_wait3A_413 = tpu.memref_squeeze %dma_wait3A_412 : memref<1x1x3x96xi32, #tpu.memory_space<hbm>> -> memref<3x96xi32, #tpu.memory_space<hbm>>
          %dma_wait3A_414 = arith.constant 0 : i32
          %dma_wait3A_415 = arith.constant 0 : i32
          %dma_wait3A_416 = tpu.memref_slice %arg3[%arg1, %add3A_349, %dma_wait3A_414, %dma_wait3A_415] : memref<16x106x3x96xi32, #tpu.memory_space<hbm>> -> memref<1x1x3x96xi32, #tpu.memory_space<hbm>>
          %dma_wait3A_417 = tpu.memref_squeeze %dma_wait3A_416 : memref<1x1x3x96xi32, #tpu.memory_space<hbm>> -> memref<3x96xi32, #tpu.memory_space<hbm>>
          tpu.wait_dma2 semaphore(%run_scoped3A_401 : memref<!tpu.dma_semaphore, #tpu.memory_space<semaphore_mem>>) src(%dma_wait3A_417 : memref<3x96xi32, #tpu.memory_space<hbm>>) dst(%arg8 : memref<3x96xi32, #tpu.memory_space<vmem>>)
          tpu.yield
        }) : () -> ()
        %get3A_350 = arith.constant 1 : i32
        %get3A_351 = arith.index_cast %get3A_350 : i32 to index
        %get3A_352 = arith.constant 0 : index
        %get3A_353 = tpu.vector_load %arg8[%get3A_351, %get3A_352] {strides = array<i32>} : memref<3x96xi32, #tpu.memory_space<vmem>>, vector<16xi32>,
        %add3A_354 = vector.broadcast %arg0 : i32 to vector<16xi32>
        %add3A_355 = arith.addi %get3A_353, %add3A_354 : vector<16xi32>
        %swap3A_356 = arith.constant 0 : index
        %swap3A_357 = tpu.vector_load %arg10[%swap3A_356] {strides = array<i32>} : memref<96xi32, #tpu.memory_space<vmem>>, vector<16xi32>,
        tpu.vector_store %arg10[%swap3A_356], %add3A_355 {strides = array<i32>} : memref<96xi32, #tpu.memory_space<vmem>>, vector<16xi32>,
        %get3A_358 = arith.constant 1 : i32
        %get3A_359 = arith.index_cast %get3A_358 : i32 to index
        %get3A_360 = arith.constant 16 : index
        %get3A_361 = tpu.vector_load %arg8[%get3A_359, %get3A_360] {strides = array<i32>} : memref<3x96xi32, #tpu.memory_space<vmem>>, vector<16xi32>,
        %add3A_362 = vector.broadcast %arg0 : i32 to vector<16xi32>
        %add3A_363 = arith.addi %get3A_361, %add3A_362 : vector<16xi32>
        %swap3A_364 = arith.constant 16 : index
        %swap3A_365 = tpu.vector_load %arg10[%swap3A_364] {strides = array<i32>} : memref<96xi32, #tpu.memory_space<vmem>>, vector<16xi32>,
        tpu.vector_store %arg10[%swap3A_364], %add3A_363 {strides = array<i32>} : memref<96xi32, #tpu.memory_space<vmem>>, vector<16xi32>,
        %get3A_366 = arith.constant 1 : i32
        %get3A_367 = arith.index_cast %get3A_366 : i32 to index
        %get3A_368 = arith.constant 32 : index
        %get3A_369 = tpu.vector_load %arg8[%get3A_367, %get3A_368] {strides = array<i32>} : memref<3x96xi32, #tpu.memory_space<vmem>>, vector<16xi32>,
        %add3A_370 = vector.broadcast %arg0 : i32 to vector<16xi32>
        %add3A_371 = arith.addi %get3A_369, %add3A_370 : vector<16xi32>
        %swap3A_372 = arith.constant 32 : index
        %swap3A_373 = tpu.vector_load %arg10[%swap3A_372] {strides = array<i32>} : memref<96xi32, #tpu.memory_space<vmem>>, vector<16xi32>,
        tpu.vector_store %arg10[%swap3A_372], %add3A_371 {strides = array<i32>} : memref<96xi32, #tpu.memory_space<vmem>>, vector<16xi32>,
        %get3A_374 = arith.constant 1 : i32
        %get3A_375 = arith.index_cast %get3A_374 : i32 to index
        %get3A_376 = arith.constant 48 : index
        %get3A_377 = tpu.vector_load %arg8[%get3A_375, %get3A_376] {strides = array<i32>} : memref<3x96xi32, #tpu.memory_space<vmem>>, vector<16xi32>,
        %add3A_378 = vector.broadcast %arg0 : i32 to vector<16xi32>
        %add3A_379 = arith.addi %get3A_377, %add3A_378 : vector<16xi32>
        %swap3A_380 = arith.constant 48 : index
        %swap3A_381 = tpu.vector_load %arg10[%swap3A_380] {strides = array<i32>} : memref<96xi32, #tpu.memory_space<vmem>>, vector<16xi32>,
        tpu.vector_store %arg10[%swap3A_380], %add3A_379 {strides = array<i32>} : memref<96xi32, #tpu.memory_space<vmem>>, vector<16xi32>,
        %get3A_382 = arith.constant 1 : i32
        %get3A_383 = arith.index_cast %get3A_382 : i32 to index
        %get3A_384 = arith.constant 64 : index
        %get3A_385 = tpu.vector_load %arg8[%get3A_383, %get3A_384] {strides = array<i32>} : memref<3x96xi32, #tpu.memory_space<vmem>>, vector<16xi32>,
        %add3A_386 = vector.broadcast %arg0 : i32 to vector<16xi32>
        %add3A_387 = arith.addi %get3A_385, %add3A_386 : vector<16xi32>
        %swap3A_388 = arith.constant 64 : index
        %swap3A_389 = tpu.vector_load %arg10[%swap3A_388] {strides = array<i32>} : memref<96xi32, #tpu.memory_space<vmem>>, vector<16xi32>,
        tpu.vector_store %arg10[%swap3A_388], %add3A_387 {strides = array<i32>} : memref<96xi32, #tpu.memory_space<vmem>>, vector<16xi32>,
        %get3A_390 = arith.constant 1 : i32
        %get3A_391 = arith.index_cast %get3A_390 : i32 to index
        %get3A_392 = arith.constant 80 : index
        %get3A_393 = tpu.vector_load %arg8[%get3A_391, %get3A_392] {strides = array<i32>} : memref<3x96xi32, #tpu.memory_space<vmem>>, vector<16xi32>,
        %add3A_394 = vector.broadcast %arg0 : i32 to vector<16xi32>
        %add3A_395 = arith.addi %get3A_393, %add3A_394 : vector<16xi32>
        %swap3A_396 = arith.constant 80 : index
        %swap3A_397 = tpu.vector_load %arg10[%swap3A_396] {strides = array<i32>} : memref<96xi32, #tpu.memory_space<vmem>>, vector<16xi32>,
        tpu.vector_store %arg10[%swap3A_396], %add3A_395 {strides = array<i32>} : memref<96xi32, #tpu.memory_space<vmem>>, vector<16xi32>,
        %dma_start3A_398 = arith.constant 0 : i32
        %dma_start3A_399 = arith.constant 0 : i32
        %dma_start3A_400 = tpu.memref_slice %arg2[%dma_start3A_398, %dma_start3A_399] : memref<20002x128xf32, #tpu.memory_space<hbm>> -> memref<20002x128xf32, #tpu.memory_space<hbm>>
        tpu.enqueue_indirect_dma source(%dma_start3A_400 : memref<20002x128xf32, #tpu.memory_space<hbm>>) target(%arg15 : memref<96x128xf32, #tpu.memory_space<vmem>>) offsets(%arg10 : memref<96xi32, #tpu.memory_space<vmem>>) semaphore(%arg18 : memref<!tpu.dma_semaphore, #tpu.memory_space<semaphore_mem>>)
      } else {
      }
    }
    %scan3A_142 = arith.constant 53 : i32
    %barrier3A_143 = arith.constant 0 : index
    tpu.barrier barrier_id(%barrier3A_143)
    %mul3A_144 = arith.constant 640 : i32
    %mul3A_145 = arith.muli %arg1, %mul3A_144 : i32
    %mul3A_146 = arith.constant 10240 : i32
    %mul3A_147 = arith.muli %arg0, %mul3A_146 : i32
    %mul3A_148 = arith.constant 640 : i32
    %mul3A_149 = arith.muli %arg1, %mul3A_148 : i32
    %add3A_150 = arith.addi %mul3A_147, %mul3A_149 : i32
    "tpu.region"() ({
      %run_scoped3A_153 = tpu.sem_alloc : memref<!tpu.dma_semaphore, #tpu.memory_space<semaphore_mem>>
      %dma_start3A_154 = arith.constant 0 : i32
      %dma_start3A_155 = tpu.memref_slice %arg5[%add3A_150, %dma_start3A_154] : memref<20480x128xf32, #tpu.memory_space<hbm>> -> memref<640x128xf32, #tpu.memory_space<hbm>>
      %dma_start3A_156 = arith.constant 0 : i32
      %dma_start3A_157 = tpu.memref_slice %arg16[%mul3A_145, %dma_start3A_156] : memref<10240x128xf32, #tpu.memory_space<vmem_shared>> -> memref<640x128xf32, #tpu.memory_space<vmem_shared>>
      tpu.enqueue_dma source(%dma_start3A_157 : memref<640x128xf32, #tpu.memory_space<vmem_shared>>) target(%dma_start3A_155 : memref<640x128xf32, #tpu.memory_space<hbm>>) target_semaphore(%run_scoped3A_153 : memref<!tpu.dma_semaphore, #tpu.memory_space<semaphore_mem>>)
      %dma_wait3A = arith.constant 0 : i32
      %dma_wait3A_158 = tpu.memref_slice %arg5[%add3A_150, %dma_wait3A] : memref<20480x128xf32, #tpu.memory_space<hbm>> -> memref<640x128xf32, #tpu.memory_space<hbm>>
      %dma_wait3A_159 = arith.constant 0 : i32
      %dma_wait3A_160 = tpu.memref_slice %arg16[%mul3A_145, %dma_wait3A_159] : memref<10240x128xf32, #tpu.memory_space<vmem_shared>> -> memref<640x128xf32, #tpu.memory_space<vmem_shared>>
      tpu.wait_dma2 semaphore(%run_scoped3A_153 : memref<!tpu.dma_semaphore, #tpu.memory_space<semaphore_mem>>) src(%dma_wait3A_160 : memref<640x128xf32, #tpu.memory_space<vmem_shared>>) dst(%dma_wait3A_158 : memref<640x128xf32, #tpu.memory_space<hbm>>)
      tpu.yield
    }) : () -> ()
    %mul3A_151 = arith.constant 10000 : i32
    %mul3A_152 = arith.muli %add3A, %mul3A_151 : i32
    "tpu.region"() ({
      %run_scoped3A_153 = tpu.sem_alloc : memref<!tpu.dma_semaphore, #tpu.memory_space<semaphore_mem>>
      %dma_start3A_154 = arith.constant 0 : i32
      %dma_start3A_155 = tpu.memref_slice %arg12[%dma_start3A_154] : memref<10016xf32, #tpu.memory_space<vmem>> -> memref<10000xf32, #tpu.memory_space<vmem>>
      %dma_start3A_156 = tpu.memref_slice %arg6[%mul3A_152] : memref<320000xf32, #tpu.memory_space<hbm>> -> memref<10000xf32, #tpu.memory_space<hbm>>
      %dma_start3A_157 = tpu.memref_slice %arg6[%mul3A_152] : memref<320000xf32, #tpu.memory_space<hbm>> -> memref<10000xf32, #tpu.memory_space<hbm>>
      %dma_start3A_158 = arith.constant 0 : i32
      %dma_start3A_159 = tpu.memref_slice %arg12[%dma_start3A_158] : memref<10016xf32, #tpu.memory_space<vmem>> -> memref<10000xf32, #tpu.memory_space<vmem>>
      tpu.enqueue_dma source(%dma_start3A_159 : memref<10000xf32, #tpu.memory_space<vmem>>) target(%dma_start3A_157 : memref<10000xf32, #tpu.memory_space<hbm>>) target_semaphore(%run_scoped3A_153 : memref<!tpu.dma_semaphore, #tpu.memory_space<semaphore_mem>>)
      %dma_wait3A = arith.constant 0 : i32
      %dma_wait3A_160 = tpu.memref_slice %arg12[%dma_wait3A] : memref<10016xf32, #tpu.memory_space<vmem>> -> memref<10000xf32, #tpu.memory_space<vmem>>
      %dma_wait3A_161 = tpu.memref_slice %arg6[%mul3A_152] : memref<320000xf32, #tpu.memory_space<hbm>> -> memref<10000xf32, #tpu.memory_space<hbm>>
      %dma_wait3A_162 = tpu.memref_slice %arg6[%mul3A_152] : memref<320000xf32, #tpu.memory_space<hbm>> -> memref<10000xf32, #tpu.memory_space<hbm>>
      %dma_wait3A_163 = arith.constant 0 : i32
      %dma_wait3A_164 = tpu.memref_slice %arg12[%dma_wait3A_163] : memref<10016xf32, #tpu.memory_space<vmem>> -> memref<10000xf32, #tpu.memory_space<vmem>>
      tpu.wait_dma2 semaphore(%run_scoped3A_153 : memref<!tpu.dma_semaphore, #tpu.memory_space<semaphore_mem>>) src(%dma_wait3A_164 : memref<10000xf32, #tpu.memory_space<vmem>>) dst(%dma_wait3A_162 : memref<10000xf32, #tpu.memory_space<hbm>>)
      tpu.yield
    }) : () -> ()
    return
  }
}

module attributes {stable_mosaic.version = 14 : i64} {
  func.func @_pq_body(%arg0: memref<10000x256xf32, #tpu.memory_space<vmem>>, %arg1: memref<64x256xf32, #tpu.memory_space<vmem>>, %arg2: memref<512x256xf32, #tpu.memory_space<vmem>>, %arg3: memref<10000x128xf32, #tpu.memory_space<vmem>>) attributes {dimension_semantics = [], scalar_prefetch = 0 : i64, scratch_operands = 0 : i64, tpu.core_type = #tpu.core_type<tc>} {
    %get3A = arith.constant 0 : index
    %get3A_0 = arith.constant 0 : index
    %get3A_1 = vector.load %arg2[%get3A, %get3A_0] : memref<512x256xf32, #tpu.memory_space<vmem>>, vector<512x256xf32>
    %get3A_2 = arith.constant 0 : index
    %get3A_3 = arith.constant 0 : index
    %get3A_4 = vector.load %arg1[%get3A_2, %get3A_3] : memref<64x256xf32, #tpu.memory_space<vmem>>, vector<64x256xf32>
    %dot_general3A = arith.constant dense<0.000000e+00> : vector<512x64xf32>
    %dot_general3A_5 = tpu.matmul %get3A_1, %get3A_4, %dot_general3A {dimension_numbers = #tpu.dot_dimension_numbers<[1], [1], [0], [0], [0, 0, 1, 0], [], []>, transpose_lhs_hint = false} : vector<512x256xf32>, vector<64x256xf32>, vector<512x64xf32> -> vector<512x64xf32>
    %slice3A = vector.extract_strided_slice %dot_general3A_5 {offsets = [0, 0], sizes = [256, 64], strides = [1, 1]} : vector<512x64xf32> to vector<256x64xf32>
    %slice3A_6 = vector.extract_strided_slice %dot_general3A_5 {offsets = [256, 0], sizes = [256, 64], strides = [1, 1]} : vector<512x64xf32> to vector<256x64xf32>
    %concatenate3A = tpu.concatenate %slice3A, %slice3A_6 in 1 : vector<256x64xf32>, vector<256x64xf32> -> vector<256x128xf32>
    %get3A_7 = arith.constant 0 : index
    %get3A_8 = arith.constant 0 : index
    %get3A_9 = vector.load %arg0[%get3A_7, %get3A_8] : memref<10000x256xf32, #tpu.memory_space<vmem>>, vector<10000x256xf32>
    %dot_general3A_10 = arith.constant dense<0.000000e+00> : vector<10000x128xf32>
    %dot_general3A_11 = tpu.matmul %get3A_9, %concatenate3A, %dot_general3A_10 {dimension_numbers = #tpu.dot_dimension_numbers<[1], [0], [0], [1], [0, 0, 1, 1], [], []>, transpose_lhs_hint = false} : vector<10000x256xf32>, vector<256x128xf32>, vector<10000x128xf32> -> vector<10000x128xf32>
    %swap3A = arith.constant 0 : index
    %swap3A_12 = arith.constant 0 : index
    %swap3A_13 = vector.load %arg3[%swap3A, %swap3A_12] : memref<10000x128xf32, #tpu.memory_space<vmem>>, vector<10000x128xf32>
    tpu.vector_store %arg3[%swap3A, %swap3A_12], %dot_general3A_11 {strides = array<i32>} : memref<10000x128xf32, #tpu.memory_space<vmem>>, vector<10000x128xf32>,
    return
  }
}

module attributes {stable_mosaic.version = 14 : i64} {
  func.func @_mhat_body(%arg0: memref<32x10000xf32, #tpu.memory_space<vmem>>, %arg1: memref<1x10000xf32, #tpu.memory_space<vmem>>) attributes {dimension_semantics = [], scalar_prefetch = 0 : i64, scratch_operands = 0 : i64, tpu.core_type = #tpu.core_type<tc>} {
    %get3A = arith.constant 0 : index
    %get3A_0 = arith.constant 0 : index
    %get3A_1 = vector.load %arg0[%get3A, %get3A_0] : memref<32x10000xf32, #tpu.memory_space<vmem>>, vector<32x10000xf32>
    %reduce_sum3A = arith.constant dense<0.000000e+00> : vector<10000xf32>
    %reduce_sum3A_2 = vector.multi_reduction <add>, %get3A_1, %reduce_sum3A [0] : vector<32x10000xf32> to vector<10000xf32>
    %broadcast_in_dim3A = vector.shape_cast %reduce_sum3A_2 : vector<10000xf32> to vector<1x10000xf32>
    %add3A = arith.constant 9.99999991E-38 : f32
    %add3A_3 = vector.broadcast %add3A : f32 to vector<1x10000xf32>
    %add3A_4 = arith.addf %broadcast_in_dim3A, %add3A_3 : vector<1x10000xf32>
    %log3A = math.log %add3A_4 : vector<1x10000xf32>
    %mul3A = arith.constant 4.000000e+00 : f32
    %mul3A_5 = vector.broadcast %mul3A : f32 to vector<1x10000xf32>
    %mul3A_6 = arith.mulf %mul3A_5, %log3A : vector<1x10000xf32>
    %swap3A = arith.constant 0 : index
    %swap3A_7 = arith.constant 0 : index
    %swap3A_8 = vector.load %arg1[%swap3A, %swap3A_7] : memref<1x10000xf32, #tpu.memory_space<vmem>>, vector<1x10000xf32>
    tpu.vector_store %arg1[%swap3A, %swap3A_7], %mul3A_6 {strides = array<i32>} : memref<1x10000xf32, #tpu.memory_space<vmem>>, vector<1x10000xf32>,
    return
  }
}

module attributes {stable_mosaic.version = 14 : i64} {
  func.func @_finish_body(%arg0: i32, %arg1: memref<2000x128xf32, #tpu.memory_space<vmem>>, %arg2: memref<2000x128xf32, #tpu.memory_space<vmem>>, %arg3: memref<2000x32xf32, #tpu.memory_space<vmem>>, %arg4: memref<2000x256xf32, #tpu.memory_space<vmem>>, %arg5: memref<2000x256xf32, #tpu.memory_space<vmem>>, %arg6: memref<2000x256xf32, #tpu.memory_space<vmem>>, %arg7: memref<2000x256xf32, #tpu.memory_space<vmem>>) attributes {dimension_semantics = [#tpu.dimension_semantics<arbitrary>], iteration_bounds = array<i64: 5>, scalar_prefetch = 0 : i64, scratch_operands = 0 : i64, tpu.core_type = #tpu.core_type<tc>, window_params = [{transform_indices = @transform_0, window_bounds = array<i64: 2000, 128>}, {transform_indices = @transform_1, window_bounds = array<i64: 2000, 128>}, {transform_indices = @transform_2, window_bounds = array<i64: 2000, 32>}, {transform_indices = @transform_3, window_bounds = array<i64: 2000, 256>}, {transform_indices = @transform_4, window_bounds = array<i64: 2000, 256>}, {transform_indices = @transform_5, window_bounds = array<i64: 2000, 256>}, {transform_indices = @transform_6, window_bounds = array<i64: 2000, 256>}]} {
    %get3A = arith.constant 0 : index
    %get3A_0 = arith.constant 0 : index
    %get3A_1 = vector.load %arg1[%get3A, %get3A_0] : memref<2000x128xf32, #tpu.memory_space<vmem>>, vector<2000x128xf32>
    %get3A_2 = arith.constant 0 : index
    %get3A_3 = arith.constant 0 : index
    %get3A_4 = vector.load %arg2[%get3A_2, %get3A_3] : memref<2000x128xf32, #tpu.memory_space<vmem>>, vector<2000x128xf32>
    %concatenate3A = tpu.concatenate %get3A_1, %get3A_4 in 1 : vector<2000x128xf32>, vector<2000x128xf32> -> vector<2000x256xf32>
    %get3A_5 = arith.constant 0 : index
    %get3A_6 = arith.constant 0 : index
    %get3A_7 = vector.load %arg3[%get3A_5, %get3A_6] : memref<2000x32xf32, #tpu.memory_space<vmem>>, vector<2000x32xf32>
    %reduce_sum3A = arith.constant dense<0.000000e+00> : vector<2000xf32>
    %reduce_sum3A_8 = vector.multi_reduction <add>, %get3A_7, %reduce_sum3A [1] : vector<2000x32xf32> to vector<2000xf32>
    %broadcast_in_dim3A = vector.shape_cast %reduce_sum3A_8 : vector<2000xf32> to vector<2000x1xf32>
    %mul3A = arith.constant 5.000000e-01 : f32
    %mul3A_9 = vector.broadcast %mul3A : f32 to vector<2000x1xf32>
    %mul3A_10 = arith.mulf %broadcast_in_dim3A, %mul3A_9 : vector<2000x1xf32>
    %add3A = arith.constant 1.000000e-16 : f32
    %add3A_11 = vector.broadcast %add3A : f32 to vector<2000x1xf32>
    %add3A_12 = arith.addf %mul3A_10, %add3A_11 : vector<2000x1xf32>
    %div3A = vector.broadcast %add3A_12 : vector<2000x1xf32> to vector<2000x256xf32>
    %div3A_13 = arith.divf %concatenate3A, %div3A : vector<2000x256xf32>
    %get3A_14 = arith.constant 0 : index
    %get3A_15 = arith.constant 0 : index
    %get3A_16 = vector.load %arg4[%get3A_14, %get3A_15] : memref<2000x256xf32, #tpu.memory_space<vmem>>, vector<2000x256xf32>
    %add3A_17 = arith.addf %div3A_13, %get3A_16 : vector<2000x256xf32>
    %mul3A_18 = arith.mulf %add3A_17, %add3A_17 : vector<2000x256xf32>
    %reduce_sum3A_19 = arith.constant dense<0.000000e+00> : vector<2000xf32>
    %reduce_sum3A_20 = vector.multi_reduction <add>, %mul3A_18, %reduce_sum3A_19 [1] : vector<2000x256xf32> to vector<2000xf32>
    %broadcast_in_dim3A_21 = vector.shape_cast %reduce_sum3A_20 : vector<2000xf32> to vector<2000x1xf32>
    %sqrt3A = math.sqrt %broadcast_in_dim3A_21 : vector<2000x1xf32>
    %max3A = arith.constant 9.99999996E-13 : f32
    %max3A_22 = vector.broadcast %max3A : f32 to vector<2000x1xf32>
    %max3A_23 = arith.maximumf %sqrt3A, %max3A_22 : vector<2000x1xf32>
    %div3A_24 = vector.broadcast %max3A_23 : vector<2000x1xf32> to vector<2000x256xf32>
    %div3A_25 = arith.divf %add3A_17, %div3A_24 : vector<2000x256xf32>
    %swap3A = arith.constant 0 : index
    %swap3A_26 = arith.constant 0 : index
    %swap3A_27 = vector.load %arg6[%swap3A, %swap3A_26] : memref<2000x256xf32, #tpu.memory_space<vmem>>, vector<2000x256xf32>
    tpu.vector_store %arg6[%swap3A, %swap3A_26], %div3A_25 {strides = array<i32>} : memref<2000x256xf32, #tpu.memory_space<vmem>>, vector<2000x256xf32>,
    %get3A_28 = arith.constant 0 : index
    %get3A_29 = arith.constant 0 : index
    %get3A_30 = vector.load %arg5[%get3A_28, %get3A_29] : memref<2000x256xf32, #tpu.memory_space<vmem>>, vector<2000x256xf32>
    %mul3A_31 = arith.constant 5.000000e-01 : f32
    %mul3A_32 = vector.broadcast %mul3A_31 : f32 to vector<2000x256xf32>
    %mul3A_33 = arith.mulf %mul3A_32, %get3A_30 : vector<2000x256xf32>
    %add3A_34 = arith.addf %mul3A_33, %div3A_25 : vector<2000x256xf32>
    %swap3A_35 = arith.constant 0 : index
    %swap3A_36 = arith.constant 0 : index
    %swap3A_37 = vector.load %arg7[%swap3A_35, %swap3A_36] : memref<2000x256xf32, #tpu.memory_space<vmem>>, vector<2000x256xf32>
    tpu.vector_store %arg7[%swap3A_35, %swap3A_36], %add3A_34 {strides = array<i32>} : memref<2000x256xf32, #tpu.memory_space<vmem>>, vector<2000x256xf32>,
    return
  }
  func.func @transform_0(%arg0: i32) -> (i32, i32) {
    %c0_i32 = arith.constant 0 : i32
    %c0_i32_0 = arith.constant 0 : i32
    return %arg0, %c0_i32 : i32, i32
  }
  func.func @transform_1(%arg0: i32) -> (i32, i32) {
    %c0_i32 = arith.constant 0 : i32
    %c0_i32_0 = arith.constant 0 : i32
    return %arg0, %c0_i32 : i32, i32
  }
  func.func @transform_2(%arg0: i32) -> (i32, i32) {
    %c0_i32 = arith.constant 0 : i32
    %c0_i32_0 = arith.constant 0 : i32
    return %arg0, %c0_i32 : i32, i32
  }
  func.func @transform_3(%arg0: i32) -> (i32, i32) {
    %c0_i32 = arith.constant 0 : i32
    %c0_i32_0 = arith.constant 0 : i32
    return %arg0, %c0_i32 : i32, i32
  }
  func.func @transform_4(%arg0: i32) -> (i32, i32) {
    %c0_i32 = arith.constant 0 : i32
    %c0_i32_0 = arith.constant 0 : i32
    return %arg0, %c0_i32 : i32, i32
  }
  func.func @transform_5(%arg0: i32) -> (i32, i32) {
    %c0_i32 = arith.constant 0 : i32
    %c0_i32_0 = arith.constant 0 : i32
    return %arg0, %c0_i32 : i32, i32
  }
  func.func @transform_6(%arg0: i32) -> (i32, i32) {
    %c0_i32 = arith.constant 0 : i32
    %c0_i32_0 = arith.constant 0 : i32
    return %arg0, %c0_i32 : i32, i32
  }
}

</mosaic_0001>

<sc_bundles>
// kernel: kernel.12.cloned.1.call-start
scs
__scs_entry_jumppad:
0x0: {  	(pc) =	sbr.rel $0x88, $3  }
0x1: {  	(tag) =	ssettag $0x0;
	lr =	simm.s32 $0x1  }
0x2: {  	[smem:$0x3F9C] =	sst lr;
	_ =	strace $0xD0000000  }
0x3: {  	_ = 	snop  }
0x4: {  	_ = 	snop  }
0x5: {  	_ = 	snop  }
0x6: {  	_ = 	snop  }
0x7: {  	_ = 	snop  }
__scs_overlays_trampoline_lowered:
0x8: {  	[smem:$0x3FAB] =	sst s0  }
0x9: {  	[smem:$0x3FAC] =	sst s1  }
0xa: {  	[smem:$0x3FAD] =	sst s2  }
0xb: {  	[smem:$0x3FAE] =	sst s3  }
0xc: {  	[smem:$0x3FAF] =	sst s4  }
0xd: {  	[smem:$0x3FB0] =	sst s5  }
0xe: {  	[smem:$0x3FB1] =	sst s6  }
0xf: {  	[smem:$0x3FB2] =	sst s7  }
0x10: {  	[smem:$0x3FB3] =	sst s8  }
0x11: {  	[smem:$0x3FB4] =	sst s9;
	s0 =	simm.s32 @!p0 $0x0  }
0x12: {  	s1 =	sld [smem:$0x3F9A];
	s0 =	simm.s32 @p0 $0x1  }
0x13: {  	[smem:$0x3FB5] =	sst s0;
	s0 =	simm.s32 @!p1 $0x0  }
0x14: {  	s2 =	sld [smem:$0x3F99];
	s0 =	simm.s32 @p1 $0x1  }
0x15: {  	[smem:$0x3FB6] =	sst s0;
	s0 =	simm.s32 @!p2 $0x0  }
0x16: {  	s3 =	sld [smem:$0x3FDB];
	s0 =	simm.s32 @p2 $0x1  }
0x17: {  	s4 =	simm.s32 $0x1BF5;
	[smem:$0x3FB8] =	sst s0  }
0x18: {  	s0 =	sld [smem:$0x3F9B];
	_ =	swait.ge [sflag:s4], $0x0  }
0x19: {  	s7 =	sld [smem:$0x3F9C]  }
0x1a: {  	s8 =	sadd.s32 $0xFFFFE003, lr  }
0x1b: {  	s9 =	sadd.s32 $0xFFFFFEF7, lr;
	s5 =	simm.s32 $0xFFFFFFFF;
	p2 =	slt.u32 s8, $0xFFFFF086  }
0x1c: {  	p1 =	slt.u32 s9, $0xF7A;
	s5 =	simm.s32 @!p2 $0x0  }
0x1d: {  	s5 =	simm.s32 @p1 $0x1;
	p0 =	seq.s32 s7, s2  }
0x1e: {  	s7 =	smul.u32 @!p0 $0xF7A, s2;
	p2 =	seq.s32 @!p0 s5, $0x0  }
0x1f: {  	s9 =	smul.u32 $0xF7A, s1;
	s8 =	simm.s32 @!p0 $0x1BF5;
	p2 =	por !p2, p0  }
0x20: {  	[sflag:s8] =	ssyncset.s32 @!p0 $0xFFFFF086;
	s6 =	sadd.s32 @!p0 s3, s7;
	s7 =	simm.s32 @!p0 $0x108  }
0x21: {  	s3 =	sadd.s32 s3, s9;
	s6 =	sadd.s32 @!p0 $0x88, s6;
	s7 =	simm.s32 @p2 $0x1082  }
0x22: {  	[simem:s7], [sflag:s8] =	dma.local @!p0 [hbm:s6], $0xF7A  }
0x23: {  	s9 =	sor.u32 $0xD0000000, s2;
	s6 =	simm.s32 $0x108;
	_ =	swait.ge @!p0 [sflag:s8], $0x0  }
0x24: {  	s3 =	sadd.s32 $0x88, s3;
	s6 =	simm.s32 @!p1 $0x1082;
	[sflag:s4] =	ssyncset.s32 $0xFFFFF086  }
0x25: {  	[simem:s6], [sflag:s4] =	dma.local [hbm:s3], $0xF7A  }
0x26: {  	[smem:$0x3F9C] =	sst s1;
	(tag) =	ssettag s2;
	_ =	strace s9  }
0x27: {  	s1 =	sld [smem:$0x3FAC]  }
0x28: {  	s2 =	sld [smem:$0x3FAD]  }
0x29: {  	s4 =	sld [smem:$0x3FAF]  }
0x2a: {  	p0 =	seq.s32 s5, $0x0;
	s5 =	sld [smem:$0x3FB0]  }
0x2b: {  	s6 =	sld [smem:$0x3FB1]  }
0x2c: {  	s7 =	sld [smem:$0x3FB2]  }
0x2d: {  	s3 =	simm.s32 $0x108;
	s8 =	sld [smem:$0x3FB3]  }
0x2e: {  	s3 =	simm.s32 @!p0 $0x1082;
	s9 =	sld [smem:$0x3FB4]  }
0x2f: {  	lr =	sadd.s32 s0, s3;
	s0 =	sld [smem:$0x3FAB]  }
0x30: {  	s3 =	sld [smem:$0x3FAE]  }
0x31: {  	[smem:$0x3FB7] =	sst s10  }
0x32: {  	s10 =	sld [smem:$0x3FB5];
	_ =	sdelay $0x3  }
0x33: {  	p0 =	seq.s32 s10, $0x1;
	s10 =	sld [smem:$0x3FB7];
	_ =	sdelay $0x3  }
0x34: {  	[smem:$0x3FB7] =	sst s10  }
0x35: {  	s10 =	sld [smem:$0x3FB6];
	_ =	sdelay $0x3  }
0x36: {  	p1 =	seq.s32 s10, $0x1;
	s10 =	sld [smem:$0x3FB7];
	_ =	sdelay $0x3  }
0x37: {  	[smem:$0x3FB7] =	sst s10  }
0x38: {  	s10 =	sld [smem:$0x3FB8]  }
0x39: {  	_ = 	snop;
	(pc) =	sbr.ind lr, $3  }
0x3a: {  	_ = 	snop  }
0x3b: {  	_ = 	snop  }
0x3c: {  	p2 =	seq.s32 s10, $0x1;
	s10 =	sld [smem:$0x3FB7]  }
0x3d: {  	_ =	shalt  }
0x3e: {  	_ =	shalt  }
0x3f: {  	_ =	shalt  }
0x40: {  	_ =	shalt  }
0x41: {  	_ =	shalt  }
0x42: {  	_ =	shalt  }
0x43: {  	_ =	shalt  }
0x44: {  	_ =	shalt  }
0x45: {  	_ =	shalt  }
0x46: {  	_ =	shalt  }
0x47: {  	_ =	shalt  }
0x48: {  	_ =	shalt  }
0x49: {  	_ =	shalt  }
0x4a: {  	_ =	shalt  }
0x4b: {  	_ =	shalt  }
0x4c: {  	_ =	shalt  }
0x4d: {  	_ =	shalt  }
0x4e: {  	_ =	shalt  }
0x4f: {  	_ =	shalt  }
0x50: {  	_ =	shalt  }
0x51: {  	_ =	shalt  }
0x52: {  	_ =	shalt  }
0x53: {  	_ =	shalt  }
0x54: {  	_ =	shalt  }
0x55: {  	_ =	shalt  }
0x56: {  	_ =	shalt  }
0x57: {  	_ =	shalt  }
0x58: {  	_ =	shalt  }
0x59: {  	_ =	shalt  }
0x5a: {  	_ =	shalt  }
0x5b: {  	_ =	shalt  }
0x5c: {  	_ =	shalt  }
0x5d: {  	_ =	shalt  }
0x5e: {  	_ =	shalt  }
0x5f: {  	_ =	shalt  }
0x60: {  	_ =	shalt  }
0x61: {  	_ =	shalt  }
0x62: {  	_ =	shalt  }
0x63: {  	_ =	shalt  }
0x64: {  	_ =	shalt  }
0x65: {  	_ =	shalt  }
0x66: {  	_ =	shalt  }
0x67: {  	_ =	shalt  }
0x68: {  	_ =	shalt  }
0x69: {  	_ =	shalt  }
0x6a: {  	_ =	shalt  }
0x6b: {  	_ =	shalt  }
0x6c: {  	_ =	shalt  }
0x6d: {  	_ =	shalt  }
0x6e: {  	_ =	shalt  }
0x6f: {  	_ =	shalt  }
0x70: {  	_ =	shalt  }
0x71: {  	_ =	shalt  }
0x72: {  	_ =	shalt  }
0x73: {  	_ =	shalt  }
0x74: {  	_ =	shalt  }
0x75: {  	_ =	shalt  }
0x76: {  	_ =	shalt  }
0x77: {  	_ =	shalt  }
0x78: {  	_ =	shalt  }
0x79: {  	_ =	shalt  }
0x7a: {  	_ =	shalt  }
0x7b: {  	_ =	shalt  }
0x7c: {  	_ =	shalt  }
0x7d: {  	_ =	shalt  }
0x7e: {  	_ =	shalt  }
0x7f: {  	_ =	shalt  }
0x80: {  	_ =	shalt  }
0x81: {  	_ =	shalt  }
0x82: {  	_ =	shalt  }
0x83: {  	_ =	shalt  }
0x84: {  	_ =	shalt  }
0x85: {  	_ =	shalt  }
0x86: {  	_ =	shalt  }
0x87: {  	_ =	shalt  }
.Lfunc_end0:
.L_simem_size_0:
called_computation_lowered:
.L_overlay_start_0:
0x88: {  	s2 =	sld [smem:$0x3FD9]  }
0x89: {  	s3 =	sld [smem:$0x3FFE];
	_ =	sdelay $0x1  }
0x8a: {  	s1 =	srdreg.scid  }
0x8b: {  	s0 =	sand.u32 $0x1, s1  }
0x8c: {  	s17 =	sshll.u32 s0, $0xA;
	s2 =	sadd.s32 s3, s2  }
0x8d: {  	s2 =	sadd.s32 s2, s17  }
0x8e: {  	[smem:$0x3FC3] =	sst s2  }
0x8f: {  	_ = 	snop  }
0x90: {  	s2 =	sld [smem:$0x3FD0];
	(tm) =	ssettm $0x1  }
0x91: {  	s18 =	sld [smem:$0x3FFB];
	_ =	sdelay $0x3  }
0x92: {  	_ =	strace s18  }
0x93: {  	s3 =	sld [smem:$0x3FFC];
	_ =	sdelay $0x3  }
0x94: {  	_ =	strace s3  }
0x95: {  	s3 =	sld [smem:$0x3FFD];
	_ =	sdelay $0x3  }
0x96: {  	_ =	strace s3  }
0x97: {  	_ =	strace $0x8FFFFFFF  }
0x98: {  	s19 =	sld [smem:$0x3FDB];
	_ =	sdelay $0x1  }
0x99: {  	s4 =	simm.s32 $_scs_section_size  }
0x9a: {  	s5 =	simm.s32 $_size__tile_overlayer_lowered;
	s6 =	simm.s32 $_tile_overlayer_lowered  }
0x9b: {  	s22 =	simm.s32 $0x1BFF;
	s21 =	sshll.u32 s6, $0x1;
	s3 =	sadd.s32 s4, s19  }
0x9c: {  	s7 =	simm.s32 $0x0;
	s20 =	sshll.u32 s5, $0x1;
	s5 =	sadd.s32 s21, s3  }
0x9d: {  	[timem:s7], [sflag:s22] =	dma.local [hbm:s5], s20  }
0x9e: {  	_ =	swait.ge [sflag:s22], s20  }
0x9f: {  	s4 =	ssub.s32 $0x0, s20;
	[sflag:s22] =	ssyncset.done $0x0  }
0xa0: {  	[sflag:s22] =	ssyncadd.s32 s4;
	_ =	sdelay $0x1  }
0xa1: {  	s23 =	simm.s32 $0x1B8B  }
0xa2: {  	_ =	swait.ge [sflag:s23], $0x1  }
0xa3: {  	[sflag:s23] =	ssyncset.done $0x0  }
0xa4: {  	s25 =	simm.s32 $0x1B8E;
	s24 =	sld [smem:$0x3FFE];
	[sflag:s23] =	ssyncadd.s32 $0xFFFFFFFF  }
0xa5: {  	s26 =	simm.s32 $execute0_lowered;
	[smem:$0x3FD2] =	sst s25  }
0xa6: {  	s5 =	sshll.u32 s26, $0x1;
	_ =	strace $0x80000046;
	[dreg:$0x1] =	wrdreg $0xFFFFFFFF  }
0xa7: {  	s28 =	simm.s32 $_size_execute0_lowered;
	s3 =	sadd.s32 s3, s5;
	[dreg:$0x0] =	wrdreg $0x0  }
0xa8: {  	s5 =	sshll.u32 s28, $0x1;
	[dreg:$0x2] =	wrdreg s3  }
0xa9: {  	[dreg:$0x3] =	wrdreg s5  }
0xaa: {  	[dreg:$0x4] =	wrdreg $0xC0  }
0xab: {  	_ =	task [dreg:s7], $0x5FFFF  }
0xac: {  	[dreg:$0x1] =	wrdreg $0xFFFFFFFF  }
0xad: {  	[dreg:$0x0] =	wrdreg $0x60  }
0xae: {  	[dreg:$0x2] =	wrdreg s2  }
0xaf: {  	[dreg:$0x3] =	wrdreg s24  }
0xb0: {  	[dreg:$0x4] =	wrdreg $0x9  }
0xb1: {  	_ =	task.clear_ibuf [dreg:s7], $0x5FFFF;
	_ =	strace $0x90000046  }
0xb2: {  	s29 =	simm.s32 $0x9;
	_ =	strace $0x80000048  }
0xb3: {  	_ =	swait.ge [sflag:s29], $0x1  }
0xb4: {  	[sflag:s29] =	ssyncadd.s32 $0xFFFFFFFF  }
0xb5: {  	_ =	strace $0x90000048  }
0xb6: {  	_ =	sfence  }
0xb7: {  	s30 =	sld [smem:$0x0];
	_ =	sdelay $0x2  }
0xb8: {  	s31 =	sshll.u32 s1, $0xD;
	s1 =	sshrl.u32 s1, $0x2  }
0xb9: {  	s3 =	sand.u32 $0x4000, s31;
	s1 =	sadd.s32 s1, s30  }
0xba: {  	s0 =	sor.u32 s3, s0;
	s1 =	sshll.u32 s1, $0x11  }
0xbb: {  	s0 =	sor.u32 s1, s0  }
0xbc: {  	s0 =	sadd.s32 $0x8F2B, s0  }
0xbd: {  	[sflag:s0] =	ssyncadd.remote.s32 $0x1  }
0xbe: {  	_ =	sfence.sel $0xFFFF  }
0xbf: {  	[dreg:$0x0] =	wrdreg $0xFFFFFFFF;
	(pc) =	sbr.abs _section_cstart, $3  }
0xc0: {  	[dreg:$0x1] =	wrdreg $0xFFFFFFFF  }
0xc1: {  	_ =	task.clear_ibuf [dreg:s7], $0x2FFFF;
	_ =	strace $0x9FFFFFFF  }
0xc2: {  	(tm) =	ssettm $0x7FFFFFFF  }
0xc3: {  	_ =	shalt  }
tec
execute0_lowered:
.L_overlay_start_1:
0x0: {  	(tag) =	ssettag $0x1  }
0x1: {  	s1 =	srdreg.scid  }
0x2: {  	s0 =	stileid.u32;
	s2 =	rddreg [dreg:$0x0]  }
0x3: {  	s5 =	rddreg [dreg:$0x1];
	s3 =	simm.s32 $0x0;
	s11 =	simm.s32 $0x1400  }
0x4: {  	s12 =	simm.s32 $0x2800;
	s13 =	simm.s32 $0x80;
	s14 =	simm.s32 $0x7780  }
0x5: {  	s15 =	simm.s32 $0x7880;
	s16 =	simm.s32 $0x7800;
	s17 =	simm.s32 $0x1480  }
0x6: {  	s18 =	simm.s32 $0x7900;
	s4 =	sand.u32 $0x1, s1;
	s31 =	sshll.u32 s0, $0x1  }
0x7: {  	s19 =	simm.s32 $0x1;
	s20 =	simm.s32 $0x2;
	s6 =	sor.u32 s4, s31  }
0x8: {  	s21 =	simm.s32 $0x5000;
	s22 =	simm.s32 $0x3;
	s7 =	smul.u32 $0x280, s6  }
0x9: {  	s23 =	simm.s32 $0x4;
	s24 =	simm.s32 $0x3C00;
	s8 =	smul.u32 $0x271, s6  }
0xa: {  	s25 =	simm.s32 $0x0;
	s4 =	ssub.s32 $0x2, s4;
	s6 =	smul.u32 $0x4E2, s6  }
.Ltmp0:
0xb: {  	[smem:$0x7FF] =	sst s3;
	s9 =	sshrl.u32 s4, $0x1;
	(pc) =	sbr.rel .LBB2_1-.Ltmp0, $4  }
0xc: {  	_ =	strace $0x80000047;
	s9 =	ssub.s32 s4, s9;
	s7 =	sadd.s32 s7, s5  }
0xd: {  	s8 =	sadd.s32 s8, s5;
	s10 =	sadd.s32 s6, s5;
	s9 =	smax.u32 s9, $0x1  }
0xe: {  	s4 =	sadd.s32 $0xC000, s7;
	s5 =	sadd.s32 $0x7000, s7;
	s6 =	sadd.s32 $0x2000, s7  }
0xf: {  	v0 =	vimm.f32 $0.0e+00;
	s7 =	sadd.s32 $0x11000, s8;
	s8 =	sadd.s32 $0x16000, s10;
	s10 =	simm.s32 $0x5  }
.LBB2_6:
0x10: {  	[hbm4b:s7+s3] =	stream.linear.scatter [tilespmem:s24], [sflag:$0x5], $0x1388, $0x38;
	[tilespmem:$0x7980] =	vst v63  }
0x11: {  	s25 =	sadd.s32 $0x1, s25;
	_ =	swait.ge [sflag:s10], $0x1388  }
0x12: {  	p0 =	sne.s32 s25, s9;
	[sflag:s10] =	ssyncset.done $0x0  }
.Ltmp1:
0x13: {  	[sflag:s10] =	ssyncadd.s32 $0xFFFFEC78;
	(pc) =	sbr.rel @!p0 .LBB2_7-.Ltmp1, $4  }
0x14: {  	[hbm4b:s8+s3] =	stream.linear.scatter [tilespmem:s21], [sflag:$0x5], $0x2710, $0x38;
	[tilespmem:$0x7980] =	vst v63  }
0x15: {  	_ =	swait.ge [sflag:s10], $0x2710  }
0x16: {  	[sflag:s10] =	ssyncset.done $0x0  }
0x17: {  	[sflag:s10] =	ssyncadd.s32 $0xFFFFD8F0  }
.LBB2_1:
0x18: {  	[tilespmem:s3], [sflag:$0x5] =	stream.linear.gather [hbm4b:s4+s3], $0x1400, $0x38;
	[tilespmem:$0x7980] =	vst v63  }
0x19: {  	_ =	swait.ge [sflag:s10], $0x1400  }
0x1a: {  	[sflag:s10] =	ssyncset.done $0x0  }
0x1b: {  	[sflag:s10] =	ssyncadd.s32 $0xFFFFEC00  }
0x1c: {  	[tilespmem:s11], [sflag:$0x5] =	stream.linear.gather [hbm4b:s5+s3], $0x1400, $0x38;
	[tilespmem:$0x7980] =	vst v63  }
0x1d: {  	_ =	swait.ge [sflag:s10], $0x1400  }
0x1e: {  	[sflag:s10] =	ssyncset.done $0x0  }
0x1f: {  	[sflag:s10] =	ssyncadd.s32 $0xFFFFEC00  }
0x20: {  	[tilespmem:s12], [sflag:$0x5] =	stream.linear.gather [hbm4b:s6+s3], $0x1400, $0x38;
	[tilespmem:$0x7980] =	vst v63  }
0x21: {  	_ =	swait.ge [sflag:s10], $0x1400  }
0x22: {  	[sflag:s10] =	ssyncset.done $0x0  }
0x23: {  	s26 =	simm.s32 $0x40;
	s28 =	simm.s32 $0x0;
	[sflag:s10] =	ssyncadd.s32 $0xFFFFEC00  }
.LBB2_2:
0x24: {  	p0 =	sne.s32 s26, $0x9C40;
	[tilespmem:s28+$0x5000] =	vst v0;
	s28 =	smov.u32 s26;
	s26 =	sadd.s32 $0x40, s26  }
.Ltmp2:
0x25: {  	(pc) =	sbr.rel @p0 .LBB2_2-.Ltmp2, $2  }
0x26: {  	_ =	sdelay $0x2  }
0x27: {  	s28 =	sshra.s32 s28, $0x2  }
0x28: {  	[tilespmem:s28+$0x5000] =	vst v0;
	s26 =	simm.s32 $0x0  }
0x29: {  	[tilespmem:s14], [sflag:$0x1] =	stream.indirect.gather [hbm4b:s2+s13], $0x1, s26, s13, $0xb8;
	[tilespmem:$0x7980] =	vst v63  }
0x2a: {  	_ = 	snop  }
0x2b: {  	[tilespmem:s15], [sflag:$0x2] =	stream.indirect.gather [hbm4b:s2+s13], $0x1, s11, s13, $0xb8;
	[tilespmem:$0x7980] =	vst v63  }
0x2c: {  	_ = 	snop  }
0x2d: {  	[tilespmem:s16], [sflag:$0x3] =	stream.indirect.gather [hbm4b:s2+s13], $0x1, s13, s13, $0xb8;
	[tilespmem:$0x7980] =	vst v63  }
0x2e: {  	_ = 	snop  }
0x2f: {  	[tilespmem:s18], [sflag:$0x4] =	stream.indirect.gather [hbm4b:s2+s13], $0x1, s17, s13, $0xb8;
	[tilespmem:$0x7980] =	vst v63  }
.LBB2_4:
0x30: {  	_ =	swait.ge [sflag:s19], $0x80  }
0x31: {  	[sflag:s19] =	ssyncset.done $0x0  }
0x32: {  	[sflag:s19] =	ssyncadd.s32 $0xFFFFFF80  }
0x33: {  	_ =	swait.ge [sflag:s20], $0x80  }
0x34: {  	[sflag:s20] =	ssyncset.done $0x0  }
0x35: {  	[sflag:s20] =	ssyncadd.s32 $0xFFFFFF80  }
0x36: {  	v1 =	vld [tilespmem:$0x7780]  }
0x37: {  	v2 =	vld [tilespmem:$0x7880];
	_ =	sdelay $0x4  }
0x38: {  	v1 =	vadd.f32 v2, v1;
	_ =	sdelay $0x1  }
0x39: {  	v2 =	vmul.f32 $2.000000030e-01, v1  }
0x3a: {  	vm0 =	vgt.f32 v1, $0.0e+00  }
0x3b: {  	v1 =	vsel vm0, v1, v2  }
0x3c: {  	v2 =	vmul.f32 $2.500000000e-01, v1;
	_ =	sdelay $0x1  }
0x3d: {  	v2 =	vmul.f32 $1.442695020e+00, v2;
	_ =	sdelay $0x1  }
0x3e: {  	(erf) = vpow2.f32 v2  }
0x3f: {  	s28 =	sshra.s32 s26, $0x2  }
0x40: {  	v2 =	vld [tilespmem:s28+$0x2800];
	_ =	sdelay $0x6  }
0x41: {  	[tilespmem:s28+$0x3C00] =	vst v1;
	v1 =	vpop (erf)  }
0x42: {  	[tilespmem:v2+s21+$0x0] =	vst.idx.add.f32.msk $0xffff, v1  }
0x43: {  	v1 =	vld [tilespmem:$0x7790]  }
0x44: {  	v2 =	vld [tilespmem:$0x7890];
	_ =	sdelay $0x4  }
0x45: {  	v1 =	vadd.f32 v2, v1;
	_ =	sdelay $0x1  }
0x46: {  	v2 =	vmul.f32 $2.000000030e-01, v1  }
0x47: {  	vm13 =	vgt.f32 v1, $0.0e+00  }
0x48: {  	v1 =	vsel vm13, v1, v2  }
0x49: {  	v2 =	vmul.f32 $2.500000000e-01, v1;
	_ =	sdelay $0x1  }
0x4a: {  	v2 =	vmul.f32 $1.442695020e+00, v2;
	_ =	sdelay $0x1  }
0x4b: {  	(erf) = vpow2.f32 v2;
	_ =	sdelay $0x1  }
0x4c: {  	v2 =	vld [tilespmem:s28+$0x2810];
	_ =	sdelay $0x6  }
0x4d: {  	[tilespmem:s28+$0x3C10] =	vst v1;
	v1 =	vpop (erf)  }
0x4e: {  	[tilespmem:v2+s21+$0x0] =	vst.idx.add.f32.msk $0xffff, v1  }
0x4f: {  	v1 =	vld [tilespmem:$0x77A0]  }
0x50: {  	v2 =	vld [tilespmem:$0x78A0];
	_ =	sdelay $0x4  }
0x51: {  	v1 =	vadd.f32 v2, v1;
	_ =	sdelay $0x1  }
0x52: {  	v2 =	vmul.f32 $2.000000030e-01, v1  }
0x53: {  	vm14 =	vgt.f32 v1, $0.0e+00  }
0x54: {  	v1 =	vsel vm14, v1, v2  }
0x55: {  	v2 =	vmul.f32 $2.500000000e-01, v1;
	_ =	sdelay $0x1  }
0x56: {  	v2 =	vmul.f32 $1.442695020e+00, v2;
	_ =	sdelay $0x1  }
0x57: {  	(erf) = vpow2.f32 v2;
	_ =	sdelay $0x1  }
0x58: {  	v2 =	vld [tilespmem:s28+$0x2820];
	_ =	sdelay $0x6  }
0x59: {  	[tilespmem:s28+$0x3C20] =	vst v1;
	v1 =	vpop (erf)  }
0x5a: {  	[tilespmem:v2+s21+$0x0] =	vst.idx.add.f32.msk $0xffff, v1  }
0x5b: {  	v1 =	vld [tilespmem:$0x77B0]  }
0x5c: {  	v2 =	vld [tilespmem:$0x78B0];
	_ =	sdelay $0x4  }
0x5d: {  	v1 =	vadd.f32 v2, v1;
	_ =	sdelay $0x1  }
0x5e: {  	v2 =	vmul.f32 $2.000000030e-01, v1  }
0x5f: {  	vm15 =	vgt.f32 v1, $0.0e+00  }
0x60: {  	v1 =	vsel vm15, v1, v2  }
0x61: {  	v2 =	vmul.f32 $2.500000000e-01, v1;
	_ =	sdelay $0x1  }
0x62: {  	v2 =	vmul.f32 $1.442695020e+00, v2;
	_ =	sdelay $0x1  }
0x63: {  	(erf) = vpow2.f32 v2;
	_ =	sdelay $0x1  }
0x64: {  	v2 =	vld [tilespmem:s28+$0x2830];
	_ =	sdelay $0x6  }
0x65: {  	[tilespmem:s28+$0x3C30] =	vst v1;
	v1 =	vpop (erf)  }
0x66: {  	[tilespmem:v2+s21+$0x0] =	vst.idx.add.f32.msk $0xffff, v1  }
0x67: {  	v1 =	vld [tilespmem:$0x77C0]  }
0x68: {  	v2 =	vld [tilespmem:$0x78C0];
	_ =	sdelay $0x4  }
0x69: {  	v1 =	vadd.f32 v2, v1;
	_ =	sdelay $0x1  }
0x6a: {  	v2 =	vmul.f32 $2.000000030e-01, v1  }
0x6b: {  	vm4 =	vgt.f32 v1, $0.0e+00  }
0x6c: {  	v1 =	vsel vm4, v1, v2  }
0x6d: {  	v2 =	vmul.f32 $2.500000000e-01, v1;
	_ =	sdelay $0x1  }
0x6e: {  	v2 =	vmul.f32 $1.442695020e+00, v2;
	_ =	sdelay $0x1  }
0x6f: {  	(erf) = vpow2.f32 v2;
	_ =	sdelay $0x1  }
0x70: {  	v2 =	vld [tilespmem:s28+$0x2840];
	_ =	sdelay $0x6  }
0x71: {  	[tilespmem:s28+$0x3C40] =	vst v1;
	v1 =	vpop (erf)  }
0x72: {  	[tilespmem:v2+s21+$0x0] =	vst.idx.add.f32.msk $0xffff, v1  }
0x73: {  	v1 =	vld [tilespmem:$0x77D0]  }
0x74: {  	v2 =	vld [tilespmem:$0x78D0];
	_ =	sdelay $0x4  }
0x75: {  	v1 =	vadd.f32 v2, v1;
	_ =	sdelay $0x1  }
0x76: {  	v2 =	vmul.f32 $2.000000030e-01, v1  }
0x77: {  	vm5 =	vgt.f32 v1, $0.0e+00  }
0x78: {  	v1 =	vsel vm5, v1, v2  }
0x79: {  	v2 =	vmul.f32 $2.500000000e-01, v1;
	_ =	sdelay $0x1  }
0x7a: {  	v2 =	vmul.f32 $1.442695020e+00, v2;
	_ =	sdelay $0x1  }
0x7b: {  	(erf) = vpow2.f32 v2;
	_ =	sdelay $0x1  }
0x7c: {  	v2 =	vld [tilespmem:s28+$0x2850];
	_ =	sdelay $0x6  }
0x7d: {  	[tilespmem:s28+$0x3C50] =	vst v1;
	v1 =	vpop (erf)  }
0x7e: {  	[tilespmem:v2+s21+$0x0] =	vst.idx.add.f32.msk $0xffff, v1  }
0x7f: {  	v1 =	vld [tilespmem:$0x77E0]  }
0x80: {  	v2 =	vld [tilespmem:$0x78E0];
	_ =	sdelay $0x4  }
0x81: {  	v1 =	vadd.f32 v2, v1;
	_ =	sdelay $0x1  }
0x82: {  	v2 =	vmul.f32 $2.000000030e-01, v1  }
0x83: {  	vm6 =	vgt.f32 v1, $0.0e+00  }
0x84: {  	v1 =	vsel vm6, v1, v2  }
0x85: {  	v2 =	vmul.f32 $2.500000000e-01, v1;
	_ =	sdelay $0x1  }
0x86: {  	v2 =	vmul.f32 $1.442695020e+00, v2;
	_ =	sdelay $0x1  }
0x87: {  	(erf) = vpow2.f32 v2;
	_ =	sdelay $0x1  }
0x88: {  	v2 =	vld [tilespmem:s28+$0x2860];
	_ =	sdelay $0x6  }
0x89: {  	[tilespmem:s28+$0x3C60] =	vst v1;
	v1 =	vpop (erf)  }
0x8a: {  	[tilespmem:v2+s21+$0x0] =	vst.idx.add.f32.msk $0xffff, v1  }
0x8b: {  	v1 =	vld [tilespmem:$0x77F0]  }
0x8c: {  	v2 =	vld [tilespmem:$0x78F0];
	_ =	sdelay $0x4  }
0x8d: {  	v1 =	vadd.f32 v2, v1;
	_ =	sdelay $0x1  }
0x8e: {  	v2 =	vmul.f32 $2.000000030e-01, v1  }
0x8f: {  	vm7 =	vgt.f32 v1, $0.0e+00  }
0x90: {  	v1 =	vsel vm7, v1, v2  }
0x91: {  	v2 =	vmul.f32 $2.500000000e-01, v1;
	_ =	sdelay $0x1  }
0x92: {  	v2 =	vmul.f32 $1.442695020e+00, v2;
	_ =	sdelay $0x1  }
0x93: {  	(erf) = vpow2.f32 v2;
	_ =	sdelay $0x1  }
0x94: {  	v2 =	vld [tilespmem:s28+$0x2870];
	_ =	sdelay $0x5  }
0x95: {  	p0 =	seq.s32 s26, $0x4C00  }
0x96: {  	s29 =	sshra.s32 @!p0 s26, $0x2;
	[tilespmem:s28+$0x3C70] =	vst v1;
	v1 =	vpop (erf)  }
0x97: {  	s31 =	simm.s32 @!p0 $0x80;
	s1 =	simm.s32 @!p0 $0x7780;
	s30 =	sadd.s32 @!p0 $0x100, s29;
	[tilespmem:v2+s21+$0x0] =	vst.idx.add.f32.msk $0xffff, v1  }
0x98: {  	[tilespmem:s1], [sflag:$0x1] =	stream.indirect.gather @!p0 [hbm4b:s2+s31], $0x1, s30, s31, $0xb8;
	[tilespmem:$0x7980] =	vst v63  }
0x99: {  	s1 =	sadd.s32 @!p0 $0x1500, s29;
	s29 =	simm.s32 @!p0 $0x7880  }
0x9a: {  	[tilespmem:s29], [sflag:$0x2] =	stream.indirect.gather @!p0 [hbm4b:s2+s31], $0x1, s1, s31, $0xb8;
	[tilespmem:$0x7980] =	vst v63  }
0x9b: {  	_ =	swait.ge [sflag:s22], $0x80  }
0x9c: {  	[sflag:s22] =	ssyncset.done $0x0  }
0x9d: {  	[sflag:s22] =	ssyncadd.s32 $0xFFFFFF80  }
0x9e: {  	_ =	swait.ge [sflag:s23], $0x80  }
0x9f: {  	[sflag:s23] =	ssyncset.done $0x0  }
0xa0: {  	[sflag:s23] =	ssyncadd.s32 $0xFFFFFF80  }
0xa1: {  	v1 =	vld [tilespmem:$0x7800]  }
0xa2: {  	v2 =	vld [tilespmem:$0x7900];
	_ =	sdelay $0x4  }
0xa3: {  	v1 =	vadd.f32 v2, v1;
	_ =	sdelay $0x1  }
0xa4: {  	v2 =	vmul.f32 $2.000000030e-01, v1  }
0xa5: {  	vm8 =	vgt.f32 v1, $0.0e+00  }
0xa6: {  	v1 =	vsel vm8, v1, v2  }
0xa7: {  	v2 =	vmul.f32 $2.500000000e-01, v1;
	_ =	sdelay $0x1  }
0xa8: {  	v2 =	vmul.f32 $1.442695020e+00, v2;
	_ =	sdelay $0x1  }
0xa9: {  	(erf) = vpow2.f32 v2;
	_ =	sdelay $0x1  }
0xaa: {  	v2 =	vld [tilespmem:s28+$0x2880];
	_ =	sdelay $0x6  }
0xab: {  	[tilespmem:s28+$0x3C80] =	vst v1;
	v1 =	vpop (erf)  }
0xac: {  	[tilespmem:v2+s21+$0x0] =	vst.idx.add.f32.msk $0xffff, v1  }
0xad: {  	v1 =	vld [tilespmem:$0x7810]  }
0xae: {  	v2 =	vld [tilespmem:$0x7910];
	_ =	sdelay $0x4  }
0xaf: {  	v1 =	vadd.f32 v2, v1;
	_ =	sdelay $0x1  }
0xb0: {  	v2 =	vmul.f32 $2.000000030e-01, v1  }
0xb1: {  	vm9 =	vgt.f32 v1, $0.0e+00  }
0xb2: {  	v1 =	vsel vm9, v1, v2  }
0xb3: {  	v2 =	vmul.f32 $2.500000000e-01, v1;
	_ =	sdelay $0x1  }
0xb4: {  	v2 =	vmul.f32 $1.442695020e+00, v2;
	_ =	sdelay $0x1  }
0xb5: {  	(erf) = vpow2.f32 v2;
	_ =	sdelay $0x1  }
0xb6: {  	v2 =	vld [tilespmem:s28+$0x2890];
	_ =	sdelay $0x6  }
0xb7: {  	[tilespmem:s28+$0x3C90] =	vst v1;
	v1 =	vpop (erf)  }
0xb8: {  	[tilespmem:v2+s21+$0x0] =	vst.idx.add.f32.msk $0xffff, v1  }
0xb9: {  	v1 =	vld [tilespmem:$0x7820]  }
0xba: {  	v2 =	vld [tilespmem:$0x7920];
	_ =	sdelay $0x4  }
0xbb: {  	v1 =	vadd.f32 v2, v1;
	_ =	sdelay $0x1  }
0xbc: {  	v2 =	vmul.f32 $2.000000030e-01, v1  }
0xbd: {  	vm10 =	vgt.f32 v1, $0.0e+00  }
0xbe: {  	v1 =	vsel vm10, v1, v2  }
0xbf: {  	v2 =	vmul.f32 $2.500000000e-01, v1;
	_ =	sdelay $0x1  }
0xc0: {  	v2 =	vmul.f32 $1.442695020e+00, v2;
	_ =	sdelay $0x1  }
0xc1: {  	(erf) = vpow2.f32 v2;
	_ =	sdelay $0x1  }
0xc2: {  	v2 =	vld [tilespmem:s28+$0x28A0];
	_ =	sdelay $0x6  }
0xc3: {  	[tilespmem:s28+$0x3CA0] =	vst v1;
	v1 =	vpop (erf)  }
0xc4: {  	[tilespmem:v2+s21+$0x0] =	vst.idx.add.f32.msk $0xffff, v1  }
0xc5: {  	v1 =	vld [tilespmem:$0x7830]  }
0xc6: {  	v2 =	vld [tilespmem:$0x7930];
	_ =	sdelay $0x4  }
0xc7: {  	v1 =	vadd.f32 v2, v1;
	_ =	sdelay $0x1  }
0xc8: {  	v2 =	vmul.f32 $2.000000030e-01, v1  }
0xc9: {  	vm11 =	vgt.f32 v1, $0.0e+00  }
0xca: {  	v1 =	vsel vm11, v1, v2  }
0xcb: {  	v2 =	vmul.f32 $2.500000000e-01, v1;
	_ =	sdelay $0x1  }
0xcc: {  	v2 =	vmul.f32 $1.442695020e+00, v2;
	_ =	sdelay $0x1  }
0xcd: {  	(erf) = vpow2.f32 v2;
	_ =	sdelay $0x1  }
0xce: {  	v2 =	vld [tilespmem:s28+$0x28B0];
	_ =	sdelay $0x6  }
0xcf: {  	[tilespmem:s28+$0x3CB0] =	vst v1;
	v1 =	vpop (erf)  }
0xd0: {  	[tilespmem:v2+s21+$0x0] =	vst.idx.add.f32.msk $0xffff, v1  }
0xd1: {  	v1 =	vld [tilespmem:$0x7840]  }
0xd2: {  	v2 =	vld [tilespmem:$0x7940];
	_ =	sdelay $0x4  }
0xd3: {  	v1 =	vadd.f32 v2, v1;
	_ =	sdelay $0x1  }
0xd4: {  	v2 =	vmul.f32 $2.000000030e-01, v1  }
0xd5: {  	vm12 =	vgt.f32 v1, $0.0e+00  }
0xd6: {  	v1 =	vsel vm12, v1, v2  }
0xd7: {  	v2 =	vmul.f32 $2.500000000e-01, v1;
	_ =	sdelay $0x1  }
0xd8: {  	v2 =	vmul.f32 $1.442695020e+00, v2;
	_ =	sdelay $0x1  }
0xd9: {  	(erf) = vpow2.f32 v2;
	_ =	sdelay $0x1  }
0xda: {  	v2 =	vld [tilespmem:s28+$0x28C0];
	_ =	sdelay $0x6  }
0xdb: {  	[tilespmem:s28+$0x3CC0] =	vst v1;
	v1 =	vpop (erf)  }
0xdc: {  	[tilespmem:v2+s21+$0x0] =	vst.idx.add.f32.msk $0xffff, v1  }
0xdd: {  	v1 =	vld [tilespmem:$0x7850]  }
0xde: {  	v2 =	vld [tilespmem:$0x7950];
	_ =	sdelay $0x4  }
0xdf: {  	v1 =	vadd.f32 v2, v1;
	_ =	sdelay $0x1  }
0xe0: {  	v2 =	vmul.f32 $2.000000030e-01, v1  }
0xe1: {  	vm13 =	vgt.f32 v1, $0.0e+00  }
0xe2: {  	v1 =	vsel vm13, v1, v2  }
0xe3: {  	v2 =	vmul.f32 $2.500000000e-01, v1;
	_ =	sdelay $0x1  }
0xe4: {  	v2 =	vmul.f32 $1.442695020e+00, v2;
	_ =	sdelay $0x1  }
0xe5: {  	(erf) = vpow2.f32 v2;
	_ =	sdelay $0x1  }
0xe6: {  	v2 =	vld [tilespmem:s28+$0x28D0];
	_ =	sdelay $0x6  }
0xe7: {  	[tilespmem:s28+$0x3CD0] =	vst v1;
	v1 =	vpop (erf)  }
0xe8: {  	[tilespmem:v2+s21+$0x0] =	vst.idx.add.f32.msk $0xffff, v1  }
0xe9: {  	v1 =	vld [tilespmem:$0x7860]  }
0xea: {  	v2 =	vld [tilespmem:$0x7960];
	_ =	sdelay $0x4  }
0xeb: {  	v1 =	vadd.f32 v2, v1;
	_ =	sdelay $0x1  }
0xec: {  	v2 =	vmul.f32 $2.000000030e-01, v1  }
0xed: {  	vm14 =	vgt.f32 v1, $0.0e+00  }
0xee: {  	v1 =	vsel vm14, v1, v2  }
0xef: {  	v2 =	vmul.f32 $2.500000000e-01, v1;
	_ =	sdelay $0x1  }
0xf0: {  	v2 =	vmul.f32 $1.442695020e+00, v2;
	_ =	sdelay $0x1  }
0xf1: {  	(erf) = vpow2.f32 v2;
	_ =	sdelay $0x1  }
0xf2: {  	v2 =	vld [tilespmem:s28+$0x28E0];
	_ =	sdelay $0x6  }
0xf3: {  	[tilespmem:s28+$0x3CE0] =	vst v1;
	v1 =	vpop (erf)  }
0xf4: {  	[tilespmem:v2+s21+$0x0] =	vst.idx.add.f32.msk $0xffff, v1  }
0xf5: {  	v1 =	vld [tilespmem:$0x7870]  }
0xf6: {  	v2 =	vld [tilespmem:$0x7970];
	_ =	sdelay $0x4  }
0xf7: {  	v1 =	vadd.f32 v2, v1;
	_ =	sdelay $0x1  }
0xf8: {  	v2 =	vmul.f32 $2.000000030e-01, v1  }
0xf9: {  	vm15 =	vgt.f32 v1, $0.0e+00  }
0xfa: {  	v1 =	vsel vm15, v1, v2  }
0xfb: {  	v2 =	vmul.f32 $2.500000000e-01, v1;
	_ =	sdelay $0x1  }
0xfc: {  	v2 =	vmul.f32 $1.442695020e+00, v2;
	_ =	sdelay $0x1  }
0xfd: {  	(erf) = vpow2.f32 v2;
	_ =	sdelay $0x1  }
0xfe: {  	v2 =	vld [tilespmem:s28+$0x28F0];
	_ =	sdelay $0x3  }
.Ltmp3:
0xff: {  	_ = 	snop;
	(pc) =	sbr.rel @p0 .LBB2_6-.Ltmp3, $3  }
0x100: {  	_ =	sdelay $0x1  }
0x101: {  	[tilespmem:s28+$0x3CF0] =	vst v1;
	v1 =	vpop (erf)  }
0x102: {  	[tilespmem:v2+s21+$0x0] =	vst.idx.add.f32.msk $0xffff, v1  }
.Ltmp4:
0x103: {  	(pc) =	sbr.rel .LBB2_4-.Ltmp4, $4  }
0x104: {  	s1 =	sadd.s32 $0x180, s28  }
0x105: {  	[tilespmem:s16], [sflag:$0x3] =	stream.indirect.gather [hbm4b:s2+s13], $0x1, s1, s13, $0xb8;
	[tilespmem:$0x7980] =	vst v63  }
0x106: {  	s31 =	sadd.s32 $0x1580, s28;
	s26 =	sadd.s32 $0x400, s26  }
0x107: {  	[tilespmem:s18], [sflag:$0x4] =	stream.indirect.gather [hbm4b:s2+s13], $0x1, s31, s13, $0xb8;
	[tilespmem:$0x7980] =	vst v63  }
.LBB2_7:
0x108: {  	_ =	sfence.sel $0x180000  }
0x109: {  	[bflag:$0x0] =	sbarrier.arrive $0xFFFF  }
0x10a: {  	_ =	strace $0x90000047  }
0x10b: {  	[bflag:$0x2] =	sbarrier.arrive $0xFFFF  }
0x10c: {  	p0 =	sne.s32 s0, $0x0;
	s0 =	rddreg [dreg:$0x2]  }
0x10d: {  	s0 =	sadd.s32 @!p0 $0x100000, s0  }
0x10e: {  	[sflag:s0] =	ssyncadd.tile.s32 @!p0 $0x1;
	_ =	shalt  }
.Lfunc_end2:
_tile_overlayer_lowered:
.L_overlay_start_2:
0x10f: {  	(tag) =	ssettag $0x2  }
0x110: {  	s0 =	rddreg [dreg:$0x0];
	s2 =	stileid.u32  }
0x111: {  	s1 =	rddreg [dreg:$0x1];
	p0 =	sne.s32 s2, $0x0  }
0x112: {  	s3 =	rddreg [dreg:$0x2];
	[bflag:$0x3] =	sbarrier.arrive $0xFFFF;
	s2 =	simm.s32 @!p0 $0x1C05  }
0x113: {  	[timem:s3], [sflag:s2] =	dma.local @!p0 [hbm:s0], s1  }
0x114: {  	s0 =	simm.s32 @!p0 $0x5  }
0x115: {  	_ =	swait.ge @!p0 [sflag:s0], s1  }
0x116: {  	s1 =	ssub.s32 @!p0 $0x0, s1;
	[sflag:s0] =	ssyncset.done @!p0 $0x0  }
0x117: {  	[sflag:s0] =	ssyncadd.s32 @!p0 s1  }
0x118: {  	[bflag:$0x3] =	sbarrier.arrive $0xFFFF  }
0x119: {  	_ =	shalt  }

// kernel: kernel.15.cloned.1.call-start
scs
__scs_entry_jumppad:
0x0: {  	(pc) =	sbr.rel $0x88, $3  }
0x1: {  	(tag) =	ssettag $0x0;
	lr =	simm.s32 $0x1  }
0x2: {  	[smem:$0x3F9C] =	sst lr;
	_ =	strace $0xD0000000  }
0x3: {  	_ = 	snop  }
0x4: {  	_ = 	snop  }
0x5: {  	_ = 	snop  }
0x6: {  	_ = 	snop  }
0x7: {  	_ = 	snop  }
__scs_overlays_trampoline_lowered:
0x8: {  	[smem:$0x3FAB] =	sst s0  }
0x9: {  	[smem:$0x3FAC] =	sst s1  }
0xa: {  	[smem:$0x3FAD] =	sst s2  }
0xb: {  	[smem:$0x3FAE] =	sst s3  }
0xc: {  	[smem:$0x3FAF] =	sst s4  }
0xd: {  	[smem:$0x3FB0] =	sst s5  }
0xe: {  	[smem:$0x3FB1] =	sst s6  }
0xf: {  	[smem:$0x3FB2] =	sst s7  }
0x10: {  	[smem:$0x3FB3] =	sst s8  }
0x11: {  	[smem:$0x3FB4] =	sst s9;
	s0 =	simm.s32 @!p0 $0x0  }
0x12: {  	s1 =	sld [smem:$0x3F9A];
	s0 =	simm.s32 @p0 $0x1  }
0x13: {  	[smem:$0x3FB5] =	sst s0;
	s0 =	simm.s32 @!p1 $0x0  }
0x14: {  	s2 =	sld [smem:$0x3F99];
	s0 =	simm.s32 @p1 $0x1  }
0x15: {  	[smem:$0x3FB6] =	sst s0;
	s0 =	simm.s32 @!p2 $0x0  }
0x16: {  	s3 =	sld [smem:$0x3FDB];
	s0 =	simm.s32 @p2 $0x1  }
0x17: {  	s4 =	simm.s32 $0x1BF5;
	[smem:$0x3FB8] =	sst s0  }
0x18: {  	s0 =	sld [smem:$0x3F9B];
	_ =	swait.ge [sflag:s4], $0x0  }
0x19: {  	s7 =	sld [smem:$0x3F9C]  }
0x1a: {  	s8 =	sadd.s32 $0xFFFFE003, lr  }
0x1b: {  	s9 =	sadd.s32 $0xFFFFFEF7, lr;
	s5 =	simm.s32 $0xFFFFFFFF;
	p2 =	slt.u32 s8, $0xFFFFF086  }
0x1c: {  	p1 =	slt.u32 s9, $0xF7A;
	s5 =	simm.s32 @!p2 $0x0  }
0x1d: {  	s5 =	simm.s32 @p1 $0x1;
	p0 =	seq.s32 s7, s2  }
0x1e: {  	s7 =	smul.u32 @!p0 $0xF7A, s2;
	p2 =	seq.s32 @!p0 s5, $0x0  }
0x1f: {  	s9 =	smul.u32 $0xF7A, s1;
	s8 =	simm.s32 @!p0 $0x1BF5;
	p2 =	por !p2, p0  }
0x20: {  	[sflag:s8] =	ssyncset.s32 @!p0 $0xFFFFF086;
	s6 =	sadd.s32 @!p0 s3, s7;
	s7 =	simm.s32 @!p0 $0x108  }
0x21: {  	s3 =	sadd.s32 s3, s9;
	s6 =	sadd.s32 @!p0 $0x88, s6;
	s7 =	simm.s32 @p2 $0x1082  }
0x22: {  	[simem:s7], [sflag:s8] =	dma.local @!p0 [hbm:s6], $0xF7A  }
0x23: {  	s9 =	sor.u32 $0xD0000000, s2;
	s6 =	simm.s32 $0x108;
	_ =	swait.ge @!p0 [sflag:s8], $0x0  }
0x24: {  	s3 =	sadd.s32 $0x88, s3;
	s6 =	simm.s32 @!p1 $0x1082;
	[sflag:s4] =	ssyncset.s32 $0xFFFFF086  }
0x25: {  	[simem:s6], [sflag:s4] =	dma.local [hbm:s3], $0xF7A  }
0x26: {  	[smem:$0x3F9C] =	sst s1;
	(tag) =	ssettag s2;
	_ =	strace s9  }
0x27: {  	s1 =	sld [smem:$0x3FAC]  }
0x28: {  	s2 =	sld [smem:$0x3FAD]  }
0x29: {  	s4 =	sld [smem:$0x3FAF]  }
0x2a: {  	p0 =	seq.s32 s5, $0x0;
	s5 =	sld [smem:$0x3FB0]  }
0x2b: {  	s6 =	sld [smem:$0x3FB1]  }
0x2c: {  	s7 =	sld [smem:$0x3FB2]  }
0x2d: {  	s3 =	simm.s32 $0x108;
	s8 =	sld [smem:$0x3FB3]  }
0x2e: {  	s3 =	simm.s32 @!p0 $0x1082;
	s9 =	sld [smem:$0x3FB4]  }
0x2f: {  	lr =	sadd.s32 s0, s3;
	s0 =	sld [smem:$0x3FAB]  }
0x30: {  	s3 =	sld [smem:$0x3FAE]  }
0x31: {  	[smem:$0x3FB7] =	sst s10  }
0x32: {  	s10 =	sld [smem:$0x3FB5];
	_ =	sdelay $0x3  }
0x33: {  	p0 =	seq.s32 s10, $0x1;
	s10 =	sld [smem:$0x3FB7];
	_ =	sdelay $0x3  }
0x34: {  	[smem:$0x3FB7] =	sst s10  }
0x35: {  	s10 =	sld [smem:$0x3FB6];
	_ =	sdelay $0x3  }
0x36: {  	p1 =	seq.s32 s10, $0x1;
	s10 =	sld [smem:$0x3FB7];
	_ =	sdelay $0x3  }
0x37: {  	[smem:$0x3FB7] =	sst s10  }
0x38: {  	s10 =	sld [smem:$0x3FB8]  }
0x39: {  	_ = 	snop;
	(pc) =	sbr.ind lr, $3  }
0x3a: {  	_ = 	snop  }
0x3b: {  	_ = 	snop  }
0x3c: {  	p2 =	seq.s32 s10, $0x1;
	s10 =	sld [smem:$0x3FB7]  }
0x3d: {  	_ =	shalt  }
0x3e: {  	_ =	shalt  }
0x3f: {  	_ =	shalt  }
0x40: {  	_ =	shalt  }
0x41: {  	_ =	shalt  }
0x42: {  	_ =	shalt  }
0x43: {  	_ =	shalt  }
0x44: {  	_ =	shalt  }
0x45: {  	_ =	shalt  }
0x46: {  	_ =	shalt  }
0x47: {  	_ =	shalt  }
0x48: {  	_ =	shalt  }
0x49: {  	_ =	shalt  }
0x4a: {  	_ =	shalt  }
0x4b: {  	_ =	shalt  }
0x4c: {  	_ =	shalt  }
0x4d: {  	_ =	shalt  }
0x4e: {  	_ =	shalt  }
0x4f: {  	_ =	shalt  }
0x50: {  	_ =	shalt  }
0x51: {  	_ =	shalt  }
0x52: {  	_ =	shalt  }
0x53: {  	_ =	shalt  }
0x54: {  	_ =	shalt  }
0x55: {  	_ =	shalt  }
0x56: {  	_ =	shalt  }
0x57: {  	_ =	shalt  }
0x58: {  	_ =	shalt  }
0x59: {  	_ =	shalt  }
0x5a: {  	_ =	shalt  }
0x5b: {  	_ =	shalt  }
0x5c: {  	_ =	shalt  }
0x5d: {  	_ =	shalt  }
0x5e: {  	_ =	shalt  }
0x5f: {  	_ =	shalt  }
0x60: {  	_ =	shalt  }
0x61: {  	_ =	shalt  }
0x62: {  	_ =	shalt  }
0x63: {  	_ =	shalt  }
0x64: {  	_ =	shalt  }
0x65: {  	_ =	shalt  }
0x66: {  	_ =	shalt  }
0x67: {  	_ =	shalt  }
0x68: {  	_ =	shalt  }
0x69: {  	_ =	shalt  }
0x6a: {  	_ =	shalt  }
0x6b: {  	_ =	shalt  }
0x6c: {  	_ =	shalt  }
0x6d: {  	_ =	shalt  }
0x6e: {  	_ =	shalt  }
0x6f: {  	_ =	shalt  }
0x70: {  	_ =	shalt  }
0x71: {  	_ =	shalt  }
0x72: {  	_ =	shalt  }
0x73: {  	_ =	shalt  }
0x74: {  	_ =	shalt  }
0x75: {  	_ =	shalt  }
0x76: {  	_ =	shalt  }
0x77: {  	_ =	shalt  }
0x78: {  	_ =	shalt  }
0x79: {  	_ =	shalt  }
0x7a: {  	_ =	shalt  }
0x7b: {  	_ =	shalt  }
0x7c: {  	_ =	shalt  }
0x7d: {  	_ =	shalt  }
0x7e: {  	_ =	shalt  }
0x7f: {  	_ =	shalt  }
0x80: {  	_ =	shalt  }
0x81: {  	_ =	shalt  }
0x82: {  	_ =	shalt  }
0x83: {  	_ =	shalt  }
0x84: {  	_ =	shalt  }
0x85: {  	_ =	shalt  }
0x86: {  	_ =	shalt  }
0x87: {  	_ =	shalt  }
.Lfunc_end0:
.L_simem_size_0:
called_computation.1_lowered:
.L_overlay_start_0:
0x88: {  	s2 =	sld [smem:$0x3FD9]  }
0x89: {  	s3 =	sld [smem:$0x3FFE];
	_ =	sdelay $0x1  }
0x8a: {  	s1 =	srdreg.scid  }
0x8b: {  	s0 =	sand.u32 $0x1, s1  }
0x8c: {  	s17 =	sshll.u32 s0, $0xA;
	s2 =	sadd.s32 s3, s2  }
0x8d: {  	s2 =	sadd.s32 s2, s17  }
0x8e: {  	[smem:$0x3FC3] =	sst s2  }
0x8f: {  	_ = 	snop  }
0x90: {  	s2 =	sld [smem:$0x3FD0];
	(tm) =	ssettm $0x1  }
0x91: {  	s18 =	sld [smem:$0x3FFB];
	_ =	sdelay $0x3  }
0x92: {  	_ =	strace s18  }
0x93: {  	s3 =	sld [smem:$0x3FFC];
	_ =	sdelay $0x3  }
0x94: {  	_ =	strace s3  }
0x95: {  	s3 =	sld [smem:$0x3FFD];
	_ =	sdelay $0x3  }
0x96: {  	_ =	strace s3  }
0x97: {  	_ =	strace $0x8FFFFFFF  }
0x98: {  	s19 =	sld [smem:$0x3FDB];
	_ =	sdelay $0x1  }
0x99: {  	s4 =	simm.s32 $_scs_section_size  }
0x9a: {  	s5 =	simm.s32 $_size__tile_overlayer_lowered;
	s6 =	simm.s32 $_tile_overlayer_lowered  }
0x9b: {  	s22 =	simm.s32 $0x1BFF;
	s21 =	sshll.u32 s6, $0x1;
	s3 =	sadd.s32 s4, s19  }
0x9c: {  	s7 =	simm.s32 $0x0;
	s20 =	sshll.u32 s5, $0x1;
	s5 =	sadd.s32 s21, s3  }
0x9d: {  	[timem:s7], [sflag:s22] =	dma.local [hbm:s5], s20  }
0x9e: {  	_ =	swait.ge [sflag:s22], s20  }
0x9f: {  	s4 =	ssub.s32 $0x0, s20;
	[sflag:s22] =	ssyncset.done $0x0  }
0xa0: {  	[sflag:s22] =	ssyncadd.s32 s4;
	_ =	sdelay $0x1  }
0xa1: {  	s23 =	simm.s32 $0x1B8B  }
0xa2: {  	_ =	swait.ge [sflag:s23], $0x1  }
0xa3: {  	[sflag:s23] =	ssyncset.done $0x0  }
0xa4: {  	s25 =	simm.s32 $0x1B8E;
	s24 =	sld [smem:$0x3FFE];
	[sflag:s23] =	ssyncadd.s32 $0xFFFFFFFF  }
0xa5: {  	s26 =	simm.s32 $execute0_lowered;
	[smem:$0x3FD2] =	sst s25  }
0xa6: {  	s5 =	sshll.u32 s26, $0x1;
	_ =	strace $0x80000049;
	[dreg:$0x1] =	wrdreg $0xFFFFFFFF  }
0xa7: {  	s28 =	simm.s32 $_size_execute0_lowered;
	s3 =	sadd.s32 s3, s5;
	[dreg:$0x0] =	wrdreg $0x0  }
0xa8: {  	s5 =	sshll.u32 s28, $0x1;
	[dreg:$0x2] =	wrdreg s3  }
0xa9: {  	[dreg:$0x3] =	wrdreg s5  }
0xaa: {  	[dreg:$0x4] =	wrdreg $0xC0  }
0xab: {  	_ =	task [dreg:s7], $0x5FFFF  }
0xac: {  	[dreg:$0x1] =	wrdreg $0xFFFFFFFF  }
0xad: {  	[dreg:$0x0] =	wrdreg $0x60  }
0xae: {  	[dreg:$0x2] =	wrdreg s24  }
0xaf: {  	[dreg:$0x3] =	wrdreg s2  }
0xb0: {  	[dreg:$0x4] =	wrdreg $0xB4800  }
0xb1: {  	[dreg:$0x5] =	wrdreg $0x9  }
0xb2: {  	_ =	task.clear_ibuf [dreg:s7], $0x6FFFF;
	_ =	strace $0x90000049  }
0xb3: {  	s29 =	simm.s32 $0x9;
	_ =	strace $0x8000004B  }
0xb4: {  	_ =	swait.ge [sflag:s29], $0x1  }
0xb5: {  	[sflag:s29] =	ssyncadd.s32 $0xFFFFFFFF  }
0xb6: {  	_ =	strace $0x9000004B  }
0xb7: {  	_ =	sfence  }
0xb8: {  	s30 =	sld [smem:$0x0];
	_ =	sdelay $0x2  }
0xb9: {  	s31 =	sshll.u32 s1, $0xD;
	s1 =	sshrl.u32 s1, $0x2  }
0xba: {  	s3 =	sand.u32 $0x4000, s31;
	s1 =	sadd.s32 s1, s30  }
0xbb: {  	s0 =	sor.u32 s3, s0;
	s1 =	sshll.u32 s1, $0x11  }
0xbc: {  	s0 =	sor.u32 s1, s0  }
0xbd: {  	s0 =	sadd.s32 $0x8F2B, s0  }
0xbe: {  	[sflag:s0] =	ssyncadd.remote.s32 $0x1  }
0xbf: {  	_ =	sfence.sel $0xFFFF  }
0xc0: {  	[dreg:$0x0] =	wrdreg $0xFFFFFFFF;
	(pc) =	sbr.abs _section_cstart, $3  }
0xc1: {  	[dreg:$0x1] =	wrdreg $0xFFFFFFFF  }
0xc2: {  	_ =	task.clear_ibuf [dreg:s7], $0x2FFFF;
	_ =	strace $0x9FFFFFFF  }
0xc3: {  	(tm) =	ssettm $0x7FFFFFFF  }
tec
execute0_lowered:
.L_overlay_start_1:
0x0: {  	(tag) =	ssettag $0x1  }
0x1: {  	s0 =	rddreg [dreg:$0x0]  }
0x2: {  	s1 =	rddreg [dreg:$0x1]  }
0x3: {  	s3 =	rddreg [dreg:$0x2];
	s4 =	simm.s32 $0x0;
	s2 =	srdreg.scid  }
0x4: {  	s11 =	stileid.u32;
	s28 =	simm.s32 $0x480;
	s29 =	simm.s32 $0x8480  }
0x5: {  	s30 =	simm.s32 $0x1;
	s31 =	simm.s32 $0x2C80;
	s6 =	smul.u32 $0x2800, s11  }
0x6: {  	[smem:$0x7FF] =	sst s4;
	s2 =	sand.u32 $0x1, s2;
	s21 =	smul.u32 $0x50000, s11  }
0x7: {  	s5 =	sadd.s32 $0x1FE00, s0;
	s19 =	sshll.u32 s11, $0x1;
	s11 =	smul.u32 $0xD400, s11  }
0x8: {  	s8 =	sadd.s32 $0x11000, s0;
	_ =	strace $0x8000004A;
	s7 =	smul.u32 $0x28000, s2  }
0x9: {  	[dreg:$0x4] =	wrdreg s8;
	s20 =	sor.u32 s2, s19;
	s9 =	ssub.s32 $0x2, s2  }
0xa: {  	v0 =	vmov s2;
	s2 =	simm.s32 $0x0;
	s10 =	sshrl.u32 s9, $0x1;
	s8 =	sshrl.u32 s21, $0x2  }
0xb: {  	s23 =	sshrl.u32 s11, $0x3;
	s16 =	sadd.s32 $0x400, s11;
	s17 =	sadd.s32 $0x600, s11  }
0xc: {  	s21 =	simm.s32 $0x500;
	s6 =	sadd.s32 s6, s7;
	s7 =	smul.u32 $0x4E2, s20  }
0xd: {  	s9 =	ssub.s32 s9, s10;
	s12 =	sadd.s32 s1, s23;
	s23 =	simm.s32 $0x5480  }
0xe: {  	s6 =	sadd.s32 s6, s0;
	s0 =	sadd.s32 s7, s0;
	s7 =	sadd.s32 s8, s3  }
0xf: {  	s15 =	sadd.s32 $0x40, s12;
	s20 =	smax.u32 s9, $0x1;
	s8 =	sadd.s32 $0x3000, s7  }
0x10: {  	s18 =	sadd.s32 $0x6E200, s6;
	s22 =	sadd.s32 $0x6000, s7;
	[dreg:$0x5] =	wrdreg s8  }
.Ltmp0:
0x11: {  	s24 =	sadd.s32 $0x9000, s7;
	[dreg:$0x6] =	wrdreg s22;
	(pc) =	sbr.rel .LBB2_1-.Ltmp0, $4  }
0x12: {  	s25 =	sadd.s32 $0xC000, s7;
	s26 =	sadd.s32 $0xF000, s7;
	[dreg:$0x7] =	wrdreg s24  }
0x13: {  	s14 =	sadd.s32 $0x12000, s7;
	s19 =	sadd.s32 $0x11600, s0;
	[dreg:$0x8] =	wrdreg s25  }
0x14: {  	s0 =	simm.s32 $0x5400;
	[dreg:$0x9] =	wrdreg s26;
	s22 =	simm.s32 $0x3  }
0x15: {  	v1 =	vimm.f32 $0.0e+00;
	s24 =	simm.s32 $0x60;
	s26 =	simm.s32 $0x200;
	s25 =	simm.s32 $0x2  }
.LBB2_12:
0x16: {  	s6 =	stileid.u32  }
0x17: {  	s6 =	sshll.u32 s6, $0x6  }
0x18: {  	[bflag:$0x0] =	sbarrier.arrive $0xFFFF;
	s8 =	sshrl.u32 s7, $0x3;
	s6 =	sor.u32 $0x1C03, s6  }
0x19: {  	[hbm:s18], [sflag:s6] =	dma.local [spmem:s8], $0x2800  }
0x1a: {  	s2 =	sadd.s32 $0x1, s2;
	_ =	swait.ge [sflag:s22], $0x2800  }
0x1b: {  	p0 =	sne.s32 s2, s20;
	[sflag:s22] =	ssyncset.done $0x0  }
.Ltmp1:
0x1c: {  	[sflag:s22] =	ssyncadd.s32 $0xFFFFD800;
	(pc) =	sbr.rel @!p0 .LBB2_13-.Ltmp1, $4  }
0x1d: {  	[hbm4b:s19+s4] =	stream.linear.scatter [tilespmem:s31], [sflag:$0x3], $0x2710, $0x38;
	[tilespmem:$0x1F480] =	vst v63  }
0x1e: {  	_ =	swait.ge [sflag:s22], $0x2710  }
0x1f: {  	[sflag:s22] =	ssyncset.done $0x0  }
0x20: {  	[sflag:s22] =	ssyncadd.s32 $0xFFFFD8F0  }
.LBB2_1:
0x21: {  	s6 =	rddreg [dreg:$0x4]  }
0x22: {  	[tilespmem:s21], [sflag:$0x3] =	stream.linear.gather [hbm4b:s6+s4], $0x2780, $0x38;
	[tilespmem:$0x1F480] =	vst v63  }
0x23: {  	_ =	swait.ge [sflag:s22], $0x2780  }
0x24: {  	[sflag:s22] =	ssyncset.done $0x0  }
0x25: {  	s6 =	simm.s32 $0x0;
	[sflag:s22] =	ssyncadd.s32 $0xFFFFD880  }
.LBB2_2:
0x26: {  	p0 =	sne.s32 s6, $0x9C40  }
.Ltmp2:
0x27: {  	_ = 	snop;
	(pc) =	sbr.rel @p0 .LBB2_2-.Ltmp2, $3  }
0x28: {  	_ =	sdelay $0x1  }
0x29: {  	s8 =	sshra.s32 s6, $0x2  }
0x2a: {  	s6 =	sadd.s32 $0x40, s6;
	[tilespmem:s8+$0x2C80] =	vst v1  }
0x2b: {  	s6 =	simm.s32 $0x0;
	s8 =	simm.s32 $0x200  }
.LBB2_4:
0x2c: {  	p0 =	sne.s32 s8, $0xBE00;
	[tilespmem:s6+$0x84F0] =	vst v1  }
0x2d: {  	[tilespmem:s6+$0x5480] =	vst v1  }
0x2e: {  	[tilespmem:s6+$0x8480] =	vst v1  }
0x2f: {  	[tilespmem:s6+$0x5490] =	vst v1  }
0x30: {  	[tilespmem:s6+$0x8490] =	vst v1  }
0x31: {  	[tilespmem:s6+$0x54A0] =	vst v1  }
0x32: {  	[tilespmem:s6+$0x84A0] =	vst v1  }
0x33: {  	[tilespmem:s6+$0x54B0] =	vst v1  }
0x34: {  	[tilespmem:s6+$0x84B0] =	vst v1  }
0x35: {  	[tilespmem:s6+$0x54C0] =	vst v1  }
0x36: {  	[tilespmem:s6+$0x84C0] =	vst v1  }
.Ltmp3:
0x37: {  	[tilespmem:s6+$0x54D0] =	vst v1;
	(pc) =	sbr.rel @p0 .LBB2_4-.Ltmp3, $4  }
0x38: {  	[tilespmem:s6+$0x84D0] =	vst v1  }
0x39: {  	[tilespmem:s6+$0x54E0] =	vst v1  }
0x3a: {  	[tilespmem:s6+$0x84E0] =	vst v1  }
0x3b: {  	[tilespmem:s6+$0x54F0] =	vst v1;
	s6 =	sshra.s32 s8, $0x2;
	s8 =	sadd.s32 $0x200, s8  }
0x3c: {  	[tilespmem:s6+$0x84F0] =	vst v1  }
0x3d: {  	[tilespmem:s6+$0x5480] =	vst v1  }
0x3e: {  	[tilespmem:s6+$0x8480] =	vst v1  }
0x3f: {  	[tilespmem:s6+$0x5490] =	vst v1  }
0x40: {  	[tilespmem:s6+$0x8490] =	vst v1  }
0x41: {  	[tilespmem:s6+$0x54A0] =	vst v1  }
0x42: {  	[tilespmem:s6+$0x84A0] =	vst v1  }
0x43: {  	[tilespmem:s6+$0x54B0] =	vst v1  }
0x44: {  	[tilespmem:s6+$0x84B0] =	vst v1  }
0x45: {  	[tilespmem:s6+$0x54C0] =	vst v1  }
0x46: {  	[tilespmem:s6+$0x84C0] =	vst v1  }
0x47: {  	[tilespmem:s6+$0x54D0] =	vst v1  }
0x48: {  	[tilespmem:s6+$0x84D0] =	vst v1  }
0x49: {  	[tilespmem:s6+$0x54E0] =	vst v1  }
0x4a: {  	[tilespmem:s6+$0x84E0] =	vst v1  }
0x4b: {  	[tilespmem:s6+$0x54F0] =	vst v1  }
0x4c: {  	[spmem:s7] =	stream.linear.scatter [tilespmem:s23], [sflag:$0x3], $0x3000, $0x38;
	[tilespmem:$0x1F480] =	vst v63  }
0x4d: {  	_ =	swait.ge [sflag:s22], $0x3000  }
0x4e: {  	[sflag:s22] =	ssyncset.done $0x0  }
0x4f: {  	s8 =	rddreg [dreg:$0x5];
	[sflag:s22] =	ssyncadd.s32 $0xFFFFD000  }
0x50: {  	[spmem:s8] =	stream.linear.scatter [tilespmem:s23], [sflag:$0x3], $0x3000, $0x38;
	[tilespmem:$0x1F480] =	vst v63  }
0x51: {  	_ =	swait.ge [sflag:s22], $0x3000  }
0x52: {  	[sflag:s22] =	ssyncset.done $0x0  }
0x53: {  	s9 =	rddreg [dreg:$0x6];
	[sflag:s22] =	ssyncadd.s32 $0xFFFFD000  }
0x54: {  	[spmem:s9] =	stream.linear.scatter [tilespmem:s23], [sflag:$0x3], $0x3000, $0x38;
	[tilespmem:$0x1F480] =	vst v63  }
0x55: {  	_ =	swait.ge [sflag:s22], $0x3000  }
0x56: {  	[sflag:s22] =	ssyncset.done $0x0  }
0x57: {  	s10 =	rddreg [dreg:$0x7];
	[sflag:s22] =	ssyncadd.s32 $0xFFFFD000  }
0x58: {  	[spmem:s10] =	stream.linear.scatter [tilespmem:s23], [sflag:$0x3], $0x3000, $0x38;
	[tilespmem:$0x1F480] =	vst v63  }
0x59: {  	_ =	swait.ge [sflag:s22], $0x3000  }
0x5a: {  	[sflag:s22] =	ssyncset.done $0x0  }
0x5b: {  	s11 =	rddreg [dreg:$0x8];
	[sflag:s22] =	ssyncadd.s32 $0xFFFFD000  }
0x5c: {  	[spmem:s11] =	stream.linear.scatter [tilespmem:s23], [sflag:$0x3], $0x3000, $0x38;
	[tilespmem:$0x1F480] =	vst v63  }
0x5d: {  	_ =	swait.ge [sflag:s22], $0x3000  }
0x5e: {  	[sflag:s22] =	ssyncset.done $0x0  }
0x5f: {  	s13 =	rddreg [dreg:$0x9];
	[sflag:s22] =	ssyncadd.s32 $0xFFFFD000  }
0x60: {  	[spmem:s13] =	stream.linear.scatter [tilespmem:s23], [sflag:$0x3], $0x3000, $0x38;
	[tilespmem:$0x1F480] =	vst v63  }
0x61: {  	_ =	swait.ge [sflag:s22], $0x3000  }
0x62: {  	[sflag:s22] =	ssyncset.done $0x0  }
0x63: {  	[sflag:s22] =	ssyncadd.s32 $0xFFFFD000  }
0x64: {  	[spmem:s14] =	stream.linear.scatter [tilespmem:s23], [sflag:$0x3], $0x2000, $0x38;
	[tilespmem:$0x1F480] =	vst v63  }
0x65: {  	_ =	swait.ge [sflag:s22], $0x2000  }
0x66: {  	[sflag:s22] =	ssyncset.done $0x0  }
0x67: {  	[sflag:s22] =	ssyncadd.s32 $0xFFFFE000  }
0x68: {  	s6 =	simm.s32 $0x0;
	[bflag:$0x0] =	sbarrier.arrive $0xFFFF  }
0x69: {  	[tilespmem:s6], [sflag:$0x3] =	stream.linear.gather [hbm4b:s12+s6], $0x180, $0x38;
	[tilespmem:$0x1F480] =	vst v63  }
0x6a: {  	_ =	swait.ge [sflag:s22], $0x180  }
0x6b: {  	[sflag:s22] =	ssyncset.done $0x0  }
0x6c: {  	[sflag:s22] =	ssyncadd.s32 $0xFFFFFE80  }
0x6d: {  	v2 =	vld [tilespmem:$0x80]  }
0x6e: {  	v3 =	vld [tilespmem:$0x90]  }
0x6f: {  	v4 =	vld [tilespmem:$0xA0]  }
0x70: {  	v5 =	vld [tilespmem:$0xB0]  }
0x71: {  	v6 =	vld [tilespmem:$0xC0]  }
0x72: {  	v7 =	vld [tilespmem:$0xD0];
	v2 =	vadd.s32 v0, v2  }
0x73: {  	[tilespmem:$0x400] =	vst v2;
	v2 =	vadd.s32 v0, v3  }
0x74: {  	[tilespmem:$0x410] =	vst v2;
	v2 =	vadd.s32 v0, v4  }
0x75: {  	[tilespmem:$0x420] =	vst v2;
	v2 =	vadd.s32 v0, v5  }
0x76: {  	[tilespmem:$0x430] =	vst v2;
	v2 =	vadd.s32 v0, v6  }
0x77: {  	[tilespmem:$0x440] =	vst v2;
	v2 =	vadd.s32 v0, v7  }
0x78: {  	s8 =	simm.s32 $0x400;
	[tilespmem:$0x450] =	vst v2  }
0x79: {  	[tilespmem:s23], [sflag:$0x1] =	stream.indirect.gather [hbm4b:s5+s24], $0x80, s8, s24, $0xb8;
	[tilespmem:$0x1F480] =	vst v63  }
0x7a: {  	_ = 	snop  }
0x7b: {  	[tilespmem:s26], [sflag:$0x3] =	stream.linear.gather [hbm4b:s15+s6], $0x180, $0x38;
	[tilespmem:$0x1F480] =	vst v63  }
0x7c: {  	_ =	swait.ge [sflag:s22], $0x180  }
0x7d: {  	[sflag:s22] =	ssyncset.done $0x0  }
0x7e: {  	[sflag:s22] =	ssyncadd.s32 $0xFFFFFE80  }
0x7f: {  	v2 =	vld [tilespmem:$0x280]  }
0x80: {  	v3 =	vld [tilespmem:$0x290]  }
0x81: {  	v60 =	vld [tilespmem:$0x2A0]  }
0x82: {  	v61 =	vld [tilespmem:$0x2B0]  }
0x83: {  	v62 =	vld [tilespmem:$0x2C0]  }
0x84: {  	v63 =	vld [tilespmem:$0x2D0];
	v2 =	vadd.s32 v0, v2  }
0x85: {  	[tilespmem:$0x480] =	vst v2;
	v2 =	vadd.s32 v0, v3  }
0x86: {  	[tilespmem:$0x490] =	vst v2;
	v2 =	vadd.s32 v0, v60  }
0x87: {  	[tilespmem:$0x4A0] =	vst v2;
	v2 =	vadd.s32 v0, v61  }
0x88: {  	[tilespmem:$0x4B0] =	vst v2;
	v2 =	vadd.s32 v0, v62  }
0x89: {  	[tilespmem:$0x4C0] =	vst v2;
	v2 =	vadd.s32 v0, v63  }
0x8a: {  	s8 =	simm.s32 $0x0;
	[tilespmem:$0x4D0] =	vst v2  }
0x8b: {  	[tilespmem:s29], [sflag:$0x2] =	stream.indirect.gather [hbm4b:s5+s24], $0x80, s28, s24, $0xb8;
	[tilespmem:$0x1F480] =	vst v63  }
.LBB2_6:
0x8c: {  	_ =	swait.ge [sflag:s30], $0x3000  }
0x8d: {  	[sflag:s30] =	ssyncset.done $0x0  }
0x8e: {  	[sflag:s30] =	ssyncadd.s32 $0xFFFFD000  }
0x8f: {  	v2 =	vld [tilespmem:$0x0];
	_ =	sdelay $0x6  }
0x90: {  	v4 =	vld [tilespmem:$0x100]  }
0x91: {  	v3 =	vld.idx.msk [tilespmem:v2+s21+$0x0], $0xffff;
	_ =	sdelay $0x4  }
0x92: {  	v3 =	vsub.f32 v4, v3;
	_ =	sdelay $0x1  }
0x93: {  	v3 =	vmul.f32 $1.442695020e+00, v3;
	_ =	sdelay $0x1  }
0x94: {  	(erf) = vpow2.f32 v3;
	_ =	sdelay $0x8  }
0x95: {  	v3 =	vpop (erf)  }
0x96: {  	[tilespmem:$0x5400] =	vst v3  }
0x97: {  	[tilespmem:v2+s31+$0x0] =	vst.idx.add.f32.msk $0xffff, v3  }
0x98: {  	v2 =	vld [tilespmem:$0x10];
	_ =	sdelay $0x6  }
0x99: {  	v4 =	vld [tilespmem:$0x110]  }
0x9a: {  	v3 =	vld.idx.msk [tilespmem:v2+s21+$0x0], $0xffff;
	_ =	sdelay $0x4  }
0x9b: {  	v3 =	vsub.f32 v4, v3;
	_ =	sdelay $0x1  }
0x9c: {  	v3 =	vmul.f32 $1.442695020e+00, v3;
	_ =	sdelay $0x1  }
0x9d: {  	(erf) = vpow2.f32 v3;
	_ =	sdelay $0x8  }
0x9e: {  	v3 =	vpop (erf)  }
0x9f: {  	[tilespmem:$0x5410] =	vst v3  }
0xa0: {  	[tilespmem:v2+s31+$0x0] =	vst.idx.add.f32.msk $0xffff, v3  }
0xa1: {  	v2 =	vld [tilespmem:$0x20];
	_ =	sdelay $0x6  }
0xa2: {  	v4 =	vld [tilespmem:$0x120]  }
0xa3: {  	v3 =	vld.idx.msk [tilespmem:v2+s21+$0x0], $0xffff;
	_ =	sdelay $0x4  }
0xa4: {  	v3 =	vsub.f32 v4, v3;
	_ =	sdelay $0x1  }
0xa5: {  	v3 =	vmul.f32 $1.442695020e+00, v3;
	_ =	sdelay $0x1  }
0xa6: {  	(erf) = vpow2.f32 v3;
	_ =	sdelay $0x8  }
0xa7: {  	v3 =	vpop (erf)  }
0xa8: {  	[tilespmem:$0x5420] =	vst v3  }
0xa9: {  	[tilespmem:v2+s31+$0x0] =	vst.idx.add.f32.msk $0xffff, v3  }
0xaa: {  	v2 =	vld [tilespmem:$0x30];
	_ =	sdelay $0x6  }
0xab: {  	v4 =	vld [tilespmem:$0x130]  }
0xac: {  	v3 =	vld.idx.msk [tilespmem:v2+s21+$0x0], $0xffff;
	_ =	sdelay $0x4  }
0xad: {  	v3 =	vsub.f32 v4, v3;
	_ =	sdelay $0x1  }
0xae: {  	v3 =	vmul.f32 $1.442695020e+00, v3;
	_ =	sdelay $0x1  }
0xaf: {  	(erf) = vpow2.f32 v3;
	_ =	sdelay $0x8  }
0xb0: {  	v3 =	vpop (erf)  }
0xb1: {  	[tilespmem:$0x5430] =	vst v3  }
0xb2: {  	[tilespmem:v2+s31+$0x0] =	vst.idx.add.f32.msk $0xffff, v3  }
0xb3: {  	v2 =	vld [tilespmem:$0x40];
	_ =	sdelay $0x6  }
0xb4: {  	v4 =	vld [tilespmem:$0x140]  }
0xb5: {  	v3 =	vld.idx.msk [tilespmem:v2+s21+$0x0], $0xffff;
	_ =	sdelay $0x4  }
0xb6: {  	v3 =	vsub.f32 v4, v3;
	_ =	sdelay $0x1  }
0xb7: {  	v3 =	vmul.f32 $1.442695020e+00, v3;
	_ =	sdelay $0x1  }
0xb8: {  	(erf) = vpow2.f32 v3;
	_ =	sdelay $0x8  }
0xb9: {  	v3 =	vpop (erf)  }
0xba: {  	[tilespmem:$0x5440] =	vst v3  }
0xbb: {  	[tilespmem:v2+s31+$0x0] =	vst.idx.add.f32.msk $0xffff, v3  }
0xbc: {  	v2 =	vld [tilespmem:$0x50];
	_ =	sdelay $0x6  }
0xbd: {  	v4 =	vld [tilespmem:$0x150]  }
0xbe: {  	v3 =	vld.idx.msk [tilespmem:v2+s21+$0x0], $0xffff;
	_ =	sdelay $0x4  }
0xbf: {  	v3 =	vsub.f32 v4, v3;
	_ =	sdelay $0x1  }
0xc0: {  	v3 =	vmul.f32 $1.442695020e+00, v3;
	_ =	sdelay $0x1  }
0xc1: {  	(erf) = vpow2.f32 v3;
	_ =	sdelay $0x8  }
0xc2: {  	v3 =	vpop (erf)  }
0xc3: {  	v4 =	vmov s6;
	[tilespmem:$0x5450] =	vst v3  }
0xc4: {  	s9 =	simm.s32 $0x54C0;
	[tilespmem:v2+s31+$0x0] =	vst.idx.add.f32.msk $0xffff, v3  }
0xc5: {  	v6 =	vld [tilespmem:s9+$0x30]  }
0xc6: {  	v9 =	vld [tilespmem:s9+$0x10]  }
0xc7: {  	v7 =	vld [tilespmem:s9+$0xFFFFFFC0]  }
0xc8: {  	v3 =	vld.idx.msk [tilespmem:v4+s0+$0x0], $0xffff  }
0xc9: {  	v11 =	vld [tilespmem:s9+$0xFFFFFFE0]  }
0xca: {  	v2 =	vld [tilespmem:s9+$0xFFFFFFF0]  }
0xcb: {  	v4 =	vld [tilespmem:s9+$0x20]  }
0xcc: {  	v5 =	vld [tilespmem:s9+$0xFFFFFFD0]  }
0xcd: {  	v10 =	vmul.f32 v6, v3;
	v6 =	vld [tilespmem:s9+$0x0]  }
0xce: {  	v8 =	vmul.f32 v7, v3  }
0xcf: {  	s10 =	simm.s32 $0x1;
	s11 =	simm.s32 $0x54C0;
	v7 =	vmul.f32 v11, v3;
	v9 =	vmul.f32 v9, v3  }
.LBB2_7:
0xd0: {  	p0 =	sne.s32 s10, $0x5F  }
0xd1: {  	v5 =	vmul.f32 v5, v3;
	v4 =	vmul.f32 v4, v3;
	[tilespmem:s9+$0x30] =	vst v10;
	s11 =	sadd.s32 $0x80, s11;
	s13 =	smov.u32 s10;
	s10 =	sadd.s32 $0x1, s10  }
0xd2: {  	[tilespmem:s9+$0xFFFFFFC0] =	vst v8;
	v8 =	vmul.f32 v2, v3;
	v3 =	vmul.f32 v6, v3  }
0xd3: {  	[tilespmem:s9+$0x10] =	vst v9  }
0xd4: {  	v6 =	vmov s13;
	[tilespmem:s9+$0xFFFFFFE0] =	vst v7  }
0xd5: {  	v2 =	vld [tilespmem:s11+$0xFFFFFFF0];
	[tilespmem:s9+$0xFFFFFFF0] =	vst v8  }
0xd6: {  	v7 =	vld [tilespmem:s11+$0x30];
	[tilespmem:s9+$0x0] =	vst v3  }
0xd7: {  	v9 =	vld [tilespmem:s11+$0x10];
	[tilespmem:s9+$0x20] =	vst v4  }
0xd8: {  	v8 =	vld [tilespmem:s11+$0xFFFFFFC0];
	[tilespmem:s9+$0xFFFFFFD0] =	vst v5;
	s9 =	smov.u32 s11  }
0xd9: {  	v3 =	vld.idx.msk [tilespmem:v6+s0+$0x0], $0xffff  }
0xda: {  	v11 =	vld [tilespmem:s11+$0xFFFFFFE0]  }
0xdb: {  	v4 =	vld [tilespmem:s11+$0x20]  }
.Ltmp4:
0xdc: {  	v5 =	vld [tilespmem:s11+$0xFFFFFFD0];
	(pc) =	sbr.rel @p0 .LBB2_7-.Ltmp4, $3  }
0xdd: {  	v6 =	vld [tilespmem:s11+$0x0];
	_ =	sdelay $0x1  }
0xde: {  	v8 =	vmul.f32 v8, v3;
	v10 =	vmul.f32 v7, v3  }
0xdf: {  	v9 =	vmul.f32 v9, v3;
	v7 =	vmul.f32 v11, v3  }
0xe0: {  	[tilespmem:s9+$0x30] =	vst v10  }
0xe1: {  	[tilespmem:s9+$0xFFFFFFC0] =	vst v8  }
0xe2: {  	v2 =	vmul.f32 v2, v3;
	[tilespmem:s9+$0x10] =	vst v9  }
0xe3: {  	v4 =	vmul.f32 v4, v3;
	[tilespmem:s9+$0xFFFFFFE0] =	vst v7  }
0xe4: {  	v6 =	vmul.f32 v6, v3;
	[tilespmem:s9+$0xFFFFFFF0] =	vst v2  }
0xe5: {  	v2 =	vmul.f32 v5, v3;
	[tilespmem:s9+$0x20] =	vst v4  }
0xe6: {  	p0 =	seq.s32 s8, $0x34;
	[tilespmem:s9+$0x0] =	vst v6  }
0xe7: {  	[tilespmem:s9+$0xFFFFFFD0] =	vst v2;
	s9 =	sshll.u32 @!p0 s8, $0xA  }
0xe8: {  	[spmem:s3] =	stream.indirect.scatter.add.f32 [tilespmem:s23], [sflag:$0x3], $0x80, s4, s24, $0xb8;
	[tilespmem:$0x1F480] =	vst v63  }
0xe9: {  	s9 =	sadd.s32 @!p0 s9, s16;
	_ =	swait.ge [sflag:s22], $0x3000  }
0xea: {  	s9 =	sshrl.u32 @!p0 s9, $0x3;
	[sflag:s22] =	ssyncset.done $0x0  }
0xeb: {  	s10 =	simm.s32 @!p0 $0x0;
	s9 =	sadd.s32 @!p0 s1, s9;
	[sflag:s22] =	ssyncadd.s32 $0xFFFFD000  }
0xec: {  	[tilespmem:s10], [sflag:$0x3] =	stream.linear.gather @!p0 [hbm4b:s9+s10], $0x180, $0x38;
	[tilespmem:$0x1F480] =	vst v63  }
0xed: {  	s9 =	simm.s32 @!p0 $0x3  }
0xee: {  	_ =	swait.ge @!p0 [sflag:s9], $0x180  }
0xef: {  	[sflag:s9] =	ssyncset.done @!p0 $0x0  }
0xf0: {  	[sflag:s9] =	ssyncadd.s32 @!p0 $0xFFFFFE80  }
0xf1: {  	v2 =	vld @!p0 [tilespmem:$0x80]  }
0xf2: {  	v3 =	vld @!p0 [tilespmem:$0x90]  }
0xf3: {  	v4 =	vld @!p0 [tilespmem:$0xA0]  }
0xf4: {  	v5 =	vld @!p0 [tilespmem:$0xB0]  }
0xf5: {  	v6 =	vld @!p0 [tilespmem:$0xC0]  }
0xf6: {  	v7 =	vld @!p0 [tilespmem:$0xD0];
	v2 =	vadd.s32 @!p0 v0, v2  }
0xf7: {  	[tilespmem:$0x400] =	vst @!p0 v2;
	v2 =	vadd.s32 @!p0 v0, v3  }
0xf8: {  	[tilespmem:$0x410] =	vst @!p0 v2;
	v2 =	vadd.s32 @!p0 v0, v4  }
0xf9: {  	[tilespmem:$0x420] =	vst @!p0 v2;
	v2 =	vadd.s32 @!p0 v0, v5  }
0xfa: {  	[tilespmem:$0x430] =	vst @!p0 v2;
	v2 =	vadd.s32 @!p0 v0, v6  }
0xfb: {  	[tilespmem:$0x440] =	vst @!p0 v2;
	v2 =	vadd.s32 @!p0 v0, v7  }
0xfc: {  	s11 =	simm.s32 @!p0 $0x5480;
	s10 =	simm.s32 @!p0 $0x400;
	s9 =	simm.s32 @!p0 $0x60;
	[tilespmem:$0x450] =	vst @!p0 v2  }
0xfd: {  	[tilespmem:s11], [sflag:$0x1] =	stream.indirect.gather @!p0 [hbm4b:s5+s9], $0x80, s10, s9, $0xb8;
	[tilespmem:$0x1F480] =	vst v63  }
0xfe: {  	_ =	swait.ge [sflag:s25], $0x3000  }
0xff: {  	[sflag:s25] =	ssyncset.done $0x0  }
0x100: {  	[sflag:s25] =	ssyncadd.s32 $0xFFFFD000  }
0x101: {  	v2 =	vld [tilespmem:$0x200];
	_ =	sdelay $0x6  }
0x102: {  	v4 =	vld [tilespmem:$0x300]  }
0x103: {  	v3 =	vld.idx.msk [tilespmem:v2+s21+$0x0], $0xffff;
	_ =	sdelay $0x4  }
0x104: {  	v3 =	vsub.f32 v4, v3;
	_ =	sdelay $0x1  }
0x105: {  	v3 =	vmul.f32 $1.442695020e+00, v3;
	_ =	sdelay $0x1  }
0x106: {  	(erf) = vpow2.f32 v3;
	_ =	sdelay $0x8  }
0x107: {  	v3 =	vpop (erf)  }
0x108: {  	[tilespmem:$0x5400] =	vst v3  }
0x109: {  	[tilespmem:v2+s31+$0x0] =	vst.idx.add.f32.msk $0xffff, v3  }
0x10a: {  	v2 =	vld [tilespmem:$0x210];
	_ =	sdelay $0x6  }
0x10b: {  	v4 =	vld [tilespmem:$0x310]  }
0x10c: {  	v3 =	vld.idx.msk [tilespmem:v2+s21+$0x0], $0xffff;
	_ =	sdelay $0x4  }
0x10d: {  	v3 =	vsub.f32 v4, v3;
	_ =	sdelay $0x1  }
0x10e: {  	v3 =	vmul.f32 $1.442695020e+00, v3;
	_ =	sdelay $0x1  }
0x10f: {  	(erf) = vpow2.f32 v3;
	_ =	sdelay $0x8  }
0x110: {  	v3 =	vpop (erf)  }
0x111: {  	[tilespmem:$0x5410] =	vst v3  }
0x112: {  	[tilespmem:v2+s31+$0x0] =	vst.idx.add.f32.msk $0xffff, v3  }
0x113: {  	v2 =	vld [tilespmem:$0x220];
	_ =	sdelay $0x6  }
0x114: {  	v4 =	vld [tilespmem:$0x320]  }
0x115: {  	v3 =	vld.idx.msk [tilespmem:v2+s21+$0x0], $0xffff;
	_ =	sdelay $0x4  }
0x116: {  	v3 =	vsub.f32 v4, v3;
	_ =	sdelay $0x1  }
0x117: {  	v3 =	vmul.f32 $1.442695020e+00, v3;
	_ =	sdelay $0x1  }
0x118: {  	(erf) = vpow2.f32 v3;
	_ =	sdelay $0x8  }
0x119: {  	v3 =	vpop (erf)  }
0x11a: {  	[tilespmem:$0x5420] =	vst v3  }
0x11b: {  	[tilespmem:v2+s31+$0x0] =	vst.idx.add.f32.msk $0xffff, v3  }
0x11c: {  	v2 =	vld [tilespmem:$0x230];
	_ =	sdelay $0x6  }
0x11d: {  	v4 =	vld [tilespmem:$0x330]  }
0x11e: {  	v3 =	vld.idx.msk [tilespmem:v2+s21+$0x0], $0xffff;
	_ =	sdelay $0x4  }
0x11f: {  	v3 =	vsub.f32 v4, v3;
	_ =	sdelay $0x1  }
0x120: {  	v3 =	vmul.f32 $1.442695020e+00, v3;
	_ =	sdelay $0x1  }
0x121: {  	(erf) = vpow2.f32 v3;
	_ =	sdelay $0x8  }
0x122: {  	v3 =	vpop (erf)  }
0x123: {  	[tilespmem:$0x5430] =	vst v3  }
0x124: {  	[tilespmem:v2+s31+$0x0] =	vst.idx.add.f32.msk $0xffff, v3  }
0x125: {  	v2 =	vld [tilespmem:$0x240];
	_ =	sdelay $0x6  }
0x126: {  	v4 =	vld [tilespmem:$0x340]  }
0x127: {  	v3 =	vld.idx.msk [tilespmem:v2+s21+$0x0], $0xffff;
	_ =	sdelay $0x4  }
0x128: {  	v3 =	vsub.f32 v4, v3;
	_ =	sdelay $0x1  }
0x129: {  	v3 =	vmul.f32 $1.442695020e+00, v3;
	_ =	sdelay $0x1  }
0x12a: {  	(erf) = vpow2.f32 v3;
	_ =	sdelay $0x8  }
0x12b: {  	v3 =	vpop (erf)  }
0x12c: {  	[tilespmem:$0x5440] =	vst v3  }
0x12d: {  	[tilespmem:v2+s31+$0x0] =	vst.idx.add.f32.msk $0xffff, v3  }
0x12e: {  	v2 =	vld [tilespmem:$0x250];
	_ =	sdelay $0x6  }
0x12f: {  	v4 =	vld [tilespmem:$0x350]  }
0x130: {  	v3 =	vld.idx.msk [tilespmem:v2+s21+$0x0], $0xffff;
	_ =	sdelay $0x4  }
0x131: {  	v3 =	vsub.f32 v4, v3;
	_ =	sdelay $0x1  }
0x132: {  	v3 =	vmul.f32 $1.442695020e+00, v3;
	_ =	sdelay $0x1  }
0x133: {  	(erf) = vpow2.f32 v3;
	_ =	sdelay $0x8  }
0x134: {  	s13 =	simm.s32 $0x0;
	v3 =	vpop (erf)  }
0x135: {  	v4 =	vmov s13;
	[tilespmem:$0x5450] =	vst v3  }
0x136: {  	s9 =	simm.s32 $0x84C0;
	[tilespmem:v2+s31+$0x0] =	vst.idx.add.f32.msk $0xffff, v3  }
0x137: {  	v6 =	vld [tilespmem:s9+$0x30]  }
0x138: {  	v9 =	vld [tilespmem:s9+$0x10]  }
0x139: {  	v7 =	vld [tilespmem:s9+$0xFFFFFFC0]  }
0x13a: {  	v3 =	vld.idx.msk [tilespmem:v4+s0+$0x0], $0xffff  }
0x13b: {  	v11 =	vld [tilespmem:s9+$0xFFFFFFE0]  }
0x13c: {  	v2 =	vld [tilespmem:s9+$0xFFFFFFF0]  }
0x13d: {  	v4 =	vld [tilespmem:s9+$0x20]  }
0x13e: {  	v5 =	vld [tilespmem:s9+$0xFFFFFFD0]  }
0x13f: {  	v10 =	vmul.f32 v6, v3;
	v6 =	vld [tilespmem:s9+$0x0]  }
0x140: {  	v8 =	vmul.f32 v7, v3  }
0x141: {  	s10 =	simm.s32 $0x1;
	s11 =	simm.s32 $0x84C0;
	v7 =	vmul.f32 v11, v3;
	v9 =	vmul.f32 v9, v3  }
.LBB2_9:
0x142: {  	p1 =	sne.s32 s10, $0x5F  }
0x143: {  	v5 =	vmul.f32 v5, v3;
	v4 =	vmul.f32 v4, v3;
	[tilespmem:s9+$0x30] =	vst v10;
	s11 =	sadd.s32 $0x80, s11;
	s13 =	smov.u32 s10;
	s10 =	sadd.s32 $0x1, s10  }
0x144: {  	[tilespmem:s9+$0xFFFFFFC0] =	vst v8;
	v8 =	vmul.f32 v2, v3;
	v3 =	vmul.f32 v6, v3  }
0x145: {  	[tilespmem:s9+$0x10] =	vst v9  }
0x146: {  	v6 =	vmov s13;
	[tilespmem:s9+$0xFFFFFFE0] =	vst v7  }
0x147: {  	v2 =	vld [tilespmem:s11+$0xFFFFFFF0];
	[tilespmem:s9+$0xFFFFFFF0] =	vst v8  }
0x148: {  	v7 =	vld [tilespmem:s11+$0x30];
	[tilespmem:s9+$0x0] =	vst v3  }
0x149: {  	v9 =	vld [tilespmem:s11+$0x10];
	[tilespmem:s9+$0x20] =	vst v4  }
0x14a: {  	v8 =	vld [tilespmem:s11+$0xFFFFFFC0];
	[tilespmem:s9+$0xFFFFFFD0] =	vst v5;
	s9 =	smov.u32 s11  }
0x14b: {  	v3 =	vld.idx.msk [tilespmem:v6+s0+$0x0], $0xffff  }
0x14c: {  	v11 =	vld [tilespmem:s11+$0xFFFFFFE0]  }
0x14d: {  	v4 =	vld [tilespmem:s11+$0x20]  }
.Ltmp5:
0x14e: {  	v5 =	vld [tilespmem:s11+$0xFFFFFFD0];
	(pc) =	sbr.rel @p1 .LBB2_9-.Ltmp5, $3  }
0x14f: {  	v6 =	vld [tilespmem:s11+$0x0];
	_ =	sdelay $0x1  }
0x150: {  	v8 =	vmul.f32 v8, v3;
	v10 =	vmul.f32 v7, v3  }
0x151: {  	v9 =	vmul.f32 v9, v3;
	v7 =	vmul.f32 v11, v3  }
0x152: {  	[tilespmem:s9+$0x30] =	vst v10  }
0x153: {  	[tilespmem:s9+$0xFFFFFFC0] =	vst v8  }
0x154: {  	v2 =	vmul.f32 v2, v3;
	[tilespmem:s9+$0x10] =	vst v9  }
0x155: {  	v4 =	vmul.f32 v4, v3;
	[tilespmem:s9+$0xFFFFFFE0] =	vst v7  }
0x156: {  	v6 =	vmul.f32 v6, v3;
	[tilespmem:s9+$0xFFFFFFF0] =	vst v2  }
0x157: {  	v2 =	vmul.f32 v5, v3;
	[tilespmem:s9+$0x20] =	vst v4  }
0x158: {  	[tilespmem:s9+$0x0] =	vst v6  }
.Ltmp6:
0x159: {  	[tilespmem:s9+$0xFFFFFFD0] =	vst v2;
	(pc) =	sbr.rel @p0 .LBB2_12-.Ltmp6, $4  }
0x15a: {  	[spmem:s3] =	stream.indirect.scatter.add.f32 [tilespmem:s29], [sflag:$0x3], $0x80, s26, s24, $0xb8;
	[tilespmem:$0x1F480] =	vst v63  }
0x15b: {  	_ =	swait.ge [sflag:s22], $0x3000  }
0x15c: {  	[sflag:s22] =	ssyncset.done $0x0  }
0x15d: {  	[sflag:s22] =	ssyncadd.s32 $0xFFFFD000  }
0x15e: {  	s9 =	sshll.u32 s8, $0xA  }
0x15f: {  	s9 =	sadd.s32 s9, s17  }
0x160: {  	s9 =	sshrl.u32 s9, $0x3  }
0x161: {  	s9 =	sadd.s32 s1, s9  }
0x162: {  	[tilespmem:s26], [sflag:$0x3] =	stream.linear.gather [hbm4b:s9+s4], $0x180, $0x38;
	[tilespmem:$0x1F480] =	vst v63  }
0x163: {  	_ =	swait.ge [sflag:s22], $0x180  }
0x164: {  	[sflag:s22] =	ssyncset.done $0x0  }
0x165: {  	[sflag:s22] =	ssyncadd.s32 $0xFFFFFE80  }
0x166: {  	v2 =	vld [tilespmem:$0x280]  }
0x167: {  	v3 =	vld [tilespmem:$0x290]  }
0x168: {  	v4 =	vld [tilespmem:$0x2A0]  }
0x169: {  	v5 =	vld [tilespmem:$0x2B0]  }
0x16a: {  	v6 =	vld [tilespmem:$0x2C0]  }
0x16b: {  	v7 =	vld [tilespmem:$0x2D0];
	v2 =	vadd.s32 v0, v2  }
0x16c: {  	[tilespmem:$0x480] =	vst v2;
	v2 =	vadd.s32 v0, v3  }
0x16d: {  	[tilespmem:$0x490] =	vst v2;
	v2 =	vadd.s32 v0, v4  }
.Ltmp7:
0x16e: {  	[tilespmem:$0x4A0] =	vst v2;
	v2 =	vadd.s32 v0, v5;
	(pc) =	sbr.rel .LBB2_6-.Ltmp7, $4  }
0x16f: {  	[tilespmem:$0x4B0] =	vst v2;
	v2 =	vadd.s32 v0, v6  }
0x170: {  	[tilespmem:$0x4C0] =	vst v2;
	v2 =	vadd.s32 v0, v7  }
0x171: {  	s8 =	sadd.s32 $0x1, s8;
	[tilespmem:$0x4D0] =	vst v2  }
0x172: {  	[tilespmem:s29], [sflag:$0x2] =	stream.indirect.gather [hbm4b:s5+s24], $0x80, s28, s24, $0xb8;
	[tilespmem:$0x1F480] =	vst v63  }
.LBB2_13:
0x173: {  	_ =	sfence.sel $0x180000  }
0x174: {  	[bflag:$0x0] =	sbarrier.arrive $0xFFFF  }
0x175: {  	_ =	strace $0x9000004A  }
0x176: {  	s0 =	stileid.u32;
	[bflag:$0x2] =	sbarrier.arrive $0xFFFF  }
0x177: {  	p0 =	sne.s32 s0, $0x0;
	s0 =	rddreg [dreg:$0x3]  }
0x178: {  	s0 =	sadd.s32 @!p0 $0x100000, s0  }
0x179: {  	[sflag:s0] =	ssyncadd.tile.s32 @!p0 $0x1;
	_ =	shalt  }
.Lfunc_end2:
_tile_overlayer_lowered:
.L_overlay_start_2:
0x17a: {  	(tag) =	ssettag $0x2  }
0x17b: {  	s0 =	rddreg [dreg:$0x0];
	s2 =	stileid.u32  }
0x17c: {  	s1 =	rddreg [dreg:$0x1];
	p0 =	sne.s32 s2, $0x0  }
0x17d: {  	s3 =	rddreg [dreg:$0x2];
	[bflag:$0x3] =	sbarrier.arrive $0xFFFF;
	s2 =	simm.s32 @!p0 $0x1C03  }
0x17e: {  	[timem:s3], [sflag:s2] =	dma.local @!p0 [hbm:s0], s1  }
0x17f: {  	s0 =	simm.s32 @!p0 $0x3  }
0x180: {  	_ =	swait.ge @!p0 [sflag:s0], s1  }
0x181: {  	s1 =	ssub.s32 @!p0 $0x0, s1;
	[sflag:s0] =	ssyncset.done @!p0 $0x0  }
0x182: {  	[sflag:s0] =	ssyncadd.s32 @!p0 s1  }
0x183: {  	[bflag:$0x3] =	sbarrier.arrive $0xFFFF  }
0x184: {  	_ =	shalt  }

// kernel: kernel.18.cloned.1.call-start
scs
__scs_entry_jumppad:
0x0: {  	(pc) =	sbr.rel $0x88, $3  }
0x1: {  	(tag) =	ssettag $0x0;
	lr =	simm.s32 $0x1  }
0x2: {  	[smem:$0x3F9C] =	sst lr;
	_ =	strace $0xD0000000  }
0x3: {  	_ = 	snop  }
0x4: {  	_ = 	snop  }
0x5: {  	_ = 	snop  }
0x6: {  	_ = 	snop  }
0x7: {  	_ = 	snop  }
__scs_overlays_trampoline_lowered:
0x8: {  	[smem:$0x3FAB] =	sst s0  }
0x9: {  	[smem:$0x3FAC] =	sst s1  }
0xa: {  	[smem:$0x3FAD] =	sst s2  }
0xb: {  	[smem:$0x3FAE] =	sst s3  }
0xc: {  	[smem:$0x3FAF] =	sst s4  }
0xd: {  	[smem:$0x3FB0] =	sst s5  }
0xe: {  	[smem:$0x3FB1] =	sst s6  }
0xf: {  	[smem:$0x3FB2] =	sst s7  }
0x10: {  	[smem:$0x3FB3] =	sst s8  }
0x11: {  	[smem:$0x3FB4] =	sst s9;
	s0 =	simm.s32 @!p0 $0x0  }
0x12: {  	s1 =	sld [smem:$0x3F9A];
	s0 =	simm.s32 @p0 $0x1  }
0x13: {  	[smem:$0x3FB5] =	sst s0;
	s0 =	simm.s32 @!p1 $0x0  }
0x14: {  	s2 =	sld [smem:$0x3F99];
	s0 =	simm.s32 @p1 $0x1  }
0x15: {  	[smem:$0x3FB6] =	sst s0;
	s0 =	simm.s32 @!p2 $0x0  }
0x16: {  	s3 =	sld [smem:$0x3FDB];
	s0 =	simm.s32 @p2 $0x1  }
0x17: {  	s4 =	simm.s32 $0x1BF5;
	[smem:$0x3FB8] =	sst s0  }
0x18: {  	s0 =	sld [smem:$0x3F9B];
	_ =	swait.ge [sflag:s4], $0x0  }
0x19: {  	s7 =	sld [smem:$0x3F9C]  }
0x1a: {  	s8 =	sadd.s32 $0xFFFFE003, lr  }
0x1b: {  	s9 =	sadd.s32 $0xFFFFFEF7, lr;
	s5 =	simm.s32 $0xFFFFFFFF;
	p2 =	slt.u32 s8, $0xFFFFF086  }
0x1c: {  	p1 =	slt.u32 s9, $0xF7A;
	s5 =	simm.s32 @!p2 $0x0  }
0x1d: {  	s5 =	simm.s32 @p1 $0x1;
	p0 =	seq.s32 s7, s2  }
0x1e: {  	s7 =	smul.u32 @!p0 $0xF7A, s2;
	p2 =	seq.s32 @!p0 s5, $0x0  }
0x1f: {  	s9 =	smul.u32 $0xF7A, s1;
	s8 =	simm.s32 @!p0 $0x1BF5;
	p2 =	por !p2, p0  }
0x20: {  	[sflag:s8] =	ssyncset.s32 @!p0 $0xFFFFF086;
	s6 =	sadd.s32 @!p0 s3, s7;
	s7 =	simm.s32 @!p0 $0x108  }
0x21: {  	s3 =	sadd.s32 s3, s9;
	s6 =	sadd.s32 @!p0 $0x88, s6;
	s7 =	simm.s32 @p2 $0x1082  }
0x22: {  	[simem:s7], [sflag:s8] =	dma.local @!p0 [hbm:s6], $0xF7A  }
0x23: {  	s9 =	sor.u32 $0xD0000000, s2;
	s6 =	simm.s32 $0x108;
	_ =	swait.ge @!p0 [sflag:s8], $0x0  }
0x24: {  	s3 =	sadd.s32 $0x88, s3;
	s6 =	simm.s32 @!p1 $0x1082;
	[sflag:s4] =	ssyncset.s32 $0xFFFFF086  }
0x25: {  	[simem:s6], [sflag:s4] =	dma.local [hbm:s3], $0xF7A  }
0x26: {  	[smem:$0x3F9C] =	sst s1;
	(tag) =	ssettag s2;
	_ =	strace s9  }
0x27: {  	s1 =	sld [smem:$0x3FAC]  }
0x28: {  	s2 =	sld [smem:$0x3FAD]  }
0x29: {  	s4 =	sld [smem:$0x3FAF]  }
0x2a: {  	p0 =	seq.s32 s5, $0x0;
	s5 =	sld [smem:$0x3FB0]  }
0x2b: {  	s6 =	sld [smem:$0x3FB1]  }
0x2c: {  	s7 =	sld [smem:$0x3FB2]  }
0x2d: {  	s3 =	simm.s32 $0x108;
	s8 =	sld [smem:$0x3FB3]  }
0x2e: {  	s3 =	simm.s32 @!p0 $0x1082;
	s9 =	sld [smem:$0x3FB4]  }
0x2f: {  	lr =	sadd.s32 s0, s3;
	s0 =	sld [smem:$0x3FAB]  }
0x30: {  	s3 =	sld [smem:$0x3FAE]  }
0x31: {  	[smem:$0x3FB7] =	sst s10  }
0x32: {  	s10 =	sld [smem:$0x3FB5];
	_ =	sdelay $0x3  }
0x33: {  	p0 =	seq.s32 s10, $0x1;
	s10 =	sld [smem:$0x3FB7];
	_ =	sdelay $0x3  }
0x34: {  	[smem:$0x3FB7] =	sst s10  }
0x35: {  	s10 =	sld [smem:$0x3FB6];
	_ =	sdelay $0x3  }
0x36: {  	p1 =	seq.s32 s10, $0x1;
	s10 =	sld [smem:$0x3FB7];
	_ =	sdelay $0x3  }
0x37: {  	[smem:$0x3FB7] =	sst s10  }
0x38: {  	s10 =	sld [smem:$0x3FB8]  }
0x39: {  	_ = 	snop;
	(pc) =	sbr.ind lr, $3  }
0x3a: {  	_ = 	snop  }
0x3b: {  	_ = 	snop  }
0x3c: {  	p2 =	seq.s32 s10, $0x1;
	s10 =	sld [smem:$0x3FB7]  }
0x3d: {  	_ =	shalt  }
0x3e: {  	_ =	shalt  }
0x3f: {  	_ =	shalt  }
0x40: {  	_ =	shalt  }
0x41: {  	_ =	shalt  }
0x42: {  	_ =	shalt  }
0x43: {  	_ =	shalt  }
0x44: {  	_ =	shalt  }
0x45: {  	_ =	shalt  }
0x46: {  	_ =	shalt  }
0x47: {  	_ =	shalt  }
0x48: {  	_ =	shalt  }
0x49: {  	_ =	shalt  }
0x4a: {  	_ =	shalt  }
0x4b: {  	_ =	shalt  }
0x4c: {  	_ =	shalt  }
0x4d: {  	_ =	shalt  }
0x4e: {  	_ =	shalt  }
0x4f: {  	_ =	shalt  }
0x50: {  	_ =	shalt  }
0x51: {  	_ =	shalt  }
0x52: {  	_ =	shalt  }
0x53: {  	_ =	shalt  }
0x54: {  	_ =	shalt  }
0x55: {  	_ =	shalt  }
0x56: {  	_ =	shalt  }
0x57: {  	_ =	shalt  }
0x58: {  	_ =	shalt  }
0x59: {  	_ =	shalt  }
0x5a: {  	_ =	shalt  }
0x5b: {  	_ =	shalt  }
0x5c: {  	_ =	shalt  }
0x5d: {  	_ =	shalt  }
0x5e: {  	_ =	shalt  }
0x5f: {  	_ =	shalt  }
0x60: {  	_ =	shalt  }
0x61: {  	_ =	shalt  }
0x62: {  	_ =	shalt  }
0x63: {  	_ =	shalt  }
0x64: {  	_ =	shalt  }
0x65: {  	_ =	shalt  }
0x66: {  	_ =	shalt  }
0x67: {  	_ =	shalt  }
0x68: {  	_ =	shalt  }
0x69: {  	_ =	shalt  }
0x6a: {  	_ =	shalt  }
0x6b: {  	_ =	shalt  }
0x6c: {  	_ =	shalt  }
0x6d: {  	_ =	shalt  }
0x6e: {  	_ =	shalt  }
0x6f: {  	_ =	shalt  }
0x70: {  	_ =	shalt  }
0x71: {  	_ =	shalt  }
0x72: {  	_ =	shalt  }
0x73: {  	_ =	shalt  }
0x74: {  	_ =	shalt  }
0x75: {  	_ =	shalt  }
0x76: {  	_ =	shalt  }
0x77: {  	_ =	shalt  }
0x78: {  	_ =	shalt  }
0x79: {  	_ =	shalt  }
0x7a: {  	_ =	shalt  }
0x7b: {  	_ =	shalt  }
0x7c: {  	_ =	shalt  }
0x7d: {  	_ =	shalt  }
0x7e: {  	_ =	shalt  }
0x7f: {  	_ =	shalt  }
0x80: {  	_ =	shalt  }
0x81: {  	_ =	shalt  }
0x82: {  	_ =	shalt  }
0x83: {  	_ =	shalt  }
0x84: {  	_ =	shalt  }
0x85: {  	_ =	shalt  }
0x86: {  	_ =	shalt  }
0x87: {  	_ =	shalt  }
.Lfunc_end0:
.L_simem_size_0:
called_computation.2_lowered:
.L_overlay_start_0:
0x88: {  	s2 =	sld [smem:$0x3FD9]  }
0x89: {  	s3 =	sld [smem:$0x3FFE];
	_ =	sdelay $0x1  }
0x8a: {  	s1 =	srdreg.scid  }
0x8b: {  	s0 =	sand.u32 $0x1, s1  }
0x8c: {  	s17 =	sshll.u32 s0, $0xA;
	s2 =	sadd.s32 s3, s2  }
0x8d: {  	s2 =	sadd.s32 s2, s17  }
0x8e: {  	[smem:$0x3FC3] =	sst s2  }
0x8f: {  	_ = 	snop  }
0x90: {  	s2 =	sld [smem:$0x3FD0];
	(tm) =	ssettm $0x1  }
0x91: {  	s18 =	sld [smem:$0x3FFB];
	_ =	sdelay $0x3  }
0x92: {  	_ =	strace s18  }
0x93: {  	s3 =	sld [smem:$0x3FFC];
	_ =	sdelay $0x3  }
0x94: {  	_ =	strace s3  }
0x95: {  	s3 =	sld [smem:$0x3FFD];
	_ =	sdelay $0x3  }
0x96: {  	_ =	strace s3  }
0x97: {  	_ =	strace $0x8FFFFFFF  }
0x98: {  	s19 =	sld [smem:$0x3FDB];
	_ =	sdelay $0x1  }
0x99: {  	s4 =	simm.s32 $_scs_section_size  }
0x9a: {  	s5 =	simm.s32 $_size__tile_overlayer_lowered;
	s6 =	simm.s32 $_tile_overlayer_lowered  }
0x9b: {  	s22 =	simm.s32 $0x1BFF;
	s21 =	sshll.u32 s6, $0x1;
	s3 =	sadd.s32 s4, s19  }
0x9c: {  	s7 =	simm.s32 $0x0;
	s20 =	sshll.u32 s5, $0x1;
	s5 =	sadd.s32 s21, s3  }
0x9d: {  	[timem:s7], [sflag:s22] =	dma.local [hbm:s5], s20  }
0x9e: {  	_ =	swait.ge [sflag:s22], s20  }
0x9f: {  	s4 =	ssub.s32 $0x0, s20;
	[sflag:s22] =	ssyncset.done $0x0  }
0xa0: {  	[sflag:s22] =	ssyncadd.s32 s4;
	_ =	sdelay $0x1  }
0xa1: {  	s23 =	simm.s32 $0x1B8B  }
0xa2: {  	_ =	swait.ge [sflag:s23], $0x1  }
0xa3: {  	[sflag:s23] =	ssyncset.done $0x0  }
0xa4: {  	s25 =	simm.s32 $0x1B8E;
	s24 =	sld [smem:$0x3FFE];
	[sflag:s23] =	ssyncadd.s32 $0xFFFFFFFF  }
0xa5: {  	s26 =	simm.s32 $execute0_lowered;
	[smem:$0x3FD2] =	sst s25  }
0xa6: {  	s5 =	sshll.u32 s26, $0x1;
	_ =	strace $0x8000004C;
	[dreg:$0x1] =	wrdreg $0xFFFFFFFF  }
0xa7: {  	s28 =	simm.s32 $_size_execute0_lowered;
	s3 =	sadd.s32 s3, s5;
	[dreg:$0x0] =	wrdreg $0x0  }
0xa8: {  	s5 =	sshll.u32 s28, $0x1;
	[dreg:$0x2] =	wrdreg s3  }
0xa9: {  	[dreg:$0x3] =	wrdreg s5  }
0xaa: {  	[dreg:$0x4] =	wrdreg $0xC0  }
0xab: {  	_ =	task [dreg:s7], $0x5FFFF  }
0xac: {  	[dreg:$0x1] =	wrdreg $0xFFFFFFFF  }
0xad: {  	[dreg:$0x0] =	wrdreg $0x60  }
0xae: {  	[dreg:$0x2] =	wrdreg s2  }
0xaf: {  	[dreg:$0x3] =	wrdreg s24  }
0xb0: {  	[dreg:$0x4] =	wrdreg $0x9  }
0xb1: {  	_ =	task.clear_ibuf [dreg:s7], $0x5FFFF;
	_ =	strace $0x9000004C  }
0xb2: {  	s29 =	simm.s32 $0x9;
	_ =	strace $0x8000004E  }
0xb3: {  	_ =	swait.ge [sflag:s29], $0x1  }
0xb4: {  	[sflag:s29] =	ssyncadd.s32 $0xFFFFFFFF  }
0xb5: {  	_ =	strace $0x9000004E  }
0xb6: {  	_ =	sfence  }
0xb7: {  	s30 =	sld [smem:$0x0];
	_ =	sdelay $0x2  }
0xb8: {  	s31 =	sshll.u32 s1, $0xD;
	s1 =	sshrl.u32 s1, $0x2  }
0xb9: {  	s3 =	sand.u32 $0x4000, s31;
	s1 =	sadd.s32 s1, s30  }
0xba: {  	s0 =	sor.u32 s3, s0;
	s1 =	sshll.u32 s1, $0x11  }
0xbb: {  	s0 =	sor.u32 s1, s0  }
0xbc: {  	s0 =	sadd.s32 $0x8F2B, s0  }
0xbd: {  	[sflag:s0] =	ssyncadd.remote.s32 $0x1  }
0xbe: {  	_ =	sfence.sel $0xFFFF  }
0xbf: {  	[dreg:$0x0] =	wrdreg $0xFFFFFFFF;
	(pc) =	sbr.abs _section_cstart, $3  }
0xc0: {  	[dreg:$0x1] =	wrdreg $0xFFFFFFFF  }
0xc1: {  	_ =	task.clear_ibuf [dreg:s7], $0x2FFFF;
	_ =	strace $0x9FFFFFFF  }
0xc2: {  	(tm) =	ssettm $0x7FFFFFFF  }
0xc3: {  	_ =	shalt  }
tec
execute0_lowered:
.L_overlay_start_1:
0x0: {  	(tag) =	ssettag $0x1  }
0x1: {  	s1 =	srdreg.scid  }
0x2: {  	s0 =	stileid.u32;
	s2 =	rddreg [dreg:$0x0]  }
0x3: {  	s5 =	rddreg [dreg:$0x1];
	s3 =	simm.s32 $0x0;
	s11 =	simm.s32 $0x1400  }
0x4: {  	s12 =	simm.s32 $0x2800;
	s13 =	simm.s32 $0x80;
	s14 =	simm.s32 $0x7780  }
0x5: {  	s15 =	simm.s32 $0x7880;
	s16 =	simm.s32 $0x7800;
	s17 =	simm.s32 $0x1480  }
0x6: {  	s18 =	simm.s32 $0x7900;
	s4 =	sand.u32 $0x1, s1;
	s31 =	sshll.u32 s0, $0x1  }
0x7: {  	s19 =	simm.s32 $0x1;
	s20 =	simm.s32 $0x2;
	s6 =	sor.u32 s4, s31  }
0x8: {  	s21 =	simm.s32 $0x5000;
	s22 =	simm.s32 $0x3;
	s7 =	smul.u32 $0x280, s6  }
0x9: {  	s23 =	simm.s32 $0x4;
	s24 =	simm.s32 $0x3C00;
	s8 =	smul.u32 $0x271, s6  }
0xa: {  	s25 =	simm.s32 $0x0;
	s4 =	ssub.s32 $0x2, s4;
	s6 =	smul.u32 $0x4E2, s6  }
.Ltmp0:
0xb: {  	[smem:$0x7FF] =	sst s3;
	s9 =	sshrl.u32 s4, $0x1;
	(pc) =	sbr.rel .LBB2_1-.Ltmp0, $4  }
0xc: {  	_ =	strace $0x8000004D;
	s9 =	ssub.s32 s4, s9;
	s7 =	sadd.s32 s7, s5  }
0xd: {  	s8 =	sadd.s32 s8, s5;
	s10 =	sadd.s32 s6, s5;
	s9 =	smax.u32 s9, $0x1  }
0xe: {  	s4 =	sadd.s32 $0xC000, s7;
	s5 =	sadd.s32 $0x7000, s7;
	s6 =	sadd.s32 $0x2000, s7  }
0xf: {  	v0 =	vimm.f32 $0.0e+00;
	s7 =	sadd.s32 $0xAD400, s8;
	s8 =	sadd.s32 $0xB2400, s10;
	s10 =	simm.s32 $0x5  }
.LBB2_6:
0x10: {  	[hbm4b:s7+s3] =	stream.linear.scatter [tilespmem:s24], [sflag:$0x5], $0x1388, $0x38;
	[tilespmem:$0x7980] =	vst v63  }
0x11: {  	s25 =	sadd.s32 $0x1, s25;
	_ =	swait.ge [sflag:s10], $0x1388  }
0x12: {  	p0 =	sne.s32 s25, s9;
	[sflag:s10] =	ssyncset.done $0x0  }
.Ltmp1:
0x13: {  	[sflag:s10] =	ssyncadd.s32 $0xFFFFEC78;
	(pc) =	sbr.rel @!p0 .LBB2_7-.Ltmp1, $4  }
0x14: {  	[hbm4b:s8+s3] =	stream.linear.scatter [tilespmem:s21], [sflag:$0x5], $0x2710, $0x38;
	[tilespmem:$0x7980] =	vst v63  }
0x15: {  	_ =	swait.ge [sflag:s10], $0x2710  }
0x16: {  	[sflag:s10] =	ssyncset.done $0x0  }
0x17: {  	[sflag:s10] =	ssyncadd.s32 $0xFFFFD8F0  }
.LBB2_1:
0x18: {  	[tilespmem:s3], [sflag:$0x5] =	stream.linear.gather [hbm4b:s4+s3], $0x1400, $0x38;
	[tilespmem:$0x7980] =	vst v63  }
0x19: {  	_ =	swait.ge [sflag:s10], $0x1400  }
0x1a: {  	[sflag:s10] =	ssyncset.done $0x0  }
0x1b: {  	[sflag:s10] =	ssyncadd.s32 $0xFFFFEC00  }
0x1c: {  	[tilespmem:s11], [sflag:$0x5] =	stream.linear.gather [hbm4b:s5+s3], $0x1400, $0x38;
	[tilespmem:$0x7980] =	vst v63  }
0x1d: {  	_ =	swait.ge [sflag:s10], $0x1400  }
0x1e: {  	[sflag:s10] =	ssyncset.done $0x0  }
0x1f: {  	[sflag:s10] =	ssyncadd.s32 $0xFFFFEC00  }
0x20: {  	[tilespmem:s12], [sflag:$0x5] =	stream.linear.gather [hbm4b:s6+s3], $0x1400, $0x38;
	[tilespmem:$0x7980] =	vst v63  }
0x21: {  	_ =	swait.ge [sflag:s10], $0x1400  }
0x22: {  	[sflag:s10] =	ssyncset.done $0x0  }
0x23: {  	s26 =	simm.s32 $0x40;
	s28 =	simm.s32 $0x0;
	[sflag:s10] =	ssyncadd.s32 $0xFFFFEC00  }
.LBB2_2:
0x24: {  	p0 =	sne.s32 s26, $0x9C40;
	[tilespmem:s28+$0x5000] =	vst v0;
	s28 =	smov.u32 s26;
	s26 =	sadd.s32 $0x40, s26  }
.Ltmp2:
0x25: {  	(pc) =	sbr.rel @p0 .LBB2_2-.Ltmp2, $2  }
0x26: {  	_ =	sdelay $0x2  }
0x27: {  	s28 =	sshra.s32 s28, $0x2  }
0x28: {  	[tilespmem:s28+$0x5000] =	vst v0;
	s26 =	simm.s32 $0x0  }
0x29: {  	[tilespmem:s14], [sflag:$0x1] =	stream.indirect.gather [hbm4b:s2+s13], $0x1, s26, s13, $0xb8;
	[tilespmem:$0x7980] =	vst v63  }
0x2a: {  	_ = 	snop  }
0x2b: {  	[tilespmem:s15], [sflag:$0x2] =	stream.indirect.gather [hbm4b:s2+s13], $0x1, s11, s13, $0xb8;
	[tilespmem:$0x7980] =	vst v63  }
0x2c: {  	_ = 	snop  }
0x2d: {  	[tilespmem:s16], [sflag:$0x3] =	stream.indirect.gather [hbm4b:s2+s13], $0x1, s13, s13, $0xb8;
	[tilespmem:$0x7980] =	vst v63  }
0x2e: {  	_ = 	snop  }
0x2f: {  	[tilespmem:s18], [sflag:$0x4] =	stream.indirect.gather [hbm4b:s2+s13], $0x1, s17, s13, $0xb8;
	[tilespmem:$0x7980] =	vst v63  }
.LBB2_4:
0x30: {  	_ =	swait.ge [sflag:s19], $0x80  }
0x31: {  	[sflag:s19] =	ssyncset.done $0x0  }
0x32: {  	[sflag:s19] =	ssyncadd.s32 $0xFFFFFF80  }
0x33: {  	_ =	swait.ge [sflag:s20], $0x80  }
0x34: {  	[sflag:s20] =	ssyncset.done $0x0  }
0x35: {  	[sflag:s20] =	ssyncadd.s32 $0xFFFFFF80  }
0x36: {  	v1 =	vld [tilespmem:$0x7780]  }
0x37: {  	v2 =	vld [tilespmem:$0x7880];
	_ =	sdelay $0x4  }
0x38: {  	v1 =	vadd.f32 v2, v1;
	_ =	sdelay $0x1  }
0x39: {  	v2 =	vmul.f32 $2.000000030e-01, v1  }
0x3a: {  	vm0 =	vgt.f32 v1, $0.0e+00  }
0x3b: {  	v1 =	vsel vm0, v1, v2  }
0x3c: {  	v2 =	vmul.f32 $2.500000000e-01, v1;
	_ =	sdelay $0x1  }
0x3d: {  	v2 =	vmul.f32 $1.442695020e+00, v2;
	_ =	sdelay $0x1  }
0x3e: {  	(erf) = vpow2.f32 v2  }
0x3f: {  	s28 =	sshra.s32 s26, $0x2  }
0x40: {  	v2 =	vld [tilespmem:s28+$0x2800];
	_ =	sdelay $0x6  }
0x41: {  	[tilespmem:s28+$0x3C00] =	vst v1;
	v1 =	vpop (erf)  }
0x42: {  	[tilespmem:v2+s21+$0x0] =	vst.idx.add.f32.msk $0xffff, v1  }
0x43: {  	v1 =	vld [tilespmem:$0x7790]  }
0x44: {  	v2 =	vld [tilespmem:$0x7890];
	_ =	sdelay $0x4  }
0x45: {  	v1 =	vadd.f32 v2, v1;
	_ =	sdelay $0x1  }
0x46: {  	v2 =	vmul.f32 $2.000000030e-01, v1  }
0x47: {  	vm13 =	vgt.f32 v1, $0.0e+00  }
0x48: {  	v1 =	vsel vm13, v1, v2  }
0x49: {  	v2 =	vmul.f32 $2.500000000e-01, v1;
	_ =	sdelay $0x1  }
0x4a: {  	v2 =	vmul.f32 $1.442695020e+00, v2;
	_ =	sdelay $0x1  }
0x4b: {  	(erf) = vpow2.f32 v2;
	_ =	sdelay $0x1  }
0x4c: {  	v2 =	vld [tilespmem:s28+$0x2810];
	_ =	sdelay $0x6  }
0x4d: {  	[tilespmem:s28+$0x3C10] =	vst v1;
	v1 =	vpop (erf)  }
0x4e: {  	[tilespmem:v2+s21+$0x0] =	vst.idx.add.f32.msk $0xffff, v1  }
0x4f: {  	v1 =	vld [tilespmem:$0x77A0]  }
0x50: {  	v2 =	vld [tilespmem:$0x78A0];
	_ =	sdelay $0x4  }
0x51: {  	v1 =	vadd.f32 v2, v1;
	_ =	sdelay $0x1  }
0x52: {  	v2 =	vmul.f32 $2.000000030e-01, v1  }
0x53: {  	vm14 =	vgt.f32 v1, $0.0e+00  }
0x54: {  	v1 =	vsel vm14, v1, v2  }
0x55: {  	v2 =	vmul.f32 $2.500000000e-01, v1;
	_ =	sdelay $0x1  }
0x56: {  	v2 =	vmul.f32 $1.442695020e+00, v2;
	_ =	sdelay $0x1  }
0x57: {  	(erf) = vpow2.f32 v2;
	_ =	sdelay $0x1  }
0x58: {  	v2 =	vld [tilespmem:s28+$0x2820];
	_ =	sdelay $0x6  }
0x59: {  	[tilespmem:s28+$0x3C20] =	vst v1;
	v1 =	vpop (erf)  }
0x5a: {  	[tilespmem:v2+s21+$0x0] =	vst.idx.add.f32.msk $0xffff, v1  }
0x5b: {  	v1 =	vld [tilespmem:$0x77B0]  }
0x5c: {  	v2 =	vld [tilespmem:$0x78B0];
	_ =	sdelay $0x4  }
0x5d: {  	v1 =	vadd.f32 v2, v1;
	_ =	sdelay $0x1  }
0x5e: {  	v2 =	vmul.f32 $2.000000030e-01, v1  }
0x5f: {  	vm15 =	vgt.f32 v1, $0.0e+00  }
0x60: {  	v1 =	vsel vm15, v1, v2  }
0x61: {  	v2 =	vmul.f32 $2.500000000e-01, v1;
	_ =	sdelay $0x1  }
0x62: {  	v2 =	vmul.f32 $1.442695020e+00, v2;
	_ =	sdelay $0x1  }
0x63: {  	(erf) = vpow2.f32 v2;
	_ =	sdelay $0x1  }
0x64: {  	v2 =	vld [tilespmem:s28+$0x2830];
	_ =	sdelay $0x6  }
0x65: {  	[tilespmem:s28+$0x3C30] =	vst v1;
	v1 =	vpop (erf)  }
0x66: {  	[tilespmem:v2+s21+$0x0] =	vst.idx.add.f32.msk $0xffff, v1  }
0x67: {  	v1 =	vld [tilespmem:$0x77C0]  }
0x68: {  	v2 =	vld [tilespmem:$0x78C0];
	_ =	sdelay $0x4  }
0x69: {  	v1 =	vadd.f32 v2, v1;
	_ =	sdelay $0x1  }
0x6a: {  	v2 =	vmul.f32 $2.000000030e-01, v1  }
0x6b: {  	vm4 =	vgt.f32 v1, $0.0e+00  }
0x6c: {  	v1 =	vsel vm4, v1, v2  }
0x6d: {  	v2 =	vmul.f32 $2.500000000e-01, v1;
	_ =	sdelay $0x1  }
0x6e: {  	v2 =	vmul.f32 $1.442695020e+00, v2;
	_ =	sdelay $0x1  }
0x6f: {  	(erf) = vpow2.f32 v2;
	_ =	sdelay $0x1  }
0x70: {  	v2 =	vld [tilespmem:s28+$0x2840];
	_ =	sdelay $0x6  }
0x71: {  	[tilespmem:s28+$0x3C40] =	vst v1;
	v1 =	vpop (erf)  }
0x72: {  	[tilespmem:v2+s21+$0x0] =	vst.idx.add.f32.msk $0xffff, v1  }
0x73: {  	v1 =	vld [tilespmem:$0x77D0]  }
0x74: {  	v2 =	vld [tilespmem:$0x78D0];
	_ =	sdelay $0x4  }
0x75: {  	v1 =	vadd.f32 v2, v1;
	_ =	sdelay $0x1  }
0x76: {  	v2 =	vmul.f32 $2.000000030e-01, v1  }
0x77: {  	vm5 =	vgt.f32 v1, $0.0e+00  }
0x78: {  	v1 =	vsel vm5, v1, v2  }
0x79: {  	v2 =	vmul.f32 $2.500000000e-01, v1;
	_ =	sdelay $0x1  }
0x7a: {  	v2 =	vmul.f32 $1.442695020e+00, v2;
	_ =	sdelay $0x1  }
0x7b: {  	(erf) = vpow2.f32 v2;
	_ =	sdelay $0x1  }
0x7c: {  	v2 =	vld [tilespmem:s28+$0x2850];
	_ =	sdelay $0x6  }
0x7d: {  	[tilespmem:s28+$0x3C50] =	vst v1;
	v1 =	vpop (erf)  }
0x7e: {  	[tilespmem:v2+s21+$0x0] =	vst.idx.add.f32.msk $0xffff, v1  }
0x7f: {  	v1 =	vld [tilespmem:$0x77E0]  }
0x80: {  	v2 =	vld [tilespmem:$0x78E0];
	_ =	sdelay $0x4  }
0x81: {  	v1 =	vadd.f32 v2, v1;
	_ =	sdelay $0x1  }
0x82: {  	v2 =	vmul.f32 $2.000000030e-01, v1  }
0x83: {  	vm6 =	vgt.f32 v1, $0.0e+00  }
0x84: {  	v1 =	vsel vm6, v1, v2  }
0x85: {  	v2 =	vmul.f32 $2.500000000e-01, v1;
	_ =	sdelay $0x1  }
0x86: {  	v2 =	vmul.f32 $1.442695020e+00, v2;
	_ =	sdelay $0x1  }
0x87: {  	(erf) = vpow2.f32 v2;
	_ =	sdelay $0x1  }
0x88: {  	v2 =	vld [tilespmem:s28+$0x2860];
	_ =	sdelay $0x6  }
0x89: {  	[tilespmem:s28+$0x3C60] =	vst v1;
	v1 =	vpop (erf)  }
0x8a: {  	[tilespmem:v2+s21+$0x0] =	vst.idx.add.f32.msk $0xffff, v1  }
0x8b: {  	v1 =	vld [tilespmem:$0x77F0]  }
0x8c: {  	v2 =	vld [tilespmem:$0x78F0];
	_ =	sdelay $0x4  }
0x8d: {  	v1 =	vadd.f32 v2, v1;
	_ =	sdelay $0x1  }
0x8e: {  	v2 =	vmul.f32 $2.000000030e-01, v1  }
0x8f: {  	vm7 =	vgt.f32 v1, $0.0e+00  }
0x90: {  	v1 =	vsel vm7, v1, v2  }
0x91: {  	v2 =	vmul.f32 $2.500000000e-01, v1;
	_ =	sdelay $0x1  }
0x92: {  	v2 =	vmul.f32 $1.442695020e+00, v2;
	_ =	sdelay $0x1  }
0x93: {  	(erf) = vpow2.f32 v2;
	_ =	sdelay $0x1  }
0x94: {  	v2 =	vld [tilespmem:s28+$0x2870];
	_ =	sdelay $0x5  }
0x95: {  	p0 =	seq.s32 s26, $0x4C00  }
0x96: {  	s29 =	sshra.s32 @!p0 s26, $0x2;
	[tilespmem:s28+$0x3C70] =	vst v1;
	v1 =	vpop (erf)  }
0x97: {  	s31 =	simm.s32 @!p0 $0x80;
	s1 =	simm.s32 @!p0 $0x7780;
	s30 =	sadd.s32 @!p0 $0x100, s29;
	[tilespmem:v2+s21+$0x0] =	vst.idx.add.f32.msk $0xffff, v1  }
0x98: {  	[tilespmem:s1], [sflag:$0x1] =	stream.indirect.gather @!p0 [hbm4b:s2+s31], $0x1, s30, s31, $0xb8;
	[tilespmem:$0x7980] =	vst v63  }
0x99: {  	s1 =	sadd.s32 @!p0 $0x1500, s29;
	s29 =	simm.s32 @!p0 $0x7880  }
0x9a: {  	[tilespmem:s29], [sflag:$0x2] =	stream.indirect.gather @!p0 [hbm4b:s2+s31], $0x1, s1, s31, $0xb8;
	[tilespmem:$0x7980] =	vst v63  }
0x9b: {  	_ =	swait.ge [sflag:s22], $0x80  }
0x9c: {  	[sflag:s22] =	ssyncset.done $0x0  }
0x9d: {  	[sflag:s22] =	ssyncadd.s32 $0xFFFFFF80  }
0x9e: {  	_ =	swait.ge [sflag:s23], $0x80  }
0x9f: {  	[sflag:s23] =	ssyncset.done $0x0  }
0xa0: {  	[sflag:s23] =	ssyncadd.s32 $0xFFFFFF80  }
0xa1: {  	v1 =	vld [tilespmem:$0x7800]  }
0xa2: {  	v2 =	vld [tilespmem:$0x7900];
	_ =	sdelay $0x4  }
0xa3: {  	v1 =	vadd.f32 v2, v1;
	_ =	sdelay $0x1  }
0xa4: {  	v2 =	vmul.f32 $2.000000030e-01, v1  }
0xa5: {  	vm8 =	vgt.f32 v1, $0.0e+00  }
0xa6: {  	v1 =	vsel vm8, v1, v2  }
0xa7: {  	v2 =	vmul.f32 $2.500000000e-01, v1;
	_ =	sdelay $0x1  }
0xa8: {  	v2 =	vmul.f32 $1.442695020e+00, v2;
	_ =	sdelay $0x1  }
0xa9: {  	(erf) = vpow2.f32 v2;
	_ =	sdelay $0x1  }
0xaa: {  	v2 =	vld [tilespmem:s28+$0x2880];
	_ =	sdelay $0x6  }
0xab: {  	[tilespmem:s28+$0x3C80] =	vst v1;
	v1 =	vpop (erf)  }
0xac: {  	[tilespmem:v2+s21+$0x0] =	vst.idx.add.f32.msk $0xffff, v1  }
0xad: {  	v1 =	vld [tilespmem:$0x7810]  }
0xae: {  	v2 =	vld [tilespmem:$0x7910];
	_ =	sdelay $0x4  }
0xaf: {  	v1 =	vadd.f32 v2, v1;
	_ =	sdelay $0x1  }
0xb0: {  	v2 =	vmul.f32 $2.000000030e-01, v1  }
0xb1: {  	vm9 =	vgt.f32 v1, $0.0e+00  }
0xb2: {  	v1 =	vsel vm9, v1, v2  }
0xb3: {  	v2 =	vmul.f32 $2.500000000e-01, v1;
	_ =	sdelay $0x1  }
0xb4: {  	v2 =	vmul.f32 $1.442695020e+00, v2;
	_ =	sdelay $0x1  }
0xb5: {  	(erf) = vpow2.f32 v2;
	_ =	sdelay $0x1  }
0xb6: {  	v2 =	vld [tilespmem:s28+$0x2890];
	_ =	sdelay $0x6  }
0xb7: {  	[tilespmem:s28+$0x3C90] =	vst v1;
	v1 =	vpop (erf)  }
0xb8: {  	[tilespmem:v2+s21+$0x0] =	vst.idx.add.f32.msk $0xffff, v1  }
0xb9: {  	v1 =	vld [tilespmem:$0x7820]  }
0xba: {  	v2 =	vld [tilespmem:$0x7920];
	_ =	sdelay $0x4  }
0xbb: {  	v1 =	vadd.f32 v2, v1;
	_ =	sdelay $0x1  }
0xbc: {  	v2 =	vmul.f32 $2.000000030e-01, v1  }
0xbd: {  	vm10 =	vgt.f32 v1, $0.0e+00  }
0xbe: {  	v1 =	vsel vm10, v1, v2  }
0xbf: {  	v2 =	vmul.f32 $2.500000000e-01, v1;
	_ =	sdelay $0x1  }
0xc0: {  	v2 =	vmul.f32 $1.442695020e+00, v2;
	_ =	sdelay $0x1  }
0xc1: {  	(erf) = vpow2.f32 v2;
	_ =	sdelay $0x1  }
0xc2: {  	v2 =	vld [tilespmem:s28+$0x28A0];
	_ =	sdelay $0x6  }
0xc3: {  	[tilespmem:s28+$0x3CA0] =	vst v1;
	v1 =	vpop (erf)  }
0xc4: {  	[tilespmem:v2+s21+$0x0] =	vst.idx.add.f32.msk $0xffff, v1  }
0xc5: {  	v1 =	vld [tilespmem:$0x7830]  }
0xc6: {  	v2 =	vld [tilespmem:$0x7930];
	_ =	sdelay $0x4  }
0xc7: {  	v1 =	vadd.f32 v2, v1;
	_ =	sdelay $0x1  }
0xc8: {  	v2 =	vmul.f32 $2.000000030e-01, v1  }
0xc9: {  	vm11 =	vgt.f32 v1, $0.0e+00  }
0xca: {  	v1 =	vsel vm11, v1, v2  }
0xcb: {  	v2 =	vmul.f32 $2.500000000e-01, v1;
	_ =	sdelay $0x1  }
0xcc: {  	v2 =	vmul.f32 $1.442695020e+00, v2;
	_ =	sdelay $0x1  }
0xcd: {  	(erf) = vpow2.f32 v2;
	_ =	sdelay $0x1  }
0xce: {  	v2 =	vld [tilespmem:s28+$0x28B0];
	_ =	sdelay $0x6  }
0xcf: {  	[tilespmem:s28+$0x3CB0] =	vst v1;
	v1 =	vpop (erf)  }
0xd0: {  	[tilespmem:v2+s21+$0x0] =	vst.idx.add.f32.msk $0xffff, v1  }
0xd1: {  	v1 =	vld [tilespmem:$0x7840]  }
0xd2: {  	v2 =	vld [tilespmem:$0x7940];
	_ =	sdelay $0x4  }
0xd3: {  	v1 =	vadd.f32 v2, v1;
	_ =	sdelay $0x1  }
0xd4: {  	v2 =	vmul.f32 $2.000000030e-01, v1  }
0xd5: {  	vm12 =	vgt.f32 v1, $0.0e+00  }
0xd6: {  	v1 =	vsel vm12, v1, v2  }
0xd7: {  	v2 =	vmul.f32 $2.500000000e-01, v1;
	_ =	sdelay $0x1  }
0xd8: {  	v2 =	vmul.f32 $1.442695020e+00, v2;
	_ =	sdelay $0x1  }
0xd9: {  	(erf) = vpow2.f32 v2;
	_ =	sdelay $0x1  }
0xda: {  	v2 =	vld [tilespmem:s28+$0x28C0];
	_ =	sdelay $0x6  }
0xdb: {  	[tilespmem:s28+$0x3CC0] =	vst v1;
	v1 =	vpop (erf)  }
0xdc: {  	[tilespmem:v2+s21+$0x0] =	vst.idx.add.f32.msk $0xffff, v1  }
0xdd: {  	v1 =	vld [tilespmem:$0x7850]  }
0xde: {  	v2 =	vld [tilespmem:$0x7950];
	_ =	sdelay $0x4  }
0xdf: {  	v1 =	vadd.f32 v2, v1;
	_ =	sdelay $0x1  }
0xe0: {  	v2 =	vmul.f32 $2.000000030e-01, v1  }
0xe1: {  	vm13 =	vgt.f32 v1, $0.0e+00  }
0xe2: {  	v1 =	vsel vm13, v1, v2  }
0xe3: {  	v2 =	vmul.f32 $2.500000000e-01, v1;
	_ =	sdelay $0x1  }
0xe4: {  	v2 =	vmul.f32 $1.442695020e+00, v2;
	_ =	sdelay $0x1  }
0xe5: {  	(erf) = vpow2.f32 v2;
	_ =	sdelay $0x1  }
0xe6: {  	v2 =	vld [tilespmem:s28+$0x28D0];
	_ =	sdelay $0x6  }
0xe7: {  	[tilespmem:s28+$0x3CD0] =	vst v1;
	v1 =	vpop (erf)  }
0xe8: {  	[tilespmem:v2+s21+$0x0] =	vst.idx.add.f32.msk $0xffff, v1  }
0xe9: {  	v1 =	vld [tilespmem:$0x7860]  }
0xea: {  	v2 =	vld [tilespmem:$0x7960];
	_ =	sdelay $0x4  }
0xeb: {  	v1 =	vadd.f32 v2, v1;
	_ =	sdelay $0x1  }
0xec: {  	v2 =	vmul.f32 $2.000000030e-01, v1  }
0xed: {  	vm14 =	vgt.f32 v1, $0.0e+00  }
0xee: {  	v1 =	vsel vm14, v1, v2  }
0xef: {  	v2 =	vmul.f32 $2.500000000e-01, v1;
	_ =	sdelay $0x1  }
0xf0: {  	v2 =	vmul.f32 $1.442695020e+00, v2;
	_ =	sdelay $0x1  }
0xf1: {  	(erf) = vpow2.f32 v2;
	_ =	sdelay $0x1  }
0xf2: {  	v2 =	vld [tilespmem:s28+$0x28E0];
	_ =	sdelay $0x6  }
0xf3: {  	[tilespmem:s28+$0x3CE0] =	vst v1;
	v1 =	vpop (erf)  }
0xf4: {  	[tilespmem:v2+s21+$0x0] =	vst.idx.add.f32.msk $0xffff, v1  }
0xf5: {  	v1 =	vld [tilespmem:$0x7870]  }
0xf6: {  	v2 =	vld [tilespmem:$0x7970];
	_ =	sdelay $0x4  }
0xf7: {  	v1 =	vadd.f32 v2, v1;
	_ =	sdelay $0x1  }
0xf8: {  	v2 =	vmul.f32 $2.000000030e-01, v1  }
0xf9: {  	vm15 =	vgt.f32 v1, $0.0e+00  }
0xfa: {  	v1 =	vsel vm15, v1, v2  }
0xfb: {  	v2 =	vmul.f32 $2.500000000e-01, v1;
	_ =	sdelay $0x1  }
0xfc: {  	v2 =	vmul.f32 $1.442695020e+00, v2;
	_ =	sdelay $0x1  }
0xfd: {  	(erf) = vpow2.f32 v2;
	_ =	sdelay $0x1  }
0xfe: {  	v2 =	vld [tilespmem:s28+$0x28F0];
	_ =	sdelay $0x3  }
.Ltmp3:
0xff: {  	_ = 	snop;
	(pc) =	sbr.rel @p0 .LBB2_6-.Ltmp3, $3  }
0x100: {  	_ =	sdelay $0x1  }
0x101: {  	[tilespmem:s28+$0x3CF0] =	vst v1;
	v1 =	vpop (erf)  }
0x102: {  	[tilespmem:v2+s21+$0x0] =	vst.idx.add.f32.msk $0xffff, v1  }
.Ltmp4:
0x103: {  	(pc) =	sbr.rel .LBB2_4-.Ltmp4, $4  }
0x104: {  	s1 =	sadd.s32 $0x180, s28  }
0x105: {  	[tilespmem:s16], [sflag:$0x3] =	stream.indirect.gather [hbm4b:s2+s13], $0x1, s1, s13, $0xb8;
	[tilespmem:$0x7980] =	vst v63  }
0x106: {  	s31 =	sadd.s32 $0x1580, s28;
	s26 =	sadd.s32 $0x400, s26  }
0x107: {  	[tilespmem:s18], [sflag:$0x4] =	stream.indirect.gather [hbm4b:s2+s13], $0x1, s31, s13, $0xb8;
	[tilespmem:$0x7980] =	vst v63  }
.LBB2_7:
0x108: {  	_ =	sfence.sel $0x180000  }
0x109: {  	[bflag:$0x0] =	sbarrier.arrive $0xFFFF  }
0x10a: {  	_ =	strace $0x9000004D  }
0x10b: {  	[bflag:$0x2] =	sbarrier.arrive $0xFFFF  }
0x10c: {  	p0 =	sne.s32 s0, $0x0;
	s0 =	rddreg [dreg:$0x2]  }
0x10d: {  	s0 =	sadd.s32 @!p0 $0x100000, s0  }
0x10e: {  	[sflag:s0] =	ssyncadd.tile.s32 @!p0 $0x1;
	_ =	shalt  }
.Lfunc_end2:
_tile_overlayer_lowered:
.L_overlay_start_2:
0x10f: {  	(tag) =	ssettag $0x2  }
0x110: {  	s0 =	rddreg [dreg:$0x0];
	s2 =	stileid.u32  }
0x111: {  	s1 =	rddreg [dreg:$0x1];
	p0 =	sne.s32 s2, $0x0  }
0x112: {  	s3 =	rddreg [dreg:$0x2];
	[bflag:$0x3] =	sbarrier.arrive $0xFFFF;
	s2 =	simm.s32 @!p0 $0x1C05  }
0x113: {  	[timem:s3], [sflag:s2] =	dma.local @!p0 [hbm:s0], s1  }
0x114: {  	s0 =	simm.s32 @!p0 $0x5  }
0x115: {  	_ =	swait.ge @!p0 [sflag:s0], s1  }
0x116: {  	s1 =	ssub.s32 @!p0 $0x0, s1;
	[sflag:s0] =	ssyncset.done @!p0 $0x0  }
0x117: {  	[sflag:s0] =	ssyncadd.s32 @!p0 s1  }
0x118: {  	[bflag:$0x3] =	sbarrier.arrive $0xFFFF  }
0x119: {  	_ =	shalt  }

// kernel: kernel.21.cloned.1.call-start
scs
__scs_entry_jumppad:
0x0: {  	(pc) =	sbr.rel $0x88, $3  }
0x1: {  	(tag) =	ssettag $0x0;
	lr =	simm.s32 $0x1  }
0x2: {  	[smem:$0x3F9C] =	sst lr;
	_ =	strace $0xD0000000  }
0x3: {  	_ = 	snop  }
0x4: {  	_ = 	snop  }
0x5: {  	_ = 	snop  }
0x6: {  	_ = 	snop  }
0x7: {  	_ = 	snop  }
__scs_overlays_trampoline_lowered:
0x8: {  	[smem:$0x3FAB] =	sst s0  }
0x9: {  	[smem:$0x3FAC] =	sst s1  }
0xa: {  	[smem:$0x3FAD] =	sst s2  }
0xb: {  	[smem:$0x3FAE] =	sst s3  }
0xc: {  	[smem:$0x3FAF] =	sst s4  }
0xd: {  	[smem:$0x3FB0] =	sst s5  }
0xe: {  	[smem:$0x3FB1] =	sst s6  }
0xf: {  	[smem:$0x3FB2] =	sst s7  }
0x10: {  	[smem:$0x3FB3] =	sst s8  }
0x11: {  	[smem:$0x3FB4] =	sst s9;
	s0 =	simm.s32 @!p0 $0x0  }
0x12: {  	s1 =	sld [smem:$0x3F9A];
	s0 =	simm.s32 @p0 $0x1  }
0x13: {  	[smem:$0x3FB5] =	sst s0;
	s0 =	simm.s32 @!p1 $0x0  }
0x14: {  	s2 =	sld [smem:$0x3F99];
	s0 =	simm.s32 @p1 $0x1  }
0x15: {  	[smem:$0x3FB6] =	sst s0;
	s0 =	simm.s32 @!p2 $0x0  }
0x16: {  	s3 =	sld [smem:$0x3FDB];
	s0 =	simm.s32 @p2 $0x1  }
0x17: {  	s4 =	simm.s32 $0x1BF5;
	[smem:$0x3FB8] =	sst s0  }
0x18: {  	s0 =	sld [smem:$0x3F9B];
	_ =	swait.ge [sflag:s4], $0x0  }
0x19: {  	s7 =	sld [smem:$0x3F9C]  }
0x1a: {  	s8 =	sadd.s32 $0xFFFFE003, lr  }
0x1b: {  	s9 =	sadd.s32 $0xFFFFFEF7, lr;
	s5 =	simm.s32 $0xFFFFFFFF;
	p2 =	slt.u32 s8, $0xFFFFF086  }
0x1c: {  	p1 =	slt.u32 s9, $0xF7A;
	s5 =	simm.s32 @!p2 $0x0  }
0x1d: {  	s5 =	simm.s32 @p1 $0x1;
	p0 =	seq.s32 s7, s2  }
0x1e: {  	s7 =	smul.u32 @!p0 $0xF7A, s2;
	p2 =	seq.s32 @!p0 s5, $0x0  }
0x1f: {  	s9 =	smul.u32 $0xF7A, s1;
	s8 =	simm.s32 @!p0 $0x1BF5;
	p2 =	por !p2, p0  }
0x20: {  	[sflag:s8] =	ssyncset.s32 @!p0 $0xFFFFF086;
	s6 =	sadd.s32 @!p0 s3, s7;
	s7 =	simm.s32 @!p0 $0x108  }
0x21: {  	s3 =	sadd.s32 s3, s9;
	s6 =	sadd.s32 @!p0 $0x88, s6;
	s7 =	simm.s32 @p2 $0x1082  }
0x22: {  	[simem:s7], [sflag:s8] =	dma.local @!p0 [hbm:s6], $0xF7A  }
0x23: {  	s9 =	sor.u32 $0xD0000000, s2;
	s6 =	simm.s32 $0x108;
	_ =	swait.ge @!p0 [sflag:s8], $0x0  }
0x24: {  	s3 =	sadd.s32 $0x88, s3;
	s6 =	simm.s32 @!p1 $0x1082;
	[sflag:s4] =	ssyncset.s32 $0xFFFFF086  }
0x25: {  	[simem:s6], [sflag:s4] =	dma.local [hbm:s3], $0xF7A  }
0x26: {  	[smem:$0x3F9C] =	sst s1;
	(tag) =	ssettag s2;
	_ =	strace s9  }
0x27: {  	s1 =	sld [smem:$0x3FAC]  }
0x28: {  	s2 =	sld [smem:$0x3FAD]  }
0x29: {  	s4 =	sld [smem:$0x3FAF]  }
0x2a: {  	p0 =	seq.s32 s5, $0x0;
	s5 =	sld [smem:$0x3FB0]  }
0x2b: {  	s6 =	sld [smem:$0x3FB1]  }
0x2c: {  	s7 =	sld [smem:$0x3FB2]  }
0x2d: {  	s3 =	simm.s32 $0x108;
	s8 =	sld [smem:$0x3FB3]  }
0x2e: {  	s3 =	simm.s32 @!p0 $0x1082;
	s9 =	sld [smem:$0x3FB4]  }
0x2f: {  	lr =	sadd.s32 s0, s3;
	s0 =	sld [smem:$0x3FAB]  }
0x30: {  	s3 =	sld [smem:$0x3FAE]  }
0x31: {  	[smem:$0x3FB7] =	sst s10  }
0x32: {  	s10 =	sld [smem:$0x3FB5];
	_ =	sdelay $0x3  }
0x33: {  	p0 =	seq.s32 s10, $0x1;
	s10 =	sld [smem:$0x3FB7];
	_ =	sdelay $0x3  }
0x34: {  	[smem:$0x3FB7] =	sst s10  }
0x35: {  	s10 =	sld [smem:$0x3FB6];
	_ =	sdelay $0x3  }
0x36: {  	p1 =	seq.s32 s10, $0x1;
	s10 =	sld [smem:$0x3FB7];
	_ =	sdelay $0x3  }
0x37: {  	[smem:$0x3FB7] =	sst s10  }
0x38: {  	s10 =	sld [smem:$0x3FB8]  }
0x39: {  	_ = 	snop;
	(pc) =	sbr.ind lr, $3  }
0x3a: {  	_ = 	snop  }
0x3b: {  	_ = 	snop  }
0x3c: {  	p2 =	seq.s32 s10, $0x1;
	s10 =	sld [smem:$0x3FB7]  }
0x3d: {  	_ =	shalt  }
0x3e: {  	_ =	shalt  }
0x3f: {  	_ =	shalt  }
0x40: {  	_ =	shalt  }
0x41: {  	_ =	shalt  }
0x42: {  	_ =	shalt  }
0x43: {  	_ =	shalt  }
0x44: {  	_ =	shalt  }
0x45: {  	_ =	shalt  }
0x46: {  	_ =	shalt  }
0x47: {  	_ =	shalt  }
0x48: {  	_ =	shalt  }
0x49: {  	_ =	shalt  }
0x4a: {  	_ =	shalt  }
0x4b: {  	_ =	shalt  }
0x4c: {  	_ =	shalt  }
0x4d: {  	_ =	shalt  }
0x4e: {  	_ =	shalt  }
0x4f: {  	_ =	shalt  }
0x50: {  	_ =	shalt  }
0x51: {  	_ =	shalt  }
0x52: {  	_ =	shalt  }
0x53: {  	_ =	shalt  }
0x54: {  	_ =	shalt  }
0x55: {  	_ =	shalt  }
0x56: {  	_ =	shalt  }
0x57: {  	_ =	shalt  }
0x58: {  	_ =	shalt  }
0x59: {  	_ =	shalt  }
0x5a: {  	_ =	shalt  }
0x5b: {  	_ =	shalt  }
0x5c: {  	_ =	shalt  }
0x5d: {  	_ =	shalt  }
0x5e: {  	_ =	shalt  }
0x5f: {  	_ =	shalt  }
0x60: {  	_ =	shalt  }
0x61: {  	_ =	shalt  }
0x62: {  	_ =	shalt  }
0x63: {  	_ =	shalt  }
0x64: {  	_ =	shalt  }
0x65: {  	_ =	shalt  }
0x66: {  	_ =	shalt  }
0x67: {  	_ =	shalt  }
0x68: {  	_ =	shalt  }
0x69: {  	_ =	shalt  }
0x6a: {  	_ =	shalt  }
0x6b: {  	_ =	shalt  }
0x6c: {  	_ =	shalt  }
0x6d: {  	_ =	shalt  }
0x6e: {  	_ =	shalt  }
0x6f: {  	_ =	shalt  }
0x70: {  	_ =	shalt  }
0x71: {  	_ =	shalt  }
0x72: {  	_ =	shalt  }
0x73: {  	_ =	shalt  }
0x74: {  	_ =	shalt  }
0x75: {  	_ =	shalt  }
0x76: {  	_ =	shalt  }
0x77: {  	_ =	shalt  }
0x78: {  	_ =	shalt  }
0x79: {  	_ =	shalt  }
0x7a: {  	_ =	shalt  }
0x7b: {  	_ =	shalt  }
0x7c: {  	_ =	shalt  }
0x7d: {  	_ =	shalt  }
0x7e: {  	_ =	shalt  }
0x7f: {  	_ =	shalt  }
0x80: {  	_ =	shalt  }
0x81: {  	_ =	shalt  }
0x82: {  	_ =	shalt  }
0x83: {  	_ =	shalt  }
0x84: {  	_ =	shalt  }
0x85: {  	_ =	shalt  }
0x86: {  	_ =	shalt  }
0x87: {  	_ =	shalt  }
.Lfunc_end0:
.L_simem_size_0:
called_computation.3_lowered:
.L_overlay_start_0:
0x88: {  	s2 =	sld [smem:$0x3FD9]  }
0x89: {  	s3 =	sld [smem:$0x3FFE];
	_ =	sdelay $0x1  }
0x8a: {  	s1 =	srdreg.scid  }
0x8b: {  	s0 =	sand.u32 $0x1, s1  }
0x8c: {  	s17 =	sshll.u32 s0, $0xA;
	s2 =	sadd.s32 s3, s2  }
0x8d: {  	s2 =	sadd.s32 s2, s17  }
0x8e: {  	[smem:$0x3FC3] =	sst s2  }
0x8f: {  	_ = 	snop  }
0x90: {  	s2 =	sld [smem:$0x3FD0];
	(tm) =	ssettm $0x1  }
0x91: {  	s18 =	sld [smem:$0x3FFB];
	_ =	sdelay $0x3  }
0x92: {  	_ =	strace s18  }
0x93: {  	s3 =	sld [smem:$0x3FFC];
	_ =	sdelay $0x3  }
0x94: {  	_ =	strace s3  }
0x95: {  	s3 =	sld [smem:$0x3FFD];
	_ =	sdelay $0x3  }
0x96: {  	_ =	strace s3  }
0x97: {  	_ =	strace $0x8FFFFFFF  }
0x98: {  	s19 =	sld [smem:$0x3FDB];
	_ =	sdelay $0x1  }
0x99: {  	s4 =	simm.s32 $_scs_section_size  }
0x9a: {  	s5 =	simm.s32 $_size__tile_overlayer_lowered;
	s6 =	simm.s32 $_tile_overlayer_lowered  }
0x9b: {  	s22 =	simm.s32 $0x1BFF;
	s21 =	sshll.u32 s6, $0x1;
	s3 =	sadd.s32 s4, s19  }
0x9c: {  	s7 =	simm.s32 $0x0;
	s20 =	sshll.u32 s5, $0x1;
	s5 =	sadd.s32 s21, s3  }
0x9d: {  	[timem:s7], [sflag:s22] =	dma.local [hbm:s5], s20  }
0x9e: {  	_ =	swait.ge [sflag:s22], s20  }
0x9f: {  	s4 =	ssub.s32 $0x0, s20;
	[sflag:s22] =	ssyncset.done $0x0  }
0xa0: {  	[sflag:s22] =	ssyncadd.s32 s4;
	_ =	sdelay $0x1  }
0xa1: {  	s23 =	simm.s32 $0x1B8B  }
0xa2: {  	_ =	swait.ge [sflag:s23], $0x1  }
0xa3: {  	[sflag:s23] =	ssyncset.done $0x0  }
0xa4: {  	s25 =	simm.s32 $0x1B8E;
	s24 =	sld [smem:$0x3FFE];
	[sflag:s23] =	ssyncadd.s32 $0xFFFFFFFF  }
0xa5: {  	s26 =	simm.s32 $execute0_lowered;
	[smem:$0x3FD2] =	sst s25  }
0xa6: {  	s5 =	sshll.u32 s26, $0x1;
	_ =	strace $0x8000004F;
	[dreg:$0x1] =	wrdreg $0xFFFFFFFF  }
0xa7: {  	s28 =	simm.s32 $_size_execute0_lowered;
	s3 =	sadd.s32 s3, s5;
	[dreg:$0x0] =	wrdreg $0x0  }
0xa8: {  	s5 =	sshll.u32 s28, $0x1;
	[dreg:$0x2] =	wrdreg s3  }
0xa9: {  	[dreg:$0x3] =	wrdreg s5  }
0xaa: {  	[dreg:$0x4] =	wrdreg $0xC0  }
0xab: {  	_ =	task [dreg:s7], $0x5FFFF  }
0xac: {  	[dreg:$0x1] =	wrdreg $0xFFFFFFFF  }
0xad: {  	[dreg:$0x0] =	wrdreg $0x60  }
0xae: {  	[dreg:$0x2] =	wrdreg s24  }
0xaf: {  	[dreg:$0x3] =	wrdreg s2  }
0xb0: {  	[dreg:$0x4] =	wrdreg $0xB4800  }
0xb1: {  	[dreg:$0x5] =	wrdreg $0x9  }
0xb2: {  	_ =	task.clear_ibuf [dreg:s7], $0x6FFFF;
	_ =	strace $0x9000004F  }
0xb3: {  	s29 =	simm.s32 $0x9;
	_ =	strace $0x80000051  }
0xb4: {  	_ =	swait.ge [sflag:s29], $0x1  }
0xb5: {  	[sflag:s29] =	ssyncadd.s32 $0xFFFFFFFF  }
0xb6: {  	_ =	strace $0x90000051  }
0xb7: {  	_ =	sfence  }
0xb8: {  	s30 =	sld [smem:$0x0];
	_ =	sdelay $0x2  }
0xb9: {  	s31 =	sshll.u32 s1, $0xD;
	s1 =	sshrl.u32 s1, $0x2  }
0xba: {  	s3 =	sand.u32 $0x4000, s31;
	s1 =	sadd.s32 s1, s30  }
0xbb: {  	s0 =	sor.u32 s3, s0;
	s1 =	sshll.u32 s1, $0x11  }
0xbc: {  	s0 =	sor.u32 s1, s0  }
0xbd: {  	s0 =	sadd.s32 $0x8F2B, s0  }
0xbe: {  	[sflag:s0] =	ssyncadd.remote.s32 $0x1  }
0xbf: {  	_ =	sfence.sel $0xFFFF  }
0xc0: {  	[dreg:$0x0] =	wrdreg $0xFFFFFFFF;
	(pc) =	sbr.abs _section_cstart, $3  }
0xc1: {  	[dreg:$0x1] =	wrdreg $0xFFFFFFFF  }
0xc2: {  	_ =	task.clear_ibuf [dreg:s7], $0x2FFFF;
	_ =	strace $0x9FFFFFFF  }
0xc3: {  	(tm) =	ssettm $0x7FFFFFFF  }
tec
execute0_lowered:
.L_overlay_start_1:
0x0: {  	(tag) =	ssettag $0x1  }
0x1: {  	s0 =	rddreg [dreg:$0x0]  }
0x2: {  	s1 =	rddreg [dreg:$0x1]  }
0x3: {  	s3 =	rddreg [dreg:$0x2];
	s4 =	simm.s32 $0x0;
	s2 =	srdreg.scid  }
0x4: {  	s11 =	stileid.u32;
	s28 =	simm.s32 $0x480;
	s29 =	simm.s32 $0x8480  }
0x5: {  	s30 =	simm.s32 $0x1;
	s31 =	simm.s32 $0x2C80;
	s6 =	smul.u32 $0x2800, s11  }
0x6: {  	[smem:$0x7FF] =	sst s4;
	s2 =	sand.u32 $0x1, s2;
	s21 =	smul.u32 $0x50000, s11  }
0x7: {  	s5 =	sadd.s32 $0xBC200, s0;
	s19 =	sshll.u32 s11, $0x1;
	s11 =	smul.u32 $0xD400, s11  }
0x8: {  	s8 =	sadd.s32 $0xAD400, s0;
	_ =	strace $0x80000050;
	s7 =	smul.u32 $0x28000, s2  }
0x9: {  	[dreg:$0x4] =	wrdreg s8;
	s20 =	sor.u32 s2, s19;
	s9 =	ssub.s32 $0x2, s2  }
0xa: {  	v0 =	vmov s2;
	s2 =	simm.s32 $0x0;
	s10 =	sshrl.u32 s9, $0x1;
	s8 =	sshrl.u32 s21, $0x2  }
0xb: {  	s23 =	sshrl.u32 s11, $0x3;
	s16 =	sadd.s32 $0x400, s11;
	s17 =	sadd.s32 $0x600, s11  }
0xc: {  	s21 =	simm.s32 $0x500;
	s6 =	sadd.s32 s6, s7;
	s7 =	smul.u32 $0x4E2, s20  }
0xd: {  	s9 =	ssub.s32 s9, s10;
	s12 =	sadd.s32 s1, s23;
	s23 =	simm.s32 $0x5480  }
0xe: {  	s6 =	sadd.s32 s6, s0;
	s0 =	sadd.s32 s7, s0;
	s7 =	sadd.s32 s8, s3  }
0xf: {  	s15 =	sadd.s32 $0x40, s12;
	s20 =	smax.u32 s9, $0x1;
	s8 =	sadd.s32 $0x3000, s7  }
0x10: {  	s18 =	sadd.s32 $0x10A600, s6;
	s22 =	sadd.s32 $0x6000, s7;
	[dreg:$0x5] =	wrdreg s8  }
.Ltmp0:
0x11: {  	s24 =	sadd.s32 $0x9000, s7;
	[dreg:$0x6] =	wrdreg s22;
	(pc) =	sbr.rel .LBB2_1-.Ltmp0, $4  }
0x12: {  	s25 =	sadd.s32 $0xC000, s7;
	s26 =	sadd.s32 $0xF000, s7;
	[dreg:$0x7] =	wrdreg s24  }
0x13: {  	s14 =	sadd.s32 $0x12000, s7;
	s19 =	sadd.s32 $0xADA00, s0;
	[dreg:$0x8] =	wrdreg s25  }
0x14: {  	s0 =	simm.s32 $0x5400;
	[dreg:$0x9] =	wrdreg s26;
	s22 =	simm.s32 $0x3  }
0x15: {  	v1 =	vimm.f32 $0.0e+00;
	s24 =	simm.s32 $0x60;
	s26 =	simm.s32 $0x200;
	s25 =	simm.s32 $0x2  }
.LBB2_12:
0x16: {  	s6 =	stileid.u32  }
0x17: {  	s6 =	sshll.u32 s6, $0x6  }
0x18: {  	[bflag:$0x0] =	sbarrier.arrive $0xFFFF;
	s8 =	sshrl.u32 s7, $0x3;
	s6 =	sor.u32 $0x1C03, s6  }
0x19: {  	[hbm:s18], [sflag:s6] =	dma.local [spmem:s8], $0x2800  }
0x1a: {  	s2 =	sadd.s32 $0x1, s2;
	_ =	swait.ge [sflag:s22], $0x2800  }
0x1b: {  	p0 =	sne.s32 s2, s20;
	[sflag:s22] =	ssyncset.done $0x0  }
.Ltmp1:
0x1c: {  	[sflag:s22] =	ssyncadd.s32 $0xFFFFD800;
	(pc) =	sbr.rel @!p0 .LBB2_13-.Ltmp1, $4  }
0x1d: {  	[hbm4b:s19+s4] =	stream.linear.scatter [tilespmem:s31], [sflag:$0x3], $0x2710, $0x38;
	[tilespmem:$0x1F480] =	vst v63  }
0x1e: {  	_ =	swait.ge [sflag:s22], $0x2710  }
0x1f: {  	[sflag:s22] =	ssyncset.done $0x0  }
0x20: {  	[sflag:s22] =	ssyncadd.s32 $0xFFFFD8F0  }
.LBB2_1:
0x21: {  	s6 =	rddreg [dreg:$0x4]  }
0x22: {  	[tilespmem:s21], [sflag:$0x3] =	stream.linear.gather [hbm4b:s6+s4], $0x2780, $0x38;
	[tilespmem:$0x1F480] =	vst v63  }
0x23: {  	_ =	swait.ge [sflag:s22], $0x2780  }
0x24: {  	[sflag:s22] =	ssyncset.done $0x0  }
0x25: {  	s6 =	simm.s32 $0x0;
	[sflag:s22] =	ssyncadd.s32 $0xFFFFD880  }
.LBB2_2:
0x26: {  	p0 =	sne.s32 s6, $0x9C40  }
.Ltmp2:
0x27: {  	_ = 	snop;
	(pc) =	sbr.rel @p0 .LBB2_2-.Ltmp2, $3  }
0x28: {  	_ =	sdelay $0x1  }
0x29: {  	s8 =	sshra.s32 s6, $0x2  }
0x2a: {  	s6 =	sadd.s32 $0x40, s6;
	[tilespmem:s8+$0x2C80] =	vst v1  }
0x2b: {  	s6 =	simm.s32 $0x0;
	s8 =	simm.s32 $0x200  }
.LBB2_4:
0x2c: {  	p0 =	sne.s32 s8, $0xBE00;
	[tilespmem:s6+$0x84F0] =	vst v1  }
0x2d: {  	[tilespmem:s6+$0x5480] =	vst v1  }
0x2e: {  	[tilespmem:s6+$0x8480] =	vst v1  }
0x2f: {  	[tilespmem:s6+$0x5490] =	vst v1  }
0x30: {  	[tilespmem:s6+$0x8490] =	vst v1  }
0x31: {  	[tilespmem:s6+$0x54A0] =	vst v1  }
0x32: {  	[tilespmem:s6+$0x84A0] =	vst v1  }
0x33: {  	[tilespmem:s6+$0x54B0] =	vst v1  }
0x34: {  	[tilespmem:s6+$0x84B0] =	vst v1  }
0x35: {  	[tilespmem:s6+$0x54C0] =	vst v1  }
0x36: {  	[tilespmem:s6+$0x84C0] =	vst v1  }
.Ltmp3:
0x37: {  	[tilespmem:s6+$0x54D0] =	vst v1;
	(pc) =	sbr.rel @p0 .LBB2_4-.Ltmp3, $4  }
0x38: {  	[tilespmem:s6+$0x84D0] =	vst v1  }
0x39: {  	[tilespmem:s6+$0x54E0] =	vst v1  }
0x3a: {  	[tilespmem:s6+$0x84E0] =	vst v1  }
0x3b: {  	[tilespmem:s6+$0x54F0] =	vst v1;
	s6 =	sshra.s32 s8, $0x2;
	s8 =	sadd.s32 $0x200, s8  }
0x3c: {  	[tilespmem:s6+$0x84F0] =	vst v1  }
0x3d: {  	[tilespmem:s6+$0x5480] =	vst v1  }
0x3e: {  	[tilespmem:s6+$0x8480] =	vst v1  }
0x3f: {  	[tilespmem:s6+$0x5490] =	vst v1  }
0x40: {  	[tilespmem:s6+$0x8490] =	vst v1  }
0x41: {  	[tilespmem:s6+$0x54A0] =	vst v1  }
0x42: {  	[tilespmem:s6+$0x84A0] =	vst v1  }
0x43: {  	[tilespmem:s6+$0x54B0] =	vst v1  }
0x44: {  	[tilespmem:s6+$0x84B0] =	vst v1  }
0x45: {  	[tilespmem:s6+$0x54C0] =	vst v1  }
0x46: {  	[tilespmem:s6+$0x84C0] =	vst v1  }
0x47: {  	[tilespmem:s6+$0x54D0] =	vst v1  }
0x48: {  	[tilespmem:s6+$0x84D0] =	vst v1  }
0x49: {  	[tilespmem:s6+$0x54E0] =	vst v1  }
0x4a: {  	[tilespmem:s6+$0x84E0] =	vst v1  }
0x4b: {  	[tilespmem:s6+$0x54F0] =	vst v1  }
0x4c: {  	[spmem:s7] =	stream.linear.scatter [tilespmem:s23], [sflag:$0x3], $0x3000, $0x38;
	[tilespmem:$0x1F480] =	vst v63  }
0x4d: {  	_ =	swait.ge [sflag:s22], $0x3000  }
0x4e: {  	[sflag:s22] =	ssyncset.done $0x0  }
0x4f: {  	s8 =	rddreg [dreg:$0x5];
	[sflag:s22] =	ssyncadd.s32 $0xFFFFD000  }
0x50: {  	[spmem:s8] =	stream.linear.scatter [tilespmem:s23], [sflag:$0x3], $0x3000, $0x38;
	[tilespmem:$0x1F480] =	vst v63  }
0x51: {  	_ =	swait.ge [sflag:s22], $0x3000  }
0x52: {  	[sflag:s22] =	ssyncset.done $0x0  }
0x53: {  	s9 =	rddreg [dreg:$0x6];
	[sflag:s22] =	ssyncadd.s32 $0xFFFFD000  }
0x54: {  	[spmem:s9] =	stream.linear.scatter [tilespmem:s23], [sflag:$0x3], $0x3000, $0x38;
	[tilespmem:$0x1F480] =	vst v63  }
0x55: {  	_ =	swait.ge [sflag:s22], $0x3000  }
0x56: {  	[sflag:s22] =	ssyncset.done $0x0  }
0x57: {  	s10 =	rddreg [dreg:$0x7];
	[sflag:s22] =	ssyncadd.s32 $0xFFFFD000  }
0x58: {  	[spmem:s10] =	stream.linear.scatter [tilespmem:s23], [sflag:$0x3], $0x3000, $0x38;
	[tilespmem:$0x1F480] =	vst v63  }
0x59: {  	_ =	swait.ge [sflag:s22], $0x3000  }
0x5a: {  	[sflag:s22] =	ssyncset.done $0x0  }
0x5b: {  	s11 =	rddreg [dreg:$0x8];
	[sflag:s22] =	ssyncadd.s32 $0xFFFFD000  }
0x5c: {  	[spmem:s11] =	stream.linear.scatter [tilespmem:s23], [sflag:$0x3], $0x3000, $0x38;
	[tilespmem:$0x1F480] =	vst v63  }
0x5d: {  	_ =	swait.ge [sflag:s22], $0x3000  }
0x5e: {  	[sflag:s22] =	ssyncset.done $0x0  }
0x5f: {  	s13 =	rddreg [dreg:$0x9];
	[sflag:s22] =	ssyncadd.s32 $0xFFFFD000  }
0x60: {  	[spmem:s13] =	stream.linear.scatter [tilespmem:s23], [sflag:$0x3], $0x3000, $0x38;
	[tilespmem:$0x1F480] =	vst v63  }
0x61: {  	_ =	swait.ge [sflag:s22], $0x3000  }
0x62: {  	[sflag:s22] =	ssyncset.done $0x0  }
0x63: {  	[sflag:s22] =	ssyncadd.s32 $0xFFFFD000  }
0x64: {  	[spmem:s14] =	stream.linear.scatter [tilespmem:s23], [sflag:$0x3], $0x2000, $0x38;
	[tilespmem:$0x1F480] =	vst v63  }
0x65: {  	_ =	swait.ge [sflag:s22], $0x2000  }
0x66: {  	[sflag:s22] =	ssyncset.done $0x0  }
0x67: {  	[sflag:s22] =	ssyncadd.s32 $0xFFFFE000  }
0x68: {  	s6 =	simm.s32 $0x0;
	[bflag:$0x0] =	sbarrier.arrive $0xFFFF  }
0x69: {  	[tilespmem:s6], [sflag:$0x3] =	stream.linear.gather [hbm4b:s12+s6], $0x180, $0x38;
	[tilespmem:$0x1F480] =	vst v63  }
0x6a: {  	_ =	swait.ge [sflag:s22], $0x180  }
0x6b: {  	[sflag:s22] =	ssyncset.done $0x0  }
0x6c: {  	[sflag:s22] =	ssyncadd.s32 $0xFFFFFE80  }
0x6d: {  	v2 =	vld [tilespmem:$0x80]  }
0x6e: {  	v3 =	vld [tilespmem:$0x90]  }
0x6f: {  	v4 =	vld [tilespmem:$0xA0]  }
0x70: {  	v5 =	vld [tilespmem:$0xB0]  }
0x71: {  	v6 =	vld [tilespmem:$0xC0]  }
0x72: {  	v7 =	vld [tilespmem:$0xD0];
	v2 =	vadd.s32 v0, v2  }
0x73: {  	[tilespmem:$0x400] =	vst v2;
	v2 =	vadd.s32 v0, v3  }
0x74: {  	[tilespmem:$0x410] =	vst v2;
	v2 =	vadd.s32 v0, v4  }
0x75: {  	[tilespmem:$0x420] =	vst v2;
	v2 =	vadd.s32 v0, v5  }
0x76: {  	[tilespmem:$0x430] =	vst v2;
	v2 =	vadd.s32 v0, v6  }
0x77: {  	[tilespmem:$0x440] =	vst v2;
	v2 =	vadd.s32 v0, v7  }
0x78: {  	s8 =	simm.s32 $0x400;
	[tilespmem:$0x450] =	vst v2  }
0x79: {  	[tilespmem:s23], [sflag:$0x1] =	stream.indirect.gather [hbm4b:s5+s24], $0x80, s8, s24, $0xb8;
	[tilespmem:$0x1F480] =	vst v63  }
0x7a: {  	_ = 	snop  }
0x7b: {  	[tilespmem:s26], [sflag:$0x3] =	stream.linear.gather [hbm4b:s15+s6], $0x180, $0x38;
	[tilespmem:$0x1F480] =	vst v63  }
0x7c: {  	_ =	swait.ge [sflag:s22], $0x180  }
0x7d: {  	[sflag:s22] =	ssyncset.done $0x0  }
0x7e: {  	[sflag:s22] =	ssyncadd.s32 $0xFFFFFE80  }
0x7f: {  	v2 =	vld [tilespmem:$0x280]  }
0x80: {  	v3 =	vld [tilespmem:$0x290]  }
0x81: {  	v60 =	vld [tilespmem:$0x2A0]  }
0x82: {  	v61 =	vld [tilespmem:$0x2B0]  }
0x83: {  	v62 =	vld [tilespmem:$0x2C0]  }
0x84: {  	v63 =	vld [tilespmem:$0x2D0];
	v2 =	vadd.s32 v0, v2  }
0x85: {  	[tilespmem:$0x480] =	vst v2;
	v2 =	vadd.s32 v0, v3  }
0x86: {  	[tilespmem:$0x490] =	vst v2;
	v2 =	vadd.s32 v0, v60  }
0x87: {  	[tilespmem:$0x4A0] =	vst v2;
	v2 =	vadd.s32 v0, v61  }
0x88: {  	[tilespmem:$0x4B0] =	vst v2;
	v2 =	vadd.s32 v0, v62  }
0x89: {  	[tilespmem:$0x4C0] =	vst v2;
	v2 =	vadd.s32 v0, v63  }
0x8a: {  	s8 =	simm.s32 $0x0;
	[tilespmem:$0x4D0] =	vst v2  }
0x8b: {  	[tilespmem:s29], [sflag:$0x2] =	stream.indirect.gather [hbm4b:s5+s24], $0x80, s28, s24, $0xb8;
	[tilespmem:$0x1F480] =	vst v63  }
.LBB2_6:
0x8c: {  	_ =	swait.ge [sflag:s30], $0x3000  }
0x8d: {  	[sflag:s30] =	ssyncset.done $0x0  }
0x8e: {  	[sflag:s30] =	ssyncadd.s32 $0xFFFFD000  }
0x8f: {  	v2 =	vld [tilespmem:$0x0];
	_ =	sdelay $0x6  }
0x90: {  	v4 =	vld [tilespmem:$0x100]  }
0x91: {  	v3 =	vld.idx.msk [tilespmem:v2+s21+$0x0], $0xffff;
	_ =	sdelay $0x4  }
0x92: {  	v3 =	vsub.f32 v4, v3;
	_ =	sdelay $0x1  }
0x93: {  	v3 =	vmul.f32 $1.442695020e+00, v3;
	_ =	sdelay $0x1  }
0x94: {  	(erf) = vpow2.f32 v3;
	_ =	sdelay $0x8  }
0x95: {  	v3 =	vpop (erf)  }
0x96: {  	[tilespmem:$0x5400] =	vst v3  }
0x97: {  	[tilespmem:v2+s31+$0x0] =	vst.idx.add.f32.msk $0xffff, v3  }
0x98: {  	v2 =	vld [tilespmem:$0x10];
	_ =	sdelay $0x6  }
0x99: {  	v4 =	vld [tilespmem:$0x110]  }
0x9a: {  	v3 =	vld.idx.msk [tilespmem:v2+s21+$0x0], $0xffff;
	_ =	sdelay $0x4  }
0x9b: {  	v3 =	vsub.f32 v4, v3;
	_ =	sdelay $0x1  }
0x9c: {  	v3 =	vmul.f32 $1.442695020e+00, v3;
	_ =	sdelay $0x1  }
0x9d: {  	(erf) = vpow2.f32 v3;
	_ =	sdelay $0x8  }
0x9e: {  	v3 =	vpop (erf)  }
0x9f: {  	[tilespmem:$0x5410] =	vst v3  }
0xa0: {  	[tilespmem:v2+s31+$0x0] =	vst.idx.add.f32.msk $0xffff, v3  }
0xa1: {  	v2 =	vld [tilespmem:$0x20];
	_ =	sdelay $0x6  }
0xa2: {  	v4 =	vld [tilespmem:$0x120]  }
0xa3: {  	v3 =	vld.idx.msk [tilespmem:v2+s21+$0x0], $0xffff;
	_ =	sdelay $0x4  }
0xa4: {  	v3 =	vsub.f32 v4, v3;
	_ =	sdelay $0x1  }
0xa5: {  	v3 =	vmul.f32 $1.442695020e+00, v3;
	_ =	sdelay $0x1  }
0xa6: {  	(erf) = vpow2.f32 v3;
	_ =	sdelay $0x8  }
0xa7: {  	v3 =	vpop (erf)  }
0xa8: {  	[tilespmem:$0x5420] =	vst v3  }
0xa9: {  	[tilespmem:v2+s31+$0x0] =	vst.idx.add.f32.msk $0xffff, v3  }
0xaa: {  	v2 =	vld [tilespmem:$0x30];
	_ =	sdelay $0x6  }
0xab: {  	v4 =	vld [tilespmem:$0x130]  }
0xac: {  	v3 =	vld.idx.msk [tilespmem:v2+s21+$0x0], $0xffff;
	_ =	sdelay $0x4  }
0xad: {  	v3 =	vsub.f32 v4, v3;
	_ =	sdelay $0x1  }
0xae: {  	v3 =	vmul.f32 $1.442695020e+00, v3;
	_ =	sdelay $0x1  }
0xaf: {  	(erf) = vpow2.f32 v3;
	_ =	sdelay $0x8  }
0xb0: {  	v3 =	vpop (erf)  }
0xb1: {  	[tilespmem:$0x5430] =	vst v3  }
0xb2: {  	[tilespmem:v2+s31+$0x0] =	vst.idx.add.f32.msk $0xffff, v3  }
0xb3: {  	v2 =	vld [tilespmem:$0x40];
	_ =	sdelay $0x6  }
0xb4: {  	v4 =	vld [tilespmem:$0x140]  }
0xb5: {  	v3 =	vld.idx.msk [tilespmem:v2+s21+$0x0], $0xffff;
	_ =	sdelay $0x4  }
0xb6: {  	v3 =	vsub.f32 v4, v3;
	_ =	sdelay $0x1  }
0xb7: {  	v3 =	vmul.f32 $1.442695020e+00, v3;
	_ =	sdelay $0x1  }
0xb8: {  	(erf) = vpow2.f32 v3;
	_ =	sdelay $0x8  }
0xb9: {  	v3 =	vpop (erf)  }
0xba: {  	[tilespmem:$0x5440] =	vst v3  }
0xbb: {  	[tilespmem:v2+s31+$0x0] =	vst.idx.add.f32.msk $0xffff, v3  }
0xbc: {  	v2 =	vld [tilespmem:$0x50];
	_ =	sdelay $0x6  }
0xbd: {  	v4 =	vld [tilespmem:$0x150]  }
0xbe: {  	v3 =	vld.idx.msk [tilespmem:v2+s21+$0x0], $0xffff;
	_ =	sdelay $0x4  }
0xbf: {  	v3 =	vsub.f32 v4, v3;
	_ =	sdelay $0x1  }
0xc0: {  	v3 =	vmul.f32 $1.442695020e+00, v3;
	_ =	sdelay $0x1  }
0xc1: {  	(erf) = vpow2.f32 v3;
	_ =	sdelay $0x8  }
0xc2: {  	v3 =	vpop (erf)  }
0xc3: {  	v4 =	vmov s6;
	[tilespmem:$0x5450] =	vst v3  }
0xc4: {  	s9 =	simm.s32 $0x54C0;
	[tilespmem:v2+s31+$0x0] =	vst.idx.add.f32.msk $0xffff, v3  }
0xc5: {  	v6 =	vld [tilespmem:s9+$0x30]  }
0xc6: {  	v9 =	vld [tilespmem:s9+$0x10]  }
0xc7: {  	v7 =	vld [tilespmem:s9+$0xFFFFFFC0]  }
0xc8: {  	v3 =	vld.idx.msk [tilespmem:v4+s0+$0x0], $0xffff  }
0xc9: {  	v11 =	vld [tilespmem:s9+$0xFFFFFFE0]  }
0xca: {  	v2 =	vld [tilespmem:s9+$0xFFFFFFF0]  }
0xcb: {  	v4 =	vld [tilespmem:s9+$0x20]  }
0xcc: {  	v5 =	vld [tilespmem:s9+$0xFFFFFFD0]  }
0xcd: {  	v10 =	vmul.f32 v6, v3;
	v6 =	vld [tilespmem:s9+$0x0]  }
0xce: {  	v8 =	vmul.f32 v7, v3  }
0xcf: {  	s10 =	simm.s32 $0x1;
	s11 =	simm.s32 $0x54C0;
	v7 =	vmul.f32 v11, v3;
	v9 =	vmul.f32 v9, v3  }
.LBB2_7:
0xd0: {  	p0 =	sne.s32 s10, $0x5F  }
0xd1: {  	v5 =	vmul.f32 v5, v3;
	v4 =	vmul.f32 v4, v3;
	[tilespmem:s9+$0x30] =	vst v10;
	s11 =	sadd.s32 $0x80, s11;
	s13 =	smov.u32 s10;
	s10 =	sadd.s32 $0x1, s10  }
0xd2: {  	[tilespmem:s9+$0xFFFFFFC0] =	vst v8;
	v8 =	vmul.f32 v2, v3;
	v3 =	vmul.f32 v6, v3  }
0xd3: {  	[tilespmem:s9+$0x10] =	vst v9  }
0xd4: {  	v6 =	vmov s13;
	[tilespmem:s9+$0xFFFFFFE0] =	vst v7  }
0xd5: {  	v2 =	vld [tilespmem:s11+$0xFFFFFFF0];
	[tilespmem:s9+$0xFFFFFFF0] =	vst v8  }
0xd6: {  	v7 =	vld [tilespmem:s11+$0x30];
	[tilespmem:s9+$0x0] =	vst v3  }
0xd7: {  	v9 =	vld [tilespmem:s11+$0x10];
	[tilespmem:s9+$0x20] =	vst v4  }
0xd8: {  	v8 =	vld [tilespmem:s11+$0xFFFFFFC0];
	[tilespmem:s9+$0xFFFFFFD0] =	vst v5;
	s9 =	smov.u32 s11  }
0xd9: {  	v3 =	vld.idx.msk [tilespmem:v6+s0+$0x0], $0xffff  }
0xda: {  	v11 =	vld [tilespmem:s11+$0xFFFFFFE0]  }
0xdb: {  	v4 =	vld [tilespmem:s11+$0x20]  }
.Ltmp4:
0xdc: {  	v5 =	vld [tilespmem:s11+$0xFFFFFFD0];
	(pc) =	sbr.rel @p0 .LBB2_7-.Ltmp4, $3  }
0xdd: {  	v6 =	vld [tilespmem:s11+$0x0];
	_ =	sdelay $0x1  }
0xde: {  	v8 =	vmul.f32 v8, v3;
	v10 =	vmul.f32 v7, v3  }
0xdf: {  	v9 =	vmul.f32 v9, v3;
	v7 =	vmul.f32 v11, v3  }
0xe0: {  	[tilespmem:s9+$0x30] =	vst v10  }
0xe1: {  	[tilespmem:s9+$0xFFFFFFC0] =	vst v8  }
0xe2: {  	v2 =	vmul.f32 v2, v3;
	[tilespmem:s9+$0x10] =	vst v9  }
0xe3: {  	v4 =	vmul.f32 v4, v3;
	[tilespmem:s9+$0xFFFFFFE0] =	vst v7  }
0xe4: {  	v6 =	vmul.f32 v6, v3;
	[tilespmem:s9+$0xFFFFFFF0] =	vst v2  }
0xe5: {  	v2 =	vmul.f32 v5, v3;
	[tilespmem:s9+$0x20] =	vst v4  }
0xe6: {  	p0 =	seq.s32 s8, $0x34;
	[tilespmem:s9+$0x0] =	vst v6  }
0xe7: {  	[tilespmem:s9+$0xFFFFFFD0] =	vst v2;
	s9 =	sshll.u32 @!p0 s8, $0xA  }
0xe8: {  	[spmem:s3] =	stream.indirect.scatter.add.f32 [tilespmem:s23], [sflag:$0x3], $0x80, s4, s24, $0xb8;
	[tilespmem:$0x1F480] =	vst v63  }
0xe9: {  	s9 =	sadd.s32 @!p0 s9, s16;
	_ =	swait.ge [sflag:s22], $0x3000  }
0xea: {  	s9 =	sshrl.u32 @!p0 s9, $0x3;
	[sflag:s22] =	ssyncset.done $0x0  }
0xeb: {  	s10 =	simm.s32 @!p0 $0x0;
	s9 =	sadd.s32 @!p0 s1, s9;
	[sflag:s22] =	ssyncadd.s32 $0xFFFFD000  }
0xec: {  	[tilespmem:s10], [sflag:$0x3] =	stream.linear.gather @!p0 [hbm4b:s9+s10], $0x180, $0x38;
	[tilespmem:$0x1F480] =	vst v63  }
0xed: {  	s9 =	simm.s32 @!p0 $0x3  }
0xee: {  	_ =	swait.ge @!p0 [sflag:s9], $0x180  }
0xef: {  	[sflag:s9] =	ssyncset.done @!p0 $0x0  }
0xf0: {  	[sflag:s9] =	ssyncadd.s32 @!p0 $0xFFFFFE80  }
0xf1: {  	v2 =	vld @!p0 [tilespmem:$0x80]  }
0xf2: {  	v3 =	vld @!p0 [tilespmem:$0x90]  }
0xf3: {  	v4 =	vld @!p0 [tilespmem:$0xA0]  }
0xf4: {  	v5 =	vld @!p0 [tilespmem:$0xB0]  }
0xf5: {  	v6 =	vld @!p0 [tilespmem:$0xC0]  }
0xf6: {  	v7 =	vld @!p0 [tilespmem:$0xD0];
	v2 =	vadd.s32 @!p0 v0, v2  }
0xf7: {  	[tilespmem:$0x400] =	vst @!p0 v2;
	v2 =	vadd.s32 @!p0 v0, v3  }
0xf8: {  	[tilespmem:$0x410] =	vst @!p0 v2;
	v2 =	vadd.s32 @!p0 v0, v4  }
0xf9: {  	[tilespmem:$0x420] =	vst @!p0 v2;
	v2 =	vadd.s32 @!p0 v0, v5  }
0xfa: {  	[tilespmem:$0x430] =	vst @!p0 v2;
	v2 =	vadd.s32 @!p0 v0, v6  }
0xfb: {  	[tilespmem:$0x440] =	vst @!p0 v2;
	v2 =	vadd.s32 @!p0 v0, v7  }
0xfc: {  	s11 =	simm.s32 @!p0 $0x5480;
	s10 =	simm.s32 @!p0 $0x400;
	s9 =	simm.s32 @!p0 $0x60;
	[tilespmem:$0x450] =	vst @!p0 v2  }
0xfd: {  	[tilespmem:s11], [sflag:$0x1] =	stream.indirect.gather @!p0 [hbm4b:s5+s9], $0x80, s10, s9, $0xb8;
	[tilespmem:$0x1F480] =	vst v63  }
0xfe: {  	_ =	swait.ge [sflag:s25], $0x3000  }
0xff: {  	[sflag:s25] =	ssyncset.done $0x0  }
0x100: {  	[sflag:s25] =	ssyncadd.s32 $0xFFFFD000  }
0x101: {  	v2 =	vld [tilespmem:$0x200];
	_ =	sdelay $0x6  }
0x102: {  	v4 =	vld [tilespmem:$0x300]  }
0x103: {  	v3 =	vld.idx.msk [tilespmem:v2+s21+$0x0], $0xffff;
	_ =	sdelay $0x4  }
0x104: {  	v3 =	vsub.f32 v4, v3;
	_ =	sdelay $0x1  }
0x105: {  	v3 =	vmul.f32 $1.442695020e+00, v3;
	_ =	sdelay $0x1  }
0x106: {  	(erf) = vpow2.f32 v3;
	_ =	sdelay $0x8  }
0x107: {  	v3 =	vpop (erf)  }
0x108: {  	[tilespmem:$0x5400] =	vst v3  }
0x109: {  	[tilespmem:v2+s31+$0x0] =	vst.idx.add.f32.msk $0xffff, v3  }
0x10a: {  	v2 =	vld [tilespmem:$0x210];
	_ =	sdelay $0x6  }
0x10b: {  	v4 =	vld [tilespmem:$0x310]  }
0x10c: {  	v3 =	vld.idx.msk [tilespmem:v2+s21+$0x0], $0xffff;
	_ =	sdelay $0x4  }
0x10d: {  	v3 =	vsub.f32 v4, v3;
	_ =	sdelay $0x1  }
0x10e: {  	v3 =	vmul.f32 $1.442695020e+00, v3;
	_ =	sdelay $0x1  }
0x10f: {  	(erf) = vpow2.f32 v3;
	_ =	sdelay $0x8  }
0x110: {  	v3 =	vpop (erf)  }
0x111: {  	[tilespmem:$0x5410] =	vst v3  }
0x112: {  	[tilespmem:v2+s31+$0x0] =	vst.idx.add.f32.msk $0xffff, v3  }
0x113: {  	v2 =	vld [tilespmem:$0x220];
	_ =	sdelay $0x6  }
0x114: {  	v4 =	vld [tilespmem:$0x320]  }
0x115: {  	v3 =	vld.idx.msk [tilespmem:v2+s21+$0x0], $0xffff;
	_ =	sdelay $0x4  }
0x116: {  	v3 =	vsub.f32 v4, v3;
	_ =	sdelay $0x1  }
0x117: {  	v3 =	vmul.f32 $1.442695020e+00, v3;
	_ =	sdelay $0x1  }
0x118: {  	(erf) = vpow2.f32 v3;
	_ =	sdelay $0x8  }
0x119: {  	v3 =	vpop (erf)  }
0x11a: {  	[tilespmem:$0x5420] =	vst v3  }
0x11b: {  	[tilespmem:v2+s31+$0x0] =	vst.idx.add.f32.msk $0xffff, v3  }
0x11c: {  	v2 =	vld [tilespmem:$0x230];
	_ =	sdelay $0x6  }
0x11d: {  	v4 =	vld [tilespmem:$0x330]  }
0x11e: {  	v3 =	vld.idx.msk [tilespmem:v2+s21+$0x0], $0xffff;
	_ =	sdelay $0x4  }
0x11f: {  	v3 =	vsub.f32 v4, v3;
	_ =	sdelay $0x1  }
0x120: {  	v3 =	vmul.f32 $1.442695020e+00, v3;
	_ =	sdelay $0x1  }
0x121: {  	(erf) = vpow2.f32 v3;
	_ =	sdelay $0x8  }
0x122: {  	v3 =	vpop (erf)  }
0x123: {  	[tilespmem:$0x5430] =	vst v3  }
0x124: {  	[tilespmem:v2+s31+$0x0] =	vst.idx.add.f32.msk $0xffff, v3  }
0x125: {  	v2 =	vld [tilespmem:$0x240];
	_ =	sdelay $0x6  }
0x126: {  	v4 =	vld [tilespmem:$0x340]  }
0x127: {  	v3 =	vld.idx.msk [tilespmem:v2+s21+$0x0], $0xffff;
	_ =	sdelay $0x4  }
0x128: {  	v3 =	vsub.f32 v4, v3;
	_ =	sdelay $0x1  }
0x129: {  	v3 =	vmul.f32 $1.442695020e+00, v3;
	_ =	sdelay $0x1  }
0x12a: {  	(erf) = vpow2.f32 v3;
	_ =	sdelay $0x8  }
0x12b: {  	v3 =	vpop (erf)  }
0x12c: {  	[tilespmem:$0x5440] =	vst v3  }
0x12d: {  	[tilespmem:v2+s31+$0x0] =	vst.idx.add.f32.msk $0xffff, v3  }
0x12e: {  	v2 =	vld [tilespmem:$0x250];
	_ =	sdelay $0x6  }
0x12f: {  	v4 =	vld [tilespmem:$0x350]  }
0x130: {  	v3 =	vld.idx.msk [tilespmem:v2+s21+$0x0], $0xffff;
	_ =	sdelay $0x4  }
0x131: {  	v3 =	vsub.f32 v4, v3;
	_ =	sdelay $0x1  }
0x132: {  	v3 =	vmul.f32 $1.442695020e+00, v3;
	_ =	sdelay $0x1  }
0x133: {  	(erf) = vpow2.f32 v3;
	_ =	sdelay $0x8  }
0x134: {  	s13 =	simm.s32 $0x0;
	v3 =	vpop (erf)  }
0x135: {  	v4 =	vmov s13;
	[tilespmem:$0x5450] =	vst v3  }
0x136: {  	s9 =	simm.s32 $0x84C0;
	[tilespmem:v2+s31+$0x0] =	vst.idx.add.f32.msk $0xffff, v3  }
0x137: {  	v6 =	vld [tilespmem:s9+$0x30]  }
0x138: {  	v9 =	vld [tilespmem:s9+$0x10]  }
0x139: {  	v7 =	vld [tilespmem:s9+$0xFFFFFFC0]  }
0x13a: {  	v3 =	vld.idx.msk [tilespmem:v4+s0+$0x0], $0xffff  }
0x13b: {  	v11 =	vld [tilespmem:s9+$0xFFFFFFE0]  }
0x13c: {  	v2 =	vld [tilespmem:s9+$0xFFFFFFF0]  }
0x13d: {  	v4 =	vld [tilespmem:s9+$0x20]  }
0x13e: {  	v5 =	vld [tilespmem:s9+$0xFFFFFFD0]  }
0x13f: {  	v10 =	vmul.f32 v6, v3;
	v6 =	vld [tilespmem:s9+$0x0]  }
0x140: {  	v8 =	vmul.f32 v7, v3  }
0x141: {  	s10 =	simm.s32 $0x1;
	s11 =	simm.s32 $0x84C0;
	v7 =	vmul.f32 v11, v3;
	v9 =	vmul.f32 v9, v3  }
.LBB2_9:
0x142: {  	p1 =	sne.s32 s10, $0x5F  }
0x143: {  	v5 =	vmul.f32 v5, v3;
	v4 =	vmul.f32 v4, v3;
	[tilespmem:s9+$0x30] =	vst v10;
	s11 =	sadd.s32 $0x80, s11;
	s13 =	smov.u32 s10;
	s10 =	sadd.s32 $0x1, s10  }
0x144: {  	[tilespmem:s9+$0xFFFFFFC0] =	vst v8;
	v8 =	vmul.f32 v2, v3;
	v3 =	vmul.f32 v6, v3  }
0x145: {  	[tilespmem:s9+$0x10] =	vst v9  }
0x146: {  	v6 =	vmov s13;
	[tilespmem:s9+$0xFFFFFFE0] =	vst v7  }
0x147: {  	v2 =	vld [tilespmem:s11+$0xFFFFFFF0];
	[tilespmem:s9+$0xFFFFFFF0] =	vst v8  }
0x148: {  	v7 =	vld [tilespmem:s11+$0x30];
	[tilespmem:s9+$0x0] =	vst v3  }
0x149: {  	v9 =	vld [tilespmem:s11+$0x10];
	[tilespmem:s9+$0x20] =	vst v4  }
0x14a: {  	v8 =	vld [tilespmem:s11+$0xFFFFFFC0];
	[tilespmem:s9+$0xFFFFFFD0] =	vst v5;
	s9 =	smov.u32 s11  }
0x14b: {  	v3 =	vld.idx.msk [tilespmem:v6+s0+$0x0], $0xffff  }
0x14c: {  	v11 =	vld [tilespmem:s11+$0xFFFFFFE0]  }
0x14d: {  	v4 =	vld [tilespmem:s11+$0x20]  }
.Ltmp5:
0x14e: {  	v5 =	vld [tilespmem:s11+$0xFFFFFFD0];
	(pc) =	sbr.rel @p1 .LBB2_9-.Ltmp5, $3  }
0x14f: {  	v6 =	vld [tilespmem:s11+$0x0];
	_ =	sdelay $0x1  }
0x150: {  	v8 =	vmul.f32 v8, v3;
	v10 =	vmul.f32 v7, v3  }
0x151: {  	v9 =	vmul.f32 v9, v3;
	v7 =	vmul.f32 v11, v3  }
0x152: {  	[tilespmem:s9+$0x30] =	vst v10  }
0x153: {  	[tilespmem:s9+$0xFFFFFFC0] =	vst v8  }
0x154: {  	v2 =	vmul.f32 v2, v3;
	[tilespmem:s9+$0x10] =	vst v9  }
0x155: {  	v4 =	vmul.f32 v4, v3;
	[tilespmem:s9+$0xFFFFFFE0] =	vst v7  }
0x156: {  	v6 =	vmul.f32 v6, v3;
	[tilespmem:s9+$0xFFFFFFF0] =	vst v2  }
0x157: {  	v2 =	vmul.f32 v5, v3;
	[tilespmem:s9+$0x20] =	vst v4  }
0x158: {  	[tilespmem:s9+$0x0] =	vst v6  }
.Ltmp6:
0x159: {  	[tilespmem:s9+$0xFFFFFFD0] =	vst v2;
	(pc) =	sbr.rel @p0 .LBB2_12-.Ltmp6, $4  }
0x15a: {  	[spmem:s3] =	stream.indirect.scatter.add.f32 [tilespmem:s29], [sflag:$0x3], $0x80, s26, s24, $0xb8;
	[tilespmem:$0x1F480] =	vst v63  }
0x15b: {  	_ =	swait.ge [sflag:s22], $0x3000  }
0x15c: {  	[sflag:s22] =	ssyncset.done $0x0  }
0x15d: {  	[sflag:s22] =	ssyncadd.s32 $0xFFFFD000  }
0x15e: {  	s9 =	sshll.u32 s8, $0xA  }
0x15f: {  	s9 =	sadd.s32 s9, s17  }
0x160: {  	s9 =	sshrl.u32 s9, $0x3  }
0x161: {  	s9 =	sadd.s32 s1, s9  }
0x162: {  	[tilespmem:s26], [sflag:$0x3] =	stream.linear.gather [hbm4b:s9+s4], $0x180, $0x38;
	[tilespmem:$0x1F480] =	vst v63  }
0x163: {  	_ =	swait.ge [sflag:s22], $0x180  }
0x164: {  	[sflag:s22] =	ssyncset.done $0x0  }
0x165: {  	[sflag:s22] =	ssyncadd.s32 $0xFFFFFE80  }
0x166: {  	v2 =	vld [tilespmem:$0x280]  }
0x167: {  	v3 =	vld [tilespmem:$0x290]  }
0x168: {  	v4 =	vld [tilespmem:$0x2A0]  }
0x169: {  	v5 =	vld [tilespmem:$0x2B0]  }
0x16a: {  	v6 =	vld [tilespmem:$0x2C0]  }
0x16b: {  	v7 =	vld [tilespmem:$0x2D0];
	v2 =	vadd.s32 v0, v2  }
0x16c: {  	[tilespmem:$0x480] =	vst v2;
	v2 =	vadd.s32 v0, v3  }
0x16d: {  	[tilespmem:$0x490] =	vst v2;
	v2 =	vadd.s32 v0, v4  }
.Ltmp7:
0x16e: {  	[tilespmem:$0x4A0] =	vst v2;
	v2 =	vadd.s32 v0, v5;
	(pc) =	sbr.rel .LBB2_6-.Ltmp7, $4  }
0x16f: {  	[tilespmem:$0x4B0] =	vst v2;
	v2 =	vadd.s32 v0, v6  }
0x170: {  	[tilespmem:$0x4C0] =	vst v2;
	v2 =	vadd.s32 v0, v7  }
0x171: {  	s8 =	sadd.s32 $0x1, s8;
	[tilespmem:$0x4D0] =	vst v2  }
0x172: {  	[tilespmem:s29], [sflag:$0x2] =	stream.indirect.gather [hbm4b:s5+s24], $0x80, s28, s24, $0xb8;
	[tilespmem:$0x1F480] =	vst v63  }
.LBB2_13:
0x173: {  	_ =	sfence.sel $0x180000  }
0x174: {  	[bflag:$0x0] =	sbarrier.arrive $0xFFFF  }
0x175: {  	_ =	strace $0x90000050  }
0x176: {  	s0 =	stileid.u32;
	[bflag:$0x2] =	sbarrier.arrive $0xFFFF  }
0x177: {  	p0 =	sne.s32 s0, $0x0;
	s0 =	rddreg [dreg:$0x3]  }
0x178: {  	s0 =	sadd.s32 @!p0 $0x100000, s0  }
0x179: {  	[sflag:s0] =	ssyncadd.tile.s32 @!p0 $0x1;
	_ =	shalt  }
.Lfunc_end2:
_tile_overlayer_lowered:
.L_overlay_start_2:
0x17a: {  	(tag) =	ssettag $0x2  }
0x17b: {  	s0 =	rddreg [dreg:$0x0];
	s2 =	stileid.u32  }
0x17c: {  	s1 =	rddreg [dreg:$0x1];
	p0 =	sne.s32 s2, $0x0  }
0x17d: {  	s3 =	rddreg [dreg:$0x2];
	[bflag:$0x3] =	sbarrier.arrive $0xFFFF;
	s2 =	simm.s32 @!p0 $0x1C03  }
0x17e: {  	[timem:s3], [sflag:s2] =	dma.local @!p0 [hbm:s0], s1  }
0x17f: {  	s0 =	simm.s32 @!p0 $0x3  }
0x180: {  	_ =	swait.ge @!p0 [sflag:s0], s1  }
0x181: {  	s1 =	ssub.s32 @!p0 $0x0, s1;
	[sflag:s0] =	ssyncset.done @!p0 $0x0  }
0x182: {  	[sflag:s0] =	ssyncadd.s32 @!p0 s1  }
0x183: {  	[bflag:$0x3] =	sbarrier.arrive $0xFFFF  }
0x184: {  	_ =	shalt  }

</sc_bundles>
